<compile_context>
chip_gen: v7x
topology: tpu7x:2x2x1
jax: 0.10.2.dev20260603
libtpu: 0.0.44.dev20260713+nightly
codegen_flags: <defaults>
</compile_context>

<pallas_src>
import functools

import jax
import jax.numpy as jnp
from jax import lax
from jax.experimental import pallas as pl
from jax.experimental.pallas import tpu as pltpu
from jax.experimental.pallas import tpu_sc as plsc

NC = 2
NS = 16
NW = NC * NS
C = 128
D = 128
SB = 8


def _make_deg_kernel(n_pad, nc):
    mesh = plsc.VectorSubcoreMesh(core_axis_name="c", subcore_axis_name="s")
    rpt = n_pad // NS

    @functools.partial(
        pl.kernel,
        mesh=mesh,
        out_type=jax.ShapeDtypeStruct((NC, n_pad, D), jnp.float32),
        scratch_types=[
            pltpu.VMEM((nc, C), jnp.int32),
            pltpu.VMEM((C, D), jnp.float32),
            pltpu.VMEM_SHARED((n_pad, D), jnp.float32),
        ],
    )
    def k(dst_hbm, ones_hbm, zeros_hbm, out_hbm, dst_v, ones_v, acc):
        cid = lax.axis_index("c")
        sid = lax.axis_index("s")
        wid = cid * NS + sid
        pltpu.sync_copy(zeros_hbm.at[pl.ds(sid * rpt, rpt)],
                        acc.at[pl.ds(sid * rpt, rpt)])
        pltpu.sync_copy(dst_hbm.at[wid], dst_v)
        pltpu.sync_copy(ones_hbm, ones_v)
        plsc.subcore_barrier()

        def body(j, carry):
            pltpu.sync_copy(ones_v, acc.at[dst_v.at[j]], add=True)
            return carry

        lax.fori_loop(0, nc, body, 0)
        plsc.subcore_barrier()
        pltpu.sync_copy(acc.at[pl.ds(sid * rpt, rpt)],
                        out_hbm.at[cid, pl.ds(sid * rpt, rpt)])

    return k


def _make_scatter_kernel(n_pad, nc):
    mesh = plsc.VectorSubcoreMesh(core_axis_name="c", subcore_axis_name="s")
    rpt = n_pad // NS
    nsup = nc // SB

    @functools.partial(
        pl.kernel,
        mesh=mesh,
        out_type=jax.ShapeDtypeStruct((NC, n_pad, D), jnp.float32),
        scratch_types=[
            pltpu.VMEM((2, SB, C), jnp.int32),
            pltpu.VMEM((2, SB, C), jnp.int32),
            pltpu.VMEM((C, D), jnp.float32),
            pltpu.VMEM((C, D), jnp.float32),
            pltpu.VMEM_SHARED((n_pad, D), jnp.float32),
            pltpu.SemaphoreType.DMA,
            pltpu.SemaphoreType.DMA,
            pltpu.SemaphoreType.DMA,
            pltpu.SemaphoreType.DMA,
        ],
    )
    def k(hs_hbm, src_hbm, dst_hbm, zeros_hbm, out_hbm,
          src_i, dst_i, buf0, buf1, acc, g0, g1, is0, is1):
        cid = lax.axis_index("c")
        sid = lax.axis_index("s")
        wid = cid * NS + sid
        hsc = hs_hbm.at[cid]
        pltpu.sync_copy(zeros_hbm.at[pl.ds(sid * rpt, rpt)],
                        acc.at[pl.ds(sid * rpt, rpt)])
        pltpu.sync_copy(src_hbm.at[wid, pl.ds(0, SB)], src_i.at[0])
        pltpu.sync_copy(dst_hbm.at[wid, pl.ds(0, SB)], dst_i.at[0])
        plsc.subcore_barrier()

        bufs = (buf0, buf1)
        gsems = (g0, g1)
        isems = (is0, is1)

        pltpu.async_copy(hsc.at[src_i.at[0, 0]], buf0, g0)
        pltpu.async_copy(hsc.at[src_i.at[0, 1]], buf1, g1)

        def emit_super(m, b):
            nxt = 1 - b
            more = m + 1 < nsup

            @pl.when(more)
            def _():
                pltpu.async_copy(src_hbm.at[wid, pl.ds((m + 1) * SB, SB)],
                                 src_i.at[nxt], isems[0])
                pltpu.async_copy(dst_hbm.at[wid, pl.ds((m + 1) * SB, SB)],
                                 dst_i.at[nxt], isems[1])

            for r in range(SB):
                buf = bufs[r % 2]
                gsem = gsems[r % 2]
                if r == SB - 2:
                    @pl.when(more)
                    def _():
                        pltpu.make_async_copy(
                            src_hbm.at[wid, pl.ds((m + 1) * SB, SB)],
                            src_i.at[nxt], isems[0]).wait()
                        pltpu.make_async_copy(
                            dst_hbm.at[wid, pl.ds((m + 1) * SB, SB)],
                            dst_i.at[nxt], isems[1]).wait()
                pltpu.make_async_copy(
                    hsc.at[src_i.at[b, r]], buf, gsem).wait()
                pltpu.sync_copy(buf, acc.at[dst_i.at[b, r]], add=True)
                if r < SB - 2:
                    pltpu.async_copy(hsc.at[src_i.at[b, r + 2]], buf, gsem)
                else:
                    @pl.when(more)
                    def _():
                        pltpu.async_copy(
                            hsc.at[src_i.at[nxt, r + 2 - SB]], buf, gsem)

        def super_pair(p, carry):
            emit_super(p * 2, 0)
            emit_super(p * 2 + 1, 1)
            return carry

        lax.fori_loop(0, nsup // 2, super_pair, 0)
        plsc.subcore_barrier()
        pltpu.sync_copy(acc.at[pl.ds(sid * rpt, rpt)],
                        out_hbm.at[cid, pl.ds(sid * rpt, rpt)])

    return k


def _tc_a_body(deg_ref, x_ref, w_ref, hs_ref, dinv_ref):
    parts = deg_ref[...]
    deg = parts[0] + parts[1] + 1.0
    r = lax.rsqrt(deg)
    dinv = r * (1.5 - 0.5 * deg * r * r)
    h = jnp.dot(x_ref[...], w_ref[...],
                preferred_element_type=jnp.float32,
                precision=lax.Precision.DEFAULT)
    hs = h * dinv
    hs_ref[...] = jnp.broadcast_to(hs[None], (NC,) + hs.shape)
    dinv_ref[...] = dinv


def _tc_b_body(t_ref, hs_ref, dinv_ref, b_ref, w_ref, out_ref):
    t = t_ref[0] + t_ref[1]
    dinv = dinv_ref[...]
    a = jnp.maximum(dinv * (t + hs_ref[0]) + b_ref[...], 0.0)
    hs = jnp.dot(a, w_ref[...],
                 preferred_element_type=jnp.float32,
                 precision=lax.Precision.DEFAULT) * dinv
    out_ref[...] = jnp.broadcast_to(hs[None], (NC,) + hs.shape)


def _tc_c_body(t_ref, hs_ref, dinv_ref, b_ref, wout_ref, bout_ref, y_ref):
    t = t_ref[0] + t_ref[1]
    a = jnp.maximum(dinv_ref[...] * (t + hs_ref[0]) + b_ref[...], 0.0)
    y_ref[...] = jnp.dot(a, wout_ref[...],
                         preferred_element_type=jnp.float32,
                         precision=lax.Precision.DEFAULT) + bout_ref[...]


def kernel(x, edge_index, batch, W1, b1, W2, b2, Wout, bout):
    n = x.shape[0]
    e = edge_index.shape[1]
    assert D == x.shape[1]
    n_pad = -(-(n + 1) // 128) * 128

    nc = -(-e // (NW * C))
    nc = -(-nc // (2 * SB)) * (2 * SB)
    cap = NW * nc * C
    src = edge_index[0]
    dst = edge_index[1]
    srcp = jnp.concatenate(
        [src, jnp.zeros((cap - e,), jnp.int32)]).reshape(NW, nc, C)
    dstp = jnp.concatenate(
        [dst, jnp.full((cap - e,), n, jnp.int32)]).reshape(NW, nc, C)

    ones_blk = jnp.ones((C, D), jnp.float32)
    zeros_wide = jnp.zeros((n_pad, D), jnp.float32)

    deg_parts = _make_deg_kernel(n_pad, nc)(dstp, ones_blk, zeros_wide)

    B = 1000
    grid = (n // B,)
    row_block = lambda i: (i, 0)
    part_block = lambda i: (0, i, 0)
    fixed = lambda i: (0, 0)

    hs1, dinv = pl.pallas_call(
        _tc_a_body,
        grid=grid,
        in_specs=[
            pl.BlockSpec((NC, B, D), part_block),
            pl.BlockSpec((B, D), row_block),
            pl.BlockSpec((D, D), fixed),
        ],
        out_specs=[
            pl.BlockSpec((NC, B, D), part_block),
            pl.BlockSpec((B, D), row_block),
        ],
        out_shape=[
            jax.ShapeDtypeStruct((NC, n, D), jnp.float32),
            jax.ShapeDtypeStruct((n, D), jnp.float32),
        ],
    )(deg_parts, x, W1)

    scatter = _make_scatter_kernel(n_pad, nc)

    t1 = scatter(hs1, srcp, dstp, zeros_wide)

    hs2 = pl.pallas_call(
        _tc_b_body,
        grid=grid,
        in_specs=[
            pl.BlockSpec((NC, B, D), part_block),
            pl.BlockSpec((NC, B, D), part_block),
            pl.BlockSpec((B, D), row_block),
            pl.BlockSpec((1, D), fixed),
            pl.BlockSpec((D, D), fixed),
        ],
        out_specs=pl.BlockSpec((NC, B, D), part_block),
        out_shape=jax.ShapeDtypeStruct((NC, n, D), jnp.float32),
    )(t1, hs1, dinv, b1.reshape(1, D), W2)

    t2 = scatter(hs2, srcp, dstp, zeros_wide)

    y = pl.pallas_call(
        _tc_c_body,
        grid=grid,
        in_specs=[
            pl.BlockSpec((NC, B, D), part_block),
            pl.BlockSpec((NC, B, D), part_block),
            pl.BlockSpec((B, D), row_block),
            pl.BlockSpec((1, D), fixed),
            pl.BlockSpec((D, 1), fixed),
            pl.BlockSpec((1, 1), fixed),
        ],
        out_specs=pl.BlockSpec((B, 1), row_block),
        out_shape=jax.ShapeDtypeStruct((n, 1), jnp.float32),
    )(t2, hs2, dinv, b2.reshape(1, D), Wout, bout.reshape(1, 1))

    return y.reshape(-1)

# --- scband reference (transcript-rebuilt; emitter-appended) ---
"""Pipeline reference for scband-assembly-gnn-69286412419336 (READ-ONLY COPY).

The authoritative reference and input builder live on the scoring server;
editing this copy changes nothing except your own understanding.
"""

import jax, jax.numpy as jnp
import numpy as np

N = 10000
E = 320000
D = 128
H = 128


def setup_inputs(seed: int = 0) -> dict:
    key = jax.random.key(seed)
    ks = jax.random.split(key, 9)
    x = jax.random.normal(ks[0], (N, D), dtype=jnp.float32)
    edge_index = jax.random.randint(ks[1], (2, E), 0, N, dtype=jnp.int32)
    batch = jnp.sort(jax.random.randint(ks[2], (N,), 0, 16, dtype=jnp.int32))
    W1 = jax.random.normal(ks[3], (D, H), dtype=jnp.float32) * (1.0 / np.sqrt(D))
    b1 = jnp.zeros((H,), dtype=jnp.float32)
    W2 = jax.random.normal(ks[4], (H, H), dtype=jnp.float32) * (1.0 / np.sqrt(H))
    b2 = jnp.zeros((H,), dtype=jnp.float32)
    Wout = jax.random.normal(ks[5], (H, 1), dtype=jnp.float32) * (1.0 / np.sqrt(H))
    bout = jnp.zeros((1,), dtype=jnp.float32)
    return {"x": x, "edge_index": edge_index, "batch": batch,
            "W1": W1, "b1": b1, "W2": W2, "b2": b2, "Wout": Wout, "bout": bout}


def _gcn_conv(x, edge_index, W, b):
    # GCNConv: add self-loops, symmetric degree normalization, scatter-add aggregation
    src = edge_index[0]
    dst = edge_index[1]
    loop = jnp.arange(N, dtype=edge_index.dtype)
    src = jnp.concatenate([src, loop])
    dst = jnp.concatenate([dst, loop])
    deg = jnp.zeros((N,), dtype=x.dtype).at[dst].add(1.0)
    dinv = jnp.where(deg > 0, jax.lax.rsqrt(jnp.maximum(deg, 1e-12)), 0.0)
    norm = dinv[src] * dinv[dst]
    h = x @ W
    msg = h[src] * norm[:, None]
    out = jnp.zeros((N, W.shape[1]), dtype=x.dtype).at[dst].add(msg)
    return out + b


def reference(x, edge_index, batch, W1, b1, W2, b2, Wout, bout):
    h = jax.nn.relu(_gcn_conv(x, edge_index, W1, b1))
    h = jax.nn.relu(_gcn_conv(h, edge_index, W2, b2))
    out = h @ Wout + bout
    return out.reshape(-1)

if __name__ == "__main__":
    import jax
    _d = setup_inputs()
    print(jax.jit(kernel)(*tuple(_d.values())))

</pallas_src>

<mosaic_0001>
#map = affine_map<(d0, d1) -> (0, 0, 0)>
#map1 = affine_map<(d0, d1) -> (0, 0)>
module attributes {stable_mosaic.version = 14 : i64} {
  func.func @k(%arg0: i32, %arg1: i32, %arg2: memref<2x10000x128xf32, #tpu.memory_space<hbm>>, %arg3: memref<32x80x128xi32, #tpu.memory_space<hbm>>, %arg4: memref<32x80x128xi32, #tpu.memory_space<hbm>>, %arg5: memref<10112x128xf32, #tpu.memory_space<hbm>>, %arg6: memref<2x10112x128xf32, #tpu.memory_space<hbm>>, %arg7: memref<2x8x128xi32, #tpu.memory_space<vmem>>, %arg8: memref<2x8x128xi32, #tpu.memory_space<vmem>>, %arg9: memref<128x128xf32, #tpu.memory_space<vmem>>, %arg10: memref<128x128xf32, #tpu.memory_space<vmem>>, %arg11: memref<10112x128xf32, #tpu.memory_space<vmem_shared>>, %arg12: memref<!tpu.dma_semaphore, #tpu.memory_space<semaphore_mem>>, %arg13: memref<!tpu.dma_semaphore, #tpu.memory_space<semaphore_mem>>, %arg14: memref<!tpu.dma_semaphore, #tpu.memory_space<semaphore_mem>>, %arg15: memref<!tpu.dma_semaphore, #tpu.memory_space<semaphore_mem>>) attributes {dimension_semantics = [#tpu.dimension_semantics<core_parallel>, #tpu.dimension_semantics<subcore_parallel>], iteration_bounds = array<i64: 2, 16>, scalar_prefetch = 0 : i64, scratch_operands = 9 : i64, tpu.core_type = #tpu.core_type<sc_vector_subcore>, window_params = [{transform_indices = #map}, {transform_indices = #map}, {transform_indices = #map}, {transform_indices = #map1}, {transform_indices = #map}]} {
    %mul3A = arith.constant 16 : i32
    %mul3A_0 = arith.muli %arg0, %mul3A : i32
    %add3A = arith.addi %mul3A_0, %arg1 : i32
    %mul3A_1 = arith.constant 632 : i32
    %mul3A_2 = arith.muli %arg1, %mul3A_1 : i32
    %mul3A_3 = arith.constant 632 : i32
    %mul3A_4 = arith.muli %arg1, %mul3A_3 : i32
    "tpu.region"() ({
      %run_scoped3A_39 = tpu.sem_alloc : memref<!tpu.dma_semaphore, #tpu.memory_space<semaphore_mem>>
      %dma_start3A_40 = arith.constant 0 : i32
      %dma_start3A_41 = tpu.memref_slice %arg11[%mul3A_4, %dma_start3A_40] : memref<10112x128xf32, #tpu.memory_space<vmem_shared>> -> memref<632x128xf32, #tpu.memory_space<vmem_shared>>
      %dma_start3A_42 = arith.constant 0 : i32
      %dma_start3A_43 = tpu.memref_slice %arg5[%mul3A_2, %dma_start3A_42] : memref<10112x128xf32, #tpu.memory_space<hbm>> -> memref<632x128xf32, #tpu.memory_space<hbm>>
      tpu.enqueue_dma source(%dma_start3A_43 : memref<632x128xf32, #tpu.memory_space<hbm>>) target(%dma_start3A_41 : memref<632x128xf32, #tpu.memory_space<vmem_shared>>) target_semaphore(%run_scoped3A_39 : memref<!tpu.dma_semaphore, #tpu.memory_space<semaphore_mem>>)
      %dma_wait3A = arith.constant 0 : i32
      %dma_wait3A_44 = tpu.memref_slice %arg11[%mul3A_4, %dma_wait3A] : memref<10112x128xf32, #tpu.memory_space<vmem_shared>> -> memref<632x128xf32, #tpu.memory_space<vmem_shared>>
      %dma_wait3A_45 = arith.constant 0 : i32
      %dma_wait3A_46 = tpu.memref_slice %arg5[%mul3A_2, %dma_wait3A_45] : memref<10112x128xf32, #tpu.memory_space<hbm>> -> memref<632x128xf32, #tpu.memory_space<hbm>>
      tpu.wait_dma2 semaphore(%run_scoped3A_39 : memref<!tpu.dma_semaphore, #tpu.memory_space<semaphore_mem>>) src(%dma_wait3A_46 : memref<632x128xf32, #tpu.memory_space<hbm>>) dst(%dma_wait3A_44 : memref<632x128xf32, #tpu.memory_space<vmem_shared>>)
      tpu.yield
    }) : () -> ()
    %run_scoped3A = arith.constant 0 : i32
    "tpu.region"() ({
      %run_scoped3A_39 = tpu.sem_alloc : memref<!tpu.dma_semaphore, #tpu.memory_space<semaphore_mem>>
      %dma_start3A_40 = arith.constant 0 : i32
      %dma_start3A_41 = arith.constant 0 : i32
      %dma_start3A_42 = tpu.memref_slice %arg7[%run_scoped3A, %dma_start3A_40, %dma_start3A_41] : memref<2x8x128xi32, #tpu.memory_space<vmem>> -> memref<1x8x128xi32, #tpu.memory_space<vmem>>
      %dma_start3A_43 = tpu.memref_squeeze %dma_start3A_42 : memref<1x8x128xi32, #tpu.memory_space<vmem>> -> memref<8x128xi32, #tpu.memory_space<vmem>>
      %dma_start3A_44 = arith.constant 0 : i32
      %dma_start3A_45 = arith.constant 0 : i32
      %dma_start3A_46 = tpu.memref_slice %arg3[%add3A, %dma_start3A_44, %dma_start3A_45] : memref<32x80x128xi32, #tpu.memory_space<hbm>> -> memref<1x8x128xi32, #tpu.memory_space<hbm>>
      %dma_start3A_47 = tpu.memref_squeeze %dma_start3A_46 : memref<1x8x128xi32, #tpu.memory_space<hbm>> -> memref<8x128xi32, #tpu.memory_space<hbm>>
      %dma_start3A_48 = arith.constant 0 : i32
      %dma_start3A_49 = arith.constant 0 : i32
      %dma_start3A_50 = tpu.memref_slice %arg7[%run_scoped3A, %dma_start3A_48, %dma_start3A_49] : memref<2x8x128xi32, #tpu.memory_space<vmem>> -> memref<1x8x128xi32, #tpu.memory_space<vmem>>
      %dma_start3A_51 = tpu.memref_squeeze %dma_start3A_50 : memref<1x8x128xi32, #tpu.memory_space<vmem>> -> memref<8x128xi32, #tpu.memory_space<vmem>>
      %dma_start3A_52 = arith.constant 0 : i32
      %dma_start3A_53 = arith.constant 0 : i32
      %dma_start3A_54 = tpu.memref_slice %arg3[%add3A, %dma_start3A_52, %dma_start3A_53] : memref<32x80x128xi32, #tpu.memory_space<hbm>> -> memref<1x8x128xi32, #tpu.memory_space<hbm>>
      %dma_start3A_55 = tpu.memref_squeeze %dma_start3A_54 : memref<1x8x128xi32, #tpu.memory_space<hbm>> -> memref<8x128xi32, #tpu.memory_space<hbm>>
      tpu.enqueue_dma source(%dma_start3A_55 : memref<8x128xi32, #tpu.memory_space<hbm>>) target(%dma_start3A_51 : memref<8x128xi32, #tpu.memory_space<vmem>>) target_semaphore(%run_scoped3A_39 : memref<!tpu.dma_semaphore, #tpu.memory_space<semaphore_mem>>)
      %dma_wait3A = arith.constant 0 : i32
      %dma_wait3A_56 = arith.constant 0 : i32
      %dma_wait3A_57 = tpu.memref_slice %arg7[%run_scoped3A, %dma_wait3A, %dma_wait3A_56] : memref<2x8x128xi32, #tpu.memory_space<vmem>> -> memref<1x8x128xi32, #tpu.memory_space<vmem>>
      %dma_wait3A_58 = tpu.memref_squeeze %dma_wait3A_57 : memref<1x8x128xi32, #tpu.memory_space<vmem>> -> memref<8x128xi32, #tpu.memory_space<vmem>>
      %dma_wait3A_59 = arith.constant 0 : i32
      %dma_wait3A_60 = arith.constant 0 : i32
      %dma_wait3A_61 = tpu.memref_slice %arg3[%add3A, %dma_wait3A_59, %dma_wait3A_60] : memref<32x80x128xi32, #tpu.memory_space<hbm>> -> memref<1x8x128xi32, #tpu.memory_space<hbm>>
      %dma_wait3A_62 = tpu.memref_squeeze %dma_wait3A_61 : memref<1x8x128xi32, #tpu.memory_space<hbm>> -> memref<8x128xi32, #tpu.memory_space<hbm>>
      %dma_wait3A_63 = arith.constant 0 : i32
      %dma_wait3A_64 = arith.constant 0 : i32
      %dma_wait3A_65 = tpu.memref_slice %arg7[%run_scoped3A, %dma_wait3A_63, %dma_wait3A_64] : memref<2x8x128xi32, #tpu.memory_space<vmem>> -> memref<1x8x128xi32, #tpu.memory_space<vmem>>
      %dma_wait3A_66 = tpu.memref_squeeze %dma_wait3A_65 : memref<1x8x128xi32, #tpu.memory_space<vmem>> -> memref<8x128xi32, #tpu.memory_space<vmem>>
      %dma_wait3A_67 = arith.constant 0 : i32
      %dma_wait3A_68 = arith.constant 0 : i32
      %dma_wait3A_69 = tpu.memref_slice %arg3[%add3A, %dma_wait3A_67, %dma_wait3A_68] : memref<32x80x128xi32, #tpu.memory_space<hbm>> -> memref<1x8x128xi32, #tpu.memory_space<hbm>>
      %dma_wait3A_70 = tpu.memref_squeeze %dma_wait3A_69 : memref<1x8x128xi32, #tpu.memory_space<hbm>> -> memref<8x128xi32, #tpu.memory_space<hbm>>
      tpu.wait_dma2 semaphore(%run_scoped3A_39 : memref<!tpu.dma_semaphore, #tpu.memory_space<semaphore_mem>>) src(%dma_wait3A_70 : memref<8x128xi32, #tpu.memory_space<hbm>>) dst(%dma_wait3A_66 : memref<8x128xi32, #tpu.memory_space<vmem>>)
      tpu.yield
    }) : () -> ()
    %run_scoped3A_5 = arith.constant 0 : i32
    "tpu.region"() ({
      %run_scoped3A_39 = tpu.sem_alloc : memref<!tpu.dma_semaphore, #tpu.memory_space<semaphore_mem>>
      %dma_start3A_40 = arith.constant 0 : i32
      %dma_start3A_41 = arith.constant 0 : i32
      %dma_start3A_42 = tpu.memref_slice %arg8[%run_scoped3A_5, %dma_start3A_40, %dma_start3A_41] : memref<2x8x128xi32, #tpu.memory_space<vmem>> -> memref<1x8x128xi32, #tpu.memory_space<vmem>>
      %dma_start3A_43 = tpu.memref_squeeze %dma_start3A_42 : memref<1x8x128xi32, #tpu.memory_space<vmem>> -> memref<8x128xi32, #tpu.memory_space<vmem>>
      %dma_start3A_44 = arith.constant 0 : i32
      %dma_start3A_45 = arith.constant 0 : i32
      %dma_start3A_46 = tpu.memref_slice %arg4[%add3A, %dma_start3A_44, %dma_start3A_45] : memref<32x80x128xi32, #tpu.memory_space<hbm>> -> memref<1x8x128xi32, #tpu.memory_space<hbm>>
      %dma_start3A_47 = tpu.memref_squeeze %dma_start3A_46 : memref<1x8x128xi32, #tpu.memory_space<hbm>> -> memref<8x128xi32, #tpu.memory_space<hbm>>
      %dma_start3A_48 = arith.constant 0 : i32
      %dma_start3A_49 = arith.constant 0 : i32
      %dma_start3A_50 = tpu.memref_slice %arg8[%run_scoped3A_5, %dma_start3A_48, %dma_start3A_49] : memref<2x8x128xi32, #tpu.memory_space<vmem>> -> memref<1x8x128xi32, #tpu.memory_space<vmem>>
      %dma_start3A_51 = tpu.memref_squeeze %dma_start3A_50 : memref<1x8x128xi32, #tpu.memory_space<vmem>> -> memref<8x128xi32, #tpu.memory_space<vmem>>
      %dma_start3A_52 = arith.constant 0 : i32
      %dma_start3A_53 = arith.constant 0 : i32
      %dma_start3A_54 = tpu.memref_slice %arg4[%add3A, %dma_start3A_52, %dma_start3A_53] : memref<32x80x128xi32, #tpu.memory_space<hbm>> -> memref<1x8x128xi32, #tpu.memory_space<hbm>>
      %dma_start3A_55 = tpu.memref_squeeze %dma_start3A_54 : memref<1x8x128xi32, #tpu.memory_space<hbm>> -> memref<8x128xi32, #tpu.memory_space<hbm>>
      tpu.enqueue_dma source(%dma_start3A_55 : memref<8x128xi32, #tpu.memory_space<hbm>>) target(%dma_start3A_51 : memref<8x128xi32, #tpu.memory_space<vmem>>) target_semaphore(%run_scoped3A_39 : memref<!tpu.dma_semaphore, #tpu.memory_space<semaphore_mem>>)
      %dma_wait3A = arith.constant 0 : i32
      %dma_wait3A_56 = arith.constant 0 : i32
      %dma_wait3A_57 = tpu.memref_slice %arg8[%run_scoped3A_5, %dma_wait3A, %dma_wait3A_56] : memref<2x8x128xi32, #tpu.memory_space<vmem>> -> memref<1x8x128xi32, #tpu.memory_space<vmem>>
      %dma_wait3A_58 = tpu.memref_squeeze %dma_wait3A_57 : memref<1x8x128xi32, #tpu.memory_space<vmem>> -> memref<8x128xi32, #tpu.memory_space<vmem>>
      %dma_wait3A_59 = arith.constant 0 : i32
      %dma_wait3A_60 = arith.constant 0 : i32
      %dma_wait3A_61 = tpu.memref_slice %arg4[%add3A, %dma_wait3A_59, %dma_wait3A_60] : memref<32x80x128xi32, #tpu.memory_space<hbm>> -> memref<1x8x128xi32, #tpu.memory_space<hbm>>
      %dma_wait3A_62 = tpu.memref_squeeze %dma_wait3A_61 : memref<1x8x128xi32, #tpu.memory_space<hbm>> -> memref<8x128xi32, #tpu.memory_space<hbm>>
      %dma_wait3A_63 = arith.constant 0 : i32
      %dma_wait3A_64 = arith.constant 0 : i32
      %dma_wait3A_65 = tpu.memref_slice %arg8[%run_scoped3A_5, %dma_wait3A_63, %dma_wait3A_64] : memref<2x8x128xi32, #tpu.memory_space<vmem>> -> memref<1x8x128xi32, #tpu.memory_space<vmem>>
      %dma_wait3A_66 = tpu.memref_squeeze %dma_wait3A_65 : memref<1x8x128xi32, #tpu.memory_space<vmem>> -> memref<8x128xi32, #tpu.memory_space<vmem>>
      %dma_wait3A_67 = arith.constant 0 : i32
      %dma_wait3A_68 = arith.constant 0 : i32
      %dma_wait3A_69 = tpu.memref_slice %arg4[%add3A, %dma_wait3A_67, %dma_wait3A_68] : memref<32x80x128xi32, #tpu.memory_space<hbm>> -> memref<1x8x128xi32, #tpu.memory_space<hbm>>
      %dma_wait3A_70 = tpu.memref_squeeze %dma_wait3A_69 : memref<1x8x128xi32, #tpu.memory_space<hbm>> -> memref<8x128xi32, #tpu.memory_space<hbm>>
      tpu.wait_dma2 semaphore(%run_scoped3A_39 : memref<!tpu.dma_semaphore, #tpu.memory_space<semaphore_mem>>) src(%dma_wait3A_70 : memref<8x128xi32, #tpu.memory_space<hbm>>) dst(%dma_wait3A_66 : memref<8x128xi32, #tpu.memory_space<vmem>>)
      tpu.yield
    }) : () -> ()
    %barrier3A = arith.constant 0 : index
    tpu.barrier barrier_id(%barrier3A)
    %dma_start3A = arith.constant 0 : i32
    %dma_start3A_6 = arith.constant 0 : i32
    %dma_start3A_7 = arith.constant 0 : i32
    %dma_start3A_8 = tpu.memref_slice %arg7[%dma_start3A, %dma_start3A_6, %dma_start3A_7] : memref<2x8x128xi32, #tpu.memory_space<vmem>> -> memref<1x1x128xi32, #tpu.memory_space<vmem>>
    %dma_start3A_9 = tpu.memref_squeeze %dma_start3A_8 : memref<1x1x128xi32, #tpu.memory_space<vmem>> -> memref<128xi32, #tpu.memory_space<vmem>>
    %dma_start3A_10 = arith.constant 0 : i32
    %dma_start3A_11 = arith.constant 0 : i32
    %dma_start3A_12 = tpu.memref_slice %arg2[%arg0, %dma_start3A_10, %dma_start3A_11] : memref<2x10000x128xf32, #tpu.memory_space<hbm>> -> memref<1x10000x128xf32, #tpu.memory_space<hbm>>
    %dma_start3A_13 = tpu.memref_squeeze %dma_start3A_12 : memref<1x10000x128xf32, #tpu.memory_space<hbm>> -> memref<10000x128xf32, #tpu.memory_space<hbm>>
    %dma_start3A_14 = arith.constant 0 : i32
    %dma_start3A_15 = arith.constant 0 : i32
    %dma_start3A_16 = tpu.memref_slice %dma_start3A_13[%dma_start3A_14, %dma_start3A_15] : memref<10000x128xf32, #tpu.memory_space<hbm>> -> memref<10000x128xf32, #tpu.memory_space<hbm>>
    tpu.enqueue_indirect_dma source(%dma_start3A_16 : memref<10000x128xf32, #tpu.memory_space<hbm>>) target(%arg9 : memref<128x128xf32, #tpu.memory_space<vmem>>) offsets(%dma_start3A_9 : memref<128xi32, #tpu.memory_space<vmem>>) semaphore(%arg12 : memref<!tpu.dma_semaphore, #tpu.memory_space<semaphore_mem>>)
    %dma_start3A_17 = arith.constant 0 : i32
    %dma_start3A_18 = arith.constant 1 : i32
    %dma_start3A_19 = arith.constant 0 : i32
    %dma_start3A_20 = tpu.memref_slice %arg7[%dma_start3A_17, %dma_start3A_18, %dma_start3A_19] : memref<2x8x128xi32, #tpu.memory_space<vmem>> -> memref<1x1x128xi32, #tpu.memory_space<vmem>>
    %dma_start3A_21 = tpu.memref_squeeze %dma_start3A_20 : memref<1x1x128xi32, #tpu.memory_space<vmem>> -> memref<128xi32, #tpu.memory_space<vmem>>
    %dma_start3A_22 = arith.constant 0 : i32
    %dma_start3A_23 = arith.constant 0 : i32
    %dma_start3A_24 = tpu.memref_slice %arg2[%arg0, %dma_start3A_22, %dma_start3A_23] : memref<2x10000x128xf32, #tpu.memory_space<hbm>> -> memref<1x10000x128xf32, #tpu.memory_space<hbm>>
    %dma_start3A_25 = tpu.memref_squeeze %dma_start3A_24 : memref<1x10000x128xf32, #tpu.memory_space<hbm>> -> memref<10000x128xf32, #tpu.memory_space<hbm>>
    %dma_start3A_26 = arith.constant 0 : i32
    %dma_start3A_27 = arith.constant 0 : i32
    %dma_start3A_28 = tpu.memref_slice %dma_start3A_25[%dma_start3A_26, %dma_start3A_27] : memref<10000x128xf32, #tpu.memory_space<hbm>> -> memref<10000x128xf32, #tpu.memory_space<hbm>>
    tpu.enqueue_indirect_dma source(%dma_start3A_28 : memref<10000x128xf32, #tpu.memory_space<hbm>>) target(%arg10 : memref<128x128xf32, #tpu.memory_space<vmem>>) offsets(%dma_start3A_21 : memref<128xi32, #tpu.memory_space<vmem>>) semaphore(%arg13 : memref<!tpu.dma_semaphore, #tpu.memory_space<semaphore_mem>>)
    %scan3A = arith.constant 0 : i32
    %scan3A_29 = arith.constant 0 : i32
    %scan3A_30 = arith.constant 5 : i32
    %scan3A_31 = arith.addi %scan3A_29, %scan3A_30 : i32
    %scan3A_32 = arith.constant 1 : i32
    scf.for %scan3A_39 = %scan3A_29 to %scan3A_31 step %scan3A_32  : i32 {
      %mul3A_40 = arith.constant 2 : i32
      %mul3A_41 = arith.muli %scan3A_39, %mul3A_40 : i32
      %add3A_42 = arith.constant 1 : i32
      %add3A_43 = arith.addi %mul3A_41, %add3A_42 : i32
      %lt3A = arith.constant 10 : i32
      %lt3A_44 = arith.cmpi slt, %add3A_43, %lt3A : i32
      %convert_element_type3A = arith.extui %lt3A_44 : i1 to i32
      %cond3A = arith.constant 0 : i32
      %cond3A_45 = arith.cmpi ne, %convert_element_type3A, %cond3A : i32
      scf.if %cond3A_45 {
        %add3A_442 = arith.constant 1 : i32
        %add3A_443 = arith.addi %mul3A_41, %add3A_442 : i32
        %mul3A_444 = arith.constant 8 : i32
        %mul3A_445 = arith.muli %add3A_443, %mul3A_444 : i32
        %dma_start3A_446 = arith.constant 1 : i32
        %dma_start3A_447 = arith.constant 0 : i32
        %dma_start3A_448 = arith.constant 0 : i32
        %dma_start3A_449 = tpu.memref_slice %arg7[%dma_start3A_446, %dma_start3A_447, %dma_start3A_448] : memref<2x8x128xi32, #tpu.memory_space<vmem>> -> memref<1x8x128xi32, #tpu.memory_space<vmem>>
        %dma_start3A_450 = tpu.memref_squeeze %dma_start3A_449 : memref<1x8x128xi32, #tpu.memory_space<vmem>> -> memref<8x128xi32, #tpu.memory_space<vmem>>
        %dma_start3A_451 = arith.constant 0 : i32
        %dma_start3A_452 = tpu.memref_slice %arg3[%add3A, %mul3A_445, %dma_start3A_451] : memref<32x80x128xi32, #tpu.memory_space<hbm>> -> memref<1x8x128xi32, #tpu.memory_space<hbm>>
        %dma_start3A_453 = tpu.memref_squeeze %dma_start3A_452 : memref<1x8x128xi32, #tpu.memory_space<hbm>> -> memref<8x128xi32, #tpu.memory_space<hbm>>
        %dma_start3A_454 = arith.constant 0 : i32
        %dma_start3A_455 = arith.constant 0 : i32
        %dma_start3A_456 = tpu.memref_slice %arg7[%dma_start3A_446, %dma_start3A_454, %dma_start3A_455] : memref<2x8x128xi32, #tpu.memory_space<vmem>> -> memref<1x8x128xi32, #tpu.memory_space<vmem>>
        %dma_start3A_457 = tpu.memref_squeeze %dma_start3A_456 : memref<1x8x128xi32, #tpu.memory_space<vmem>> -> memref<8x128xi32, #tpu.memory_space<vmem>>
        %dma_start3A_458 = arith.constant 0 : i32
        %dma_start3A_459 = tpu.memref_slice %arg3[%add3A, %mul3A_445, %dma_start3A_458] : memref<32x80x128xi32, #tpu.memory_space<hbm>> -> memref<1x8x128xi32, #tpu.memory_space<hbm>>
        %dma_start3A_460 = tpu.memref_squeeze %dma_start3A_459 : memref<1x8x128xi32, #tpu.memory_space<hbm>> -> memref<8x128xi32, #tpu.memory_space<hbm>>
        tpu.enqueue_dma source(%dma_start3A_460 : memref<8x128xi32, #tpu.memory_space<hbm>>) target(%dma_start3A_457 : memref<8x128xi32, #tpu.memory_space<vmem>>) target_semaphore(%arg14 : memref<!tpu.dma_semaphore, #tpu.memory_space<semaphore_mem>>)
        %add3A_461 = arith.constant 1 : i32
        %add3A_462 = arith.addi %mul3A_41, %add3A_461 : i32
        %mul3A_463 = arith.constant 8 : i32
        %mul3A_464 = arith.muli %add3A_462, %mul3A_463 : i32
        %dma_start3A_465 = arith.constant 1 : i32
        %dma_start3A_466 = arith.constant 0 : i32
        %dma_start3A_467 = arith.constant 0 : i32
        %dma_start3A_468 = tpu.memref_slice %arg8[%dma_start3A_465, %dma_start3A_466, %dma_start3A_467] : memref<2x8x128xi32, #tpu.memory_space<vmem>> -> memref<1x8x128xi32, #tpu.memory_space<vmem>>
        %dma_start3A_469 = tpu.memref_squeeze %dma_start3A_468 : memref<1x8x128xi32, #tpu.memory_space<vmem>> -> memref<8x128xi32, #tpu.memory_space<vmem>>
        %dma_start3A_470 = arith.constant 0 : i32
        %dma_start3A_471 = tpu.memref_slice %arg4[%add3A, %mul3A_464, %dma_start3A_470] : memref<32x80x128xi32, #tpu.memory_space<hbm>> -> memref<1x8x128xi32, #tpu.memory_space<hbm>>
        %dma_start3A_472 = tpu.memref_squeeze %dma_start3A_471 : memref<1x8x128xi32, #tpu.memory_space<hbm>> -> memref<8x128xi32, #tpu.memory_space<hbm>>
        %dma_start3A_473 = arith.constant 0 : i32
        %dma_start3A_474 = arith.constant 0 : i32
        %dma_start3A_475 = tpu.memref_slice %arg8[%dma_start3A_465, %dma_start3A_473, %dma_start3A_474] : memref<2x8x128xi32, #tpu.memory_space<vmem>> -> memref<1x8x128xi32, #tpu.memory_space<vmem>>
        %dma_start3A_476 = tpu.memref_squeeze %dma_start3A_475 : memref<1x8x128xi32, #tpu.memory_space<vmem>> -> memref<8x128xi32, #tpu.memory_space<vmem>>
        %dma_start3A_477 = arith.constant 0 : i32
        %dma_start3A_478 = tpu.memref_slice %arg4[%add3A, %mul3A_464, %dma_start3A_477] : memref<32x80x128xi32, #tpu.memory_space<hbm>> -> memref<1x8x128xi32, #tpu.memory_space<hbm>>
        %dma_start3A_479 = tpu.memref_squeeze %dma_start3A_478 : memref<1x8x128xi32, #tpu.memory_space<hbm>> -> memref<8x128xi32, #tpu.memory_space<hbm>>
        tpu.enqueue_dma source(%dma_start3A_479 : memref<8x128xi32, #tpu.memory_space<hbm>>) target(%dma_start3A_476 : memref<8x128xi32, #tpu.memory_space<vmem>>) target_semaphore(%arg15 : memref<!tpu.dma_semaphore, #tpu.memory_space<semaphore_mem>>)
      } else {
      }
      %dma_wait3A = arith.constant 0 : i32
      %dma_wait3A_46 = arith.constant 0 : i32
      %dma_wait3A_47 = arith.constant 0 : i32
      %dma_wait3A_48 = tpu.memref_slice %arg7[%dma_wait3A, %dma_wait3A_46, %dma_wait3A_47] : memref<2x8x128xi32, #tpu.memory_space<vmem>> -> memref<1x1x128xi32, #tpu.memory_space<vmem>>
      %dma_wait3A_49 = tpu.memref_squeeze %dma_wait3A_48 : memref<1x1x128xi32, #tpu.memory_space<vmem>> -> memref<128xi32, #tpu.memory_space<vmem>>
      %dma_wait3A_50 = arith.constant 0 : i32
      %dma_wait3A_51 = arith.constant 0 : i32
      %dma_wait3A_52 = tpu.memref_slice %arg2[%arg0, %dma_wait3A_50, %dma_wait3A_51] : memref<2x10000x128xf32, #tpu.memory_space<hbm>> -> memref<1x10000x128xf32, #tpu.memory_space<hbm>>
      %dma_wait3A_53 = tpu.memref_squeeze %dma_wait3A_52 : memref<1x10000x128xf32, #tpu.memory_space<hbm>> -> memref<10000x128xf32, #tpu.memory_space<hbm>>
      %dma_wait3A_54 = arith.constant 0 : i32
      %dma_wait3A_55 = arith.constant 0 : i32
      %dma_wait3A_56 = tpu.memref_slice %dma_wait3A_53[%dma_wait3A_54, %dma_wait3A_55] : memref<10000x128xf32, #tpu.memory_space<hbm>> -> memref<10000x128xf32, #tpu.memory_space<hbm>>
      tpu.wait_indirect_dma semaphore(%arg12 : memref<!tpu.dma_semaphore, #tpu.memory_space<semaphore_mem>>) src(%dma_wait3A_56 : memref<10000x128xf32, #tpu.memory_space<hbm>>) dst(%arg9 : memref<128x128xf32, #tpu.memory_space<vmem>>)
      %run_scoped3A_57 = arith.constant 0 : i32
      %run_scoped3A_58 = arith.constant 0 : i32
      "tpu.region"() ({
        %run_scoped3A_442 = tpu.sem_alloc : memref<!tpu.dma_semaphore, #tpu.memory_space<semaphore_mem>>
        %dma_start3A_443 = arith.constant 0 : i32
        %dma_start3A_444 = tpu.memref_slice %arg8[%run_scoped3A_57, %run_scoped3A_58, %dma_start3A_443] : memref<2x8x128xi32, #tpu.memory_space<vmem>> -> memref<1x1x128xi32, #tpu.memory_space<vmem>>
        %dma_start3A_445 = tpu.memref_squeeze %dma_start3A_444 : memref<1x1x128xi32, #tpu.memory_space<vmem>> -> memref<128xi32, #tpu.memory_space<vmem>>
        %dma_start3A_446 = arith.constant 0 : i32
        %dma_start3A_447 = arith.constant 0 : i32
        %dma_start3A_448 = tpu.memref_slice %arg11[%dma_start3A_446, %dma_start3A_447] : memref<10112x128xf32, #tpu.memory_space<vmem_shared>> -> memref<10112x128xf32, #tpu.memory_space<vmem_shared>>
        tpu.enqueue_indirect_dma source(%arg9 : memref<128x128xf32, #tpu.memory_space<vmem>>) target(%dma_start3A_448 : memref<10112x128xf32, #tpu.memory_space<vmem_shared>>) offsets(%dma_start3A_445 : memref<128xi32, #tpu.memory_space<vmem>>) semaphore(%run_scoped3A_442 : memref<!tpu.dma_semaphore, #tpu.memory_space<semaphore_mem>>) {add = true}
        %dma_wait3A_449 = arith.constant 0 : i32
        %dma_wait3A_450 = tpu.memref_slice %arg8[%run_scoped3A_57, %run_scoped3A_58, %dma_wait3A_449] : memref<2x8x128xi32, #tpu.memory_space<vmem>> -> memref<1x1x128xi32, #tpu.memory_space<vmem>>
        %dma_wait3A_451 = tpu.memref_squeeze %dma_wait3A_450 : memref<1x1x128xi32, #tpu.memory_space<vmem>> -> memref<128xi32, #tpu.memory_space<vmem>>
        %dma_wait3A_452 = arith.constant 0 : i32
        %dma_wait3A_453 = arith.constant 0 : i32
        %dma_wait3A_454 = tpu.memref_slice %arg11[%dma_wait3A_452, %dma_wait3A_453] : memref<10112x128xf32, #tpu.memory_space<vmem_shared>> -> memref<10112x128xf32, #tpu.memory_space<vmem_shared>>
        tpu.wait_indirect_dma semaphore(%run_scoped3A_442 : memref<!tpu.dma_semaphore, #tpu.memory_space<semaphore_mem>>) src(%arg9 : memref<128x128xf32, #tpu.memory_space<vmem>>) dst(%dma_wait3A_454 : memref<10112x128xf32, #tpu.memory_space<vmem_shared>>)
        tpu.yield
      }) : () -> ()
      %dma_start3A_59 = arith.constant 0 : i32
      %dma_start3A_60 = arith.constant 2 : i32
      %dma_start3A_61 = arith.constant 0 : i32
      %dma_start3A_62 = tpu.memref_slice %arg7[%dma_start3A_59, %dma_start3A_60, %dma_start3A_61] : memref<2x8x128xi32, #tpu.memory_space<vmem>> -> memref<1x1x128xi32, #tpu.memory_space<vmem>>
      %dma_start3A_63 = tpu.memref_squeeze %dma_start3A_62 : memref<1x1x128xi32, #tpu.memory_space<vmem>> -> memref<128xi32, #tpu.memory_space<vmem>>
      %dma_start3A_64 = arith.constant 0 : i32
      %dma_start3A_65 = arith.constant 0 : i32
      %dma_start3A_66 = tpu.memref_slice %arg2[%arg0, %dma_start3A_64, %dma_start3A_65] : memref<2x10000x128xf32, #tpu.memory_space<hbm>> -> memref<1x10000x128xf32, #tpu.memory_space<hbm>>
      %dma_start3A_67 = tpu.memref_squeeze %dma_start3A_66 : memref<1x10000x128xf32, #tpu.memory_space<hbm>> -> memref<10000x128xf32, #tpu.memory_space<hbm>>
      %dma_start3A_68 = arith.constant 0 : i32
      %dma_start3A_69 = arith.constant 0 : i32
      %dma_start3A_70 = tpu.memref_slice %dma_start3A_67[%dma_start3A_68, %dma_start3A_69] : memref<10000x128xf32, #tpu.memory_space<hbm>> -> memref<10000x128xf32, #tpu.memory_space<hbm>>
      tpu.enqueue_indirect_dma source(%dma_start3A_70 : memref<10000x128xf32, #tpu.memory_space<hbm>>) target(%arg9 : memref<128x128xf32, #tpu.memory_space<vmem>>) offsets(%dma_start3A_63 : memref<128xi32, #tpu.memory_space<vmem>>) semaphore(%arg12 : memref<!tpu.dma_semaphore, #tpu.memory_space<semaphore_mem>>)
      %dma_wait3A_71 = arith.constant 0 : i32
      %dma_wait3A_72 = arith.constant 1 : i32
      %dma_wait3A_73 = arith.constant 0 : i32
      %dma_wait3A_74 = tpu.memref_slice %arg7[%dma_wait3A_71, %dma_wait3A_72, %dma_wait3A_73] : memref<2x8x128xi32, #tpu.memory_space<vmem>> -> memref<1x1x128xi32, #tpu.memory_space<vmem>>
      %dma_wait3A_75 = tpu.memref_squeeze %dma_wait3A_74 : memref<1x1x128xi32, #tpu.memory_space<vmem>> -> memref<128xi32, #tpu.memory_space<vmem>>
      %dma_wait3A_76 = arith.constant 0 : i32
      %dma_wait3A_77 = arith.constant 0 : i32
      %dma_wait3A_78 = tpu.memref_slice %arg2[%arg0, %dma_wait3A_76, %dma_wait3A_77] : memref<2x10000x128xf32, #tpu.memory_space<hbm>> -> memref<1x10000x128xf32, #tpu.memory_space<hbm>>
      %dma_wait3A_79 = tpu.memref_squeeze %dma_wait3A_78 : memref<1x10000x128xf32, #tpu.memory_space<hbm>> -> memref<10000x128xf32, #tpu.memory_space<hbm>>
      %dma_wait3A_80 = arith.constant 0 : i32
      %dma_wait3A_81 = arith.constant 0 : i32
      %dma_wait3A_82 = tpu.memref_slice %dma_wait3A_79[%dma_wait3A_80, %dma_wait3A_81] : memref<10000x128xf32, #tpu.memory_space<hbm>> -> memref<10000x128xf32, #tpu.memory_space<hbm>>
      tpu.wait_indirect_dma semaphore(%arg13 : memref<!tpu.dma_semaphore, #tpu.memory_space<semaphore_mem>>) src(%dma_wait3A_82 : memref<10000x128xf32, #tpu.memory_space<hbm>>) dst(%arg10 : memref<128x128xf32, #tpu.memory_space<vmem>>)
      %run_scoped3A_83 = arith.constant 0 : i32
      %run_scoped3A_84 = arith.constant 1 : i32
      "tpu.region"() ({
        %run_scoped3A_442 = tpu.sem_alloc : memref<!tpu.dma_semaphore, #tpu.memory_space<semaphore_mem>>
        %dma_start3A_443 = arith.constant 0 : i32
        %dma_start3A_444 = tpu.memref_slice %arg8[%run_scoped3A_83, %run_scoped3A_84, %dma_start3A_443] : memref<2x8x128xi32, #tpu.memory_space<vmem>> -> memref<1x1x128xi32, #tpu.memory_space<vmem>>
        %dma_start3A_445 = tpu.memref_squeeze %dma_start3A_444 : memref<1x1x128xi32, #tpu.memory_space<vmem>> -> memref<128xi32, #tpu.memory_space<vmem>>
        %dma_start3A_446 = arith.constant 0 : i32
        %dma_start3A_447 = arith.constant 0 : i32
        %dma_start3A_448 = tpu.memref_slice %arg11[%dma_start3A_446, %dma_start3A_447] : memref<10112x128xf32, #tpu.memory_space<vmem_shared>> -> memref<10112x128xf32, #tpu.memory_space<vmem_shared>>
        tpu.enqueue_indirect_dma source(%arg10 : memref<128x128xf32, #tpu.memory_space<vmem>>) target(%dma_start3A_448 : memref<10112x128xf32, #tpu.memory_space<vmem_shared>>) offsets(%dma_start3A_445 : memref<128xi32, #tpu.memory_space<vmem>>) semaphore(%run_scoped3A_442 : memref<!tpu.dma_semaphore, #tpu.memory_space<semaphore_mem>>) {add = true}
        %dma_wait3A_449 = arith.constant 0 : i32
        %dma_wait3A_450 = tpu.memref_slice %arg8[%run_scoped3A_83, %run_scoped3A_84, %dma_wait3A_449] : memref<2x8x128xi32, #tpu.memory_space<vmem>> -> memref<1x1x128xi32, #tpu.memory_space<vmem>>
        %dma_wait3A_451 = tpu.memref_squeeze %dma_wait3A_450 : memref<1x1x128xi32, #tpu.memory_space<vmem>> -> memref<128xi32, #tpu.memory_space<vmem>>
        %dma_wait3A_452 = arith.constant 0 : i32
        %dma_wait3A_453 = arith.constant 0 : i32
        %dma_wait3A_454 = tpu.memref_slice %arg11[%dma_wait3A_452, %dma_wait3A_453] : memref<10112x128xf32, #tpu.memory_space<vmem_shared>> -> memref<10112x128xf32, #tpu.memory_space<vmem_shared>>
        tpu.wait_indirect_dma semaphore(%run_scoped3A_442 : memref<!tpu.dma_semaphore, #tpu.memory_space<semaphore_mem>>) src(%arg10 : memref<128x128xf32, #tpu.memory_space<vmem>>) dst(%dma_wait3A_454 : memref<10112x128xf32, #tpu.memory_space<vmem_shared>>)
        tpu.yield
      }) : () -> ()
      %dma_start3A_85 = arith.constant 0 : i32
      %dma_start3A_86 = arith.constant 3 : i32
      %dma_start3A_87 = arith.constant 0 : i32
      %dma_start3A_88 = tpu.memref_slice %arg7[%dma_start3A_85, %dma_start3A_86, %dma_start3A_87] : memref<2x8x128xi32, #tpu.memory_space<vmem>> -> memref<1x1x128xi32, #tpu.memory_space<vmem>>
      %dma_start3A_89 = tpu.memref_squeeze %dma_start3A_88 : memref<1x1x128xi32, #tpu.memory_space<vmem>> -> memref<128xi32, #tpu.memory_space<vmem>>
      %dma_start3A_90 = arith.constant 0 : i32
      %dma_start3A_91 = arith.constant 0 : i32
      %dma_start3A_92 = tpu.memref_slice %arg2[%arg0, %dma_start3A_90, %dma_start3A_91] : memref<2x10000x128xf32, #tpu.memory_space<hbm>> -> memref<1x10000x128xf32, #tpu.memory_space<hbm>>
      %dma_start3A_93 = tpu.memref_squeeze %dma_start3A_92 : memref<1x10000x128xf32, #tpu.memory_space<hbm>> -> memref<10000x128xf32, #tpu.memory_space<hbm>>
      %dma_start3A_94 = arith.constant 0 : i32
      %dma_start3A_95 = arith.constant 0 : i32
      %dma_start3A_96 = tpu.memref_slice %dma_start3A_93[%dma_start3A_94, %dma_start3A_95] : memref<10000x128xf32, #tpu.memory_space<hbm>> -> memref<10000x128xf32, #tpu.memory_space<hbm>>
      tpu.enqueue_indirect_dma source(%dma_start3A_96 : memref<10000x128xf32, #tpu.memory_space<hbm>>) target(%arg10 : memref<128x128xf32, #tpu.memory_space<vmem>>) offsets(%dma_start3A_89 : memref<128xi32, #tpu.memory_space<vmem>>) semaphore(%arg13 : memref<!tpu.dma_semaphore, #tpu.memory_space<semaphore_mem>>)
      %dma_wait3A_97 = arith.constant 0 : i32
      %dma_wait3A_98 = arith.constant 2 : i32
      %dma_wait3A_99 = arith.constant 0 : i32
      %dma_wait3A_100 = tpu.memref_slice %arg7[%dma_wait3A_97, %dma_wait3A_98, %dma_wait3A_99] : memref<2x8x128xi32, #tpu.memory_space<vmem>> -> memref<1x1x128xi32, #tpu.memory_space<vmem>>
      %dma_wait3A_101 = tpu.memref_squeeze %dma_wait3A_100 : memref<1x1x128xi32, #tpu.memory_space<vmem>> -> memref<128xi32, #tpu.memory_space<vmem>>
      %dma_wait3A_102 = arith.constant 0 : i32
      %dma_wait3A_103 = arith.constant 0 : i32
      %dma_wait3A_104 = tpu.memref_slice %arg2[%arg0, %dma_wait3A_102, %dma_wait3A_103] : memref<2x10000x128xf32, #tpu.memory_space<hbm>> -> memref<1x10000x128xf32, #tpu.memory_space<hbm>>
      %dma_wait3A_105 = tpu.memref_squeeze %dma_wait3A_104 : memref<1x10000x128xf32, #tpu.memory_space<hbm>> -> memref<10000x128xf32, #tpu.memory_space<hbm>>
      %dma_wait3A_106 = arith.constant 0 : i32
      %dma_wait3A_107 = arith.constant 0 : i32
      %dma_wait3A_108 = tpu.memref_slice %dma_wait3A_105[%dma_wait3A_106, %dma_wait3A_107] : memref<10000x128xf32, #tpu.memory_space<hbm>> -> memref<10000x128xf32, #tpu.memory_space<hbm>>
      tpu.wait_indirect_dma semaphore(%arg12 : memref<!tpu.dma_semaphore, #tpu.memory_space<semaphore_mem>>) src(%dma_wait3A_108 : memref<10000x128xf32, #tpu.memory_space<hbm>>) dst(%arg9 : memref<128x128xf32, #tpu.memory_space<vmem>>)
      %run_scoped3A_109 = arith.constant 0 : i32
      %run_scoped3A_110 = arith.constant 2 : i32
      "tpu.region"() ({
        %run_scoped3A_442 = tpu.sem_alloc : memref<!tpu.dma_semaphore, #tpu.memory_space<semaphore_mem>>
        %dma_start3A_443 = arith.constant 0 : i32
        %dma_start3A_444 = tpu.memref_slice %arg8[%run_scoped3A_109, %run_scoped3A_110, %dma_start3A_443] : memref<2x8x128xi32, #tpu.memory_space<vmem>> -> memref<1x1x128xi32, #tpu.memory_space<vmem>>
        %dma_start3A_445 = tpu.memref_squeeze %dma_start3A_444 : memref<1x1x128xi32, #tpu.memory_space<vmem>> -> memref<128xi32, #tpu.memory_space<vmem>>
        %dma_start3A_446 = arith.constant 0 : i32
        %dma_start3A_447 = arith.constant 0 : i32
        %dma_start3A_448 = tpu.memref_slice %arg11[%dma_start3A_446, %dma_start3A_447] : memref<10112x128xf32, #tpu.memory_space<vmem_shared>> -> memref<10112x128xf32, #tpu.memory_space<vmem_shared>>
        tpu.enqueue_indirect_dma source(%arg9 : memref<128x128xf32, #tpu.memory_space<vmem>>) target(%dma_start3A_448 : memref<10112x128xf32, #tpu.memory_space<vmem_shared>>) offsets(%dma_start3A_445 : memref<128xi32, #tpu.memory_space<vmem>>) semaphore(%run_scoped3A_442 : memref<!tpu.dma_semaphore, #tpu.memory_space<semaphore_mem>>) {add = true}
        %dma_wait3A_449 = arith.constant 0 : i32
        %dma_wait3A_450 = tpu.memref_slice %arg8[%run_scoped3A_109, %run_scoped3A_110, %dma_wait3A_449] : memref<2x8x128xi32, #tpu.memory_space<vmem>> -> memref<1x1x128xi32, #tpu.memory_space<vmem>>
        %dma_wait3A_451 = tpu.memref_squeeze %dma_wait3A_450 : memref<1x1x128xi32, #tpu.memory_space<vmem>> -> memref<128xi32, #tpu.memory_space<vmem>>
        %dma_wait3A_452 = arith.constant 0 : i32
        %dma_wait3A_453 = arith.constant 0 : i32
        %dma_wait3A_454 = tpu.memref_slice %arg11[%dma_wait3A_452, %dma_wait3A_453] : memref<10112x128xf32, #tpu.memory_space<vmem_shared>> -> memref<10112x128xf32, #tpu.memory_space<vmem_shared>>
        tpu.wait_indirect_dma semaphore(%run_scoped3A_442 : memref<!tpu.dma_semaphore, #tpu.memory_space<semaphore_mem>>) src(%arg9 : memref<128x128xf32, #tpu.memory_space<vmem>>) dst(%dma_wait3A_454 : memref<10112x128xf32, #tpu.memory_space<vmem_shared>>)
        tpu.yield
      }) : () -> ()
      %dma_start3A_111 = arith.constant 0 : i32
      %dma_start3A_112 = arith.constant 4 : i32
      %dma_start3A_113 = arith.constant 0 : i32
      %dma_start3A_114 = tpu.memref_slice %arg7[%dma_start3A_111, %dma_start3A_112, %dma_start3A_113] : memref<2x8x128xi32, #tpu.memory_space<vmem>> -> memref<1x1x128xi32, #tpu.memory_space<vmem>>
      %dma_start3A_115 = tpu.memref_squeeze %dma_start3A_114 : memref<1x1x128xi32, #tpu.memory_space<vmem>> -> memref<128xi32, #tpu.memory_space<vmem>>
      %dma_start3A_116 = arith.constant 0 : i32
      %dma_start3A_117 = arith.constant 0 : i32
      %dma_start3A_118 = tpu.memref_slice %arg2[%arg0, %dma_start3A_116, %dma_start3A_117] : memref<2x10000x128xf32, #tpu.memory_space<hbm>> -> memref<1x10000x128xf32, #tpu.memory_space<hbm>>
      %dma_start3A_119 = tpu.memref_squeeze %dma_start3A_118 : memref<1x10000x128xf32, #tpu.memory_space<hbm>> -> memref<10000x128xf32, #tpu.memory_space<hbm>>
      %dma_start3A_120 = arith.constant 0 : i32
      %dma_start3A_121 = arith.constant 0 : i32
      %dma_start3A_122 = tpu.memref_slice %dma_start3A_119[%dma_start3A_120, %dma_start3A_121] : memref<10000x128xf32, #tpu.memory_space<hbm>> -> memref<10000x128xf32, #tpu.memory_space<hbm>>
      tpu.enqueue_indirect_dma source(%dma_start3A_122 : memref<10000x128xf32, #tpu.memory_space<hbm>>) target(%arg9 : memref<128x128xf32, #tpu.memory_space<vmem>>) offsets(%dma_start3A_115 : memref<128xi32, #tpu.memory_space<vmem>>) semaphore(%arg12 : memref<!tpu.dma_semaphore, #tpu.memory_space<semaphore_mem>>)
      %dma_wait3A_123 = arith.constant 0 : i32
      %dma_wait3A_124 = arith.constant 3 : i32
      %dma_wait3A_125 = arith.constant 0 : i32
      %dma_wait3A_126 = tpu.memref_slice %arg7[%dma_wait3A_123, %dma_wait3A_124, %dma_wait3A_125] : memref<2x8x128xi32, #tpu.memory_space<vmem>> -> memref<1x1x128xi32, #tpu.memory_space<vmem>>
      %dma_wait3A_127 = tpu.memref_squeeze %dma_wait3A_126 : memref<1x1x128xi32, #tpu.memory_space<vmem>> -> memref<128xi32, #tpu.memory_space<vmem>>
      %dma_wait3A_128 = arith.constant 0 : i32
      %dma_wait3A_129 = arith.constant 0 : i32
      %dma_wait3A_130 = tpu.memref_slice %arg2[%arg0, %dma_wait3A_128, %dma_wait3A_129] : memref<2x10000x128xf32, #tpu.memory_space<hbm>> -> memref<1x10000x128xf32, #tpu.memory_space<hbm>>
      %dma_wait3A_131 = tpu.memref_squeeze %dma_wait3A_130 : memref<1x10000x128xf32, #tpu.memory_space<hbm>> -> memref<10000x128xf32, #tpu.memory_space<hbm>>
      %dma_wait3A_132 = arith.constant 0 : i32
      %dma_wait3A_133 = arith.constant 0 : i32
      %dma_wait3A_134 = tpu.memref_slice %dma_wait3A_131[%dma_wait3A_132, %dma_wait3A_133] : memref<10000x128xf32, #tpu.memory_space<hbm>> -> memref<10000x128xf32, #tpu.memory_space<hbm>>
      tpu.wait_indirect_dma semaphore(%arg13 : memref<!tpu.dma_semaphore, #tpu.memory_space<semaphore_mem>>) src(%dma_wait3A_134 : memref<10000x128xf32, #tpu.memory_space<hbm>>) dst(%arg10 : memref<128x128xf32, #tpu.memory_space<vmem>>)
      %run_scoped3A_135 = arith.constant 0 : i32
      %run_scoped3A_136 = arith.constant 3 : i32
      "tpu.region"() ({
        %run_scoped3A_442 = tpu.sem_alloc : memref<!tpu.dma_semaphore, #tpu.memory_space<semaphore_mem>>
        %dma_start3A_443 = arith.constant 0 : i32
        %dma_start3A_444 = tpu.memref_slice %arg8[%run_scoped3A_135, %run_scoped3A_136, %dma_start3A_443] : memref<2x8x128xi32, #tpu.memory_space<vmem>> -> memref<1x1x128xi32, #tpu.memory_space<vmem>>
        %dma_start3A_445 = tpu.memref_squeeze %dma_start3A_444 : memref<1x1x128xi32, #tpu.memory_space<vmem>> -> memref<128xi32, #tpu.memory_space<vmem>>
        %dma_start3A_446 = arith.constant 0 : i32
        %dma_start3A_447 = arith.constant 0 : i32
        %dma_start3A_448 = tpu.memref_slice %arg11[%dma_start3A_446, %dma_start3A_447] : memref<10112x128xf32, #tpu.memory_space<vmem_shared>> -> memref<10112x128xf32, #tpu.memory_space<vmem_shared>>
        tpu.enqueue_indirect_dma source(%arg10 : memref<128x128xf32, #tpu.memory_space<vmem>>) target(%dma_start3A_448 : memref<10112x128xf32, #tpu.memory_space<vmem_shared>>) offsets(%dma_start3A_445 : memref<128xi32, #tpu.memory_space<vmem>>) semaphore(%run_scoped3A_442 : memref<!tpu.dma_semaphore, #tpu.memory_space<semaphore_mem>>) {add = true}
        %dma_wait3A_449 = arith.constant 0 : i32
        %dma_wait3A_450 = tpu.memref_slice %arg8[%run_scoped3A_135, %run_scoped3A_136, %dma_wait3A_449] : memref<2x8x128xi32, #tpu.memory_space<vmem>> -> memref<1x1x128xi32, #tpu.memory_space<vmem>>
        %dma_wait3A_451 = tpu.memref_squeeze %dma_wait3A_450 : memref<1x1x128xi32, #tpu.memory_space<vmem>> -> memref<128xi32, #tpu.memory_space<vmem>>
        %dma_wait3A_452 = arith.constant 0 : i32
        %dma_wait3A_453 = arith.constant 0 : i32
        %dma_wait3A_454 = tpu.memref_slice %arg11[%dma_wait3A_452, %dma_wait3A_453] : memref<10112x128xf32, #tpu.memory_space<vmem_shared>> -> memref<10112x128xf32, #tpu.memory_space<vmem_shared>>
        tpu.wait_indirect_dma semaphore(%run_scoped3A_442 : memref<!tpu.dma_semaphore, #tpu.memory_space<semaphore_mem>>) src(%arg10 : memref<128x128xf32, #tpu.memory_space<vmem>>) dst(%dma_wait3A_454 : memref<10112x128xf32, #tpu.memory_space<vmem_shared>>)
        tpu.yield
      }) : () -> ()
      %dma_start3A_137 = arith.constant 0 : i32
      %dma_start3A_138 = arith.constant 5 : i32
      %dma_start3A_139 = arith.constant 0 : i32
      %dma_start3A_140 = tpu.memref_slice %arg7[%dma_start3A_137, %dma_start3A_138, %dma_start3A_139] : memref<2x8x128xi32, #tpu.memory_space<vmem>> -> memref<1x1x128xi32, #tpu.memory_space<vmem>>
      %dma_start3A_141 = tpu.memref_squeeze %dma_start3A_140 : memref<1x1x128xi32, #tpu.memory_space<vmem>> -> memref<128xi32, #tpu.memory_space<vmem>>
      %dma_start3A_142 = arith.constant 0 : i32
      %dma_start3A_143 = arith.constant 0 : i32
      %dma_start3A_144 = tpu.memref_slice %arg2[%arg0, %dma_start3A_142, %dma_start3A_143] : memref<2x10000x128xf32, #tpu.memory_space<hbm>> -> memref<1x10000x128xf32, #tpu.memory_space<hbm>>
      %dma_start3A_145 = tpu.memref_squeeze %dma_start3A_144 : memref<1x10000x128xf32, #tpu.memory_space<hbm>> -> memref<10000x128xf32, #tpu.memory_space<hbm>>
      %dma_start3A_146 = arith.constant 0 : i32
      %dma_start3A_147 = arith.constant 0 : i32
      %dma_start3A_148 = tpu.memref_slice %dma_start3A_145[%dma_start3A_146, %dma_start3A_147] : memref<10000x128xf32, #tpu.memory_space<hbm>> -> memref<10000x128xf32, #tpu.memory_space<hbm>>
      tpu.enqueue_indirect_dma source(%dma_start3A_148 : memref<10000x128xf32, #tpu.memory_space<hbm>>) target(%arg10 : memref<128x128xf32, #tpu.memory_space<vmem>>) offsets(%dma_start3A_141 : memref<128xi32, #tpu.memory_space<vmem>>) semaphore(%arg13 : memref<!tpu.dma_semaphore, #tpu.memory_space<semaphore_mem>>)
      %dma_wait3A_149 = arith.constant 0 : i32
      %dma_wait3A_150 = arith.constant 4 : i32
      %dma_wait3A_151 = arith.constant 0 : i32
      %dma_wait3A_152 = tpu.memref_slice %arg7[%dma_wait3A_149, %dma_wait3A_150, %dma_wait3A_151] : memref<2x8x128xi32, #tpu.memory_space<vmem>> -> memref<1x1x128xi32, #tpu.memory_space<vmem>>
      %dma_wait3A_153 = tpu.memref_squeeze %dma_wait3A_152 : memref<1x1x128xi32, #tpu.memory_space<vmem>> -> memref<128xi32, #tpu.memory_space<vmem>>
      %dma_wait3A_154 = arith.constant 0 : i32
      %dma_wait3A_155 = arith.constant 0 : i32
      %dma_wait3A_156 = tpu.memref_slice %arg2[%arg0, %dma_wait3A_154, %dma_wait3A_155] : memref<2x10000x128xf32, #tpu.memory_space<hbm>> -> memref<1x10000x128xf32, #tpu.memory_space<hbm>>
      %dma_wait3A_157 = tpu.memref_squeeze %dma_wait3A_156 : memref<1x10000x128xf32, #tpu.memory_space<hbm>> -> memref<10000x128xf32, #tpu.memory_space<hbm>>
      %dma_wait3A_158 = arith.constant 0 : i32
      %dma_wait3A_159 = arith.constant 0 : i32
      %dma_wait3A_160 = tpu.memref_slice %dma_wait3A_157[%dma_wait3A_158, %dma_wait3A_159] : memref<10000x128xf32, #tpu.memory_space<hbm>> -> memref<10000x128xf32, #tpu.memory_space<hbm>>
      tpu.wait_indirect_dma semaphore(%arg12 : memref<!tpu.dma_semaphore, #tpu.memory_space<semaphore_mem>>) src(%dma_wait3A_160 : memref<10000x128xf32, #tpu.memory_space<hbm>>) dst(%arg9 : memref<128x128xf32, #tpu.memory_space<vmem>>)
      %run_scoped3A_161 = arith.constant 0 : i32
      %run_scoped3A_162 = arith.constant 4 : i32
      "tpu.region"() ({
        %run_scoped3A_442 = tpu.sem_alloc : memref<!tpu.dma_semaphore, #tpu.memory_space<semaphore_mem>>
        %dma_start3A_443 = arith.constant 0 : i32
        %dma_start3A_444 = tpu.memref_slice %arg8[%run_scoped3A_161, %run_scoped3A_162, %dma_start3A_443] : memref<2x8x128xi32, #tpu.memory_space<vmem>> -> memref<1x1x128xi32, #tpu.memory_space<vmem>>
        %dma_start3A_445 = tpu.memref_squeeze %dma_start3A_444 : memref<1x1x128xi32, #tpu.memory_space<vmem>> -> memref<128xi32, #tpu.memory_space<vmem>>
        %dma_start3A_446 = arith.constant 0 : i32
        %dma_start3A_447 = arith.constant 0 : i32
        %dma_start3A_448 = tpu.memref_slice %arg11[%dma_start3A_446, %dma_start3A_447] : memref<10112x128xf32, #tpu.memory_space<vmem_shared>> -> memref<10112x128xf32, #tpu.memory_space<vmem_shared>>
        tpu.enqueue_indirect_dma source(%arg9 : memref<128x128xf32, #tpu.memory_space<vmem>>) target(%dma_start3A_448 : memref<10112x128xf32, #tpu.memory_space<vmem_shared>>) offsets(%dma_start3A_445 : memref<128xi32, #tpu.memory_space<vmem>>) semaphore(%run_scoped3A_442 : memref<!tpu.dma_semaphore, #tpu.memory_space<semaphore_mem>>) {add = true}
        %dma_wait3A_449 = arith.constant 0 : i32
        %dma_wait3A_450 = tpu.memref_slice %arg8[%run_scoped3A_161, %run_scoped3A_162, %dma_wait3A_449] : memref<2x8x128xi32, #tpu.memory_space<vmem>> -> memref<1x1x128xi32, #tpu.memory_space<vmem>>
        %dma_wait3A_451 = tpu.memref_squeeze %dma_wait3A_450 : memref<1x1x128xi32, #tpu.memory_space<vmem>> -> memref<128xi32, #tpu.memory_space<vmem>>
        %dma_wait3A_452 = arith.constant 0 : i32
        %dma_wait3A_453 = arith.constant 0 : i32
        %dma_wait3A_454 = tpu.memref_slice %arg11[%dma_wait3A_452, %dma_wait3A_453] : memref<10112x128xf32, #tpu.memory_space<vmem_shared>> -> memref<10112x128xf32, #tpu.memory_space<vmem_shared>>
        tpu.wait_indirect_dma semaphore(%run_scoped3A_442 : memref<!tpu.dma_semaphore, #tpu.memory_space<semaphore_mem>>) src(%arg9 : memref<128x128xf32, #tpu.memory_space<vmem>>) dst(%dma_wait3A_454 : memref<10112x128xf32, #tpu.memory_space<vmem_shared>>)
        tpu.yield
      }) : () -> ()
      %dma_start3A_163 = arith.constant 0 : i32
      %dma_start3A_164 = arith.constant 6 : i32
      %dma_start3A_165 = arith.constant 0 : i32
      %dma_start3A_166 = tpu.memref_slice %arg7[%dma_start3A_163, %dma_start3A_164, %dma_start3A_165] : memref<2x8x128xi32, #tpu.memory_space<vmem>> -> memref<1x1x128xi32, #tpu.memory_space<vmem>>
      %dma_start3A_167 = tpu.memref_squeeze %dma_start3A_166 : memref<1x1x128xi32, #tpu.memory_space<vmem>> -> memref<128xi32, #tpu.memory_space<vmem>>
      %dma_start3A_168 = arith.constant 0 : i32
      %dma_start3A_169 = arith.constant 0 : i32
      %dma_start3A_170 = tpu.memref_slice %arg2[%arg0, %dma_start3A_168, %dma_start3A_169] : memref<2x10000x128xf32, #tpu.memory_space<hbm>> -> memref<1x10000x128xf32, #tpu.memory_space<hbm>>
      %dma_start3A_171 = tpu.memref_squeeze %dma_start3A_170 : memref<1x10000x128xf32, #tpu.memory_space<hbm>> -> memref<10000x128xf32, #tpu.memory_space<hbm>>
      %dma_start3A_172 = arith.constant 0 : i32
      %dma_start3A_173 = arith.constant 0 : i32
      %dma_start3A_174 = tpu.memref_slice %dma_start3A_171[%dma_start3A_172, %dma_start3A_173] : memref<10000x128xf32, #tpu.memory_space<hbm>> -> memref<10000x128xf32, #tpu.memory_space<hbm>>
      tpu.enqueue_indirect_dma source(%dma_start3A_174 : memref<10000x128xf32, #tpu.memory_space<hbm>>) target(%arg9 : memref<128x128xf32, #tpu.memory_space<vmem>>) offsets(%dma_start3A_167 : memref<128xi32, #tpu.memory_space<vmem>>) semaphore(%arg12 : memref<!tpu.dma_semaphore, #tpu.memory_space<semaphore_mem>>)
      %dma_wait3A_175 = arith.constant 0 : i32
      %dma_wait3A_176 = arith.constant 5 : i32
      %dma_wait3A_177 = arith.constant 0 : i32
      %dma_wait3A_178 = tpu.memref_slice %arg7[%dma_wait3A_175, %dma_wait3A_176, %dma_wait3A_177] : memref<2x8x128xi32, #tpu.memory_space<vmem>> -> memref<1x1x128xi32, #tpu.memory_space<vmem>>
      %dma_wait3A_179 = tpu.memref_squeeze %dma_wait3A_178 : memref<1x1x128xi32, #tpu.memory_space<vmem>> -> memref<128xi32, #tpu.memory_space<vmem>>
      %dma_wait3A_180 = arith.constant 0 : i32
      %dma_wait3A_181 = arith.constant 0 : i32
      %dma_wait3A_182 = tpu.memref_slice %arg2[%arg0, %dma_wait3A_180, %dma_wait3A_181] : memref<2x10000x128xf32, #tpu.memory_space<hbm>> -> memref<1x10000x128xf32, #tpu.memory_space<hbm>>
      %dma_wait3A_183 = tpu.memref_squeeze %dma_wait3A_182 : memref<1x10000x128xf32, #tpu.memory_space<hbm>> -> memref<10000x128xf32, #tpu.memory_space<hbm>>
      %dma_wait3A_184 = arith.constant 0 : i32
      %dma_wait3A_185 = arith.constant 0 : i32
      %dma_wait3A_186 = tpu.memref_slice %dma_wait3A_183[%dma_wait3A_184, %dma_wait3A_185] : memref<10000x128xf32, #tpu.memory_space<hbm>> -> memref<10000x128xf32, #tpu.memory_space<hbm>>
      tpu.wait_indirect_dma semaphore(%arg13 : memref<!tpu.dma_semaphore, #tpu.memory_space<semaphore_mem>>) src(%dma_wait3A_186 : memref<10000x128xf32, #tpu.memory_space<hbm>>) dst(%arg10 : memref<128x128xf32, #tpu.memory_space<vmem>>)
      %run_scoped3A_187 = arith.constant 0 : i32
      %run_scoped3A_188 = arith.constant 5 : i32
      "tpu.region"() ({
        %run_scoped3A_442 = tpu.sem_alloc : memref<!tpu.dma_semaphore, #tpu.memory_space<semaphore_mem>>
        %dma_start3A_443 = arith.constant 0 : i32
        %dma_start3A_444 = tpu.memref_slice %arg8[%run_scoped3A_187, %run_scoped3A_188, %dma_start3A_443] : memref<2x8x128xi32, #tpu.memory_space<vmem>> -> memref<1x1x128xi32, #tpu.memory_space<vmem>>
        %dma_start3A_445 = tpu.memref_squeeze %dma_start3A_444 : memref<1x1x128xi32, #tpu.memory_space<vmem>> -> memref<128xi32, #tpu.memory_space<vmem>>
        %dma_start3A_446 = arith.constant 0 : i32
        %dma_start3A_447 = arith.constant 0 : i32
        %dma_start3A_448 = tpu.memref_slice %arg11[%dma_start3A_446, %dma_start3A_447] : memref<10112x128xf32, #tpu.memory_space<vmem_shared>> -> memref<10112x128xf32, #tpu.memory_space<vmem_shared>>
        tpu.enqueue_indirect_dma source(%arg10 : memref<128x128xf32, #tpu.memory_space<vmem>>) target(%dma_start3A_448 : memref<10112x128xf32, #tpu.memory_space<vmem_shared>>) offsets(%dma_start3A_445 : memref<128xi32, #tpu.memory_space<vmem>>) semaphore(%run_scoped3A_442 : memref<!tpu.dma_semaphore, #tpu.memory_space<semaphore_mem>>) {add = true}
        %dma_wait3A_449 = arith.constant 0 : i32
        %dma_wait3A_450 = tpu.memref_slice %arg8[%run_scoped3A_187, %run_scoped3A_188, %dma_wait3A_449] : memref<2x8x128xi32, #tpu.memory_space<vmem>> -> memref<1x1x128xi32, #tpu.memory_space<vmem>>
        %dma_wait3A_451 = tpu.memref_squeeze %dma_wait3A_450 : memref<1x1x128xi32, #tpu.memory_space<vmem>> -> memref<128xi32, #tpu.memory_space<vmem>>
        %dma_wait3A_452 = arith.constant 0 : i32
        %dma_wait3A_453 = arith.constant 0 : i32
        %dma_wait3A_454 = tpu.memref_slice %arg11[%dma_wait3A_452, %dma_wait3A_453] : memref<10112x128xf32, #tpu.memory_space<vmem_shared>> -> memref<10112x128xf32, #tpu.memory_space<vmem_shared>>
        tpu.wait_indirect_dma semaphore(%run_scoped3A_442 : memref<!tpu.dma_semaphore, #tpu.memory_space<semaphore_mem>>) src(%arg10 : memref<128x128xf32, #tpu.memory_space<vmem>>) dst(%dma_wait3A_454 : memref<10112x128xf32, #tpu.memory_space<vmem_shared>>)
        tpu.yield
      }) : () -> ()
      %dma_start3A_189 = arith.constant 0 : i32
      %dma_start3A_190 = arith.constant 7 : i32
      %dma_start3A_191 = arith.constant 0 : i32
      %dma_start3A_192 = tpu.memref_slice %arg7[%dma_start3A_189, %dma_start3A_190, %dma_start3A_191] : memref<2x8x128xi32, #tpu.memory_space<vmem>> -> memref<1x1x128xi32, #tpu.memory_space<vmem>>
      %dma_start3A_193 = tpu.memref_squeeze %dma_start3A_192 : memref<1x1x128xi32, #tpu.memory_space<vmem>> -> memref<128xi32, #tpu.memory_space<vmem>>
      %dma_start3A_194 = arith.constant 0 : i32
      %dma_start3A_195 = arith.constant 0 : i32
      %dma_start3A_196 = tpu.memref_slice %arg2[%arg0, %dma_start3A_194, %dma_start3A_195] : memref<2x10000x128xf32, #tpu.memory_space<hbm>> -> memref<1x10000x128xf32, #tpu.memory_space<hbm>>
      %dma_start3A_197 = tpu.memref_squeeze %dma_start3A_196 : memref<1x10000x128xf32, #tpu.memory_space<hbm>> -> memref<10000x128xf32, #tpu.memory_space<hbm>>
      %dma_start3A_198 = arith.constant 0 : i32
      %dma_start3A_199 = arith.constant 0 : i32
      %dma_start3A_200 = tpu.memref_slice %dma_start3A_197[%dma_start3A_198, %dma_start3A_199] : memref<10000x128xf32, #tpu.memory_space<hbm>> -> memref<10000x128xf32, #tpu.memory_space<hbm>>
      tpu.enqueue_indirect_dma source(%dma_start3A_200 : memref<10000x128xf32, #tpu.memory_space<hbm>>) target(%arg10 : memref<128x128xf32, #tpu.memory_space<vmem>>) offsets(%dma_start3A_193 : memref<128xi32, #tpu.memory_space<vmem>>) semaphore(%arg13 : memref<!tpu.dma_semaphore, #tpu.memory_space<semaphore_mem>>)
      %convert_element_type3A_201 = arith.extui %lt3A_44 : i1 to i32
      %cond3A_202 = arith.constant 0 : i32
      %cond3A_203 = arith.cmpi ne, %convert_element_type3A_201, %cond3A_202 : i32
      scf.if %cond3A_203 {
        %add3A_442 = arith.constant 1 : i32
        %add3A_443 = arith.addi %mul3A_41, %add3A_442 : i32
        %mul3A_444 = arith.constant 8 : i32
        %mul3A_445 = arith.muli %add3A_443, %mul3A_444 : i32
        %dma_wait3A_446 = arith.constant 1 : i32
        %dma_wait3A_447 = arith.constant 0 : i32
        %dma_wait3A_448 = arith.constant 0 : i32
        %dma_wait3A_449 = tpu.memref_slice %arg7[%dma_wait3A_446, %dma_wait3A_447, %dma_wait3A_448] : memref<2x8x128xi32, #tpu.memory_space<vmem>> -> memref<1x8x128xi32, #tpu.memory_space<vmem>>
        %dma_wait3A_450 = tpu.memref_squeeze %dma_wait3A_449 : memref<1x8x128xi32, #tpu.memory_space<vmem>> -> memref<8x128xi32, #tpu.memory_space<vmem>>
        %dma_wait3A_451 = arith.constant 0 : i32
        %dma_wait3A_452 = tpu.memref_slice %arg3[%add3A, %mul3A_445, %dma_wait3A_451] : memref<32x80x128xi32, #tpu.memory_space<hbm>> -> memref<1x8x128xi32, #tpu.memory_space<hbm>>
        %dma_wait3A_453 = tpu.memref_squeeze %dma_wait3A_452 : memref<1x8x128xi32, #tpu.memory_space<hbm>> -> memref<8x128xi32, #tpu.memory_space<hbm>>
        %dma_wait3A_454 = arith.constant 0 : i32
        %dma_wait3A_455 = arith.constant 0 : i32
        %dma_wait3A_456 = tpu.memref_slice %arg7[%dma_wait3A_446, %dma_wait3A_454, %dma_wait3A_455] : memref<2x8x128xi32, #tpu.memory_space<vmem>> -> memref<1x8x128xi32, #tpu.memory_space<vmem>>
        %dma_wait3A_457 = tpu.memref_squeeze %dma_wait3A_456 : memref<1x8x128xi32, #tpu.memory_space<vmem>> -> memref<8x128xi32, #tpu.memory_space<vmem>>
        %dma_wait3A_458 = arith.constant 0 : i32
        %dma_wait3A_459 = tpu.memref_slice %arg3[%add3A, %mul3A_445, %dma_wait3A_458] : memref<32x80x128xi32, #tpu.memory_space<hbm>> -> memref<1x8x128xi32, #tpu.memory_space<hbm>>
        %dma_wait3A_460 = tpu.memref_squeeze %dma_wait3A_459 : memref<1x8x128xi32, #tpu.memory_space<hbm>> -> memref<8x128xi32, #tpu.memory_space<hbm>>
        tpu.wait_dma2 semaphore(%arg14 : memref<!tpu.dma_semaphore, #tpu.memory_space<semaphore_mem>>) src(%dma_wait3A_460 : memref<8x128xi32, #tpu.memory_space<hbm>>) dst(%dma_wait3A_457 : memref<8x128xi32, #tpu.memory_space<vmem>>)
        %add3A_461 = arith.constant 1 : i32
        %add3A_462 = arith.addi %mul3A_41, %add3A_461 : i32
        %mul3A_463 = arith.constant 8 : i32
        %mul3A_464 = arith.muli %add3A_462, %mul3A_463 : i32
        %dma_wait3A_465 = arith.constant 1 : i32
        %dma_wait3A_466 = arith.constant 0 : i32
        %dma_wait3A_467 = arith.constant 0 : i32
        %dma_wait3A_468 = tpu.memref_slice %arg8[%dma_wait3A_465, %dma_wait3A_466, %dma_wait3A_467] : memref<2x8x128xi32, #tpu.memory_space<vmem>> -> memref<1x8x128xi32, #tpu.memory_space<vmem>>
        %dma_wait3A_469 = tpu.memref_squeeze %dma_wait3A_468 : memref<1x8x128xi32, #tpu.memory_space<vmem>> -> memref<8x128xi32, #tpu.memory_space<vmem>>
        %dma_wait3A_470 = arith.constant 0 : i32
        %dma_wait3A_471 = tpu.memref_slice %arg4[%add3A, %mul3A_464, %dma_wait3A_470] : memref<32x80x128xi32, #tpu.memory_space<hbm>> -> memref<1x8x128xi32, #tpu.memory_space<hbm>>
        %dma_wait3A_472 = tpu.memref_squeeze %dma_wait3A_471 : memref<1x8x128xi32, #tpu.memory_space<hbm>> -> memref<8x128xi32, #tpu.memory_space<hbm>>
        %dma_wait3A_473 = arith.constant 0 : i32
        %dma_wait3A_474 = arith.constant 0 : i32
        %dma_wait3A_475 = tpu.memref_slice %arg8[%dma_wait3A_465, %dma_wait3A_473, %dma_wait3A_474] : memref<2x8x128xi32, #tpu.memory_space<vmem>> -> memref<1x8x128xi32, #tpu.memory_space<vmem>>
        %dma_wait3A_476 = tpu.memref_squeeze %dma_wait3A_475 : memref<1x8x128xi32, #tpu.memory_space<vmem>> -> memref<8x128xi32, #tpu.memory_space<vmem>>
        %dma_wait3A_477 = arith.constant 0 : i32
        %dma_wait3A_478 = tpu.memref_slice %arg4[%add3A, %mul3A_464, %dma_wait3A_477] : memref<32x80x128xi32, #tpu.memory_space<hbm>> -> memref<1x8x128xi32, #tpu.memory_space<hbm>>
        %dma_wait3A_479 = tpu.memref_squeeze %dma_wait3A_478 : memref<1x8x128xi32, #tpu.memory_space<hbm>> -> memref<8x128xi32, #tpu.memory_space<hbm>>
        tpu.wait_dma2 semaphore(%arg15 : memref<!tpu.dma_semaphore, #tpu.memory_space<semaphore_mem>>) src(%dma_wait3A_479 : memref<8x128xi32, #tpu.memory_space<hbm>>) dst(%dma_wait3A_476 : memref<8x128xi32, #tpu.memory_space<vmem>>)
      } else {
      }
      %dma_wait3A_204 = arith.constant 0 : i32
      %dma_wait3A_205 = arith.constant 6 : i32
      %dma_wait3A_206 = arith.constant 0 : i32
      %dma_wait3A_207 = tpu.memref_slice %arg7[%dma_wait3A_204, %dma_wait3A_205, %dma_wait3A_206] : memref<2x8x128xi32, #tpu.memory_space<vmem>> -> memref<1x1x128xi32, #tpu.memory_space<vmem>>
      %dma_wait3A_208 = tpu.memref_squeeze %dma_wait3A_207 : memref<1x1x128xi32, #tpu.memory_space<vmem>> -> memref<128xi32, #tpu.memory_space<vmem>>
      %dma_wait3A_209 = arith.constant 0 : i32
      %dma_wait3A_210 = arith.constant 0 : i32
      %dma_wait3A_211 = tpu.memref_slice %arg2[%arg0, %dma_wait3A_209, %dma_wait3A_210] : memref<2x10000x128xf32, #tpu.memory_space<hbm>> -> memref<1x10000x128xf32, #tpu.memory_space<hbm>>
      %dma_wait3A_212 = tpu.memref_squeeze %dma_wait3A_211 : memref<1x10000x128xf32, #tpu.memory_space<hbm>> -> memref<10000x128xf32, #tpu.memory_space<hbm>>
      %dma_wait3A_213 = arith.constant 0 : i32
      %dma_wait3A_214 = arith.constant 0 : i32
      %dma_wait3A_215 = tpu.memref_slice %dma_wait3A_212[%dma_wait3A_213, %dma_wait3A_214] : memref<10000x128xf32, #tpu.memory_space<hbm>> -> memref<10000x128xf32, #tpu.memory_space<hbm>>
      tpu.wait_indirect_dma semaphore(%arg12 : memref<!tpu.dma_semaphore, #tpu.memory_space<semaphore_mem>>) src(%dma_wait3A_215 : memref<10000x128xf32, #tpu.memory_space<hbm>>) dst(%arg9 : memref<128x128xf32, #tpu.memory_space<vmem>>)
      %run_scoped3A_216 = arith.constant 0 : i32
      %run_scoped3A_217 = arith.constant 6 : i32
      "tpu.region"() ({
        %run_scoped3A_442 = tpu.sem_alloc : memref<!tpu.dma_semaphore, #tpu.memory_space<semaphore_mem>>
        %dma_start3A_443 = arith.constant 0 : i32
        %dma_start3A_444 = tpu.memref_slice %arg8[%run_scoped3A_216, %run_scoped3A_217, %dma_start3A_443] : memref<2x8x128xi32, #tpu.memory_space<vmem>> -> memref<1x1x128xi32, #tpu.memory_space<vmem>>
        %dma_start3A_445 = tpu.memref_squeeze %dma_start3A_444 : memref<1x1x128xi32, #tpu.memory_space<vmem>> -> memref<128xi32, #tpu.memory_space<vmem>>
        %dma_start3A_446 = arith.constant 0 : i32
        %dma_start3A_447 = arith.constant 0 : i32
        %dma_start3A_448 = tpu.memref_slice %arg11[%dma_start3A_446, %dma_start3A_447] : memref<10112x128xf32, #tpu.memory_space<vmem_shared>> -> memref<10112x128xf32, #tpu.memory_space<vmem_shared>>
        tpu.enqueue_indirect_dma source(%arg9 : memref<128x128xf32, #tpu.memory_space<vmem>>) target(%dma_start3A_448 : memref<10112x128xf32, #tpu.memory_space<vmem_shared>>) offsets(%dma_start3A_445 : memref<128xi32, #tpu.memory_space<vmem>>) semaphore(%run_scoped3A_442 : memref<!tpu.dma_semaphore, #tpu.memory_space<semaphore_mem>>) {add = true}
        %dma_wait3A_449 = arith.constant 0 : i32
        %dma_wait3A_450 = tpu.memref_slice %arg8[%run_scoped3A_216, %run_scoped3A_217, %dma_wait3A_449] : memref<2x8x128xi32, #tpu.memory_space<vmem>> -> memref<1x1x128xi32, #tpu.memory_space<vmem>>
        %dma_wait3A_451 = tpu.memref_squeeze %dma_wait3A_450 : memref<1x1x128xi32, #tpu.memory_space<vmem>> -> memref<128xi32, #tpu.memory_space<vmem>>
        %dma_wait3A_452 = arith.constant 0 : i32
        %dma_wait3A_453 = arith.constant 0 : i32
        %dma_wait3A_454 = tpu.memref_slice %arg11[%dma_wait3A_452, %dma_wait3A_453] : memref<10112x128xf32, #tpu.memory_space<vmem_shared>> -> memref<10112x128xf32, #tpu.memory_space<vmem_shared>>
        tpu.wait_indirect_dma semaphore(%run_scoped3A_442 : memref<!tpu.dma_semaphore, #tpu.memory_space<semaphore_mem>>) src(%arg9 : memref<128x128xf32, #tpu.memory_space<vmem>>) dst(%dma_wait3A_454 : memref<10112x128xf32, #tpu.memory_space<vmem_shared>>)
        tpu.yield
      }) : () -> ()
      %convert_element_type3A_218 = arith.extui %lt3A_44 : i1 to i32
      %cond3A_219 = arith.constant 0 : i32
      %cond3A_220 = arith.cmpi ne, %convert_element_type3A_218, %cond3A_219 : i32
      scf.if %cond3A_220 {
        %dma_start3A_442 = arith.constant 1 : i32
        %dma_start3A_443 = arith.constant 0 : i32
        %dma_start3A_444 = arith.constant 0 : i32
        %dma_start3A_445 = tpu.memref_slice %arg7[%dma_start3A_442, %dma_start3A_443, %dma_start3A_444] : memref<2x8x128xi32, #tpu.memory_space<vmem>> -> memref<1x1x128xi32, #tpu.memory_space<vmem>>
        %dma_start3A_446 = tpu.memref_squeeze %dma_start3A_445 : memref<1x1x128xi32, #tpu.memory_space<vmem>> -> memref<128xi32, #tpu.memory_space<vmem>>
        %dma_start3A_447 = arith.constant 0 : i32
        %dma_start3A_448 = arith.constant 0 : i32
        %dma_start3A_449 = tpu.memref_slice %arg2[%arg0, %dma_start3A_447, %dma_start3A_448] : memref<2x10000x128xf32, #tpu.memory_space<hbm>> -> memref<1x10000x128xf32, #tpu.memory_space<hbm>>
        %dma_start3A_450 = tpu.memref_squeeze %dma_start3A_449 : memref<1x10000x128xf32, #tpu.memory_space<hbm>> -> memref<10000x128xf32, #tpu.memory_space<hbm>>
        %dma_start3A_451 = arith.constant 0 : i32
        %dma_start3A_452 = arith.constant 0 : i32
        %dma_start3A_453 = tpu.memref_slice %dma_start3A_450[%dma_start3A_451, %dma_start3A_452] : memref<10000x128xf32, #tpu.memory_space<hbm>> -> memref<10000x128xf32, #tpu.memory_space<hbm>>
        tpu.enqueue_indirect_dma source(%dma_start3A_453 : memref<10000x128xf32, #tpu.memory_space<hbm>>) target(%arg9 : memref<128x128xf32, #tpu.memory_space<vmem>>) offsets(%dma_start3A_446 : memref<128xi32, #tpu.memory_space<vmem>>) semaphore(%arg12 : memref<!tpu.dma_semaphore, #tpu.memory_space<semaphore_mem>>)
      } else {
      }
      %dma_wait3A_221 = arith.constant 0 : i32
      %dma_wait3A_222 = arith.constant 7 : i32
      %dma_wait3A_223 = arith.constant 0 : i32
      %dma_wait3A_224 = tpu.memref_slice %arg7[%dma_wait3A_221, %dma_wait3A_222, %dma_wait3A_223] : memref<2x8x128xi32, #tpu.memory_space<vmem>> -> memref<1x1x128xi32, #tpu.memory_space<vmem>>
      %dma_wait3A_225 = tpu.memref_squeeze %dma_wait3A_224 : memref<1x1x128xi32, #tpu.memory_space<vmem>> -> memref<128xi32, #tpu.memory_space<vmem>>
      %dma_wait3A_226 = arith.constant 0 : i32
      %dma_wait3A_227 = arith.constant 0 : i32
      %dma_wait3A_228 = tpu.memref_slice %arg2[%arg0, %dma_wait3A_226, %dma_wait3A_227] : memref<2x10000x128xf32, #tpu.memory_space<hbm>> -> memref<1x10000x128xf32, #tpu.memory_space<hbm>>
      %dma_wait3A_229 = tpu.memref_squeeze %dma_wait3A_228 : memref<1x10000x128xf32, #tpu.memory_space<hbm>> -> memref<10000x128xf32, #tpu.memory_space<hbm>>
      %dma_wait3A_230 = arith.constant 0 : i32
      %dma_wait3A_231 = arith.constant 0 : i32
      %dma_wait3A_232 = tpu.memref_slice %dma_wait3A_229[%dma_wait3A_230, %dma_wait3A_231] : memref<10000x128xf32, #tpu.memory_space<hbm>> -> memref<10000x128xf32, #tpu.memory_space<hbm>>
      tpu.wait_indirect_dma semaphore(%arg13 : memref<!tpu.dma_semaphore, #tpu.memory_space<semaphore_mem>>) src(%dma_wait3A_232 : memref<10000x128xf32, #tpu.memory_space<hbm>>) dst(%arg10 : memref<128x128xf32, #tpu.memory_space<vmem>>)
      %run_scoped3A_233 = arith.constant 0 : i32
      %run_scoped3A_234 = arith.constant 7 : i32
      "tpu.region"() ({
        %run_scoped3A_442 = tpu.sem_alloc : memref<!tpu.dma_semaphore, #tpu.memory_space<semaphore_mem>>
        %dma_start3A_443 = arith.constant 0 : i32
        %dma_start3A_444 = tpu.memref_slice %arg8[%run_scoped3A_233, %run_scoped3A_234, %dma_start3A_443] : memref<2x8x128xi32, #tpu.memory_space<vmem>> -> memref<1x1x128xi32, #tpu.memory_space<vmem>>
        %dma_start3A_445 = tpu.memref_squeeze %dma_start3A_444 : memref<1x1x128xi32, #tpu.memory_space<vmem>> -> memref<128xi32, #tpu.memory_space<vmem>>
        %dma_start3A_446 = arith.constant 0 : i32
        %dma_start3A_447 = arith.constant 0 : i32
        %dma_start3A_448 = tpu.memref_slice %arg11[%dma_start3A_446, %dma_start3A_447] : memref<10112x128xf32, #tpu.memory_space<vmem_shared>> -> memref<10112x128xf32, #tpu.memory_space<vmem_shared>>
        tpu.enqueue_indirect_dma source(%arg10 : memref<128x128xf32, #tpu.memory_space<vmem>>) target(%dma_start3A_448 : memref<10112x128xf32, #tpu.memory_space<vmem_shared>>) offsets(%dma_start3A_445 : memref<128xi32, #tpu.memory_space<vmem>>) semaphore(%run_scoped3A_442 : memref<!tpu.dma_semaphore, #tpu.memory_space<semaphore_mem>>) {add = true}
        %dma_wait3A_449 = arith.constant 0 : i32
        %dma_wait3A_450 = tpu.memref_slice %arg8[%run_scoped3A_233, %run_scoped3A_234, %dma_wait3A_449] : memref<2x8x128xi32, #tpu.memory_space<vmem>> -> memref<1x1x128xi32, #tpu.memory_space<vmem>>
        %dma_wait3A_451 = tpu.memref_squeeze %dma_wait3A_450 : memref<1x1x128xi32, #tpu.memory_space<vmem>> -> memref<128xi32, #tpu.memory_space<vmem>>
        %dma_wait3A_452 = arith.constant 0 : i32
        %dma_wait3A_453 = arith.constant 0 : i32
        %dma_wait3A_454 = tpu.memref_slice %arg11[%dma_wait3A_452, %dma_wait3A_453] : memref<10112x128xf32, #tpu.memory_space<vmem_shared>> -> memref<10112x128xf32, #tpu.memory_space<vmem_shared>>
        tpu.wait_indirect_dma semaphore(%run_scoped3A_442 : memref<!tpu.dma_semaphore, #tpu.memory_space<semaphore_mem>>) src(%arg10 : memref<128x128xf32, #tpu.memory_space<vmem>>) dst(%dma_wait3A_454 : memref<10112x128xf32, #tpu.memory_space<vmem_shared>>)
        tpu.yield
      }) : () -> ()
      %convert_element_type3A_235 = arith.extui %lt3A_44 : i1 to i32
      %cond3A_236 = arith.constant 0 : i32
      %cond3A_237 = arith.cmpi ne, %convert_element_type3A_235, %cond3A_236 : i32
      scf.if %cond3A_237 {
        %dma_start3A_442 = arith.constant 1 : i32
        %dma_start3A_443 = arith.constant 1 : i32
        %dma_start3A_444 = arith.constant 0 : i32
        %dma_start3A_445 = tpu.memref_slice %arg7[%dma_start3A_442, %dma_start3A_443, %dma_start3A_444] : memref<2x8x128xi32, #tpu.memory_space<vmem>> -> memref<1x1x128xi32, #tpu.memory_space<vmem>>
        %dma_start3A_446 = tpu.memref_squeeze %dma_start3A_445 : memref<1x1x128xi32, #tpu.memory_space<vmem>> -> memref<128xi32, #tpu.memory_space<vmem>>
        %dma_start3A_447 = arith.constant 0 : i32
        %dma_start3A_448 = arith.constant 0 : i32
        %dma_start3A_449 = tpu.memref_slice %arg2[%arg0, %dma_start3A_447, %dma_start3A_448] : memref<2x10000x128xf32, #tpu.memory_space<hbm>> -> memref<1x10000x128xf32, #tpu.memory_space<hbm>>
        %dma_start3A_450 = tpu.memref_squeeze %dma_start3A_449 : memref<1x10000x128xf32, #tpu.memory_space<hbm>> -> memref<10000x128xf32, #tpu.memory_space<hbm>>
        %dma_start3A_451 = arith.constant 0 : i32
        %dma_start3A_452 = arith.constant 0 : i32
        %dma_start3A_453 = tpu.memref_slice %dma_start3A_450[%dma_start3A_451, %dma_start3A_452] : memref<10000x128xf32, #tpu.memory_space<hbm>> -> memref<10000x128xf32, #tpu.memory_space<hbm>>
        tpu.enqueue_indirect_dma source(%dma_start3A_453 : memref<10000x128xf32, #tpu.memory_space<hbm>>) target(%arg10 : memref<128x128xf32, #tpu.memory_space<vmem>>) offsets(%dma_start3A_446 : memref<128xi32, #tpu.memory_space<vmem>>) semaphore(%arg13 : memref<!tpu.dma_semaphore, #tpu.memory_space<semaphore_mem>>)
      } else {
      }
      %mul3A_238 = arith.constant 2 : i32
      %mul3A_239 = arith.muli %scan3A_39, %mul3A_238 : i32
      %add3A_240 = arith.constant 1 : i32
      %add3A_241 = arith.addi %mul3A_239, %add3A_240 : i32
      %add3A_242 = arith.constant 1 : i32
      %add3A_243 = arith.addi %add3A_241, %add3A_242 : i32
      %lt3A_244 = arith.constant 10 : i32
      %lt3A_245 = arith.cmpi slt, %add3A_243, %lt3A_244 : i32
      %convert_element_type3A_246 = arith.extui %lt3A_245 : i1 to i32
      %cond3A_247 = arith.constant 0 : i32
      %cond3A_248 = arith.cmpi ne, %convert_element_type3A_246, %cond3A_247 : i32
      scf.if %cond3A_248 {
        %add3A_442 = arith.constant 1 : i32
        %add3A_443 = arith.addi %add3A_241, %add3A_442 : i32
        %mul3A_444 = arith.constant 8 : i32
        %mul3A_445 = arith.muli %add3A_443, %mul3A_444 : i32
        %dma_start3A_446 = arith.constant 0 : i32
        %dma_start3A_447 = arith.constant 0 : i32
        %dma_start3A_448 = arith.constant 0 : i32
        %dma_start3A_449 = tpu.memref_slice %arg7[%dma_start3A_446, %dma_start3A_447, %dma_start3A_448] : memref<2x8x128xi32, #tpu.memory_space<vmem>> -> memref<1x8x128xi32, #tpu.memory_space<vmem>>
        %dma_start3A_450 = tpu.memref_squeeze %dma_start3A_449 : memref<1x8x128xi32, #tpu.memory_space<vmem>> -> memref<8x128xi32, #tpu.memory_space<vmem>>
        %dma_start3A_451 = arith.constant 0 : i32
        %dma_start3A_452 = tpu.memref_slice %arg3[%add3A, %mul3A_445, %dma_start3A_451] : memref<32x80x128xi32, #tpu.memory_space<hbm>> -> memref<1x8x128xi32, #tpu.memory_space<hbm>>
        %dma_start3A_453 = tpu.memref_squeeze %dma_start3A_452 : memref<1x8x128xi32, #tpu.memory_space<hbm>> -> memref<8x128xi32, #tpu.memory_space<hbm>>
        %dma_start3A_454 = arith.constant 0 : i32
        %dma_start3A_455 = arith.constant 0 : i32
        %dma_start3A_456 = tpu.memref_slice %arg7[%dma_start3A_446, %dma_start3A_454, %dma_start3A_455] : memref<2x8x128xi32, #tpu.memory_space<vmem>> -> memref<1x8x128xi32, #tpu.memory_space<vmem>>
        %dma_start3A_457 = tpu.memref_squeeze %dma_start3A_456 : memref<1x8x128xi32, #tpu.memory_space<vmem>> -> memref<8x128xi32, #tpu.memory_space<vmem>>
        %dma_start3A_458 = arith.constant 0 : i32
        %dma_start3A_459 = tpu.memref_slice %arg3[%add3A, %mul3A_445, %dma_start3A_458] : memref<32x80x128xi32, #tpu.memory_space<hbm>> -> memref<1x8x128xi32, #tpu.memory_space<hbm>>
        %dma_start3A_460 = tpu.memref_squeeze %dma_start3A_459 : memref<1x8x128xi32, #tpu.memory_space<hbm>> -> memref<8x128xi32, #tpu.memory_space<hbm>>
        tpu.enqueue_dma source(%dma_start3A_460 : memref<8x128xi32, #tpu.memory_space<hbm>>) target(%dma_start3A_457 : memref<8x128xi32, #tpu.memory_space<vmem>>) target_semaphore(%arg14 : memref<!tpu.dma_semaphore, #tpu.memory_space<semaphore_mem>>)
        %add3A_461 = arith.constant 1 : i32
        %add3A_462 = arith.addi %add3A_241, %add3A_461 : i32
        %mul3A_463 = arith.constant 8 : i32
        %mul3A_464 = arith.muli %add3A_462, %mul3A_463 : i32
        %dma_start3A_465 = arith.constant 0 : i32
        %dma_start3A_466 = arith.constant 0 : i32
        %dma_start3A_467 = arith.constant 0 : i32
        %dma_start3A_468 = tpu.memref_slice %arg8[%dma_start3A_465, %dma_start3A_466, %dma_start3A_467] : memref<2x8x128xi32, #tpu.memory_space<vmem>> -> memref<1x8x128xi32, #tpu.memory_space<vmem>>
        %dma_start3A_469 = tpu.memref_squeeze %dma_start3A_468 : memref<1x8x128xi32, #tpu.memory_space<vmem>> -> memref<8x128xi32, #tpu.memory_space<vmem>>
        %dma_start3A_470 = arith.constant 0 : i32
        %dma_start3A_471 = tpu.memref_slice %arg4[%add3A, %mul3A_464, %dma_start3A_470] : memref<32x80x128xi32, #tpu.memory_space<hbm>> -> memref<1x8x128xi32, #tpu.memory_space<hbm>>
        %dma_start3A_472 = tpu.memref_squeeze %dma_start3A_471 : memref<1x8x128xi32, #tpu.memory_space<hbm>> -> memref<8x128xi32, #tpu.memory_space<hbm>>
        %dma_start3A_473 = arith.constant 0 : i32
        %dma_start3A_474 = arith.constant 0 : i32
        %dma_start3A_475 = tpu.memref_slice %arg8[%dma_start3A_465, %dma_start3A_473, %dma_start3A_474] : memref<2x8x128xi32, #tpu.memory_space<vmem>> -> memref<1x8x128xi32, #tpu.memory_space<vmem>>
        %dma_start3A_476 = tpu.memref_squeeze %dma_start3A_475 : memref<1x8x128xi32, #tpu.memory_space<vmem>> -> memref<8x128xi32, #tpu.memory_space<vmem>>
        %dma_start3A_477 = arith.constant 0 : i32
        %dma_start3A_478 = tpu.memref_slice %arg4[%add3A, %mul3A_464, %dma_start3A_477] : memref<32x80x128xi32, #tpu.memory_space<hbm>> -> memref<1x8x128xi32, #tpu.memory_space<hbm>>
        %dma_start3A_479 = tpu.memref_squeeze %dma_start3A_478 : memref<1x8x128xi32, #tpu.memory_space<hbm>> -> memref<8x128xi32, #tpu.memory_space<hbm>>
        tpu.enqueue_dma source(%dma_start3A_479 : memref<8x128xi32, #tpu.memory_space<hbm>>) target(%dma_start3A_476 : memref<8x128xi32, #tpu.memory_space<vmem>>) target_semaphore(%arg15 : memref<!tpu.dma_semaphore, #tpu.memory_space<semaphore_mem>>)
      } else {
      }
      %dma_wait3A_249 = arith.constant 1 : i32
      %dma_wait3A_250 = arith.constant 0 : i32
      %dma_wait3A_251 = arith.constant 0 : i32
      %dma_wait3A_252 = tpu.memref_slice %arg7[%dma_wait3A_249, %dma_wait3A_250, %dma_wait3A_251] : memref<2x8x128xi32, #tpu.memory_space<vmem>> -> memref<1x1x128xi32, #tpu.memory_space<vmem>>
      %dma_wait3A_253 = tpu.memref_squeeze %dma_wait3A_252 : memref<1x1x128xi32, #tpu.memory_space<vmem>> -> memref<128xi32, #tpu.memory_space<vmem>>
      %dma_wait3A_254 = arith.constant 0 : i32
      %dma_wait3A_255 = arith.constant 0 : i32
      %dma_wait3A_256 = tpu.memref_slice %arg2[%arg0, %dma_wait3A_254, %dma_wait3A_255] : memref<2x10000x128xf32, #tpu.memory_space<hbm>> -> memref<1x10000x128xf32, #tpu.memory_space<hbm>>
      %dma_wait3A_257 = tpu.memref_squeeze %dma_wait3A_256 : memref<1x10000x128xf32, #tpu.memory_space<hbm>> -> memref<10000x128xf32, #tpu.memory_space<hbm>>
      %dma_wait3A_258 = arith.constant 0 : i32
      %dma_wait3A_259 = arith.constant 0 : i32
      %dma_wait3A_260 = tpu.memref_slice %dma_wait3A_257[%dma_wait3A_258, %dma_wait3A_259] : memref<10000x128xf32, #tpu.memory_space<hbm>> -> memref<10000x128xf32, #tpu.memory_space<hbm>>
      tpu.wait_indirect_dma semaphore(%arg12 : memref<!tpu.dma_semaphore, #tpu.memory_space<semaphore_mem>>) src(%dma_wait3A_260 : memref<10000x128xf32, #tpu.memory_space<hbm>>) dst(%arg9 : memref<128x128xf32, #tpu.memory_space<vmem>>)
      %run_scoped3A_261 = arith.constant 1 : i32
      %run_scoped3A_262 = arith.constant 0 : i32
      "tpu.region"() ({
        %run_scoped3A_442 = tpu.sem_alloc : memref<!tpu.dma_semaphore, #tpu.memory_space<semaphore_mem>>
        %dma_start3A_443 = arith.constant 0 : i32
        %dma_start3A_444 = tpu.memref_slice %arg8[%run_scoped3A_261, %run_scoped3A_262, %dma_start3A_443] : memref<2x8x128xi32, #tpu.memory_space<vmem>> -> memref<1x1x128xi32, #tpu.memory_space<vmem>>
        %dma_start3A_445 = tpu.memref_squeeze %dma_start3A_444 : memref<1x1x128xi32, #tpu.memory_space<vmem>> -> memref<128xi32, #tpu.memory_space<vmem>>
        %dma_start3A_446 = arith.constant 0 : i32
        %dma_start3A_447 = arith.constant 0 : i32
        %dma_start3A_448 = tpu.memref_slice %arg11[%dma_start3A_446, %dma_start3A_447] : memref<10112x128xf32, #tpu.memory_space<vmem_shared>> -> memref<10112x128xf32, #tpu.memory_space<vmem_shared>>
        tpu.enqueue_indirect_dma source(%arg9 : memref<128x128xf32, #tpu.memory_space<vmem>>) target(%dma_start3A_448 : memref<10112x128xf32, #tpu.memory_space<vmem_shared>>) offsets(%dma_start3A_445 : memref<128xi32, #tpu.memory_space<vmem>>) semaphore(%run_scoped3A_442 : memref<!tpu.dma_semaphore, #tpu.memory_space<semaphore_mem>>) {add = true}
        %dma_wait3A_449 = arith.constant 0 : i32
        %dma_wait3A_450 = tpu.memref_slice %arg8[%run_scoped3A_261, %run_scoped3A_262, %dma_wait3A_449] : memref<2x8x128xi32, #tpu.memory_space<vmem>> -> memref<1x1x128xi32, #tpu.memory_space<vmem>>
        %dma_wait3A_451 = tpu.memref_squeeze %dma_wait3A_450 : memref<1x1x128xi32, #tpu.memory_space<vmem>> -> memref<128xi32, #tpu.memory_space<vmem>>
        %dma_wait3A_452 = arith.constant 0 : i32
        %dma_wait3A_453 = arith.constant 0 : i32
        %dma_wait3A_454 = tpu.memref_slice %arg11[%dma_wait3A_452, %dma_wait3A_453] : memref<10112x128xf32, #tpu.memory_space<vmem_shared>> -> memref<10112x128xf32, #tpu.memory_space<vmem_shared>>
        tpu.wait_indirect_dma semaphore(%run_scoped3A_442 : memref<!tpu.dma_semaphore, #tpu.memory_space<semaphore_mem>>) src(%arg9 : memref<128x128xf32, #tpu.memory_space<vmem>>) dst(%dma_wait3A_454 : memref<10112x128xf32, #tpu.memory_space<vmem_shared>>)
        tpu.yield
      }) : () -> ()
      %dma_start3A_263 = arith.constant 1 : i32
      %dma_start3A_264 = arith.constant 2 : i32
      %dma_start3A_265 = arith.constant 0 : i32
      %dma_start3A_266 = tpu.memref_slice %arg7[%dma_start3A_263, %dma_start3A_264, %dma_start3A_265] : memref<2x8x128xi32, #tpu.memory_space<vmem>> -> memref<1x1x128xi32, #tpu.memory_space<vmem>>
      %dma_start3A_267 = tpu.memref_squeeze %dma_start3A_266 : memref<1x1x128xi32, #tpu.memory_space<vmem>> -> memref<128xi32, #tpu.memory_space<vmem>>
      %dma_start3A_268 = arith.constant 0 : i32
      %dma_start3A_269 = arith.constant 0 : i32
      %dma_start3A_270 = tpu.memref_slice %arg2[%arg0, %dma_start3A_268, %dma_start3A_269] : memref<2x10000x128xf32, #tpu.memory_space<hbm>> -> memref<1x10000x128xf32, #tpu.memory_space<hbm>>
      %dma_start3A_271 = tpu.memref_squeeze %dma_start3A_270 : memref<1x10000x128xf32, #tpu.memory_space<hbm>> -> memref<10000x128xf32, #tpu.memory_space<hbm>>
      %dma_start3A_272 = arith.constant 0 : i32
      %dma_start3A_273 = arith.constant 0 : i32
      %dma_start3A_274 = tpu.memref_slice %dma_start3A_271[%dma_start3A_272, %dma_start3A_273] : memref<10000x128xf32, #tpu.memory_space<hbm>> -> memref<10000x128xf32, #tpu.memory_space<hbm>>
      tpu.enqueue_indirect_dma source(%dma_start3A_274 : memref<10000x128xf32, #tpu.memory_space<hbm>>) target(%arg9 : memref<128x128xf32, #tpu.memory_space<vmem>>) offsets(%dma_start3A_267 : memref<128xi32, #tpu.memory_space<vmem>>) semaphore(%arg12 : memref<!tpu.dma_semaphore, #tpu.memory_space<semaphore_mem>>)
      %dma_wait3A_275 = arith.constant 1 : i32
      %dma_wait3A_276 = arith.constant 1 : i32
      %dma_wait3A_277 = arith.constant 0 : i32
      %dma_wait3A_278 = tpu.memref_slice %arg7[%dma_wait3A_275, %dma_wait3A_276, %dma_wait3A_277] : memref<2x8x128xi32, #tpu.memory_space<vmem>> -> memref<1x1x128xi32, #tpu.memory_space<vmem>>
      %dma_wait3A_279 = tpu.memref_squeeze %dma_wait3A_278 : memref<1x1x128xi32, #tpu.memory_space<vmem>> -> memref<128xi32, #tpu.memory_space<vmem>>
      %dma_wait3A_280 = arith.constant 0 : i32
      %dma_wait3A_281 = arith.constant 0 : i32
      %dma_wait3A_282 = tpu.memref_slice %arg2[%arg0, %dma_wait3A_280, %dma_wait3A_281] : memref<2x10000x128xf32, #tpu.memory_space<hbm>> -> memref<1x10000x128xf32, #tpu.memory_space<hbm>>
      %dma_wait3A_283 = tpu.memref_squeeze %dma_wait3A_282 : memref<1x10000x128xf32, #tpu.memory_space<hbm>> -> memref<10000x128xf32, #tpu.memory_space<hbm>>
      %dma_wait3A_284 = arith.constant 0 : i32
      %dma_wait3A_285 = arith.constant 0 : i32
      %dma_wait3A_286 = tpu.memref_slice %dma_wait3A_283[%dma_wait3A_284, %dma_wait3A_285] : memref<10000x128xf32, #tpu.memory_space<hbm>> -> memref<10000x128xf32, #tpu.memory_space<hbm>>
      tpu.wait_indirect_dma semaphore(%arg13 : memref<!tpu.dma_semaphore, #tpu.memory_space<semaphore_mem>>) src(%dma_wait3A_286 : memref<10000x128xf32, #tpu.memory_space<hbm>>) dst(%arg10 : memref<128x128xf32, #tpu.memory_space<vmem>>)
      %run_scoped3A_287 = arith.constant 1 : i32
      %run_scoped3A_288 = arith.constant 1 : i32
      "tpu.region"() ({
        %run_scoped3A_442 = tpu.sem_alloc : memref<!tpu.dma_semaphore, #tpu.memory_space<semaphore_mem>>
        %dma_start3A_443 = arith.constant 0 : i32
        %dma_start3A_444 = tpu.memref_slice %arg8[%run_scoped3A_287, %run_scoped3A_288, %dma_start3A_443] : memref<2x8x128xi32, #tpu.memory_space<vmem>> -> memref<1x1x128xi32, #tpu.memory_space<vmem>>
        %dma_start3A_445 = tpu.memref_squeeze %dma_start3A_444 : memref<1x1x128xi32, #tpu.memory_space<vmem>> -> memref<128xi32, #tpu.memory_space<vmem>>
        %dma_start3A_446 = arith.constant 0 : i32
        %dma_start3A_447 = arith.constant 0 : i32
        %dma_start3A_448 = tpu.memref_slice %arg11[%dma_start3A_446, %dma_start3A_447] : memref<10112x128xf32, #tpu.memory_space<vmem_shared>> -> memref<10112x128xf32, #tpu.memory_space<vmem_shared>>
        tpu.enqueue_indirect_dma source(%arg10 : memref<128x128xf32, #tpu.memory_space<vmem>>) target(%dma_start3A_448 : memref<10112x128xf32, #tpu.memory_space<vmem_shared>>) offsets(%dma_start3A_445 : memref<128xi32, #tpu.memory_space<vmem>>) semaphore(%run_scoped3A_442 : memref<!tpu.dma_semaphore, #tpu.memory_space<semaphore_mem>>) {add = true}
        %dma_wait3A_449 = arith.constant 0 : i32
        %dma_wait3A_450 = tpu.memref_slice %arg8[%run_scoped3A_287, %run_scoped3A_288, %dma_wait3A_449] : memref<2x8x128xi32, #tpu.memory_space<vmem>> -> memref<1x1x128xi32, #tpu.memory_space<vmem>>
        %dma_wait3A_451 = tpu.memref_squeeze %dma_wait3A_450 : memref<1x1x128xi32, #tpu.memory_space<vmem>> -> memref<128xi32, #tpu.memory_space<vmem>>
        %dma_wait3A_452 = arith.constant 0 : i32
        %dma_wait3A_453 = arith.constant 0 : i32
        %dma_wait3A_454 = tpu.memref_slice %arg11[%dma_wait3A_452, %dma_wait3A_453] : memref<10112x128xf32, #tpu.memory_space<vmem_shared>> -> memref<10112x128xf32, #tpu.memory_space<vmem_shared>>
        tpu.wait_indirect_dma semaphore(%run_scoped3A_442 : memref<!tpu.dma_semaphore, #tpu.memory_space<semaphore_mem>>) src(%arg10 : memref<128x128xf32, #tpu.memory_space<vmem>>) dst(%dma_wait3A_454 : memref<10112x128xf32, #tpu.memory_space<vmem_shared>>)
        tpu.yield
      }) : () -> ()
      %dma_start3A_289 = arith.constant 1 : i32
      %dma_start3A_290 = arith.constant 3 : i32
      %dma_start3A_291 = arith.constant 0 : i32
      %dma_start3A_292 = tpu.memref_slice %arg7[%dma_start3A_289, %dma_start3A_290, %dma_start3A_291] : memref<2x8x128xi32, #tpu.memory_space<vmem>> -> memref<1x1x128xi32, #tpu.memory_space<vmem>>
      %dma_start3A_293 = tpu.memref_squeeze %dma_start3A_292 : memref<1x1x128xi32, #tpu.memory_space<vmem>> -> memref<128xi32, #tpu.memory_space<vmem>>
      %dma_start3A_294 = arith.constant 0 : i32
      %dma_start3A_295 = arith.constant 0 : i32
      %dma_start3A_296 = tpu.memref_slice %arg2[%arg0, %dma_start3A_294, %dma_start3A_295] : memref<2x10000x128xf32, #tpu.memory_space<hbm>> -> memref<1x10000x128xf32, #tpu.memory_space<hbm>>
      %dma_start3A_297 = tpu.memref_squeeze %dma_start3A_296 : memref<1x10000x128xf32, #tpu.memory_space<hbm>> -> memref<10000x128xf32, #tpu.memory_space<hbm>>
      %dma_start3A_298 = arith.constant 0 : i32
      %dma_start3A_299 = arith.constant 0 : i32
      %dma_start3A_300 = tpu.memref_slice %dma_start3A_297[%dma_start3A_298, %dma_start3A_299] : memref<10000x128xf32, #tpu.memory_space<hbm>> -> memref<10000x128xf32, #tpu.memory_space<hbm>>
      tpu.enqueue_indirect_dma source(%dma_start3A_300 : memref<10000x128xf32, #tpu.memory_space<hbm>>) target(%arg10 : memref<128x128xf32, #tpu.memory_space<vmem>>) offsets(%dma_start3A_293 : memref<128xi32, #tpu.memory_space<vmem>>) semaphore(%arg13 : memref<!tpu.dma_semaphore, #tpu.memory_space<semaphore_mem>>)
      %dma_wait3A_301 = arith.constant 1 : i32
      %dma_wait3A_302 = arith.constant 2 : i32
      %dma_wait3A_303 = arith.constant 0 : i32
      %dma_wait3A_304 = tpu.memref_slice %arg7[%dma_wait3A_301, %dma_wait3A_302, %dma_wait3A_303] : memref<2x8x128xi32, #tpu.memory_space<vmem>> -> memref<1x1x128xi32, #tpu.memory_space<vmem>>
      %dma_wait3A_305 = tpu.memref_squeeze %dma_wait3A_304 : memref<1x1x128xi32, #tpu.memory_space<vmem>> -> memref<128xi32, #tpu.memory_space<vmem>>
      %dma_wait3A_306 = arith.constant 0 : i32
      %dma_wait3A_307 = arith.constant 0 : i32
      %dma_wait3A_308 = tpu.memref_slice %arg2[%arg0, %dma_wait3A_306, %dma_wait3A_307] : memref<2x10000x128xf32, #tpu.memory_space<hbm>> -> memref<1x10000x128xf32, #tpu.memory_space<hbm>>
      %dma_wait3A_309 = tpu.memref_squeeze %dma_wait3A_308 : memref<1x10000x128xf32, #tpu.memory_space<hbm>> -> memref<10000x128xf32, #tpu.memory_space<hbm>>
      %dma_wait3A_310 = arith.constant 0 : i32
      %dma_wait3A_311 = arith.constant 0 : i32
      %dma_wait3A_312 = tpu.memref_slice %dma_wait3A_309[%dma_wait3A_310, %dma_wait3A_311] : memref<10000x128xf32, #tpu.memory_space<hbm>> -> memref<10000x128xf32, #tpu.memory_space<hbm>>
      tpu.wait_indirect_dma semaphore(%arg12 : memref<!tpu.dma_semaphore, #tpu.memory_space<semaphore_mem>>) src(%dma_wait3A_312 : memref<10000x128xf32, #tpu.memory_space<hbm>>) dst(%arg9 : memref<128x128xf32, #tpu.memory_space<vmem>>)
      %run_scoped3A_313 = arith.constant 1 : i32
      %run_scoped3A_314 = arith.constant 2 : i32
      "tpu.region"() ({
        %run_scoped3A_442 = tpu.sem_alloc : memref<!tpu.dma_semaphore, #tpu.memory_space<semaphore_mem>>
        %dma_start3A_443 = arith.constant 0 : i32
        %dma_start3A_444 = tpu.memref_slice %arg8[%run_scoped3A_313, %run_scoped3A_314, %dma_start3A_443] : memref<2x8x128xi32, #tpu.memory_space<vmem>> -> memref<1x1x128xi32, #tpu.memory_space<vmem>>
        %dma_start3A_445 = tpu.memref_squeeze %dma_start3A_444 : memref<1x1x128xi32, #tpu.memory_space<vmem>> -> memref<128xi32, #tpu.memory_space<vmem>>
        %dma_start3A_446 = arith.constant 0 : i32
        %dma_start3A_447 = arith.constant 0 : i32
        %dma_start3A_448 = tpu.memref_slice %arg11[%dma_start3A_446, %dma_start3A_447] : memref<10112x128xf32, #tpu.memory_space<vmem_shared>> -> memref<10112x128xf32, #tpu.memory_space<vmem_shared>>
        tpu.enqueue_indirect_dma source(%arg9 : memref<128x128xf32, #tpu.memory_space<vmem>>) target(%dma_start3A_448 : memref<10112x128xf32, #tpu.memory_space<vmem_shared>>) offsets(%dma_start3A_445 : memref<128xi32, #tpu.memory_space<vmem>>) semaphore(%run_scoped3A_442 : memref<!tpu.dma_semaphore, #tpu.memory_space<semaphore_mem>>) {add = true}
        %dma_wait3A_449 = arith.constant 0 : i32
        %dma_wait3A_450 = tpu.memref_slice %arg8[%run_scoped3A_313, %run_scoped3A_314, %dma_wait3A_449] : memref<2x8x128xi32, #tpu.memory_space<vmem>> -> memref<1x1x128xi32, #tpu.memory_space<vmem>>
        %dma_wait3A_451 = tpu.memref_squeeze %dma_wait3A_450 : memref<1x1x128xi32, #tpu.memory_space<vmem>> -> memref<128xi32, #tpu.memory_space<vmem>>
        %dma_wait3A_452 = arith.constant 0 : i32
        %dma_wait3A_453 = arith.constant 0 : i32
        %dma_wait3A_454 = tpu.memref_slice %arg11[%dma_wait3A_452, %dma_wait3A_453] : memref<10112x128xf32, #tpu.memory_space<vmem_shared>> -> memref<10112x128xf32, #tpu.memory_space<vmem_shared>>
        tpu.wait_indirect_dma semaphore(%run_scoped3A_442 : memref<!tpu.dma_semaphore, #tpu.memory_space<semaphore_mem>>) src(%arg9 : memref<128x128xf32, #tpu.memory_space<vmem>>) dst(%dma_wait3A_454 : memref<10112x128xf32, #tpu.memory_space<vmem_shared>>)
        tpu.yield
      }) : () -> ()
      %dma_start3A_315 = arith.constant 1 : i32
      %dma_start3A_316 = arith.constant 4 : i32
      %dma_start3A_317 = arith.constant 0 : i32
      %dma_start3A_318 = tpu.memref_slice %arg7[%dma_start3A_315, %dma_start3A_316, %dma_start3A_317] : memref<2x8x128xi32, #tpu.memory_space<vmem>> -> memref<1x1x128xi32, #tpu.memory_space<vmem>>
      %dma_start3A_319 = tpu.memref_squeeze %dma_start3A_318 : memref<1x1x128xi32, #tpu.memory_space<vmem>> -> memref<128xi32, #tpu.memory_space<vmem>>
      %dma_start3A_320 = arith.constant 0 : i32
      %dma_start3A_321 = arith.constant 0 : i32
      %dma_start3A_322 = tpu.memref_slice %arg2[%arg0, %dma_start3A_320, %dma_start3A_321] : memref<2x10000x128xf32, #tpu.memory_space<hbm>> -> memref<1x10000x128xf32, #tpu.memory_space<hbm>>
      %dma_start3A_323 = tpu.memref_squeeze %dma_start3A_322 : memref<1x10000x128xf32, #tpu.memory_space<hbm>> -> memref<10000x128xf32, #tpu.memory_space<hbm>>
      %dma_start3A_324 = arith.constant 0 : i32
      %dma_start3A_325 = arith.constant 0 : i32
      %dma_start3A_326 = tpu.memref_slice %dma_start3A_323[%dma_start3A_324, %dma_start3A_325] : memref<10000x128xf32, #tpu.memory_space<hbm>> -> memref<10000x128xf32, #tpu.memory_space<hbm>>
      tpu.enqueue_indirect_dma source(%dma_start3A_326 : memref<10000x128xf32, #tpu.memory_space<hbm>>) target(%arg9 : memref<128x128xf32, #tpu.memory_space<vmem>>) offsets(%dma_start3A_319 : memref<128xi32, #tpu.memory_space<vmem>>) semaphore(%arg12 : memref<!tpu.dma_semaphore, #tpu.memory_space<semaphore_mem>>)
      %dma_wait3A_327 = arith.constant 1 : i32
      %dma_wait3A_328 = arith.constant 3 : i32
      %dma_wait3A_329 = arith.constant 0 : i32
      %dma_wait3A_330 = tpu.memref_slice %arg7[%dma_wait3A_327, %dma_wait3A_328, %dma_wait3A_329] : memref<2x8x128xi32, #tpu.memory_space<vmem>> -> memref<1x1x128xi32, #tpu.memory_space<vmem>>
      %dma_wait3A_331 = tpu.memref_squeeze %dma_wait3A_330 : memref<1x1x128xi32, #tpu.memory_space<vmem>> -> memref<128xi32, #tpu.memory_space<vmem>>
      %dma_wait3A_332 = arith.constant 0 : i32
      %dma_wait3A_333 = arith.constant 0 : i32
      %dma_wait3A_334 = tpu.memref_slice %arg2[%arg0, %dma_wait3A_332, %dma_wait3A_333] : memref<2x10000x128xf32, #tpu.memory_space<hbm>> -> memref<1x10000x128xf32, #tpu.memory_space<hbm>>
      %dma_wait3A_335 = tpu.memref_squeeze %dma_wait3A_334 : memref<1x10000x128xf32, #tpu.memory_space<hbm>> -> memref<10000x128xf32, #tpu.memory_space<hbm>>
      %dma_wait3A_336 = arith.constant 0 : i32
      %dma_wait3A_337 = arith.constant 0 : i32
      %dma_wait3A_338 = tpu.memref_slice %dma_wait3A_335[%dma_wait3A_336, %dma_wait3A_337] : memref<10000x128xf32, #tpu.memory_space<hbm>> -> memref<10000x128xf32, #tpu.memory_space<hbm>>
      tpu.wait_indirect_dma semaphore(%arg13 : memref<!tpu.dma_semaphore, #tpu.memory_space<semaphore_mem>>) src(%dma_wait3A_338 : memref<10000x128xf32, #tpu.memory_space<hbm>>) dst(%arg10 : memref<128x128xf32, #tpu.memory_space<vmem>>)
      %run_scoped3A_339 = arith.constant 1 : i32
      %run_scoped3A_340 = arith.constant 3 : i32
      "tpu.region"() ({
        %run_scoped3A_442 = tpu.sem_alloc : memref<!tpu.dma_semaphore, #tpu.memory_space<semaphore_mem>>
        %dma_start3A_443 = arith.constant 0 : i32
        %dma_start3A_444 = tpu.memref_slice %arg8[%run_scoped3A_339, %run_scoped3A_340, %dma_start3A_443] : memref<2x8x128xi32, #tpu.memory_space<vmem>> -> memref<1x1x128xi32, #tpu.memory_space<vmem>>
        %dma_start3A_445 = tpu.memref_squeeze %dma_start3A_444 : memref<1x1x128xi32, #tpu.memory_space<vmem>> -> memref<128xi32, #tpu.memory_space<vmem>>
        %dma_start3A_446 = arith.constant 0 : i32
        %dma_start3A_447 = arith.constant 0 : i32
        %dma_start3A_448 = tpu.memref_slice %arg11[%dma_start3A_446, %dma_start3A_447] : memref<10112x128xf32, #tpu.memory_space<vmem_shared>> -> memref<10112x128xf32, #tpu.memory_space<vmem_shared>>
        tpu.enqueue_indirect_dma source(%arg10 : memref<128x128xf32, #tpu.memory_space<vmem>>) target(%dma_start3A_448 : memref<10112x128xf32, #tpu.memory_space<vmem_shared>>) offsets(%dma_start3A_445 : memref<128xi32, #tpu.memory_space<vmem>>) semaphore(%run_scoped3A_442 : memref<!tpu.dma_semaphore, #tpu.memory_space<semaphore_mem>>) {add = true}
        %dma_wait3A_449 = arith.constant 0 : i32
        %dma_wait3A_450 = tpu.memref_slice %arg8[%run_scoped3A_339, %run_scoped3A_340, %dma_wait3A_449] : memref<2x8x128xi32, #tpu.memory_space<vmem>> -> memref<1x1x128xi32, #tpu.memory_space<vmem>>
        %dma_wait3A_451 = tpu.memref_squeeze %dma_wait3A_450 : memref<1x1x128xi32, #tpu.memory_space<vmem>> -> memref<128xi32, #tpu.memory_space<vmem>>
        %dma_wait3A_452 = arith.constant 0 : i32
        %dma_wait3A_453 = arith.constant 0 : i32
        %dma_wait3A_454 = tpu.memref_slice %arg11[%dma_wait3A_452, %dma_wait3A_453] : memref<10112x128xf32, #tpu.memory_space<vmem_shared>> -> memref<10112x128xf32, #tpu.memory_space<vmem_shared>>
        tpu.wait_indirect_dma semaphore(%run_scoped3A_442 : memref<!tpu.dma_semaphore, #tpu.memory_space<semaphore_mem>>) src(%arg10 : memref<128x128xf32, #tpu.memory_space<vmem>>) dst(%dma_wait3A_454 : memref<10112x128xf32, #tpu.memory_space<vmem_shared>>)
        tpu.yield
      }) : () -> ()
      %dma_start3A_341 = arith.constant 1 : i32
      %dma_start3A_342 = arith.constant 5 : i32
      %dma_start3A_343 = arith.constant 0 : i32
      %dma_start3A_344 = tpu.memref_slice %arg7[%dma_start3A_341, %dma_start3A_342, %dma_start3A_343] : memref<2x8x128xi32, #tpu.memory_space<vmem>> -> memref<1x1x128xi32, #tpu.memory_space<vmem>>
      %dma_start3A_345 = tpu.memref_squeeze %dma_start3A_344 : memref<1x1x128xi32, #tpu.memory_space<vmem>> -> memref<128xi32, #tpu.memory_space<vmem>>
      %dma_start3A_346 = arith.constant 0 : i32
      %dma_start3A_347 = arith.constant 0 : i32
      %dma_start3A_348 = tpu.memref_slice %arg2[%arg0, %dma_start3A_346, %dma_start3A_347] : memref<2x10000x128xf32, #tpu.memory_space<hbm>> -> memref<1x10000x128xf32, #tpu.memory_space<hbm>>
      %dma_start3A_349 = tpu.memref_squeeze %dma_start3A_348 : memref<1x10000x128xf32, #tpu.memory_space<hbm>> -> memref<10000x128xf32, #tpu.memory_space<hbm>>
      %dma_start3A_350 = arith.constant 0 : i32
      %dma_start3A_351 = arith.constant 0 : i32
      %dma_start3A_352 = tpu.memref_slice %dma_start3A_349[%dma_start3A_350, %dma_start3A_351] : memref<10000x128xf32, #tpu.memory_space<hbm>> -> memref<10000x128xf32, #tpu.memory_space<hbm>>
      tpu.enqueue_indirect_dma source(%dma_start3A_352 : memref<10000x128xf32, #tpu.memory_space<hbm>>) target(%arg10 : memref<128x128xf32, #tpu.memory_space<vmem>>) offsets(%dma_start3A_345 : memref<128xi32, #tpu.memory_space<vmem>>) semaphore(%arg13 : memref<!tpu.dma_semaphore, #tpu.memory_space<semaphore_mem>>)
      %dma_wait3A_353 = arith.constant 1 : i32
      %dma_wait3A_354 = arith.constant 4 : i32
      %dma_wait3A_355 = arith.constant 0 : i32
      %dma_wait3A_356 = tpu.memref_slice %arg7[%dma_wait3A_353, %dma_wait3A_354, %dma_wait3A_355] : memref<2x8x128xi32, #tpu.memory_space<vmem>> -> memref<1x1x128xi32, #tpu.memory_space<vmem>>
      %dma_wait3A_357 = tpu.memref_squeeze %dma_wait3A_356 : memref<1x1x128xi32, #tpu.memory_space<vmem>> -> memref<128xi32, #tpu.memory_space<vmem>>
      %dma_wait3A_358 = arith.constant 0 : i32
      %dma_wait3A_359 = arith.constant 0 : i32
      %dma_wait3A_360 = tpu.memref_slice %arg2[%arg0, %dma_wait3A_358, %dma_wait3A_359] : memref<2x10000x128xf32, #tpu.memory_space<hbm>> -> memref<1x10000x128xf32, #tpu.memory_space<hbm>>
      %dma_wait3A_361 = tpu.memref_squeeze %dma_wait3A_360 : memref<1x10000x128xf32, #tpu.memory_space<hbm>> -> memref<10000x128xf32, #tpu.memory_space<hbm>>
      %dma_wait3A_362 = arith.constant 0 : i32
      %dma_wait3A_363 = arith.constant 0 : i32
      %dma_wait3A_364 = tpu.memref_slice %dma_wait3A_361[%dma_wait3A_362, %dma_wait3A_363] : memref<10000x128xf32, #tpu.memory_space<hbm>> -> memref<10000x128xf32, #tpu.memory_space<hbm>>
      tpu.wait_indirect_dma semaphore(%arg12 : memref<!tpu.dma_semaphore, #tpu.memory_space<semaphore_mem>>) src(%dma_wait3A_364 : memref<10000x128xf32, #tpu.memory_space<hbm>>) dst(%arg9 : memref<128x128xf32, #tpu.memory_space<vmem>>)
      %run_scoped3A_365 = arith.constant 1 : i32
      %run_scoped3A_366 = arith.constant 4 : i32
      "tpu.region"() ({
        %run_scoped3A_442 = tpu.sem_alloc : memref<!tpu.dma_semaphore, #tpu.memory_space<semaphore_mem>>
        %dma_start3A_443 = arith.constant 0 : i32
        %dma_start3A_444 = tpu.memref_slice %arg8[%run_scoped3A_365, %run_scoped3A_366, %dma_start3A_443] : memref<2x8x128xi32, #tpu.memory_space<vmem>> -> memref<1x1x128xi32, #tpu.memory_space<vmem>>
        %dma_start3A_445 = tpu.memref_squeeze %dma_start3A_444 : memref<1x1x128xi32, #tpu.memory_space<vmem>> -> memref<128xi32, #tpu.memory_space<vmem>>
        %dma_start3A_446 = arith.constant 0 : i32
        %dma_start3A_447 = arith.constant 0 : i32
        %dma_start3A_448 = tpu.memref_slice %arg11[%dma_start3A_446, %dma_start3A_447] : memref<10112x128xf32, #tpu.memory_space<vmem_shared>> -> memref<10112x128xf32, #tpu.memory_space<vmem_shared>>
        tpu.enqueue_indirect_dma source(%arg9 : memref<128x128xf32, #tpu.memory_space<vmem>>) target(%dma_start3A_448 : memref<10112x128xf32, #tpu.memory_space<vmem_shared>>) offsets(%dma_start3A_445 : memref<128xi32, #tpu.memory_space<vmem>>) semaphore(%run_scoped3A_442 : memref<!tpu.dma_semaphore, #tpu.memory_space<semaphore_mem>>) {add = true}
        %dma_wait3A_449 = arith.constant 0 : i32
        %dma_wait3A_450 = tpu.memref_slice %arg8[%run_scoped3A_365, %run_scoped3A_366, %dma_wait3A_449] : memref<2x8x128xi32, #tpu.memory_space<vmem>> -> memref<1x1x128xi32, #tpu.memory_space<vmem>>
        %dma_wait3A_451 = tpu.memref_squeeze %dma_wait3A_450 : memref<1x1x128xi32, #tpu.memory_space<vmem>> -> memref<128xi32, #tpu.memory_space<vmem>>
        %dma_wait3A_452 = arith.constant 0 : i32
        %dma_wait3A_453 = arith.constant 0 : i32
        %dma_wait3A_454 = tpu.memref_slice %arg11[%dma_wait3A_452, %dma_wait3A_453] : memref<10112x128xf32, #tpu.memory_space<vmem_shared>> -> memref<10112x128xf32, #tpu.memory_space<vmem_shared>>
        tpu.wait_indirect_dma semaphore(%run_scoped3A_442 : memref<!tpu.dma_semaphore, #tpu.memory_space<semaphore_mem>>) src(%arg9 : memref<128x128xf32, #tpu.memory_space<vmem>>) dst(%dma_wait3A_454 : memref<10112x128xf32, #tpu.memory_space<vmem_shared>>)
        tpu.yield
      }) : () -> ()
      %dma_start3A_367 = arith.constant 1 : i32
      %dma_start3A_368 = arith.constant 6 : i32
      %dma_start3A_369 = arith.constant 0 : i32
      %dma_start3A_370 = tpu.memref_slice %arg7[%dma_start3A_367, %dma_start3A_368, %dma_start3A_369] : memref<2x8x128xi32, #tpu.memory_space<vmem>> -> memref<1x1x128xi32, #tpu.memory_space<vmem>>
      %dma_start3A_371 = tpu.memref_squeeze %dma_start3A_370 : memref<1x1x128xi32, #tpu.memory_space<vmem>> -> memref<128xi32, #tpu.memory_space<vmem>>
      %dma_start3A_372 = arith.constant 0 : i32
      %dma_start3A_373 = arith.constant 0 : i32
      %dma_start3A_374 = tpu.memref_slice %arg2[%arg0, %dma_start3A_372, %dma_start3A_373] : memref<2x10000x128xf32, #tpu.memory_space<hbm>> -> memref<1x10000x128xf32, #tpu.memory_space<hbm>>
      %dma_start3A_375 = tpu.memref_squeeze %dma_start3A_374 : memref<1x10000x128xf32, #tpu.memory_space<hbm>> -> memref<10000x128xf32, #tpu.memory_space<hbm>>
      %dma_start3A_376 = arith.constant 0 : i32
      %dma_start3A_377 = arith.constant 0 : i32
      %dma_start3A_378 = tpu.memref_slice %dma_start3A_375[%dma_start3A_376, %dma_start3A_377] : memref<10000x128xf32, #tpu.memory_space<hbm>> -> memref<10000x128xf32, #tpu.memory_space<hbm>>
      tpu.enqueue_indirect_dma source(%dma_start3A_378 : memref<10000x128xf32, #tpu.memory_space<hbm>>) target(%arg9 : memref<128x128xf32, #tpu.memory_space<vmem>>) offsets(%dma_start3A_371 : memref<128xi32, #tpu.memory_space<vmem>>) semaphore(%arg12 : memref<!tpu.dma_semaphore, #tpu.memory_space<semaphore_mem>>)
      %dma_wait3A_379 = arith.constant 1 : i32
      %dma_wait3A_380 = arith.constant 5 : i32
      %dma_wait3A_381 = arith.constant 0 : i32
      %dma_wait3A_382 = tpu.memref_slice %arg7[%dma_wait3A_379, %dma_wait3A_380, %dma_wait3A_381] : memref<2x8x128xi32, #tpu.memory_space<vmem>> -> memref<1x1x128xi32, #tpu.memory_space<vmem>>
      %dma_wait3A_383 = tpu.memref_squeeze %dma_wait3A_382 : memref<1x1x128xi32, #tpu.memory_space<vmem>> -> memref<128xi32, #tpu.memory_space<vmem>>
      %dma_wait3A_384 = arith.constant 0 : i32
      %dma_wait3A_385 = arith.constant 0 : i32
      %dma_wait3A_386 = tpu.memref_slice %arg2[%arg0, %dma_wait3A_384, %dma_wait3A_385] : memref<2x10000x128xf32, #tpu.memory_space<hbm>> -> memref<1x10000x128xf32, #tpu.memory_space<hbm>>
      %dma_wait3A_387 = tpu.memref_squeeze %dma_wait3A_386 : memref<1x10000x128xf32, #tpu.memory_space<hbm>> -> memref<10000x128xf32, #tpu.memory_space<hbm>>
      %dma_wait3A_388 = arith.constant 0 : i32
      %dma_wait3A_389 = arith.constant 0 : i32
      %dma_wait3A_390 = tpu.memref_slice %dma_wait3A_387[%dma_wait3A_388, %dma_wait3A_389] : memref<10000x128xf32, #tpu.memory_space<hbm>> -> memref<10000x128xf32, #tpu.memory_space<hbm>>
      tpu.wait_indirect_dma semaphore(%arg13 : memref<!tpu.dma_semaphore, #tpu.memory_space<semaphore_mem>>) src(%dma_wait3A_390 : memref<10000x128xf32, #tpu.memory_space<hbm>>) dst(%arg10 : memref<128x128xf32, #tpu.memory_space<vmem>>)
      %run_scoped3A_391 = arith.constant 1 : i32
      %run_scoped3A_392 = arith.constant 5 : i32
      "tpu.region"() ({
        %run_scoped3A_442 = tpu.sem_alloc : memref<!tpu.dma_semaphore, #tpu.memory_space<semaphore_mem>>
        %dma_start3A_443 = arith.constant 0 : i32
        %dma_start3A_444 = tpu.memref_slice %arg8[%run_scoped3A_391, %run_scoped3A_392, %dma_start3A_443] : memref<2x8x128xi32, #tpu.memory_space<vmem>> -> memref<1x1x128xi32, #tpu.memory_space<vmem>>
        %dma_start3A_445 = tpu.memref_squeeze %dma_start3A_444 : memref<1x1x128xi32, #tpu.memory_space<vmem>> -> memref<128xi32, #tpu.memory_space<vmem>>
        %dma_start3A_446 = arith.constant 0 : i32
        %dma_start3A_447 = arith.constant 0 : i32
        %dma_start3A_448 = tpu.memref_slice %arg11[%dma_start3A_446, %dma_start3A_447] : memref<10112x128xf32, #tpu.memory_space<vmem_shared>> -> memref<10112x128xf32, #tpu.memory_space<vmem_shared>>
        tpu.enqueue_indirect_dma source(%arg10 : memref<128x128xf32, #tpu.memory_space<vmem>>) target(%dma_start3A_448 : memref<10112x128xf32, #tpu.memory_space<vmem_shared>>) offsets(%dma_start3A_445 : memref<128xi32, #tpu.memory_space<vmem>>) semaphore(%run_scoped3A_442 : memref<!tpu.dma_semaphore, #tpu.memory_space<semaphore_mem>>) {add = true}
        %dma_wait3A_449 = arith.constant 0 : i32
        %dma_wait3A_450 = tpu.memref_slice %arg8[%run_scoped3A_391, %run_scoped3A_392, %dma_wait3A_449] : memref<2x8x128xi32, #tpu.memory_space<vmem>> -> memref<1x1x128xi32, #tpu.memory_space<vmem>>
        %dma_wait3A_451 = tpu.memref_squeeze %dma_wait3A_450 : memref<1x1x128xi32, #tpu.memory_space<vmem>> -> memref<128xi32, #tpu.memory_space<vmem>>
        %dma_wait3A_452 = arith.constant 0 : i32
        %dma_wait3A_453 = arith.constant 0 : i32
        %dma_wait3A_454 = tpu.memref_slice %arg11[%dma_wait3A_452, %dma_wait3A_453] : memref<10112x128xf32, #tpu.memory_space<vmem_shared>> -> memref<10112x128xf32, #tpu.memory_space<vmem_shared>>
        tpu.wait_indirect_dma semaphore(%run_scoped3A_442 : memref<!tpu.dma_semaphore, #tpu.memory_space<semaphore_mem>>) src(%arg10 : memref<128x128xf32, #tpu.memory_space<vmem>>) dst(%dma_wait3A_454 : memref<10112x128xf32, #tpu.memory_space<vmem_shared>>)
        tpu.yield
      }) : () -> ()
      %dma_start3A_393 = arith.constant 1 : i32
      %dma_start3A_394 = arith.constant 7 : i32
      %dma_start3A_395 = arith.constant 0 : i32
      %dma_start3A_396 = tpu.memref_slice %arg7[%dma_start3A_393, %dma_start3A_394, %dma_start3A_395] : memref<2x8x128xi32, #tpu.memory_space<vmem>> -> memref<1x1x128xi32, #tpu.memory_space<vmem>>
      %dma_start3A_397 = tpu.memref_squeeze %dma_start3A_396 : memref<1x1x128xi32, #tpu.memory_space<vmem>> -> memref<128xi32, #tpu.memory_space<vmem>>
      %dma_start3A_398 = arith.constant 0 : i32
      %dma_start3A_399 = arith.constant 0 : i32
      %dma_start3A_400 = tpu.memref_slice %arg2[%arg0, %dma_start3A_398, %dma_start3A_399] : memref<2x10000x128xf32, #tpu.memory_space<hbm>> -> memref<1x10000x128xf32, #tpu.memory_space<hbm>>
      %dma_start3A_401 = tpu.memref_squeeze %dma_start3A_400 : memref<1x10000x128xf32, #tpu.memory_space<hbm>> -> memref<10000x128xf32, #tpu.memory_space<hbm>>
      %dma_start3A_402 = arith.constant 0 : i32
      %dma_start3A_403 = arith.constant 0 : i32
      %dma_start3A_404 = tpu.memref_slice %dma_start3A_401[%dma_start3A_402, %dma_start3A_403] : memref<10000x128xf32, #tpu.memory_space<hbm>> -> memref<10000x128xf32, #tpu.memory_space<hbm>>
      tpu.enqueue_indirect_dma source(%dma_start3A_404 : memref<10000x128xf32, #tpu.memory_space<hbm>>) target(%arg10 : memref<128x128xf32, #tpu.memory_space<vmem>>) offsets(%dma_start3A_397 : memref<128xi32, #tpu.memory_space<vmem>>) semaphore(%arg13 : memref<!tpu.dma_semaphore, #tpu.memory_space<semaphore_mem>>)
      %convert_element_type3A_405 = arith.extui %lt3A_245 : i1 to i32
      %cond3A_406 = arith.constant 0 : i32
      %cond3A_407 = arith.cmpi ne, %convert_element_type3A_405, %cond3A_406 : i32
      scf.if %cond3A_407 {
        %add3A_442 = arith.constant 1 : i32
        %add3A_443 = arith.addi %add3A_241, %add3A_442 : i32
        %mul3A_444 = arith.constant 8 : i32
        %mul3A_445 = arith.muli %add3A_443, %mul3A_444 : i32
        %dma_wait3A_446 = arith.constant 0 : i32
        %dma_wait3A_447 = arith.constant 0 : i32
        %dma_wait3A_448 = arith.constant 0 : i32
        %dma_wait3A_449 = tpu.memref_slice %arg7[%dma_wait3A_446, %dma_wait3A_447, %dma_wait3A_448] : memref<2x8x128xi32, #tpu.memory_space<vmem>> -> memref<1x8x128xi32, #tpu.memory_space<vmem>>
        %dma_wait3A_450 = tpu.memref_squeeze %dma_wait3A_449 : memref<1x8x128xi32, #tpu.memory_space<vmem>> -> memref<8x128xi32, #tpu.memory_space<vmem>>
        %dma_wait3A_451 = arith.constant 0 : i32
        %dma_wait3A_452 = tpu.memref_slice %arg3[%add3A, %mul3A_445, %dma_wait3A_451] : memref<32x80x128xi32, #tpu.memory_space<hbm>> -> memref<1x8x128xi32, #tpu.memory_space<hbm>>
        %dma_wait3A_453 = tpu.memref_squeeze %dma_wait3A_452 : memref<1x8x128xi32, #tpu.memory_space<hbm>> -> memref<8x128xi32, #tpu.memory_space<hbm>>
        %dma_wait3A_454 = arith.constant 0 : i32
        %dma_wait3A_455 = arith.constant 0 : i32
        %dma_wait3A_456 = tpu.memref_slice %arg7[%dma_wait3A_446, %dma_wait3A_454, %dma_wait3A_455] : memref<2x8x128xi32, #tpu.memory_space<vmem>> -> memref<1x8x128xi32, #tpu.memory_space<vmem>>
        %dma_wait3A_457 = tpu.memref_squeeze %dma_wait3A_456 : memref<1x8x128xi32, #tpu.memory_space<vmem>> -> memref<8x128xi32, #tpu.memory_space<vmem>>
        %dma_wait3A_458 = arith.constant 0 : i32
        %dma_wait3A_459 = tpu.memref_slice %arg3[%add3A, %mul3A_445, %dma_wait3A_458] : memref<32x80x128xi32, #tpu.memory_space<hbm>> -> memref<1x8x128xi32, #tpu.memory_space<hbm>>
        %dma_wait3A_460 = tpu.memref_squeeze %dma_wait3A_459 : memref<1x8x128xi32, #tpu.memory_space<hbm>> -> memref<8x128xi32, #tpu.memory_space<hbm>>
        tpu.wait_dma2 semaphore(%arg14 : memref<!tpu.dma_semaphore, #tpu.memory_space<semaphore_mem>>) src(%dma_wait3A_460 : memref<8x128xi32, #tpu.memory_space<hbm>>) dst(%dma_wait3A_457 : memref<8x128xi32, #tpu.memory_space<vmem>>)
        %add3A_461 = arith.constant 1 : i32
        %add3A_462 = arith.addi %add3A_241, %add3A_461 : i32
        %mul3A_463 = arith.constant 8 : i32
        %mul3A_464 = arith.muli %add3A_462, %mul3A_463 : i32
        %dma_wait3A_465 = arith.constant 0 : i32
        %dma_wait3A_466 = arith.constant 0 : i32
        %dma_wait3A_467 = arith.constant 0 : i32
        %dma_wait3A_468 = tpu.memref_slice %arg8[%dma_wait3A_465, %dma_wait3A_466, %dma_wait3A_467] : memref<2x8x128xi32, #tpu.memory_space<vmem>> -> memref<1x8x128xi32, #tpu.memory_space<vmem>>
        %dma_wait3A_469 = tpu.memref_squeeze %dma_wait3A_468 : memref<1x8x128xi32, #tpu.memory_space<vmem>> -> memref<8x128xi32, #tpu.memory_space<vmem>>
        %dma_wait3A_470 = arith.constant 0 : i32
        %dma_wait3A_471 = tpu.memref_slice %arg4[%add3A, %mul3A_464, %dma_wait3A_470] : memref<32x80x128xi32, #tpu.memory_space<hbm>> -> memref<1x8x128xi32, #tpu.memory_space<hbm>>
        %dma_wait3A_472 = tpu.memref_squeeze %dma_wait3A_471 : memref<1x8x128xi32, #tpu.memory_space<hbm>> -> memref<8x128xi32, #tpu.memory_space<hbm>>
        %dma_wait3A_473 = arith.constant 0 : i32
        %dma_wait3A_474 = arith.constant 0 : i32
        %dma_wait3A_475 = tpu.memref_slice %arg8[%dma_wait3A_465, %dma_wait3A_473, %dma_wait3A_474] : memref<2x8x128xi32, #tpu.memory_space<vmem>> -> memref<1x8x128xi32, #tpu.memory_space<vmem>>
        %dma_wait3A_476 = tpu.memref_squeeze %dma_wait3A_475 : memref<1x8x128xi32, #tpu.memory_space<vmem>> -> memref<8x128xi32, #tpu.memory_space<vmem>>
        %dma_wait3A_477 = arith.constant 0 : i32
        %dma_wait3A_478 = tpu.memref_slice %arg4[%add3A, %mul3A_464, %dma_wait3A_477] : memref<32x80x128xi32, #tpu.memory_space<hbm>> -> memref<1x8x128xi32, #tpu.memory_space<hbm>>
        %dma_wait3A_479 = tpu.memref_squeeze %dma_wait3A_478 : memref<1x8x128xi32, #tpu.memory_space<hbm>> -> memref<8x128xi32, #tpu.memory_space<hbm>>
        tpu.wait_dma2 semaphore(%arg15 : memref<!tpu.dma_semaphore, #tpu.memory_space<semaphore_mem>>) src(%dma_wait3A_479 : memref<8x128xi32, #tpu.memory_space<hbm>>) dst(%dma_wait3A_476 : memref<8x128xi32, #tpu.memory_space<vmem>>)
      } else {
      }
      %dma_wait3A_408 = arith.constant 1 : i32
      %dma_wait3A_409 = arith.constant 6 : i32
      %dma_wait3A_410 = arith.constant 0 : i32
      %dma_wait3A_411 = tpu.memref_slice %arg7[%dma_wait3A_408, %dma_wait3A_409, %dma_wait3A_410] : memref<2x8x128xi32, #tpu.memory_space<vmem>> -> memref<1x1x128xi32, #tpu.memory_space<vmem>>
      %dma_wait3A_412 = tpu.memref_squeeze %dma_wait3A_411 : memref<1x1x128xi32, #tpu.memory_space<vmem>> -> memref<128xi32, #tpu.memory_space<vmem>>
      %dma_wait3A_413 = arith.constant 0 : i32
      %dma_wait3A_414 = arith.constant 0 : i32
      %dma_wait3A_415 = tpu.memref_slice %arg2[%arg0, %dma_wait3A_413, %dma_wait3A_414] : memref<2x10000x128xf32, #tpu.memory_space<hbm>> -> memref<1x10000x128xf32, #tpu.memory_space<hbm>>
      %dma_wait3A_416 = tpu.memref_squeeze %dma_wait3A_415 : memref<1x10000x128xf32, #tpu.memory_space<hbm>> -> memref<10000x128xf32, #tpu.memory_space<hbm>>
      %dma_wait3A_417 = arith.constant 0 : i32
      %dma_wait3A_418 = arith.constant 0 : i32
      %dma_wait3A_419 = tpu.memref_slice %dma_wait3A_416[%dma_wait3A_417, %dma_wait3A_418] : memref<10000x128xf32, #tpu.memory_space<hbm>> -> memref<10000x128xf32, #tpu.memory_space<hbm>>
      tpu.wait_indirect_dma semaphore(%arg12 : memref<!tpu.dma_semaphore, #tpu.memory_space<semaphore_mem>>) src(%dma_wait3A_419 : memref<10000x128xf32, #tpu.memory_space<hbm>>) dst(%arg9 : memref<128x128xf32, #tpu.memory_space<vmem>>)
      %run_scoped3A_420 = arith.constant 1 : i32
      %run_scoped3A_421 = arith.constant 6 : i32
      "tpu.region"() ({
        %run_scoped3A_442 = tpu.sem_alloc : memref<!tpu.dma_semaphore, #tpu.memory_space<semaphore_mem>>
        %dma_start3A_443 = arith.constant 0 : i32
        %dma_start3A_444 = tpu.memref_slice %arg8[%run_scoped3A_420, %run_scoped3A_421, %dma_start3A_443] : memref<2x8x128xi32, #tpu.memory_space<vmem>> -> memref<1x1x128xi32, #tpu.memory_space<vmem>>
        %dma_start3A_445 = tpu.memref_squeeze %dma_start3A_444 : memref<1x1x128xi32, #tpu.memory_space<vmem>> -> memref<128xi32, #tpu.memory_space<vmem>>
        %dma_start3A_446 = arith.constant 0 : i32
        %dma_start3A_447 = arith.constant 0 : i32
        %dma_start3A_448 = tpu.memref_slice %arg11[%dma_start3A_446, %dma_start3A_447] : memref<10112x128xf32, #tpu.memory_space<vmem_shared>> -> memref<10112x128xf32, #tpu.memory_space<vmem_shared>>
        tpu.enqueue_indirect_dma source(%arg9 : memref<128x128xf32, #tpu.memory_space<vmem>>) target(%dma_start3A_448 : memref<10112x128xf32, #tpu.memory_space<vmem_shared>>) offsets(%dma_start3A_445 : memref<128xi32, #tpu.memory_space<vmem>>) semaphore(%run_scoped3A_442 : memref<!tpu.dma_semaphore, #tpu.memory_space<semaphore_mem>>) {add = true}
        %dma_wait3A_449 = arith.constant 0 : i32
        %dma_wait3A_450 = tpu.memref_slice %arg8[%run_scoped3A_420, %run_scoped3A_421, %dma_wait3A_449] : memref<2x8x128xi32, #tpu.memory_space<vmem>> -> memref<1x1x128xi32, #tpu.memory_space<vmem>>
        %dma_wait3A_451 = tpu.memref_squeeze %dma_wait3A_450 : memref<1x1x128xi32, #tpu.memory_space<vmem>> -> memref<128xi32, #tpu.memory_space<vmem>>
        %dma_wait3A_452 = arith.constant 0 : i32
        %dma_wait3A_453 = arith.constant 0 : i32
        %dma_wait3A_454 = tpu.memref_slice %arg11[%dma_wait3A_452, %dma_wait3A_453] : memref<10112x128xf32, #tpu.memory_space<vmem_shared>> -> memref<10112x128xf32, #tpu.memory_space<vmem_shared>>
        tpu.wait_indirect_dma semaphore(%run_scoped3A_442 : memref<!tpu.dma_semaphore, #tpu.memory_space<semaphore_mem>>) src(%arg9 : memref<128x128xf32, #tpu.memory_space<vmem>>) dst(%dma_wait3A_454 : memref<10112x128xf32, #tpu.memory_space<vmem_shared>>)
        tpu.yield
      }) : () -> ()
      %convert_element_type3A_422 = arith.extui %lt3A_245 : i1 to i32
      %cond3A_423 = arith.constant 0 : i32
      %cond3A_424 = arith.cmpi ne, %convert_element_type3A_422, %cond3A_423 : i32
      scf.if %cond3A_424 {
        %dma_start3A_442 = arith.constant 0 : i32
        %dma_start3A_443 = arith.constant 0 : i32
        %dma_start3A_444 = arith.constant 0 : i32
        %dma_start3A_445 = tpu.memref_slice %arg7[%dma_start3A_442, %dma_start3A_443, %dma_start3A_444] : memref<2x8x128xi32, #tpu.memory_space<vmem>> -> memref<1x1x128xi32, #tpu.memory_space<vmem>>
        %dma_start3A_446 = tpu.memref_squeeze %dma_start3A_445 : memref<1x1x128xi32, #tpu.memory_space<vmem>> -> memref<128xi32, #tpu.memory_space<vmem>>
        %dma_start3A_447 = arith.constant 0 : i32
        %dma_start3A_448 = arith.constant 0 : i32
        %dma_start3A_449 = tpu.memref_slice %arg2[%arg0, %dma_start3A_447, %dma_start3A_448] : memref<2x10000x128xf32, #tpu.memory_space<hbm>> -> memref<1x10000x128xf32, #tpu.memory_space<hbm>>
        %dma_start3A_450 = tpu.memref_squeeze %dma_start3A_449 : memref<1x10000x128xf32, #tpu.memory_space<hbm>> -> memref<10000x128xf32, #tpu.memory_space<hbm>>
        %dma_start3A_451 = arith.constant 0 : i32
        %dma_start3A_452 = arith.constant 0 : i32
        %dma_start3A_453 = tpu.memref_slice %dma_start3A_450[%dma_start3A_451, %dma_start3A_452] : memref<10000x128xf32, #tpu.memory_space<hbm>> -> memref<10000x128xf32, #tpu.memory_space<hbm>>
        tpu.enqueue_indirect_dma source(%dma_start3A_453 : memref<10000x128xf32, #tpu.memory_space<hbm>>) target(%arg9 : memref<128x128xf32, #tpu.memory_space<vmem>>) offsets(%dma_start3A_446 : memref<128xi32, #tpu.memory_space<vmem>>) semaphore(%arg12 : memref<!tpu.dma_semaphore, #tpu.memory_space<semaphore_mem>>)
      } else {
      }
      %dma_wait3A_425 = arith.constant 1 : i32
      %dma_wait3A_426 = arith.constant 7 : i32
      %dma_wait3A_427 = arith.constant 0 : i32
      %dma_wait3A_428 = tpu.memref_slice %arg7[%dma_wait3A_425, %dma_wait3A_426, %dma_wait3A_427] : memref<2x8x128xi32, #tpu.memory_space<vmem>> -> memref<1x1x128xi32, #tpu.memory_space<vmem>>
      %dma_wait3A_429 = tpu.memref_squeeze %dma_wait3A_428 : memref<1x1x128xi32, #tpu.memory_space<vmem>> -> memref<128xi32, #tpu.memory_space<vmem>>
      %dma_wait3A_430 = arith.constant 0 : i32
      %dma_wait3A_431 = arith.constant 0 : i32
      %dma_wait3A_432 = tpu.memref_slice %arg2[%arg0, %dma_wait3A_430, %dma_wait3A_431] : memref<2x10000x128xf32, #tpu.memory_space<hbm>> -> memref<1x10000x128xf32, #tpu.memory_space<hbm>>
      %dma_wait3A_433 = tpu.memref_squeeze %dma_wait3A_432 : memref<1x10000x128xf32, #tpu.memory_space<hbm>> -> memref<10000x128xf32, #tpu.memory_space<hbm>>
      %dma_wait3A_434 = arith.constant 0 : i32
      %dma_wait3A_435 = arith.constant 0 : i32
      %dma_wait3A_436 = tpu.memref_slice %dma_wait3A_433[%dma_wait3A_434, %dma_wait3A_435] : memref<10000x128xf32, #tpu.memory_space<hbm>> -> memref<10000x128xf32, #tpu.memory_space<hbm>>
      tpu.wait_indirect_dma semaphore(%arg13 : memref<!tpu.dma_semaphore, #tpu.memory_space<semaphore_mem>>) src(%dma_wait3A_436 : memref<10000x128xf32, #tpu.memory_space<hbm>>) dst(%arg10 : memref<128x128xf32, #tpu.memory_space<vmem>>)
      %run_scoped3A_437 = arith.constant 1 : i32
      %run_scoped3A_438 = arith.constant 7 : i32
      "tpu.region"() ({
        %run_scoped3A_442 = tpu.sem_alloc : memref<!tpu.dma_semaphore, #tpu.memory_space<semaphore_mem>>
        %dma_start3A_443 = arith.constant 0 : i32
        %dma_start3A_444 = tpu.memref_slice %arg8[%run_scoped3A_437, %run_scoped3A_438, %dma_start3A_443] : memref<2x8x128xi32, #tpu.memory_space<vmem>> -> memref<1x1x128xi32, #tpu.memory_space<vmem>>
        %dma_start3A_445 = tpu.memref_squeeze %dma_start3A_444 : memref<1x1x128xi32, #tpu.memory_space<vmem>> -> memref<128xi32, #tpu.memory_space<vmem>>
        %dma_start3A_446 = arith.constant 0 : i32
        %dma_start3A_447 = arith.constant 0 : i32
        %dma_start3A_448 = tpu.memref_slice %arg11[%dma_start3A_446, %dma_start3A_447] : memref<10112x128xf32, #tpu.memory_space<vmem_shared>> -> memref<10112x128xf32, #tpu.memory_space<vmem_shared>>
        tpu.enqueue_indirect_dma source(%arg10 : memref<128x128xf32, #tpu.memory_space<vmem>>) target(%dma_start3A_448 : memref<10112x128xf32, #tpu.memory_space<vmem_shared>>) offsets(%dma_start3A_445 : memref<128xi32, #tpu.memory_space<vmem>>) semaphore(%run_scoped3A_442 : memref<!tpu.dma_semaphore, #tpu.memory_space<semaphore_mem>>) {add = true}
        %dma_wait3A_449 = arith.constant 0 : i32
        %dma_wait3A_450 = tpu.memref_slice %arg8[%run_scoped3A_437, %run_scoped3A_438, %dma_wait3A_449] : memref<2x8x128xi32, #tpu.memory_space<vmem>> -> memref<1x1x128xi32, #tpu.memory_space<vmem>>
        %dma_wait3A_451 = tpu.memref_squeeze %dma_wait3A_450 : memref<1x1x128xi32, #tpu.memory_space<vmem>> -> memref<128xi32, #tpu.memory_space<vmem>>
        %dma_wait3A_452 = arith.constant 0 : i32
        %dma_wait3A_453 = arith.constant 0 : i32
        %dma_wait3A_454 = tpu.memref_slice %arg11[%dma_wait3A_452, %dma_wait3A_453] : memref<10112x128xf32, #tpu.memory_space<vmem_shared>> -> memref<10112x128xf32, #tpu.memory_space<vmem_shared>>
        tpu.wait_indirect_dma semaphore(%run_scoped3A_442 : memref<!tpu.dma_semaphore, #tpu.memory_space<semaphore_mem>>) src(%arg10 : memref<128x128xf32, #tpu.memory_space<vmem>>) dst(%dma_wait3A_454 : memref<10112x128xf32, #tpu.memory_space<vmem_shared>>)
        tpu.yield
      }) : () -> ()
      %convert_element_type3A_439 = arith.extui %lt3A_245 : i1 to i32
      %cond3A_440 = arith.constant 0 : i32
      %cond3A_441 = arith.cmpi ne, %convert_element_type3A_439, %cond3A_440 : i32
      scf.if %cond3A_441 {
        %dma_start3A_442 = arith.constant 0 : i32
        %dma_start3A_443 = arith.constant 1 : i32
        %dma_start3A_444 = arith.constant 0 : i32
        %dma_start3A_445 = tpu.memref_slice %arg7[%dma_start3A_442, %dma_start3A_443, %dma_start3A_444] : memref<2x8x128xi32, #tpu.memory_space<vmem>> -> memref<1x1x128xi32, #tpu.memory_space<vmem>>
        %dma_start3A_446 = tpu.memref_squeeze %dma_start3A_445 : memref<1x1x128xi32, #tpu.memory_space<vmem>> -> memref<128xi32, #tpu.memory_space<vmem>>
        %dma_start3A_447 = arith.constant 0 : i32
        %dma_start3A_448 = arith.constant 0 : i32
        %dma_start3A_449 = tpu.memref_slice %arg2[%arg0, %dma_start3A_447, %dma_start3A_448] : memref<2x10000x128xf32, #tpu.memory_space<hbm>> -> memref<1x10000x128xf32, #tpu.memory_space<hbm>>
        %dma_start3A_450 = tpu.memref_squeeze %dma_start3A_449 : memref<1x10000x128xf32, #tpu.memory_space<hbm>> -> memref<10000x128xf32, #tpu.memory_space<hbm>>
        %dma_start3A_451 = arith.constant 0 : i32
        %dma_start3A_452 = arith.constant 0 : i32
        %dma_start3A_453 = tpu.memref_slice %dma_start3A_450[%dma_start3A_451, %dma_start3A_452] : memref<10000x128xf32, #tpu.memory_space<hbm>> -> memref<10000x128xf32, #tpu.memory_space<hbm>>
        tpu.enqueue_indirect_dma source(%dma_start3A_453 : memref<10000x128xf32, #tpu.memory_space<hbm>>) target(%arg10 : memref<128x128xf32, #tpu.memory_space<vmem>>) offsets(%dma_start3A_446 : memref<128xi32, #tpu.memory_space<vmem>>) semaphore(%arg13 : memref<!tpu.dma_semaphore, #tpu.memory_space<semaphore_mem>>)
      } else {
      }
    }
    %scan3A_33 = arith.constant 5 : i32
    %barrier3A_34 = arith.constant 0 : index
    tpu.barrier barrier_id(%barrier3A_34)
    %mul3A_35 = arith.constant 632 : i32
    %mul3A_36 = arith.muli %arg1, %mul3A_35 : i32
    %mul3A_37 = arith.constant 632 : i32
    %mul3A_38 = arith.muli %arg1, %mul3A_37 : i32
    "tpu.region"() ({
      %run_scoped3A_39 = tpu.sem_alloc : memref<!tpu.dma_semaphore, #tpu.memory_space<semaphore_mem>>
      %dma_start3A_40 = arith.constant 0 : i32
      %dma_start3A_41 = tpu.memref_slice %arg6[%arg0, %mul3A_38, %dma_start3A_40] : memref<2x10112x128xf32, #tpu.memory_space<hbm>> -> memref<1x632x128xf32, #tpu.memory_space<hbm>>
      %dma_start3A_42 = tpu.memref_squeeze %dma_start3A_41 : memref<1x632x128xf32, #tpu.memory_space<hbm>> -> memref<632x128xf32, #tpu.memory_space<hbm>>
      %dma_start3A_43 = arith.constant 0 : i32
      %dma_start3A_44 = tpu.memref_slice %arg11[%mul3A_36, %dma_start3A_43] : memref<10112x128xf32, #tpu.memory_space<vmem_shared>> -> memref<632x128xf32, #tpu.memory_space<vmem_shared>>
      tpu.enqueue_dma source(%dma_start3A_44 : memref<632x128xf32, #tpu.memory_space<vmem_shared>>) target(%dma_start3A_42 : memref<632x128xf32, #tpu.memory_space<hbm>>) target_semaphore(%run_scoped3A_39 : memref<!tpu.dma_semaphore, #tpu.memory_space<semaphore_mem>>)
      %dma_wait3A = arith.constant 0 : i32
      %dma_wait3A_45 = tpu.memref_slice %arg6[%arg0, %mul3A_38, %dma_wait3A] : memref<2x10112x128xf32, #tpu.memory_space<hbm>> -> memref<1x632x128xf32, #tpu.memory_space<hbm>>
      %dma_wait3A_46 = tpu.memref_squeeze %dma_wait3A_45 : memref<1x632x128xf32, #tpu.memory_space<hbm>> -> memref<632x128xf32, #tpu.memory_space<hbm>>
      %dma_wait3A_47 = arith.constant 0 : i32
      %dma_wait3A_48 = tpu.memref_slice %arg11[%mul3A_36, %dma_wait3A_47] : memref<10112x128xf32, #tpu.memory_space<vmem_shared>> -> memref<632x128xf32, #tpu.memory_space<vmem_shared>>
      tpu.wait_dma2 semaphore(%run_scoped3A_39 : memref<!tpu.dma_semaphore, #tpu.memory_space<semaphore_mem>>) src(%dma_wait3A_48 : memref<632x128xf32, #tpu.memory_space<vmem_shared>>) dst(%dma_wait3A_46 : memref<632x128xf32, #tpu.memory_space<hbm>>)
      tpu.yield
    }) : () -> ()
    return
  }
}

#map = affine_map<(d0, d1) -> (0, 0, 0)>
#map1 = affine_map<(d0, d1) -> (0, 0)>
module attributes {stable_mosaic.version = 14 : i64} {
  func.func @k(%arg0: i32, %arg1: i32, %arg2: memref<32x80x128xi32, #tpu.memory_space<hbm>>, %arg3: memref<128x128xf32, #tpu.memory_space<hbm>>, %arg4: memref<10112x128xf32, #tpu.memory_space<hbm>>, %arg5: memref<2x10112x128xf32, #tpu.memory_space<hbm>>, %arg6: memref<80x128xi32, #tpu.memory_space<vmem>>, %arg7: memref<128x128xf32, #tpu.memory_space<vmem>>, %arg8: memref<10112x128xf32, #tpu.memory_space<vmem_shared>>) attributes {dimension_semantics = [#tpu.dimension_semantics<core_parallel>, #tpu.dimension_semantics<subcore_parallel>], iteration_bounds = array<i64: 2, 16>, scalar_prefetch = 0 : i64, scratch_operands = 3 : i64, tpu.core_type = #tpu.core_type<sc_vector_subcore>, window_params = [{transform_indices = #map}, {transform_indices = #map1}, {transform_indices = #map1}, {transform_indices = #map}]} {
    %mul3A = arith.constant 16 : i32
    %mul3A_0 = arith.muli %arg0, %mul3A : i32
    %add3A = arith.addi %mul3A_0, %arg1 : i32
    %mul3A_1 = arith.constant 632 : i32
    %mul3A_2 = arith.muli %arg1, %mul3A_1 : i32
    %mul3A_3 = arith.constant 632 : i32
    %mul3A_4 = arith.muli %arg1, %mul3A_3 : i32
    "tpu.region"() ({
      %run_scoped3A = tpu.sem_alloc : memref<!tpu.dma_semaphore, #tpu.memory_space<semaphore_mem>>
      %dma_start3A = arith.constant 0 : i32
      %dma_start3A_15 = tpu.memref_slice %arg8[%mul3A_4, %dma_start3A] : memref<10112x128xf32, #tpu.memory_space<vmem_shared>> -> memref<632x128xf32, #tpu.memory_space<vmem_shared>>
      %dma_start3A_16 = arith.constant 0 : i32
      %dma_start3A_17 = tpu.memref_slice %arg4[%mul3A_2, %dma_start3A_16] : memref<10112x128xf32, #tpu.memory_space<hbm>> -> memref<632x128xf32, #tpu.memory_space<hbm>>
      tpu.enqueue_dma source(%dma_start3A_17 : memref<632x128xf32, #tpu.memory_space<hbm>>) target(%dma_start3A_15 : memref<632x128xf32, #tpu.memory_space<vmem_shared>>) target_semaphore(%run_scoped3A : memref<!tpu.dma_semaphore, #tpu.memory_space<semaphore_mem>>)
      %dma_wait3A = arith.constant 0 : i32
      %dma_wait3A_18 = tpu.memref_slice %arg8[%mul3A_4, %dma_wait3A] : memref<10112x128xf32, #tpu.memory_space<vmem_shared>> -> memref<632x128xf32, #tpu.memory_space<vmem_shared>>
      %dma_wait3A_19 = arith.constant 0 : i32
      %dma_wait3A_20 = tpu.memref_slice %arg4[%mul3A_2, %dma_wait3A_19] : memref<10112x128xf32, #tpu.memory_space<hbm>> -> memref<632x128xf32, #tpu.memory_space<hbm>>
      tpu.wait_dma2 semaphore(%run_scoped3A : memref<!tpu.dma_semaphore, #tpu.memory_space<semaphore_mem>>) src(%dma_wait3A_20 : memref<632x128xf32, #tpu.memory_space<hbm>>) dst(%dma_wait3A_18 : memref<632x128xf32, #tpu.memory_space<vmem_shared>>)
      tpu.yield
    }) : () -> ()
    "tpu.region"() ({
      %run_scoped3A = tpu.sem_alloc : memref<!tpu.dma_semaphore, #tpu.memory_space<semaphore_mem>>
      %dma_start3A = arith.constant 0 : i32
      %dma_start3A_15 = arith.constant 0 : i32
      %dma_start3A_16 = tpu.memref_slice %arg2[%add3A, %dma_start3A, %dma_start3A_15] : memref<32x80x128xi32, #tpu.memory_space<hbm>> -> memref<1x80x128xi32, #tpu.memory_space<hbm>>
      %dma_start3A_17 = tpu.memref_squeeze %dma_start3A_16 : memref<1x80x128xi32, #tpu.memory_space<hbm>> -> memref<80x128xi32, #tpu.memory_space<hbm>>
      %dma_start3A_18 = arith.constant 0 : i32
      %dma_start3A_19 = arith.constant 0 : i32
      %dma_start3A_20 = tpu.memref_slice %arg2[%add3A, %dma_start3A_18, %dma_start3A_19] : memref<32x80x128xi32, #tpu.memory_space<hbm>> -> memref<1x80x128xi32, #tpu.memory_space<hbm>>
      %dma_start3A_21 = tpu.memref_squeeze %dma_start3A_20 : memref<1x80x128xi32, #tpu.memory_space<hbm>> -> memref<80x128xi32, #tpu.memory_space<hbm>>
      tpu.enqueue_dma source(%dma_start3A_21 : memref<80x128xi32, #tpu.memory_space<hbm>>) target(%arg6 : memref<80x128xi32, #tpu.memory_space<vmem>>) target_semaphore(%run_scoped3A : memref<!tpu.dma_semaphore, #tpu.memory_space<semaphore_mem>>)
      %dma_wait3A = arith.constant 0 : i32
      %dma_wait3A_22 = arith.constant 0 : i32
      %dma_wait3A_23 = tpu.memref_slice %arg2[%add3A, %dma_wait3A, %dma_wait3A_22] : memref<32x80x128xi32, #tpu.memory_space<hbm>> -> memref<1x80x128xi32, #tpu.memory_space<hbm>>
      %dma_wait3A_24 = tpu.memref_squeeze %dma_wait3A_23 : memref<1x80x128xi32, #tpu.memory_space<hbm>> -> memref<80x128xi32, #tpu.memory_space<hbm>>
      %dma_wait3A_25 = arith.constant 0 : i32
      %dma_wait3A_26 = arith.constant 0 : i32
      %dma_wait3A_27 = tpu.memref_slice %arg2[%add3A, %dma_wait3A_25, %dma_wait3A_26] : memref<32x80x128xi32, #tpu.memory_space<hbm>> -> memref<1x80x128xi32, #tpu.memory_space<hbm>>
      %dma_wait3A_28 = tpu.memref_squeeze %dma_wait3A_27 : memref<1x80x128xi32, #tpu.memory_space<hbm>> -> memref<80x128xi32, #tpu.memory_space<hbm>>
      tpu.wait_dma2 semaphore(%run_scoped3A : memref<!tpu.dma_semaphore, #tpu.memory_space<semaphore_mem>>) src(%dma_wait3A_28 : memref<80x128xi32, #tpu.memory_space<hbm>>) dst(%arg6 : memref<80x128xi32, #tpu.memory_space<vmem>>)
      tpu.yield
    }) : () -> ()
    "tpu.region"() ({
      %run_scoped3A = tpu.sem_alloc : memref<!tpu.dma_semaphore, #tpu.memory_space<semaphore_mem>>
      tpu.enqueue_dma source(%arg3 : memref<128x128xf32, #tpu.memory_space<hbm>>) target(%arg7 : memref<128x128xf32, #tpu.memory_space<vmem>>) target_semaphore(%run_scoped3A : memref<!tpu.dma_semaphore, #tpu.memory_space<semaphore_mem>>)
      tpu.wait_dma2 semaphore(%run_scoped3A : memref<!tpu.dma_semaphore, #tpu.memory_space<semaphore_mem>>) src(%arg3 : memref<128x128xf32, #tpu.memory_space<hbm>>) dst(%arg7 : memref<128x128xf32, #tpu.memory_space<vmem>>)
      tpu.yield
    }) : () -> ()
    %barrier3A = arith.constant 0 : index
    tpu.barrier barrier_id(%barrier3A)
    %scan3A = arith.constant 0 : i32
    %scan3A_5 = arith.constant 0 : i32
    %scan3A_6 = arith.constant 80 : i32
    %scan3A_7 = arith.addi %scan3A_5, %scan3A_6 : i32
    %scan3A_8 = arith.constant 1 : i32
    scf.for %scan3A_15 = %scan3A_5 to %scan3A_7 step %scan3A_8  : i32 {
      "tpu.region"() ({
        %run_scoped3A = tpu.sem_alloc : memref<!tpu.dma_semaphore, #tpu.memory_space<semaphore_mem>>
        %dma_start3A = arith.constant 0 : i32
        %dma_start3A_16 = tpu.memref_slice %arg6[%scan3A_15, %dma_start3A] : memref<80x128xi32, #tpu.memory_space<vmem>> -> memref<1x128xi32, #tpu.memory_space<vmem>>
        %dma_start3A_17 = tpu.memref_squeeze %dma_start3A_16 : memref<1x128xi32, #tpu.memory_space<vmem>> -> memref<128xi32, #tpu.memory_space<vmem>>
        %dma_start3A_18 = arith.constant 0 : i32
        %dma_start3A_19 = arith.constant 0 : i32
        %dma_start3A_20 = tpu.memref_slice %arg8[%dma_start3A_18, %dma_start3A_19] : memref<10112x128xf32, #tpu.memory_space<vmem_shared>> -> memref<10112x128xf32, #tpu.memory_space<vmem_shared>>
        tpu.enqueue_indirect_dma source(%arg7 : memref<128x128xf32, #tpu.memory_space<vmem>>) target(%dma_start3A_20 : memref<10112x128xf32, #tpu.memory_space<vmem_shared>>) offsets(%dma_start3A_17 : memref<128xi32, #tpu.memory_space<vmem>>) semaphore(%run_scoped3A : memref<!tpu.dma_semaphore, #tpu.memory_space<semaphore_mem>>) {add = true}
        %dma_wait3A = arith.constant 0 : i32
        %dma_wait3A_21 = tpu.memref_slice %arg6[%scan3A_15, %dma_wait3A] : memref<80x128xi32, #tpu.memory_space<vmem>> -> memref<1x128xi32, #tpu.memory_space<vmem>>
        %dma_wait3A_22 = tpu.memref_squeeze %dma_wait3A_21 : memref<1x128xi32, #tpu.memory_space<vmem>> -> memref<128xi32, #tpu.memory_space<vmem>>
        %dma_wait3A_23 = arith.constant 0 : i32
        %dma_wait3A_24 = arith.constant 0 : i32
        %dma_wait3A_25 = tpu.memref_slice %arg8[%dma_wait3A_23, %dma_wait3A_24] : memref<10112x128xf32, #tpu.memory_space<vmem_shared>> -> memref<10112x128xf32, #tpu.memory_space<vmem_shared>>
        tpu.wait_indirect_dma semaphore(%run_scoped3A : memref<!tpu.dma_semaphore, #tpu.memory_space<semaphore_mem>>) src(%arg7 : memref<128x128xf32, #tpu.memory_space<vmem>>) dst(%dma_wait3A_25 : memref<10112x128xf32, #tpu.memory_space<vmem_shared>>)
        tpu.yield
      }) : () -> ()
    }
    %scan3A_9 = arith.constant 80 : i32
    %barrier3A_10 = arith.constant 0 : index
    tpu.barrier barrier_id(%barrier3A_10)
    %mul3A_11 = arith.constant 632 : i32
    %mul3A_12 = arith.muli %arg1, %mul3A_11 : i32
    %mul3A_13 = arith.constant 632 : i32
    %mul3A_14 = arith.muli %arg1, %mul3A_13 : i32
    "tpu.region"() ({
      %run_scoped3A = tpu.sem_alloc : memref<!tpu.dma_semaphore, #tpu.memory_space<semaphore_mem>>
      %dma_start3A = arith.constant 0 : i32
      %dma_start3A_15 = tpu.memref_slice %arg5[%arg0, %mul3A_14, %dma_start3A] : memref<2x10112x128xf32, #tpu.memory_space<hbm>> -> memref<1x632x128xf32, #tpu.memory_space<hbm>>
      %dma_start3A_16 = tpu.memref_squeeze %dma_start3A_15 : memref<1x632x128xf32, #tpu.memory_space<hbm>> -> memref<632x128xf32, #tpu.memory_space<hbm>>
      %dma_start3A_17 = arith.constant 0 : i32
      %dma_start3A_18 = tpu.memref_slice %arg8[%mul3A_12, %dma_start3A_17] : memref<10112x128xf32, #tpu.memory_space<vmem_shared>> -> memref<632x128xf32, #tpu.memory_space<vmem_shared>>
      tpu.enqueue_dma source(%dma_start3A_18 : memref<632x128xf32, #tpu.memory_space<vmem_shared>>) target(%dma_start3A_16 : memref<632x128xf32, #tpu.memory_space<hbm>>) target_semaphore(%run_scoped3A : memref<!tpu.dma_semaphore, #tpu.memory_space<semaphore_mem>>)
      %dma_wait3A = arith.constant 0 : i32
      %dma_wait3A_19 = tpu.memref_slice %arg5[%arg0, %mul3A_14, %dma_wait3A] : memref<2x10112x128xf32, #tpu.memory_space<hbm>> -> memref<1x632x128xf32, #tpu.memory_space<hbm>>
      %dma_wait3A_20 = tpu.memref_squeeze %dma_wait3A_19 : memref<1x632x128xf32, #tpu.memory_space<hbm>> -> memref<632x128xf32, #tpu.memory_space<hbm>>
      %dma_wait3A_21 = arith.constant 0 : i32
      %dma_wait3A_22 = tpu.memref_slice %arg8[%mul3A_12, %dma_wait3A_21] : memref<10112x128xf32, #tpu.memory_space<vmem_shared>> -> memref<632x128xf32, #tpu.memory_space<vmem_shared>>
      tpu.wait_dma2 semaphore(%run_scoped3A : memref<!tpu.dma_semaphore, #tpu.memory_space<semaphore_mem>>) src(%dma_wait3A_22 : memref<632x128xf32, #tpu.memory_space<vmem_shared>>) dst(%dma_wait3A_20 : memref<632x128xf32, #tpu.memory_space<hbm>>)
      tpu.yield
    }) : () -> ()
    return
  }
}

#map = affine_map<(d0, d1) -> (0, 0, 0)>
#map1 = affine_map<(d0, d1) -> (0, 0)>
module attributes {stable_mosaic.version = 14 : i64} {
  func.func @k(%arg0: i32, %arg1: i32, %arg2: memref<2x10000x128xf32, #tpu.memory_space<hbm>>, %arg3: memref<32x80x128xi32, #tpu.memory_space<hbm>>, %arg4: memref<32x80x128xi32, #tpu.memory_space<hbm>>, %arg5: memref<10112x128xf32, #tpu.memory_space<hbm>>, %arg6: memref<2x10112x128xf32, #tpu.memory_space<hbm>>, %arg7: memref<2x8x128xi32, #tpu.memory_space<vmem>>, %arg8: memref<2x8x128xi32, #tpu.memory_space<vmem>>, %arg9: memref<128x128xf32, #tpu.memory_space<vmem>>, %arg10: memref<128x128xf32, #tpu.memory_space<vmem>>, %arg11: memref<10112x128xf32, #tpu.memory_space<vmem_shared>>, %arg12: memref<!tpu.dma_semaphore, #tpu.memory_space<semaphore_mem>>, %arg13: memref<!tpu.dma_semaphore, #tpu.memory_space<semaphore_mem>>, %arg14: memref<!tpu.dma_semaphore, #tpu.memory_space<semaphore_mem>>, %arg15: memref<!tpu.dma_semaphore, #tpu.memory_space<semaphore_mem>>) attributes {dimension_semantics = [#tpu.dimension_semantics<core_parallel>, #tpu.dimension_semantics<subcore_parallel>], iteration_bounds = array<i64: 2, 16>, scalar_prefetch = 0 : i64, scratch_operands = 9 : i64, tpu.core_type = #tpu.core_type<sc_vector_subcore>, window_params = [{transform_indices = #map}, {transform_indices = #map}, {transform_indices = #map}, {transform_indices = #map1}, {transform_indices = #map}]} {
    %mul3A = arith.constant 16 : i32
    %mul3A_0 = arith.muli %arg0, %mul3A : i32
    %add3A = arith.addi %mul3A_0, %arg1 : i32
    %mul3A_1 = arith.constant 632 : i32
    %mul3A_2 = arith.muli %arg1, %mul3A_1 : i32
    %mul3A_3 = arith.constant 632 : i32
    %mul3A_4 = arith.muli %arg1, %mul3A_3 : i32
    "tpu.region"() ({
      %run_scoped3A_39 = tpu.sem_alloc : memref<!tpu.dma_semaphore, #tpu.memory_space<semaphore_mem>>
      %dma_start3A_40 = arith.constant 0 : i32
      %dma_start3A_41 = tpu.memref_slice %arg11[%mul3A_4, %dma_start3A_40] : memref<10112x128xf32, #tpu.memory_space<vmem_shared>> -> memref<632x128xf32, #tpu.memory_space<vmem_shared>>
      %dma_start3A_42 = arith.constant 0 : i32
      %dma_start3A_43 = tpu.memref_slice %arg5[%mul3A_2, %dma_start3A_42] : memref<10112x128xf32, #tpu.memory_space<hbm>> -> memref<632x128xf32, #tpu.memory_space<hbm>>
      tpu.enqueue_dma source(%dma_start3A_43 : memref<632x128xf32, #tpu.memory_space<hbm>>) target(%dma_start3A_41 : memref<632x128xf32, #tpu.memory_space<vmem_shared>>) target_semaphore(%run_scoped3A_39 : memref<!tpu.dma_semaphore, #tpu.memory_space<semaphore_mem>>)
      %dma_wait3A = arith.constant 0 : i32
      %dma_wait3A_44 = tpu.memref_slice %arg11[%mul3A_4, %dma_wait3A] : memref<10112x128xf32, #tpu.memory_space<vmem_shared>> -> memref<632x128xf32, #tpu.memory_space<vmem_shared>>
      %dma_wait3A_45 = arith.constant 0 : i32
      %dma_wait3A_46 = tpu.memref_slice %arg5[%mul3A_2, %dma_wait3A_45] : memref<10112x128xf32, #tpu.memory_space<hbm>> -> memref<632x128xf32, #tpu.memory_space<hbm>>
      tpu.wait_dma2 semaphore(%run_scoped3A_39 : memref<!tpu.dma_semaphore, #tpu.memory_space<semaphore_mem>>) src(%dma_wait3A_46 : memref<632x128xf32, #tpu.memory_space<hbm>>) dst(%dma_wait3A_44 : memref<632x128xf32, #tpu.memory_space<vmem_shared>>)
      tpu.yield
    }) : () -> ()
    %run_scoped3A = arith.constant 0 : i32
    "tpu.region"() ({
      %run_scoped3A_39 = tpu.sem_alloc : memref<!tpu.dma_semaphore, #tpu.memory_space<semaphore_mem>>
      %dma_start3A_40 = arith.constant 0 : i32
      %dma_start3A_41 = arith.constant 0 : i32
      %dma_start3A_42 = tpu.memref_slice %arg7[%run_scoped3A, %dma_start3A_40, %dma_start3A_41] : memref<2x8x128xi32, #tpu.memory_space<vmem>> -> memref<1x8x128xi32, #tpu.memory_space<vmem>>
      %dma_start3A_43 = tpu.memref_squeeze %dma_start3A_42 : memref<1x8x128xi32, #tpu.memory_space<vmem>> -> memref<8x128xi32, #tpu.memory_space<vmem>>
      %dma_start3A_44 = arith.constant 0 : i32
      %dma_start3A_45 = arith.constant 0 : i32
      %dma_start3A_46 = tpu.memref_slice %arg3[%add3A, %dma_start3A_44, %dma_start3A_45] : memref<32x80x128xi32, #tpu.memory_space<hbm>> -> memref<1x8x128xi32, #tpu.memory_space<hbm>>
      %dma_start3A_47 = tpu.memref_squeeze %dma_start3A_46 : memref<1x8x128xi32, #tpu.memory_space<hbm>> -> memref<8x128xi32, #tpu.memory_space<hbm>>
      %dma_start3A_48 = arith.constant 0 : i32
      %dma_start3A_49 = arith.constant 0 : i32
      %dma_start3A_50 = tpu.memref_slice %arg7[%run_scoped3A, %dma_start3A_48, %dma_start3A_49] : memref<2x8x128xi32, #tpu.memory_space<vmem>> -> memref<1x8x128xi32, #tpu.memory_space<vmem>>
      %dma_start3A_51 = tpu.memref_squeeze %dma_start3A_50 : memref<1x8x128xi32, #tpu.memory_space<vmem>> -> memref<8x128xi32, #tpu.memory_space<vmem>>
      %dma_start3A_52 = arith.constant 0 : i32
      %dma_start3A_53 = arith.constant 0 : i32
      %dma_start3A_54 = tpu.memref_slice %arg3[%add3A, %dma_start3A_52, %dma_start3A_53] : memref<32x80x128xi32, #tpu.memory_space<hbm>> -> memref<1x8x128xi32, #tpu.memory_space<hbm>>
      %dma_start3A_55 = tpu.memref_squeeze %dma_start3A_54 : memref<1x8x128xi32, #tpu.memory_space<hbm>> -> memref<8x128xi32, #tpu.memory_space<hbm>>
      tpu.enqueue_dma source(%dma_start3A_55 : memref<8x128xi32, #tpu.memory_space<hbm>>) target(%dma_start3A_51 : memref<8x128xi32, #tpu.memory_space<vmem>>) target_semaphore(%run_scoped3A_39 : memref<!tpu.dma_semaphore, #tpu.memory_space<semaphore_mem>>)
      %dma_wait3A = arith.constant 0 : i32
      %dma_wait3A_56 = arith.constant 0 : i32
      %dma_wait3A_57 = tpu.memref_slice %arg7[%run_scoped3A, %dma_wait3A, %dma_wait3A_56] : memref<2x8x128xi32, #tpu.memory_space<vmem>> -> memref<1x8x128xi32, #tpu.memory_space<vmem>>
      %dma_wait3A_58 = tpu.memref_squeeze %dma_wait3A_57 : memref<1x8x128xi32, #tpu.memory_space<vmem>> -> memref<8x128xi32, #tpu.memory_space<vmem>>
      %dma_wait3A_59 = arith.constant 0 : i32
      %dma_wait3A_60 = arith.constant 0 : i32
      %dma_wait3A_61 = tpu.memref_slice %arg3[%add3A, %dma_wait3A_59, %dma_wait3A_60] : memref<32x80x128xi32, #tpu.memory_space<hbm>> -> memref<1x8x128xi32, #tpu.memory_space<hbm>>
      %dma_wait3A_62 = tpu.memref_squeeze %dma_wait3A_61 : memref<1x8x128xi32, #tpu.memory_space<hbm>> -> memref<8x128xi32, #tpu.memory_space<hbm>>
      %dma_wait3A_63 = arith.constant 0 : i32
      %dma_wait3A_64 = arith.constant 0 : i32
      %dma_wait3A_65 = tpu.memref_slice %arg7[%run_scoped3A, %dma_wait3A_63, %dma_wait3A_64] : memref<2x8x128xi32, #tpu.memory_space<vmem>> -> memref<1x8x128xi32, #tpu.memory_space<vmem>>
      %dma_wait3A_66 = tpu.memref_squeeze %dma_wait3A_65 : memref<1x8x128xi32, #tpu.memory_space<vmem>> -> memref<8x128xi32, #tpu.memory_space<vmem>>
      %dma_wait3A_67 = arith.constant 0 : i32
      %dma_wait3A_68 = arith.constant 0 : i32
      %dma_wait3A_69 = tpu.memref_slice %arg3[%add3A, %dma_wait3A_67, %dma_wait3A_68] : memref<32x80x128xi32, #tpu.memory_space<hbm>> -> memref<1x8x128xi32, #tpu.memory_space<hbm>>
      %dma_wait3A_70 = tpu.memref_squeeze %dma_wait3A_69 : memref<1x8x128xi32, #tpu.memory_space<hbm>> -> memref<8x128xi32, #tpu.memory_space<hbm>>
      tpu.wait_dma2 semaphore(%run_scoped3A_39 : memref<!tpu.dma_semaphore, #tpu.memory_space<semaphore_mem>>) src(%dma_wait3A_70 : memref<8x128xi32, #tpu.memory_space<hbm>>) dst(%dma_wait3A_66 : memref<8x128xi32, #tpu.memory_space<vmem>>)
      tpu.yield
    }) : () -> ()
    %run_scoped3A_5 = arith.constant 0 : i32
    "tpu.region"() ({
      %run_scoped3A_39 = tpu.sem_alloc : memref<!tpu.dma_semaphore, #tpu.memory_space<semaphore_mem>>
      %dma_start3A_40 = arith.constant 0 : i32
      %dma_start3A_41 = arith.constant 0 : i32
      %dma_start3A_42 = tpu.memref_slice %arg8[%run_scoped3A_5, %dma_start3A_40, %dma_start3A_41] : memref<2x8x128xi32, #tpu.memory_space<vmem>> -> memref<1x8x128xi32, #tpu.memory_space<vmem>>
      %dma_start3A_43 = tpu.memref_squeeze %dma_start3A_42 : memref<1x8x128xi32, #tpu.memory_space<vmem>> -> memref<8x128xi32, #tpu.memory_space<vmem>>
      %dma_start3A_44 = arith.constant 0 : i32
      %dma_start3A_45 = arith.constant 0 : i32
      %dma_start3A_46 = tpu.memref_slice %arg4[%add3A, %dma_start3A_44, %dma_start3A_45] : memref<32x80x128xi32, #tpu.memory_space<hbm>> -> memref<1x8x128xi32, #tpu.memory_space<hbm>>
      %dma_start3A_47 = tpu.memref_squeeze %dma_start3A_46 : memref<1x8x128xi32, #tpu.memory_space<hbm>> -> memref<8x128xi32, #tpu.memory_space<hbm>>
      %dma_start3A_48 = arith.constant 0 : i32
      %dma_start3A_49 = arith.constant 0 : i32
      %dma_start3A_50 = tpu.memref_slice %arg8[%run_scoped3A_5, %dma_start3A_48, %dma_start3A_49] : memref<2x8x128xi32, #tpu.memory_space<vmem>> -> memref<1x8x128xi32, #tpu.memory_space<vmem>>
      %dma_start3A_51 = tpu.memref_squeeze %dma_start3A_50 : memref<1x8x128xi32, #tpu.memory_space<vmem>> -> memref<8x128xi32, #tpu.memory_space<vmem>>
      %dma_start3A_52 = arith.constant 0 : i32
      %dma_start3A_53 = arith.constant 0 : i32
      %dma_start3A_54 = tpu.memref_slice %arg4[%add3A, %dma_start3A_52, %dma_start3A_53] : memref<32x80x128xi32, #tpu.memory_space<hbm>> -> memref<1x8x128xi32, #tpu.memory_space<hbm>>
      %dma_start3A_55 = tpu.memref_squeeze %dma_start3A_54 : memref<1x8x128xi32, #tpu.memory_space<hbm>> -> memref<8x128xi32, #tpu.memory_space<hbm>>
      tpu.enqueue_dma source(%dma_start3A_55 : memref<8x128xi32, #tpu.memory_space<hbm>>) target(%dma_start3A_51 : memref<8x128xi32, #tpu.memory_space<vmem>>) target_semaphore(%run_scoped3A_39 : memref<!tpu.dma_semaphore, #tpu.memory_space<semaphore_mem>>)
      %dma_wait3A = arith.constant 0 : i32
      %dma_wait3A_56 = arith.constant 0 : i32
      %dma_wait3A_57 = tpu.memref_slice %arg8[%run_scoped3A_5, %dma_wait3A, %dma_wait3A_56] : memref<2x8x128xi32, #tpu.memory_space<vmem>> -> memref<1x8x128xi32, #tpu.memory_space<vmem>>
      %dma_wait3A_58 = tpu.memref_squeeze %dma_wait3A_57 : memref<1x8x128xi32, #tpu.memory_space<vmem>> -> memref<8x128xi32, #tpu.memory_space<vmem>>
      %dma_wait3A_59 = arith.constant 0 : i32
      %dma_wait3A_60 = arith.constant 0 : i32
      %dma_wait3A_61 = tpu.memref_slice %arg4[%add3A, %dma_wait3A_59, %dma_wait3A_60] : memref<32x80x128xi32, #tpu.memory_space<hbm>> -> memref<1x8x128xi32, #tpu.memory_space<hbm>>
      %dma_wait3A_62 = tpu.memref_squeeze %dma_wait3A_61 : memref<1x8x128xi32, #tpu.memory_space<hbm>> -> memref<8x128xi32, #tpu.memory_space<hbm>>
      %dma_wait3A_63 = arith.constant 0 : i32
      %dma_wait3A_64 = arith.constant 0 : i32
      %dma_wait3A_65 = tpu.memref_slice %arg8[%run_scoped3A_5, %dma_wait3A_63, %dma_wait3A_64] : memref<2x8x128xi32, #tpu.memory_space<vmem>> -> memref<1x8x128xi32, #tpu.memory_space<vmem>>
      %dma_wait3A_66 = tpu.memref_squeeze %dma_wait3A_65 : memref<1x8x128xi32, #tpu.memory_space<vmem>> -> memref<8x128xi32, #tpu.memory_space<vmem>>
      %dma_wait3A_67 = arith.constant 0 : i32
      %dma_wait3A_68 = arith.constant 0 : i32
      %dma_wait3A_69 = tpu.memref_slice %arg4[%add3A, %dma_wait3A_67, %dma_wait3A_68] : memref<32x80x128xi32, #tpu.memory_space<hbm>> -> memref<1x8x128xi32, #tpu.memory_space<hbm>>
      %dma_wait3A_70 = tpu.memref_squeeze %dma_wait3A_69 : memref<1x8x128xi32, #tpu.memory_space<hbm>> -> memref<8x128xi32, #tpu.memory_space<hbm>>
      tpu.wait_dma2 semaphore(%run_scoped3A_39 : memref<!tpu.dma_semaphore, #tpu.memory_space<semaphore_mem>>) src(%dma_wait3A_70 : memref<8x128xi32, #tpu.memory_space<hbm>>) dst(%dma_wait3A_66 : memref<8x128xi32, #tpu.memory_space<vmem>>)
      tpu.yield
    }) : () -> ()
    %barrier3A = arith.constant 0 : index
    tpu.barrier barrier_id(%barrier3A)
    %dma_start3A = arith.constant 0 : i32
    %dma_start3A_6 = arith.constant 0 : i32
    %dma_start3A_7 = arith.constant 0 : i32
    %dma_start3A_8 = tpu.memref_slice %arg7[%dma_start3A, %dma_start3A_6, %dma_start3A_7] : memref<2x8x128xi32, #tpu.memory_space<vmem>> -> memref<1x1x128xi32, #tpu.memory_space<vmem>>
    %dma_start3A_9 = tpu.memref_squeeze %dma_start3A_8 : memref<1x1x128xi32, #tpu.memory_space<vmem>> -> memref<128xi32, #tpu.memory_space<vmem>>
    %dma_start3A_10 = arith.constant 0 : i32
    %dma_start3A_11 = arith.constant 0 : i32
    %dma_start3A_12 = tpu.memref_slice %arg2[%arg0, %dma_start3A_10, %dma_start3A_11] : memref<2x10000x128xf32, #tpu.memory_space<hbm>> -> memref<1x10000x128xf32, #tpu.memory_space<hbm>>
    %dma_start3A_13 = tpu.memref_squeeze %dma_start3A_12 : memref<1x10000x128xf32, #tpu.memory_space<hbm>> -> memref<10000x128xf32, #tpu.memory_space<hbm>>
    %dma_start3A_14 = arith.constant 0 : i32
    %dma_start3A_15 = arith.constant 0 : i32
    %dma_start3A_16 = tpu.memref_slice %dma_start3A_13[%dma_start3A_14, %dma_start3A_15] : memref<10000x128xf32, #tpu.memory_space<hbm>> -> memref<10000x128xf32, #tpu.memory_space<hbm>>
    tpu.enqueue_indirect_dma source(%dma_start3A_16 : memref<10000x128xf32, #tpu.memory_space<hbm>>) target(%arg9 : memref<128x128xf32, #tpu.memory_space<vmem>>) offsets(%dma_start3A_9 : memref<128xi32, #tpu.memory_space<vmem>>) semaphore(%arg12 : memref<!tpu.dma_semaphore, #tpu.memory_space<semaphore_mem>>)
    %dma_start3A_17 = arith.constant 0 : i32
    %dma_start3A_18 = arith.constant 1 : i32
    %dma_start3A_19 = arith.constant 0 : i32
    %dma_start3A_20 = tpu.memref_slice %arg7[%dma_start3A_17, %dma_start3A_18, %dma_start3A_19] : memref<2x8x128xi32, #tpu.memory_space<vmem>> -> memref<1x1x128xi32, #tpu.memory_space<vmem>>
    %dma_start3A_21 = tpu.memref_squeeze %dma_start3A_20 : memref<1x1x128xi32, #tpu.memory_space<vmem>> -> memref<128xi32, #tpu.memory_space<vmem>>
    %dma_start3A_22 = arith.constant 0 : i32
    %dma_start3A_23 = arith.constant 0 : i32
    %dma_start3A_24 = tpu.memref_slice %arg2[%arg0, %dma_start3A_22, %dma_start3A_23] : memref<2x10000x128xf32, #tpu.memory_space<hbm>> -> memref<1x10000x128xf32, #tpu.memory_space<hbm>>
    %dma_start3A_25 = tpu.memref_squeeze %dma_start3A_24 : memref<1x10000x128xf32, #tpu.memory_space<hbm>> -> memref<10000x128xf32, #tpu.memory_space<hbm>>
    %dma_start3A_26 = arith.constant 0 : i32
    %dma_start3A_27 = arith.constant 0 : i32
    %dma_start3A_28 = tpu.memref_slice %dma_start3A_25[%dma_start3A_26, %dma_start3A_27] : memref<10000x128xf32, #tpu.memory_space<hbm>> -> memref<10000x128xf32, #tpu.memory_space<hbm>>
    tpu.enqueue_indirect_dma source(%dma_start3A_28 : memref<10000x128xf32, #tpu.memory_space<hbm>>) target(%arg10 : memref<128x128xf32, #tpu.memory_space<vmem>>) offsets(%dma_start3A_21 : memref<128xi32, #tpu.memory_space<vmem>>) semaphore(%arg13 : memref<!tpu.dma_semaphore, #tpu.memory_space<semaphore_mem>>)
    %scan3A = arith.constant 0 : i32
    %scan3A_29 = arith.constant 0 : i32
    %scan3A_30 = arith.constant 5 : i32
    %scan3A_31 = arith.addi %scan3A_29, %scan3A_30 : i32
    %scan3A_32 = arith.constant 1 : i32
    scf.for %scan3A_39 = %scan3A_29 to %scan3A_31 step %scan3A_32  : i32 {
      %mul3A_40 = arith.constant 2 : i32
      %mul3A_41 = arith.muli %scan3A_39, %mul3A_40 : i32
      %add3A_42 = arith.constant 1 : i32
      %add3A_43 = arith.addi %mul3A_41, %add3A_42 : i32
      %lt3A = arith.constant 10 : i32
      %lt3A_44 = arith.cmpi slt, %add3A_43, %lt3A : i32
      %convert_element_type3A = arith.extui %lt3A_44 : i1 to i32
      %cond3A = arith.constant 0 : i32
      %cond3A_45 = arith.cmpi ne, %convert_element_type3A, %cond3A : i32
      scf.if %cond3A_45 {
        %add3A_442 = arith.constant 1 : i32
        %add3A_443 = arith.addi %mul3A_41, %add3A_442 : i32
        %mul3A_444 = arith.constant 8 : i32
        %mul3A_445 = arith.muli %add3A_443, %mul3A_444 : i32
        %dma_start3A_446 = arith.constant 1 : i32
        %dma_start3A_447 = arith.constant 0 : i32
        %dma_start3A_448 = arith.constant 0 : i32
        %dma_start3A_449 = tpu.memref_slice %arg7[%dma_start3A_446, %dma_start3A_447, %dma_start3A_448] : memref<2x8x128xi32, #tpu.memory_space<vmem>> -> memref<1x8x128xi32, #tpu.memory_space<vmem>>
        %dma_start3A_450 = tpu.memref_squeeze %dma_start3A_449 : memref<1x8x128xi32, #tpu.memory_space<vmem>> -> memref<8x128xi32, #tpu.memory_space<vmem>>
        %dma_start3A_451 = arith.constant 0 : i32
        %dma_start3A_452 = tpu.memref_slice %arg3[%add3A, %mul3A_445, %dma_start3A_451] : memref<32x80x128xi32, #tpu.memory_space<hbm>> -> memref<1x8x128xi32, #tpu.memory_space<hbm>>
        %dma_start3A_453 = tpu.memref_squeeze %dma_start3A_452 : memref<1x8x128xi32, #tpu.memory_space<hbm>> -> memref<8x128xi32, #tpu.memory_space<hbm>>
        %dma_start3A_454 = arith.constant 0 : i32
        %dma_start3A_455 = arith.constant 0 : i32
        %dma_start3A_456 = tpu.memref_slice %arg7[%dma_start3A_446, %dma_start3A_454, %dma_start3A_455] : memref<2x8x128xi32, #tpu.memory_space<vmem>> -> memref<1x8x128xi32, #tpu.memory_space<vmem>>
        %dma_start3A_457 = tpu.memref_squeeze %dma_start3A_456 : memref<1x8x128xi32, #tpu.memory_space<vmem>> -> memref<8x128xi32, #tpu.memory_space<vmem>>
        %dma_start3A_458 = arith.constant 0 : i32
        %dma_start3A_459 = tpu.memref_slice %arg3[%add3A, %mul3A_445, %dma_start3A_458] : memref<32x80x128xi32, #tpu.memory_space<hbm>> -> memref<1x8x128xi32, #tpu.memory_space<hbm>>
        %dma_start3A_460 = tpu.memref_squeeze %dma_start3A_459 : memref<1x8x128xi32, #tpu.memory_space<hbm>> -> memref<8x128xi32, #tpu.memory_space<hbm>>
        tpu.enqueue_dma source(%dma_start3A_460 : memref<8x128xi32, #tpu.memory_space<hbm>>) target(%dma_start3A_457 : memref<8x128xi32, #tpu.memory_space<vmem>>) target_semaphore(%arg14 : memref<!tpu.dma_semaphore, #tpu.memory_space<semaphore_mem>>)
        %add3A_461 = arith.constant 1 : i32
        %add3A_462 = arith.addi %mul3A_41, %add3A_461 : i32
        %mul3A_463 = arith.constant 8 : i32
        %mul3A_464 = arith.muli %add3A_462, %mul3A_463 : i32
        %dma_start3A_465 = arith.constant 1 : i32
        %dma_start3A_466 = arith.constant 0 : i32
        %dma_start3A_467 = arith.constant 0 : i32
        %dma_start3A_468 = tpu.memref_slice %arg8[%dma_start3A_465, %dma_start3A_466, %dma_start3A_467] : memref<2x8x128xi32, #tpu.memory_space<vmem>> -> memref<1x8x128xi32, #tpu.memory_space<vmem>>
        %dma_start3A_469 = tpu.memref_squeeze %dma_start3A_468 : memref<1x8x128xi32, #tpu.memory_space<vmem>> -> memref<8x128xi32, #tpu.memory_space<vmem>>
        %dma_start3A_470 = arith.constant 0 : i32
        %dma_start3A_471 = tpu.memref_slice %arg4[%add3A, %mul3A_464, %dma_start3A_470] : memref<32x80x128xi32, #tpu.memory_space<hbm>> -> memref<1x8x128xi32, #tpu.memory_space<hbm>>
        %dma_start3A_472 = tpu.memref_squeeze %dma_start3A_471 : memref<1x8x128xi32, #tpu.memory_space<hbm>> -> memref<8x128xi32, #tpu.memory_space<hbm>>
        %dma_start3A_473 = arith.constant 0 : i32
        %dma_start3A_474 = arith.constant 0 : i32
        %dma_start3A_475 = tpu.memref_slice %arg8[%dma_start3A_465, %dma_start3A_473, %dma_start3A_474] : memref<2x8x128xi32, #tpu.memory_space<vmem>> -> memref<1x8x128xi32, #tpu.memory_space<vmem>>
        %dma_start3A_476 = tpu.memref_squeeze %dma_start3A_475 : memref<1x8x128xi32, #tpu.memory_space<vmem>> -> memref<8x128xi32, #tpu.memory_space<vmem>>
        %dma_start3A_477 = arith.constant 0 : i32
        %dma_start3A_478 = tpu.memref_slice %arg4[%add3A, %mul3A_464, %dma_start3A_477] : memref<32x80x128xi32, #tpu.memory_space<hbm>> -> memref<1x8x128xi32, #tpu.memory_space<hbm>>
        %dma_start3A_479 = tpu.memref_squeeze %dma_start3A_478 : memref<1x8x128xi32, #tpu.memory_space<hbm>> -> memref<8x128xi32, #tpu.memory_space<hbm>>
        tpu.enqueue_dma source(%dma_start3A_479 : memref<8x128xi32, #tpu.memory_space<hbm>>) target(%dma_start3A_476 : memref<8x128xi32, #tpu.memory_space<vmem>>) target_semaphore(%arg15 : memref<!tpu.dma_semaphore, #tpu.memory_space<semaphore_mem>>)
      } else {
      }
      %dma_wait3A = arith.constant 0 : i32
      %dma_wait3A_46 = arith.constant 0 : i32
      %dma_wait3A_47 = arith.constant 0 : i32
      %dma_wait3A_48 = tpu.memref_slice %arg7[%dma_wait3A, %dma_wait3A_46, %dma_wait3A_47] : memref<2x8x128xi32, #tpu.memory_space<vmem>> -> memref<1x1x128xi32, #tpu.memory_space<vmem>>
      %dma_wait3A_49 = tpu.memref_squeeze %dma_wait3A_48 : memref<1x1x128xi32, #tpu.memory_space<vmem>> -> memref<128xi32, #tpu.memory_space<vmem>>
      %dma_wait3A_50 = arith.constant 0 : i32
      %dma_wait3A_51 = arith.constant 0 : i32
      %dma_wait3A_52 = tpu.memref_slice %arg2[%arg0, %dma_wait3A_50, %dma_wait3A_51] : memref<2x10000x128xf32, #tpu.memory_space<hbm>> -> memref<1x10000x128xf32, #tpu.memory_space<hbm>>
      %dma_wait3A_53 = tpu.memref_squeeze %dma_wait3A_52 : memref<1x10000x128xf32, #tpu.memory_space<hbm>> -> memref<10000x128xf32, #tpu.memory_space<hbm>>
      %dma_wait3A_54 = arith.constant 0 : i32
      %dma_wait3A_55 = arith.constant 0 : i32
      %dma_wait3A_56 = tpu.memref_slice %dma_wait3A_53[%dma_wait3A_54, %dma_wait3A_55] : memref<10000x128xf32, #tpu.memory_space<hbm>> -> memref<10000x128xf32, #tpu.memory_space<hbm>>
      tpu.wait_indirect_dma semaphore(%arg12 : memref<!tpu.dma_semaphore, #tpu.memory_space<semaphore_mem>>) src(%dma_wait3A_56 : memref<10000x128xf32, #tpu.memory_space<hbm>>) dst(%arg9 : memref<128x128xf32, #tpu.memory_space<vmem>>)
      %run_scoped3A_57 = arith.constant 0 : i32
      %run_scoped3A_58 = arith.constant 0 : i32
      "tpu.region"() ({
        %run_scoped3A_442 = tpu.sem_alloc : memref<!tpu.dma_semaphore, #tpu.memory_space<semaphore_mem>>
        %dma_start3A_443 = arith.constant 0 : i32
        %dma_start3A_444 = tpu.memref_slice %arg8[%run_scoped3A_57, %run_scoped3A_58, %dma_start3A_443] : memref<2x8x128xi32, #tpu.memory_space<vmem>> -> memref<1x1x128xi32, #tpu.memory_space<vmem>>
        %dma_start3A_445 = tpu.memref_squeeze %dma_start3A_444 : memref<1x1x128xi32, #tpu.memory_space<vmem>> -> memref<128xi32, #tpu.memory_space<vmem>>
        %dma_start3A_446 = arith.constant 0 : i32
        %dma_start3A_447 = arith.constant 0 : i32
        %dma_start3A_448 = tpu.memref_slice %arg11[%dma_start3A_446, %dma_start3A_447] : memref<10112x128xf32, #tpu.memory_space<vmem_shared>> -> memref<10112x128xf32, #tpu.memory_space<vmem_shared>>
        tpu.enqueue_indirect_dma source(%arg9 : memref<128x128xf32, #tpu.memory_space<vmem>>) target(%dma_start3A_448 : memref<10112x128xf32, #tpu.memory_space<vmem_shared>>) offsets(%dma_start3A_445 : memref<128xi32, #tpu.memory_space<vmem>>) semaphore(%run_scoped3A_442 : memref<!tpu.dma_semaphore, #tpu.memory_space<semaphore_mem>>) {add = true}
        %dma_wait3A_449 = arith.constant 0 : i32
        %dma_wait3A_450 = tpu.memref_slice %arg8[%run_scoped3A_57, %run_scoped3A_58, %dma_wait3A_449] : memref<2x8x128xi32, #tpu.memory_space<vmem>> -> memref<1x1x128xi32, #tpu.memory_space<vmem>>
        %dma_wait3A_451 = tpu.memref_squeeze %dma_wait3A_450 : memref<1x1x128xi32, #tpu.memory_space<vmem>> -> memref<128xi32, #tpu.memory_space<vmem>>
        %dma_wait3A_452 = arith.constant 0 : i32
        %dma_wait3A_453 = arith.constant 0 : i32
        %dma_wait3A_454 = tpu.memref_slice %arg11[%dma_wait3A_452, %dma_wait3A_453] : memref<10112x128xf32, #tpu.memory_space<vmem_shared>> -> memref<10112x128xf32, #tpu.memory_space<vmem_shared>>
        tpu.wait_indirect_dma semaphore(%run_scoped3A_442 : memref<!tpu.dma_semaphore, #tpu.memory_space<semaphore_mem>>) src(%arg9 : memref<128x128xf32, #tpu.memory_space<vmem>>) dst(%dma_wait3A_454 : memref<10112x128xf32, #tpu.memory_space<vmem_shared>>)
        tpu.yield
      }) : () -> ()
      %dma_start3A_59 = arith.constant 0 : i32
      %dma_start3A_60 = arith.constant 2 : i32
      %dma_start3A_61 = arith.constant 0 : i32
      %dma_start3A_62 = tpu.memref_slice %arg7[%dma_start3A_59, %dma_start3A_60, %dma_start3A_61] : memref<2x8x128xi32, #tpu.memory_space<vmem>> -> memref<1x1x128xi32, #tpu.memory_space<vmem>>
      %dma_start3A_63 = tpu.memref_squeeze %dma_start3A_62 : memref<1x1x128xi32, #tpu.memory_space<vmem>> -> memref<128xi32, #tpu.memory_space<vmem>>
      %dma_start3A_64 = arith.constant 0 : i32
      %dma_start3A_65 = arith.constant 0 : i32
      %dma_start3A_66 = tpu.memref_slice %arg2[%arg0, %dma_start3A_64, %dma_start3A_65] : memref<2x10000x128xf32, #tpu.memory_space<hbm>> -> memref<1x10000x128xf32, #tpu.memory_space<hbm>>
      %dma_start3A_67 = tpu.memref_squeeze %dma_start3A_66 : memref<1x10000x128xf32, #tpu.memory_space<hbm>> -> memref<10000x128xf32, #tpu.memory_space<hbm>>
      %dma_start3A_68 = arith.constant 0 : i32
      %dma_start3A_69 = arith.constant 0 : i32
      %dma_start3A_70 = tpu.memref_slice %dma_start3A_67[%dma_start3A_68, %dma_start3A_69] : memref<10000x128xf32, #tpu.memory_space<hbm>> -> memref<10000x128xf32, #tpu.memory_space<hbm>>
      tpu.enqueue_indirect_dma source(%dma_start3A_70 : memref<10000x128xf32, #tpu.memory_space<hbm>>) target(%arg9 : memref<128x128xf32, #tpu.memory_space<vmem>>) offsets(%dma_start3A_63 : memref<128xi32, #tpu.memory_space<vmem>>) semaphore(%arg12 : memref<!tpu.dma_semaphore, #tpu.memory_space<semaphore_mem>>)
      %dma_wait3A_71 = arith.constant 0 : i32
      %dma_wait3A_72 = arith.constant 1 : i32
      %dma_wait3A_73 = arith.constant 0 : i32
      %dma_wait3A_74 = tpu.memref_slice %arg7[%dma_wait3A_71, %dma_wait3A_72, %dma_wait3A_73] : memref<2x8x128xi32, #tpu.memory_space<vmem>> -> memref<1x1x128xi32, #tpu.memory_space<vmem>>
      %dma_wait3A_75 = tpu.memref_squeeze %dma_wait3A_74 : memref<1x1x128xi32, #tpu.memory_space<vmem>> -> memref<128xi32, #tpu.memory_space<vmem>>
      %dma_wait3A_76 = arith.constant 0 : i32
      %dma_wait3A_77 = arith.constant 0 : i32
      %dma_wait3A_78 = tpu.memref_slice %arg2[%arg0, %dma_wait3A_76, %dma_wait3A_77] : memref<2x10000x128xf32, #tpu.memory_space<hbm>> -> memref<1x10000x128xf32, #tpu.memory_space<hbm>>
      %dma_wait3A_79 = tpu.memref_squeeze %dma_wait3A_78 : memref<1x10000x128xf32, #tpu.memory_space<hbm>> -> memref<10000x128xf32, #tpu.memory_space<hbm>>
      %dma_wait3A_80 = arith.constant 0 : i32
      %dma_wait3A_81 = arith.constant 0 : i32
      %dma_wait3A_82 = tpu.memref_slice %dma_wait3A_79[%dma_wait3A_80, %dma_wait3A_81] : memref<10000x128xf32, #tpu.memory_space<hbm>> -> memref<10000x128xf32, #tpu.memory_space<hbm>>
      tpu.wait_indirect_dma semaphore(%arg13 : memref<!tpu.dma_semaphore, #tpu.memory_space<semaphore_mem>>) src(%dma_wait3A_82 : memref<10000x128xf32, #tpu.memory_space<hbm>>) dst(%arg10 : memref<128x128xf32, #tpu.memory_space<vmem>>)
      %run_scoped3A_83 = arith.constant 0 : i32
      %run_scoped3A_84 = arith.constant 1 : i32
      "tpu.region"() ({
        %run_scoped3A_442 = tpu.sem_alloc : memref<!tpu.dma_semaphore, #tpu.memory_space<semaphore_mem>>
        %dma_start3A_443 = arith.constant 0 : i32
        %dma_start3A_444 = tpu.memref_slice %arg8[%run_scoped3A_83, %run_scoped3A_84, %dma_start3A_443] : memref<2x8x128xi32, #tpu.memory_space<vmem>> -> memref<1x1x128xi32, #tpu.memory_space<vmem>>
        %dma_start3A_445 = tpu.memref_squeeze %dma_start3A_444 : memref<1x1x128xi32, #tpu.memory_space<vmem>> -> memref<128xi32, #tpu.memory_space<vmem>>
        %dma_start3A_446 = arith.constant 0 : i32
        %dma_start3A_447 = arith.constant 0 : i32
        %dma_start3A_448 = tpu.memref_slice %arg11[%dma_start3A_446, %dma_start3A_447] : memref<10112x128xf32, #tpu.memory_space<vmem_shared>> -> memref<10112x128xf32, #tpu.memory_space<vmem_shared>>
        tpu.enqueue_indirect_dma source(%arg10 : memref<128x128xf32, #tpu.memory_space<vmem>>) target(%dma_start3A_448 : memref<10112x128xf32, #tpu.memory_space<vmem_shared>>) offsets(%dma_start3A_445 : memref<128xi32, #tpu.memory_space<vmem>>) semaphore(%run_scoped3A_442 : memref<!tpu.dma_semaphore, #tpu.memory_space<semaphore_mem>>) {add = true}
        %dma_wait3A_449 = arith.constant 0 : i32
        %dma_wait3A_450 = tpu.memref_slice %arg8[%run_scoped3A_83, %run_scoped3A_84, %dma_wait3A_449] : memref<2x8x128xi32, #tpu.memory_space<vmem>> -> memref<1x1x128xi32, #tpu.memory_space<vmem>>
        %dma_wait3A_451 = tpu.memref_squeeze %dma_wait3A_450 : memref<1x1x128xi32, #tpu.memory_space<vmem>> -> memref<128xi32, #tpu.memory_space<vmem>>
        %dma_wait3A_452 = arith.constant 0 : i32
        %dma_wait3A_453 = arith.constant 0 : i32
        %dma_wait3A_454 = tpu.memref_slice %arg11[%dma_wait3A_452, %dma_wait3A_453] : memref<10112x128xf32, #tpu.memory_space<vmem_shared>> -> memref<10112x128xf32, #tpu.memory_space<vmem_shared>>
        tpu.wait_indirect_dma semaphore(%run_scoped3A_442 : memref<!tpu.dma_semaphore, #tpu.memory_space<semaphore_mem>>) src(%arg10 : memref<128x128xf32, #tpu.memory_space<vmem>>) dst(%dma_wait3A_454 : memref<10112x128xf32, #tpu.memory_space<vmem_shared>>)
        tpu.yield
      }) : () -> ()
      %dma_start3A_85 = arith.constant 0 : i32
      %dma_start3A_86 = arith.constant 3 : i32
      %dma_start3A_87 = arith.constant 0 : i32
      %dma_start3A_88 = tpu.memref_slice %arg7[%dma_start3A_85, %dma_start3A_86, %dma_start3A_87] : memref<2x8x128xi32, #tpu.memory_space<vmem>> -> memref<1x1x128xi32, #tpu.memory_space<vmem>>
      %dma_start3A_89 = tpu.memref_squeeze %dma_start3A_88 : memref<1x1x128xi32, #tpu.memory_space<vmem>> -> memref<128xi32, #tpu.memory_space<vmem>>
      %dma_start3A_90 = arith.constant 0 : i32
      %dma_start3A_91 = arith.constant 0 : i32
      %dma_start3A_92 = tpu.memref_slice %arg2[%arg0, %dma_start3A_90, %dma_start3A_91] : memref<2x10000x128xf32, #tpu.memory_space<hbm>> -> memref<1x10000x128xf32, #tpu.memory_space<hbm>>
      %dma_start3A_93 = tpu.memref_squeeze %dma_start3A_92 : memref<1x10000x128xf32, #tpu.memory_space<hbm>> -> memref<10000x128xf32, #tpu.memory_space<hbm>>
      %dma_start3A_94 = arith.constant 0 : i32
      %dma_start3A_95 = arith.constant 0 : i32
      %dma_start3A_96 = tpu.memref_slice %dma_start3A_93[%dma_start3A_94, %dma_start3A_95] : memref<10000x128xf32, #tpu.memory_space<hbm>> -> memref<10000x128xf32, #tpu.memory_space<hbm>>
      tpu.enqueue_indirect_dma source(%dma_start3A_96 : memref<10000x128xf32, #tpu.memory_space<hbm>>) target(%arg10 : memref<128x128xf32, #tpu.memory_space<vmem>>) offsets(%dma_start3A_89 : memref<128xi32, #tpu.memory_space<vmem>>) semaphore(%arg13 : memref<!tpu.dma_semaphore, #tpu.memory_space<semaphore_mem>>)
      %dma_wait3A_97 = arith.constant 0 : i32
      %dma_wait3A_98 = arith.constant 2 : i32
      %dma_wait3A_99 = arith.constant 0 : i32
      %dma_wait3A_100 = tpu.memref_slice %arg7[%dma_wait3A_97, %dma_wait3A_98, %dma_wait3A_99] : memref<2x8x128xi32, #tpu.memory_space<vmem>> -> memref<1x1x128xi32, #tpu.memory_space<vmem>>
      %dma_wait3A_101 = tpu.memref_squeeze %dma_wait3A_100 : memref<1x1x128xi32, #tpu.memory_space<vmem>> -> memref<128xi32, #tpu.memory_space<vmem>>
      %dma_wait3A_102 = arith.constant 0 : i32
      %dma_wait3A_103 = arith.constant 0 : i32
      %dma_wait3A_104 = tpu.memref_slice %arg2[%arg0, %dma_wait3A_102, %dma_wait3A_103] : memref<2x10000x128xf32, #tpu.memory_space<hbm>> -> memref<1x10000x128xf32, #tpu.memory_space<hbm>>
      %dma_wait3A_105 = tpu.memref_squeeze %dma_wait3A_104 : memref<1x10000x128xf32, #tpu.memory_space<hbm>> -> memref<10000x128xf32, #tpu.memory_space<hbm>>
      %dma_wait3A_106 = arith.constant 0 : i32
      %dma_wait3A_107 = arith.constant 0 : i32
      %dma_wait3A_108 = tpu.memref_slice %dma_wait3A_105[%dma_wait3A_106, %dma_wait3A_107] : memref<10000x128xf32, #tpu.memory_space<hbm>> -> memref<10000x128xf32, #tpu.memory_space<hbm>>
      tpu.wait_indirect_dma semaphore(%arg12 : memref<!tpu.dma_semaphore, #tpu.memory_space<semaphore_mem>>) src(%dma_wait3A_108 : memref<10000x128xf32, #tpu.memory_space<hbm>>) dst(%arg9 : memref<128x128xf32, #tpu.memory_space<vmem>>)
      %run_scoped3A_109 = arith.constant 0 : i32
      %run_scoped3A_110 = arith.constant 2 : i32
      "tpu.region"() ({
        %run_scoped3A_442 = tpu.sem_alloc : memref<!tpu.dma_semaphore, #tpu.memory_space<semaphore_mem>>
        %dma_start3A_443 = arith.constant 0 : i32
        %dma_start3A_444 = tpu.memref_slice %arg8[%run_scoped3A_109, %run_scoped3A_110, %dma_start3A_443] : memref<2x8x128xi32, #tpu.memory_space<vmem>> -> memref<1x1x128xi32, #tpu.memory_space<vmem>>
        %dma_start3A_445 = tpu.memref_squeeze %dma_start3A_444 : memref<1x1x128xi32, #tpu.memory_space<vmem>> -> memref<128xi32, #tpu.memory_space<vmem>>
        %dma_start3A_446 = arith.constant 0 : i32
        %dma_start3A_447 = arith.constant 0 : i32
        %dma_start3A_448 = tpu.memref_slice %arg11[%dma_start3A_446, %dma_start3A_447] : memref<10112x128xf32, #tpu.memory_space<vmem_shared>> -> memref<10112x128xf32, #tpu.memory_space<vmem_shared>>
        tpu.enqueue_indirect_dma source(%arg9 : memref<128x128xf32, #tpu.memory_space<vmem>>) target(%dma_start3A_448 : memref<10112x128xf32, #tpu.memory_space<vmem_shared>>) offsets(%dma_start3A_445 : memref<128xi32, #tpu.memory_space<vmem>>) semaphore(%run_scoped3A_442 : memref<!tpu.dma_semaphore, #tpu.memory_space<semaphore_mem>>) {add = true}
        %dma_wait3A_449 = arith.constant 0 : i32
        %dma_wait3A_450 = tpu.memref_slice %arg8[%run_scoped3A_109, %run_scoped3A_110, %dma_wait3A_449] : memref<2x8x128xi32, #tpu.memory_space<vmem>> -> memref<1x1x128xi32, #tpu.memory_space<vmem>>
        %dma_wait3A_451 = tpu.memref_squeeze %dma_wait3A_450 : memref<1x1x128xi32, #tpu.memory_space<vmem>> -> memref<128xi32, #tpu.memory_space<vmem>>
        %dma_wait3A_452 = arith.constant 0 : i32
        %dma_wait3A_453 = arith.constant 0 : i32
        %dma_wait3A_454 = tpu.memref_slice %arg11[%dma_wait3A_452, %dma_wait3A_453] : memref<10112x128xf32, #tpu.memory_space<vmem_shared>> -> memref<10112x128xf32, #tpu.memory_space<vmem_shared>>
        tpu.wait_indirect_dma semaphore(%run_scoped3A_442 : memref<!tpu.dma_semaphore, #tpu.memory_space<semaphore_mem>>) src(%arg9 : memref<128x128xf32, #tpu.memory_space<vmem>>) dst(%dma_wait3A_454 : memref<10112x128xf32, #tpu.memory_space<vmem_shared>>)
        tpu.yield
      }) : () -> ()
      %dma_start3A_111 = arith.constant 0 : i32
      %dma_start3A_112 = arith.constant 4 : i32
      %dma_start3A_113 = arith.constant 0 : i32
      %dma_start3A_114 = tpu.memref_slice %arg7[%dma_start3A_111, %dma_start3A_112, %dma_start3A_113] : memref<2x8x128xi32, #tpu.memory_space<vmem>> -> memref<1x1x128xi32, #tpu.memory_space<vmem>>
      %dma_start3A_115 = tpu.memref_squeeze %dma_start3A_114 : memref<1x1x128xi32, #tpu.memory_space<vmem>> -> memref<128xi32, #tpu.memory_space<vmem>>
      %dma_start3A_116 = arith.constant 0 : i32
      %dma_start3A_117 = arith.constant 0 : i32
      %dma_start3A_118 = tpu.memref_slice %arg2[%arg0, %dma_start3A_116, %dma_start3A_117] : memref<2x10000x128xf32, #tpu.memory_space<hbm>> -> memref<1x10000x128xf32, #tpu.memory_space<hbm>>
      %dma_start3A_119 = tpu.memref_squeeze %dma_start3A_118 : memref<1x10000x128xf32, #tpu.memory_space<hbm>> -> memref<10000x128xf32, #tpu.memory_space<hbm>>
      %dma_start3A_120 = arith.constant 0 : i32
      %dma_start3A_121 = arith.constant 0 : i32
      %dma_start3A_122 = tpu.memref_slice %dma_start3A_119[%dma_start3A_120, %dma_start3A_121] : memref<10000x128xf32, #tpu.memory_space<hbm>> -> memref<10000x128xf32, #tpu.memory_space<hbm>>
      tpu.enqueue_indirect_dma source(%dma_start3A_122 : memref<10000x128xf32, #tpu.memory_space<hbm>>) target(%arg9 : memref<128x128xf32, #tpu.memory_space<vmem>>) offsets(%dma_start3A_115 : memref<128xi32, #tpu.memory_space<vmem>>) semaphore(%arg12 : memref<!tpu.dma_semaphore, #tpu.memory_space<semaphore_mem>>)
      %dma_wait3A_123 = arith.constant 0 : i32
      %dma_wait3A_124 = arith.constant 3 : i32
      %dma_wait3A_125 = arith.constant 0 : i32
      %dma_wait3A_126 = tpu.memref_slice %arg7[%dma_wait3A_123, %dma_wait3A_124, %dma_wait3A_125] : memref<2x8x128xi32, #tpu.memory_space<vmem>> -> memref<1x1x128xi32, #tpu.memory_space<vmem>>
      %dma_wait3A_127 = tpu.memref_squeeze %dma_wait3A_126 : memref<1x1x128xi32, #tpu.memory_space<vmem>> -> memref<128xi32, #tpu.memory_space<vmem>>
      %dma_wait3A_128 = arith.constant 0 : i32
      %dma_wait3A_129 = arith.constant 0 : i32
      %dma_wait3A_130 = tpu.memref_slice %arg2[%arg0, %dma_wait3A_128, %dma_wait3A_129] : memref<2x10000x128xf32, #tpu.memory_space<hbm>> -> memref<1x10000x128xf32, #tpu.memory_space<hbm>>
      %dma_wait3A_131 = tpu.memref_squeeze %dma_wait3A_130 : memref<1x10000x128xf32, #tpu.memory_space<hbm>> -> memref<10000x128xf32, #tpu.memory_space<hbm>>
      %dma_wait3A_132 = arith.constant 0 : i32
      %dma_wait3A_133 = arith.constant 0 : i32
      %dma_wait3A_134 = tpu.memref_slice %dma_wait3A_131[%dma_wait3A_132, %dma_wait3A_133] : memref<10000x128xf32, #tpu.memory_space<hbm>> -> memref<10000x128xf32, #tpu.memory_space<hbm>>
      tpu.wait_indirect_dma semaphore(%arg13 : memref<!tpu.dma_semaphore, #tpu.memory_space<semaphore_mem>>) src(%dma_wait3A_134 : memref<10000x128xf32, #tpu.memory_space<hbm>>) dst(%arg10 : memref<128x128xf32, #tpu.memory_space<vmem>>)
      %run_scoped3A_135 = arith.constant 0 : i32
      %run_scoped3A_136 = arith.constant 3 : i32
      "tpu.region"() ({
        %run_scoped3A_442 = tpu.sem_alloc : memref<!tpu.dma_semaphore, #tpu.memory_space<semaphore_mem>>
        %dma_start3A_443 = arith.constant 0 : i32
        %dma_start3A_444 = tpu.memref_slice %arg8[%run_scoped3A_135, %run_scoped3A_136, %dma_start3A_443] : memref<2x8x128xi32, #tpu.memory_space<vmem>> -> memref<1x1x128xi32, #tpu.memory_space<vmem>>
        %dma_start3A_445 = tpu.memref_squeeze %dma_start3A_444 : memref<1x1x128xi32, #tpu.memory_space<vmem>> -> memref<128xi32, #tpu.memory_space<vmem>>
        %dma_start3A_446 = arith.constant 0 : i32
        %dma_start3A_447 = arith.constant 0 : i32
        %dma_start3A_448 = tpu.memref_slice %arg11[%dma_start3A_446, %dma_start3A_447] : memref<10112x128xf32, #tpu.memory_space<vmem_shared>> -> memref<10112x128xf32, #tpu.memory_space<vmem_shared>>
        tpu.enqueue_indirect_dma source(%arg10 : memref<128x128xf32, #tpu.memory_space<vmem>>) target(%dma_start3A_448 : memref<10112x128xf32, #tpu.memory_space<vmem_shared>>) offsets(%dma_start3A_445 : memref<128xi32, #tpu.memory_space<vmem>>) semaphore(%run_scoped3A_442 : memref<!tpu.dma_semaphore, #tpu.memory_space<semaphore_mem>>) {add = true}
        %dma_wait3A_449 = arith.constant 0 : i32
        %dma_wait3A_450 = tpu.memref_slice %arg8[%run_scoped3A_135, %run_scoped3A_136, %dma_wait3A_449] : memref<2x8x128xi32, #tpu.memory_space<vmem>> -> memref<1x1x128xi32, #tpu.memory_space<vmem>>
        %dma_wait3A_451 = tpu.memref_squeeze %dma_wait3A_450 : memref<1x1x128xi32, #tpu.memory_space<vmem>> -> memref<128xi32, #tpu.memory_space<vmem>>
        %dma_wait3A_452 = arith.constant 0 : i32
        %dma_wait3A_453 = arith.constant 0 : i32
        %dma_wait3A_454 = tpu.memref_slice %arg11[%dma_wait3A_452, %dma_wait3A_453] : memref<10112x128xf32, #tpu.memory_space<vmem_shared>> -> memref<10112x128xf32, #tpu.memory_space<vmem_shared>>
        tpu.wait_indirect_dma semaphore(%run_scoped3A_442 : memref<!tpu.dma_semaphore, #tpu.memory_space<semaphore_mem>>) src(%arg10 : memref<128x128xf32, #tpu.memory_space<vmem>>) dst(%dma_wait3A_454 : memref<10112x128xf32, #tpu.memory_space<vmem_shared>>)
        tpu.yield
      }) : () -> ()
      %dma_start3A_137 = arith.constant 0 : i32
      %dma_start3A_138 = arith.constant 5 : i32
      %dma_start3A_139 = arith.constant 0 : i32
      %dma_start3A_140 = tpu.memref_slice %arg7[%dma_start3A_137, %dma_start3A_138, %dma_start3A_139] : memref<2x8x128xi32, #tpu.memory_space<vmem>> -> memref<1x1x128xi32, #tpu.memory_space<vmem>>
      %dma_start3A_141 = tpu.memref_squeeze %dma_start3A_140 : memref<1x1x128xi32, #tpu.memory_space<vmem>> -> memref<128xi32, #tpu.memory_space<vmem>>
      %dma_start3A_142 = arith.constant 0 : i32
      %dma_start3A_143 = arith.constant 0 : i32
      %dma_start3A_144 = tpu.memref_slice %arg2[%arg0, %dma_start3A_142, %dma_start3A_143] : memref<2x10000x128xf32, #tpu.memory_space<hbm>> -> memref<1x10000x128xf32, #tpu.memory_space<hbm>>
      %dma_start3A_145 = tpu.memref_squeeze %dma_start3A_144 : memref<1x10000x128xf32, #tpu.memory_space<hbm>> -> memref<10000x128xf32, #tpu.memory_space<hbm>>
      %dma_start3A_146 = arith.constant 0 : i32
      %dma_start3A_147 = arith.constant 0 : i32
      %dma_start3A_148 = tpu.memref_slice %dma_start3A_145[%dma_start3A_146, %dma_start3A_147] : memref<10000x128xf32, #tpu.memory_space<hbm>> -> memref<10000x128xf32, #tpu.memory_space<hbm>>
      tpu.enqueue_indirect_dma source(%dma_start3A_148 : memref<10000x128xf32, #tpu.memory_space<hbm>>) target(%arg10 : memref<128x128xf32, #tpu.memory_space<vmem>>) offsets(%dma_start3A_141 : memref<128xi32, #tpu.memory_space<vmem>>) semaphore(%arg13 : memref<!tpu.dma_semaphore, #tpu.memory_space<semaphore_mem>>)
      %dma_wait3A_149 = arith.constant 0 : i32
      %dma_wait3A_150 = arith.constant 4 : i32
      %dma_wait3A_151 = arith.constant 0 : i32
      %dma_wait3A_152 = tpu.memref_slice %arg7[%dma_wait3A_149, %dma_wait3A_150, %dma_wait3A_151] : memref<2x8x128xi32, #tpu.memory_space<vmem>> -> memref<1x1x128xi32, #tpu.memory_space<vmem>>
      %dma_wait3A_153 = tpu.memref_squeeze %dma_wait3A_152 : memref<1x1x128xi32, #tpu.memory_space<vmem>> -> memref<128xi32, #tpu.memory_space<vmem>>
      %dma_wait3A_154 = arith.constant 0 : i32
      %dma_wait3A_155 = arith.constant 0 : i32
      %dma_wait3A_156 = tpu.memref_slice %arg2[%arg0, %dma_wait3A_154, %dma_wait3A_155] : memref<2x10000x128xf32, #tpu.memory_space<hbm>> -> memref<1x10000x128xf32, #tpu.memory_space<hbm>>
      %dma_wait3A_157 = tpu.memref_squeeze %dma_wait3A_156 : memref<1x10000x128xf32, #tpu.memory_space<hbm>> -> memref<10000x128xf32, #tpu.memory_space<hbm>>
      %dma_wait3A_158 = arith.constant 0 : i32
      %dma_wait3A_159 = arith.constant 0 : i32
      %dma_wait3A_160 = tpu.memref_slice %dma_wait3A_157[%dma_wait3A_158, %dma_wait3A_159] : memref<10000x128xf32, #tpu.memory_space<hbm>> -> memref<10000x128xf32, #tpu.memory_space<hbm>>
      tpu.wait_indirect_dma semaphore(%arg12 : memref<!tpu.dma_semaphore, #tpu.memory_space<semaphore_mem>>) src(%dma_wait3A_160 : memref<10000x128xf32, #tpu.memory_space<hbm>>) dst(%arg9 : memref<128x128xf32, #tpu.memory_space<vmem>>)
      %run_scoped3A_161 = arith.constant 0 : i32
      %run_scoped3A_162 = arith.constant 4 : i32
      "tpu.region"() ({
        %run_scoped3A_442 = tpu.sem_alloc : memref<!tpu.dma_semaphore, #tpu.memory_space<semaphore_mem>>
        %dma_start3A_443 = arith.constant 0 : i32
        %dma_start3A_444 = tpu.memref_slice %arg8[%run_scoped3A_161, %run_scoped3A_162, %dma_start3A_443] : memref<2x8x128xi32, #tpu.memory_space<vmem>> -> memref<1x1x128xi32, #tpu.memory_space<vmem>>
        %dma_start3A_445 = tpu.memref_squeeze %dma_start3A_444 : memref<1x1x128xi32, #tpu.memory_space<vmem>> -> memref<128xi32, #tpu.memory_space<vmem>>
        %dma_start3A_446 = arith.constant 0 : i32
        %dma_start3A_447 = arith.constant 0 : i32
        %dma_start3A_448 = tpu.memref_slice %arg11[%dma_start3A_446, %dma_start3A_447] : memref<10112x128xf32, #tpu.memory_space<vmem_shared>> -> memref<10112x128xf32, #tpu.memory_space<vmem_shared>>
        tpu.enqueue_indirect_dma source(%arg9 : memref<128x128xf32, #tpu.memory_space<vmem>>) target(%dma_start3A_448 : memref<10112x128xf32, #tpu.memory_space<vmem_shared>>) offsets(%dma_start3A_445 : memref<128xi32, #tpu.memory_space<vmem>>) semaphore(%run_scoped3A_442 : memref<!tpu.dma_semaphore, #tpu.memory_space<semaphore_mem>>) {add = true}
        %dma_wait3A_449 = arith.constant 0 : i32
        %dma_wait3A_450 = tpu.memref_slice %arg8[%run_scoped3A_161, %run_scoped3A_162, %dma_wait3A_449] : memref<2x8x128xi32, #tpu.memory_space<vmem>> -> memref<1x1x128xi32, #tpu.memory_space<vmem>>
        %dma_wait3A_451 = tpu.memref_squeeze %dma_wait3A_450 : memref<1x1x128xi32, #tpu.memory_space<vmem>> -> memref<128xi32, #tpu.memory_space<vmem>>
        %dma_wait3A_452 = arith.constant 0 : i32
        %dma_wait3A_453 = arith.constant 0 : i32
        %dma_wait3A_454 = tpu.memref_slice %arg11[%dma_wait3A_452, %dma_wait3A_453] : memref<10112x128xf32, #tpu.memory_space<vmem_shared>> -> memref<10112x128xf32, #tpu.memory_space<vmem_shared>>
        tpu.wait_indirect_dma semaphore(%run_scoped3A_442 : memref<!tpu.dma_semaphore, #tpu.memory_space<semaphore_mem>>) src(%arg9 : memref<128x128xf32, #tpu.memory_space<vmem>>) dst(%dma_wait3A_454 : memref<10112x128xf32, #tpu.memory_space<vmem_shared>>)
        tpu.yield
      }) : () -> ()
      %dma_start3A_163 = arith.constant 0 : i32
      %dma_start3A_164 = arith.constant 6 : i32
      %dma_start3A_165 = arith.constant 0 : i32
      %dma_start3A_166 = tpu.memref_slice %arg7[%dma_start3A_163, %dma_start3A_164, %dma_start3A_165] : memref<2x8x128xi32, #tpu.memory_space<vmem>> -> memref<1x1x128xi32, #tpu.memory_space<vmem>>
      %dma_start3A_167 = tpu.memref_squeeze %dma_start3A_166 : memref<1x1x128xi32, #tpu.memory_space<vmem>> -> memref<128xi32, #tpu.memory_space<vmem>>
      %dma_start3A_168 = arith.constant 0 : i32
      %dma_start3A_169 = arith.constant 0 : i32
      %dma_start3A_170 = tpu.memref_slice %arg2[%arg0, %dma_start3A_168, %dma_start3A_169] : memref<2x10000x128xf32, #tpu.memory_space<hbm>> -> memref<1x10000x128xf32, #tpu.memory_space<hbm>>
      %dma_start3A_171 = tpu.memref_squeeze %dma_start3A_170 : memref<1x10000x128xf32, #tpu.memory_space<hbm>> -> memref<10000x128xf32, #tpu.memory_space<hbm>>
      %dma_start3A_172 = arith.constant 0 : i32
      %dma_start3A_173 = arith.constant 0 : i32
      %dma_start3A_174 = tpu.memref_slice %dma_start3A_171[%dma_start3A_172, %dma_start3A_173] : memref<10000x128xf32, #tpu.memory_space<hbm>> -> memref<10000x128xf32, #tpu.memory_space<hbm>>
      tpu.enqueue_indirect_dma source(%dma_start3A_174 : memref<10000x128xf32, #tpu.memory_space<hbm>>) target(%arg9 : memref<128x128xf32, #tpu.memory_space<vmem>>) offsets(%dma_start3A_167 : memref<128xi32, #tpu.memory_space<vmem>>) semaphore(%arg12 : memref<!tpu.dma_semaphore, #tpu.memory_space<semaphore_mem>>)
      %dma_wait3A_175 = arith.constant 0 : i32
      %dma_wait3A_176 = arith.constant 5 : i32
      %dma_wait3A_177 = arith.constant 0 : i32
      %dma_wait3A_178 = tpu.memref_slice %arg7[%dma_wait3A_175, %dma_wait3A_176, %dma_wait3A_177] : memref<2x8x128xi32, #tpu.memory_space<vmem>> -> memref<1x1x128xi32, #tpu.memory_space<vmem>>
      %dma_wait3A_179 = tpu.memref_squeeze %dma_wait3A_178 : memref<1x1x128xi32, #tpu.memory_space<vmem>> -> memref<128xi32, #tpu.memory_space<vmem>>
      %dma_wait3A_180 = arith.constant 0 : i32
      %dma_wait3A_181 = arith.constant 0 : i32
      %dma_wait3A_182 = tpu.memref_slice %arg2[%arg0, %dma_wait3A_180, %dma_wait3A_181] : memref<2x10000x128xf32, #tpu.memory_space<hbm>> -> memref<1x10000x128xf32, #tpu.memory_space<hbm>>
      %dma_wait3A_183 = tpu.memref_squeeze %dma_wait3A_182 : memref<1x10000x128xf32, #tpu.memory_space<hbm>> -> memref<10000x128xf32, #tpu.memory_space<hbm>>
      %dma_wait3A_184 = arith.constant 0 : i32
      %dma_wait3A_185 = arith.constant 0 : i32
      %dma_wait3A_186 = tpu.memref_slice %dma_wait3A_183[%dma_wait3A_184, %dma_wait3A_185] : memref<10000x128xf32, #tpu.memory_space<hbm>> -> memref<10000x128xf32, #tpu.memory_space<hbm>>
      tpu.wait_indirect_dma semaphore(%arg13 : memref<!tpu.dma_semaphore, #tpu.memory_space<semaphore_mem>>) src(%dma_wait3A_186 : memref<10000x128xf32, #tpu.memory_space<hbm>>) dst(%arg10 : memref<128x128xf32, #tpu.memory_space<vmem>>)
      %run_scoped3A_187 = arith.constant 0 : i32
      %run_scoped3A_188 = arith.constant 5 : i32
      "tpu.region"() ({
        %run_scoped3A_442 = tpu.sem_alloc : memref<!tpu.dma_semaphore, #tpu.memory_space<semaphore_mem>>
        %dma_start3A_443 = arith.constant 0 : i32
        %dma_start3A_444 = tpu.memref_slice %arg8[%run_scoped3A_187, %run_scoped3A_188, %dma_start3A_443] : memref<2x8x128xi32, #tpu.memory_space<vmem>> -> memref<1x1x128xi32, #tpu.memory_space<vmem>>
        %dma_start3A_445 = tpu.memref_squeeze %dma_start3A_444 : memref<1x1x128xi32, #tpu.memory_space<vmem>> -> memref<128xi32, #tpu.memory_space<vmem>>
        %dma_start3A_446 = arith.constant 0 : i32
        %dma_start3A_447 = arith.constant 0 : i32
        %dma_start3A_448 = tpu.memref_slice %arg11[%dma_start3A_446, %dma_start3A_447] : memref<10112x128xf32, #tpu.memory_space<vmem_shared>> -> memref<10112x128xf32, #tpu.memory_space<vmem_shared>>
        tpu.enqueue_indirect_dma source(%arg10 : memref<128x128xf32, #tpu.memory_space<vmem>>) target(%dma_start3A_448 : memref<10112x128xf32, #tpu.memory_space<vmem_shared>>) offsets(%dma_start3A_445 : memref<128xi32, #tpu.memory_space<vmem>>) semaphore(%run_scoped3A_442 : memref<!tpu.dma_semaphore, #tpu.memory_space<semaphore_mem>>) {add = true}
        %dma_wait3A_449 = arith.constant 0 : i32
        %dma_wait3A_450 = tpu.memref_slice %arg8[%run_scoped3A_187, %run_scoped3A_188, %dma_wait3A_449] : memref<2x8x128xi32, #tpu.memory_space<vmem>> -> memref<1x1x128xi32, #tpu.memory_space<vmem>>
        %dma_wait3A_451 = tpu.memref_squeeze %dma_wait3A_450 : memref<1x1x128xi32, #tpu.memory_space<vmem>> -> memref<128xi32, #tpu.memory_space<vmem>>
        %dma_wait3A_452 = arith.constant 0 : i32
        %dma_wait3A_453 = arith.constant 0 : i32
        %dma_wait3A_454 = tpu.memref_slice %arg11[%dma_wait3A_452, %dma_wait3A_453] : memref<10112x128xf32, #tpu.memory_space<vmem_shared>> -> memref<10112x128xf32, #tpu.memory_space<vmem_shared>>
        tpu.wait_indirect_dma semaphore(%run_scoped3A_442 : memref<!tpu.dma_semaphore, #tpu.memory_space<semaphore_mem>>) src(%arg10 : memref<128x128xf32, #tpu.memory_space<vmem>>) dst(%dma_wait3A_454 : memref<10112x128xf32, #tpu.memory_space<vmem_shared>>)
        tpu.yield
      }) : () -> ()
      %dma_start3A_189 = arith.constant 0 : i32
      %dma_start3A_190 = arith.constant 7 : i32
      %dma_start3A_191 = arith.constant 0 : i32
      %dma_start3A_192 = tpu.memref_slice %arg7[%dma_start3A_189, %dma_start3A_190, %dma_start3A_191] : memref<2x8x128xi32, #tpu.memory_space<vmem>> -> memref<1x1x128xi32, #tpu.memory_space<vmem>>
      %dma_start3A_193 = tpu.memref_squeeze %dma_start3A_192 : memref<1x1x128xi32, #tpu.memory_space<vmem>> -> memref<128xi32, #tpu.memory_space<vmem>>
      %dma_start3A_194 = arith.constant 0 : i32
      %dma_start3A_195 = arith.constant 0 : i32
      %dma_start3A_196 = tpu.memref_slice %arg2[%arg0, %dma_start3A_194, %dma_start3A_195] : memref<2x10000x128xf32, #tpu.memory_space<hbm>> -> memref<1x10000x128xf32, #tpu.memory_space<hbm>>
      %dma_start3A_197 = tpu.memref_squeeze %dma_start3A_196 : memref<1x10000x128xf32, #tpu.memory_space<hbm>> -> memref<10000x128xf32, #tpu.memory_space<hbm>>
      %dma_start3A_198 = arith.constant 0 : i32
      %dma_start3A_199 = arith.constant 0 : i32
      %dma_start3A_200 = tpu.memref_slice %dma_start3A_197[%dma_start3A_198, %dma_start3A_199] : memref<10000x128xf32, #tpu.memory_space<hbm>> -> memref<10000x128xf32, #tpu.memory_space<hbm>>
      tpu.enqueue_indirect_dma source(%dma_start3A_200 : memref<10000x128xf32, #tpu.memory_space<hbm>>) target(%arg10 : memref<128x128xf32, #tpu.memory_space<vmem>>) offsets(%dma_start3A_193 : memref<128xi32, #tpu.memory_space<vmem>>) semaphore(%arg13 : memref<!tpu.dma_semaphore, #tpu.memory_space<semaphore_mem>>)
      %convert_element_type3A_201 = arith.extui %lt3A_44 : i1 to i32
      %cond3A_202 = arith.constant 0 : i32
      %cond3A_203 = arith.cmpi ne, %convert_element_type3A_201, %cond3A_202 : i32
      scf.if %cond3A_203 {
        %add3A_442 = arith.constant 1 : i32
        %add3A_443 = arith.addi %mul3A_41, %add3A_442 : i32
        %mul3A_444 = arith.constant 8 : i32
        %mul3A_445 = arith.muli %add3A_443, %mul3A_444 : i32
        %dma_wait3A_446 = arith.constant 1 : i32
        %dma_wait3A_447 = arith.constant 0 : i32
        %dma_wait3A_448 = arith.constant 0 : i32
        %dma_wait3A_449 = tpu.memref_slice %arg7[%dma_wait3A_446, %dma_wait3A_447, %dma_wait3A_448] : memref<2x8x128xi32, #tpu.memory_space<vmem>> -> memref<1x8x128xi32, #tpu.memory_space<vmem>>
        %dma_wait3A_450 = tpu.memref_squeeze %dma_wait3A_449 : memref<1x8x128xi32, #tpu.memory_space<vmem>> -> memref<8x128xi32, #tpu.memory_space<vmem>>
        %dma_wait3A_451 = arith.constant 0 : i32
        %dma_wait3A_452 = tpu.memref_slice %arg3[%add3A, %mul3A_445, %dma_wait3A_451] : memref<32x80x128xi32, #tpu.memory_space<hbm>> -> memref<1x8x128xi32, #tpu.memory_space<hbm>>
        %dma_wait3A_453 = tpu.memref_squeeze %dma_wait3A_452 : memref<1x8x128xi32, #tpu.memory_space<hbm>> -> memref<8x128xi32, #tpu.memory_space<hbm>>
        %dma_wait3A_454 = arith.constant 0 : i32
        %dma_wait3A_455 = arith.constant 0 : i32
        %dma_wait3A_456 = tpu.memref_slice %arg7[%dma_wait3A_446, %dma_wait3A_454, %dma_wait3A_455] : memref<2x8x128xi32, #tpu.memory_space<vmem>> -> memref<1x8x128xi32, #tpu.memory_space<vmem>>
        %dma_wait3A_457 = tpu.memref_squeeze %dma_wait3A_456 : memref<1x8x128xi32, #tpu.memory_space<vmem>> -> memref<8x128xi32, #tpu.memory_space<vmem>>
        %dma_wait3A_458 = arith.constant 0 : i32
        %dma_wait3A_459 = tpu.memref_slice %arg3[%add3A, %mul3A_445, %dma_wait3A_458] : memref<32x80x128xi32, #tpu.memory_space<hbm>> -> memref<1x8x128xi32, #tpu.memory_space<hbm>>
        %dma_wait3A_460 = tpu.memref_squeeze %dma_wait3A_459 : memref<1x8x128xi32, #tpu.memory_space<hbm>> -> memref<8x128xi32, #tpu.memory_space<hbm>>
        tpu.wait_dma2 semaphore(%arg14 : memref<!tpu.dma_semaphore, #tpu.memory_space<semaphore_mem>>) src(%dma_wait3A_460 : memref<8x128xi32, #tpu.memory_space<hbm>>) dst(%dma_wait3A_457 : memref<8x128xi32, #tpu.memory_space<vmem>>)
        %add3A_461 = arith.constant 1 : i32
        %add3A_462 = arith.addi %mul3A_41, %add3A_461 : i32
        %mul3A_463 = arith.constant 8 : i32
        %mul3A_464 = arith.muli %add3A_462, %mul3A_463 : i32
        %dma_wait3A_465 = arith.constant 1 : i32
        %dma_wait3A_466 = arith.constant 0 : i32
        %dma_wait3A_467 = arith.constant 0 : i32
        %dma_wait3A_468 = tpu.memref_slice %arg8[%dma_wait3A_465, %dma_wait3A_466, %dma_wait3A_467] : memref<2x8x128xi32, #tpu.memory_space<vmem>> -> memref<1x8x128xi32, #tpu.memory_space<vmem>>
        %dma_wait3A_469 = tpu.memref_squeeze %dma_wait3A_468 : memref<1x8x128xi32, #tpu.memory_space<vmem>> -> memref<8x128xi32, #tpu.memory_space<vmem>>
        %dma_wait3A_470 = arith.constant 0 : i32
        %dma_wait3A_471 = tpu.memref_slice %arg4[%add3A, %mul3A_464, %dma_wait3A_470] : memref<32x80x128xi32, #tpu.memory_space<hbm>> -> memref<1x8x128xi32, #tpu.memory_space<hbm>>
        %dma_wait3A_472 = tpu.memref_squeeze %dma_wait3A_471 : memref<1x8x128xi32, #tpu.memory_space<hbm>> -> memref<8x128xi32, #tpu.memory_space<hbm>>
        %dma_wait3A_473 = arith.constant 0 : i32
        %dma_wait3A_474 = arith.constant 0 : i32
        %dma_wait3A_475 = tpu.memref_slice %arg8[%dma_wait3A_465, %dma_wait3A_473, %dma_wait3A_474] : memref<2x8x128xi32, #tpu.memory_space<vmem>> -> memref<1x8x128xi32, #tpu.memory_space<vmem>>
        %dma_wait3A_476 = tpu.memref_squeeze %dma_wait3A_475 : memref<1x8x128xi32, #tpu.memory_space<vmem>> -> memref<8x128xi32, #tpu.memory_space<vmem>>
        %dma_wait3A_477 = arith.constant 0 : i32
        %dma_wait3A_478 = tpu.memref_slice %arg4[%add3A, %mul3A_464, %dma_wait3A_477] : memref<32x80x128xi32, #tpu.memory_space<hbm>> -> memref<1x8x128xi32, #tpu.memory_space<hbm>>
        %dma_wait3A_479 = tpu.memref_squeeze %dma_wait3A_478 : memref<1x8x128xi32, #tpu.memory_space<hbm>> -> memref<8x128xi32, #tpu.memory_space<hbm>>
        tpu.wait_dma2 semaphore(%arg15 : memref<!tpu.dma_semaphore, #tpu.memory_space<semaphore_mem>>) src(%dma_wait3A_479 : memref<8x128xi32, #tpu.memory_space<hbm>>) dst(%dma_wait3A_476 : memref<8x128xi32, #tpu.memory_space<vmem>>)
      } else {
      }
      %dma_wait3A_204 = arith.constant 0 : i32
      %dma_wait3A_205 = arith.constant 6 : i32
      %dma_wait3A_206 = arith.constant 0 : i32
      %dma_wait3A_207 = tpu.memref_slice %arg7[%dma_wait3A_204, %dma_wait3A_205, %dma_wait3A_206] : memref<2x8x128xi32, #tpu.memory_space<vmem>> -> memref<1x1x128xi32, #tpu.memory_space<vmem>>
      %dma_wait3A_208 = tpu.memref_squeeze %dma_wait3A_207 : memref<1x1x128xi32, #tpu.memory_space<vmem>> -> memref<128xi32, #tpu.memory_space<vmem>>
      %dma_wait3A_209 = arith.constant 0 : i32
      %dma_wait3A_210 = arith.constant 0 : i32
      %dma_wait3A_211 = tpu.memref_slice %arg2[%arg0, %dma_wait3A_209, %dma_wait3A_210] : memref<2x10000x128xf32, #tpu.memory_space<hbm>> -> memref<1x10000x128xf32, #tpu.memory_space<hbm>>
      %dma_wait3A_212 = tpu.memref_squeeze %dma_wait3A_211 : memref<1x10000x128xf32, #tpu.memory_space<hbm>> -> memref<10000x128xf32, #tpu.memory_space<hbm>>
      %dma_wait3A_213 = arith.constant 0 : i32
      %dma_wait3A_214 = arith.constant 0 : i32
      %dma_wait3A_215 = tpu.memref_slice %dma_wait3A_212[%dma_wait3A_213, %dma_wait3A_214] : memref<10000x128xf32, #tpu.memory_space<hbm>> -> memref<10000x128xf32, #tpu.memory_space<hbm>>
      tpu.wait_indirect_dma semaphore(%arg12 : memref<!tpu.dma_semaphore, #tpu.memory_space<semaphore_mem>>) src(%dma_wait3A_215 : memref<10000x128xf32, #tpu.memory_space<hbm>>) dst(%arg9 : memref<128x128xf32, #tpu.memory_space<vmem>>)
      %run_scoped3A_216 = arith.constant 0 : i32
      %run_scoped3A_217 = arith.constant 6 : i32
      "tpu.region"() ({
        %run_scoped3A_442 = tpu.sem_alloc : memref<!tpu.dma_semaphore, #tpu.memory_space<semaphore_mem>>
        %dma_start3A_443 = arith.constant 0 : i32
        %dma_start3A_444 = tpu.memref_slice %arg8[%run_scoped3A_216, %run_scoped3A_217, %dma_start3A_443] : memref<2x8x128xi32, #tpu.memory_space<vmem>> -> memref<1x1x128xi32, #tpu.memory_space<vmem>>
        %dma_start3A_445 = tpu.memref_squeeze %dma_start3A_444 : memref<1x1x128xi32, #tpu.memory_space<vmem>> -> memref<128xi32, #tpu.memory_space<vmem>>
        %dma_start3A_446 = arith.constant 0 : i32
        %dma_start3A_447 = arith.constant 0 : i32
        %dma_start3A_448 = tpu.memref_slice %arg11[%dma_start3A_446, %dma_start3A_447] : memref<10112x128xf32, #tpu.memory_space<vmem_shared>> -> memref<10112x128xf32, #tpu.memory_space<vmem_shared>>
        tpu.enqueue_indirect_dma source(%arg9 : memref<128x128xf32, #tpu.memory_space<vmem>>) target(%dma_start3A_448 : memref<10112x128xf32, #tpu.memory_space<vmem_shared>>) offsets(%dma_start3A_445 : memref<128xi32, #tpu.memory_space<vmem>>) semaphore(%run_scoped3A_442 : memref<!tpu.dma_semaphore, #tpu.memory_space<semaphore_mem>>) {add = true}
        %dma_wait3A_449 = arith.constant 0 : i32
        %dma_wait3A_450 = tpu.memref_slice %arg8[%run_scoped3A_216, %run_scoped3A_217, %dma_wait3A_449] : memref<2x8x128xi32, #tpu.memory_space<vmem>> -> memref<1x1x128xi32, #tpu.memory_space<vmem>>
        %dma_wait3A_451 = tpu.memref_squeeze %dma_wait3A_450 : memref<1x1x128xi32, #tpu.memory_space<vmem>> -> memref<128xi32, #tpu.memory_space<vmem>>
        %dma_wait3A_452 = arith.constant 0 : i32
        %dma_wait3A_453 = arith.constant 0 : i32
        %dma_wait3A_454 = tpu.memref_slice %arg11[%dma_wait3A_452, %dma_wait3A_453] : memref<10112x128xf32, #tpu.memory_space<vmem_shared>> -> memref<10112x128xf32, #tpu.memory_space<vmem_shared>>
        tpu.wait_indirect_dma semaphore(%run_scoped3A_442 : memref<!tpu.dma_semaphore, #tpu.memory_space<semaphore_mem>>) src(%arg9 : memref<128x128xf32, #tpu.memory_space<vmem>>) dst(%dma_wait3A_454 : memref<10112x128xf32, #tpu.memory_space<vmem_shared>>)
        tpu.yield
      }) : () -> ()
      %convert_element_type3A_218 = arith.extui %lt3A_44 : i1 to i32
      %cond3A_219 = arith.constant 0 : i32
      %cond3A_220 = arith.cmpi ne, %convert_element_type3A_218, %cond3A_219 : i32
      scf.if %cond3A_220 {
        %dma_start3A_442 = arith.constant 1 : i32
        %dma_start3A_443 = arith.constant 0 : i32
        %dma_start3A_444 = arith.constant 0 : i32
        %dma_start3A_445 = tpu.memref_slice %arg7[%dma_start3A_442, %dma_start3A_443, %dma_start3A_444] : memref<2x8x128xi32, #tpu.memory_space<vmem>> -> memref<1x1x128xi32, #tpu.memory_space<vmem>>
        %dma_start3A_446 = tpu.memref_squeeze %dma_start3A_445 : memref<1x1x128xi32, #tpu.memory_space<vmem>> -> memref<128xi32, #tpu.memory_space<vmem>>
        %dma_start3A_447 = arith.constant 0 : i32
        %dma_start3A_448 = arith.constant 0 : i32
        %dma_start3A_449 = tpu.memref_slice %arg2[%arg0, %dma_start3A_447, %dma_start3A_448] : memref<2x10000x128xf32, #tpu.memory_space<hbm>> -> memref<1x10000x128xf32, #tpu.memory_space<hbm>>
        %dma_start3A_450 = tpu.memref_squeeze %dma_start3A_449 : memref<1x10000x128xf32, #tpu.memory_space<hbm>> -> memref<10000x128xf32, #tpu.memory_space<hbm>>
        %dma_start3A_451 = arith.constant 0 : i32
        %dma_start3A_452 = arith.constant 0 : i32
        %dma_start3A_453 = tpu.memref_slice %dma_start3A_450[%dma_start3A_451, %dma_start3A_452] : memref<10000x128xf32, #tpu.memory_space<hbm>> -> memref<10000x128xf32, #tpu.memory_space<hbm>>
        tpu.enqueue_indirect_dma source(%dma_start3A_453 : memref<10000x128xf32, #tpu.memory_space<hbm>>) target(%arg9 : memref<128x128xf32, #tpu.memory_space<vmem>>) offsets(%dma_start3A_446 : memref<128xi32, #tpu.memory_space<vmem>>) semaphore(%arg12 : memref<!tpu.dma_semaphore, #tpu.memory_space<semaphore_mem>>)
      } else {
      }
      %dma_wait3A_221 = arith.constant 0 : i32
      %dma_wait3A_222 = arith.constant 7 : i32
      %dma_wait3A_223 = arith.constant 0 : i32
      %dma_wait3A_224 = tpu.memref_slice %arg7[%dma_wait3A_221, %dma_wait3A_222, %dma_wait3A_223] : memref<2x8x128xi32, #tpu.memory_space<vmem>> -> memref<1x1x128xi32, #tpu.memory_space<vmem>>
      %dma_wait3A_225 = tpu.memref_squeeze %dma_wait3A_224 : memref<1x1x128xi32, #tpu.memory_space<vmem>> -> memref<128xi32, #tpu.memory_space<vmem>>
      %dma_wait3A_226 = arith.constant 0 : i32
      %dma_wait3A_227 = arith.constant 0 : i32
      %dma_wait3A_228 = tpu.memref_slice %arg2[%arg0, %dma_wait3A_226, %dma_wait3A_227] : memref<2x10000x128xf32, #tpu.memory_space<hbm>> -> memref<1x10000x128xf32, #tpu.memory_space<hbm>>
      %dma_wait3A_229 = tpu.memref_squeeze %dma_wait3A_228 : memref<1x10000x128xf32, #tpu.memory_space<hbm>> -> memref<10000x128xf32, #tpu.memory_space<hbm>>
      %dma_wait3A_230 = arith.constant 0 : i32
      %dma_wait3A_231 = arith.constant 0 : i32
      %dma_wait3A_232 = tpu.memref_slice %dma_wait3A_229[%dma_wait3A_230, %dma_wait3A_231] : memref<10000x128xf32, #tpu.memory_space<hbm>> -> memref<10000x128xf32, #tpu.memory_space<hbm>>
      tpu.wait_indirect_dma semaphore(%arg13 : memref<!tpu.dma_semaphore, #tpu.memory_space<semaphore_mem>>) src(%dma_wait3A_232 : memref<10000x128xf32, #tpu.memory_space<hbm>>) dst(%arg10 : memref<128x128xf32, #tpu.memory_space<vmem>>)
      %run_scoped3A_233 = arith.constant 0 : i32
      %run_scoped3A_234 = arith.constant 7 : i32
      "tpu.region"() ({
        %run_scoped3A_442 = tpu.sem_alloc : memref<!tpu.dma_semaphore, #tpu.memory_space<semaphore_mem>>
        %dma_start3A_443 = arith.constant 0 : i32
        %dma_start3A_444 = tpu.memref_slice %arg8[%run_scoped3A_233, %run_scoped3A_234, %dma_start3A_443] : memref<2x8x128xi32, #tpu.memory_space<vmem>> -> memref<1x1x128xi32, #tpu.memory_space<vmem>>
        %dma_start3A_445 = tpu.memref_squeeze %dma_start3A_444 : memref<1x1x128xi32, #tpu.memory_space<vmem>> -> memref<128xi32, #tpu.memory_space<vmem>>
        %dma_start3A_446 = arith.constant 0 : i32
        %dma_start3A_447 = arith.constant 0 : i32
        %dma_start3A_448 = tpu.memref_slice %arg11[%dma_start3A_446, %dma_start3A_447] : memref<10112x128xf32, #tpu.memory_space<vmem_shared>> -> memref<10112x128xf32, #tpu.memory_space<vmem_shared>>
        tpu.enqueue_indirect_dma source(%arg10 : memref<128x128xf32, #tpu.memory_space<vmem>>) target(%dma_start3A_448 : memref<10112x128xf32, #tpu.memory_space<vmem_shared>>) offsets(%dma_start3A_445 : memref<128xi32, #tpu.memory_space<vmem>>) semaphore(%run_scoped3A_442 : memref<!tpu.dma_semaphore, #tpu.memory_space<semaphore_mem>>) {add = true}
        %dma_wait3A_449 = arith.constant 0 : i32
        %dma_wait3A_450 = tpu.memref_slice %arg8[%run_scoped3A_233, %run_scoped3A_234, %dma_wait3A_449] : memref<2x8x128xi32, #tpu.memory_space<vmem>> -> memref<1x1x128xi32, #tpu.memory_space<vmem>>
        %dma_wait3A_451 = tpu.memref_squeeze %dma_wait3A_450 : memref<1x1x128xi32, #tpu.memory_space<vmem>> -> memref<128xi32, #tpu.memory_space<vmem>>
        %dma_wait3A_452 = arith.constant 0 : i32
        %dma_wait3A_453 = arith.constant 0 : i32
        %dma_wait3A_454 = tpu.memref_slice %arg11[%dma_wait3A_452, %dma_wait3A_453] : memref<10112x128xf32, #tpu.memory_space<vmem_shared>> -> memref<10112x128xf32, #tpu.memory_space<vmem_shared>>
        tpu.wait_indirect_dma semaphore(%run_scoped3A_442 : memref<!tpu.dma_semaphore, #tpu.memory_space<semaphore_mem>>) src(%arg10 : memref<128x128xf32, #tpu.memory_space<vmem>>) dst(%dma_wait3A_454 : memref<10112x128xf32, #tpu.memory_space<vmem_shared>>)
        tpu.yield
      }) : () -> ()
      %convert_element_type3A_235 = arith.extui %lt3A_44 : i1 to i32
      %cond3A_236 = arith.constant 0 : i32
      %cond3A_237 = arith.cmpi ne, %convert_element_type3A_235, %cond3A_236 : i32
      scf.if %cond3A_237 {
        %dma_start3A_442 = arith.constant 1 : i32
        %dma_start3A_443 = arith.constant 1 : i32
        %dma_start3A_444 = arith.constant 0 : i32
        %dma_start3A_445 = tpu.memref_slice %arg7[%dma_start3A_442, %dma_start3A_443, %dma_start3A_444] : memref<2x8x128xi32, #tpu.memory_space<vmem>> -> memref<1x1x128xi32, #tpu.memory_space<vmem>>
        %dma_start3A_446 = tpu.memref_squeeze %dma_start3A_445 : memref<1x1x128xi32, #tpu.memory_space<vmem>> -> memref<128xi32, #tpu.memory_space<vmem>>
        %dma_start3A_447 = arith.constant 0 : i32
        %dma_start3A_448 = arith.constant 0 : i32
        %dma_start3A_449 = tpu.memref_slice %arg2[%arg0, %dma_start3A_447, %dma_start3A_448] : memref<2x10000x128xf32, #tpu.memory_space<hbm>> -> memref<1x10000x128xf32, #tpu.memory_space<hbm>>
        %dma_start3A_450 = tpu.memref_squeeze %dma_start3A_449 : memref<1x10000x128xf32, #tpu.memory_space<hbm>> -> memref<10000x128xf32, #tpu.memory_space<hbm>>
        %dma_start3A_451 = arith.constant 0 : i32
        %dma_start3A_452 = arith.constant 0 : i32
        %dma_start3A_453 = tpu.memref_slice %dma_start3A_450[%dma_start3A_451, %dma_start3A_452] : memref<10000x128xf32, #tpu.memory_space<hbm>> -> memref<10000x128xf32, #tpu.memory_space<hbm>>
        tpu.enqueue_indirect_dma source(%dma_start3A_453 : memref<10000x128xf32, #tpu.memory_space<hbm>>) target(%arg10 : memref<128x128xf32, #tpu.memory_space<vmem>>) offsets(%dma_start3A_446 : memref<128xi32, #tpu.memory_space<vmem>>) semaphore(%arg13 : memref<!tpu.dma_semaphore, #tpu.memory_space<semaphore_mem>>)
      } else {
      }
      %mul3A_238 = arith.constant 2 : i32
      %mul3A_239 = arith.muli %scan3A_39, %mul3A_238 : i32
      %add3A_240 = arith.constant 1 : i32
      %add3A_241 = arith.addi %mul3A_239, %add3A_240 : i32
      %add3A_242 = arith.constant 1 : i32
      %add3A_243 = arith.addi %add3A_241, %add3A_242 : i32
      %lt3A_244 = arith.constant 10 : i32
      %lt3A_245 = arith.cmpi slt, %add3A_243, %lt3A_244 : i32
      %convert_element_type3A_246 = arith.extui %lt3A_245 : i1 to i32
      %cond3A_247 = arith.constant 0 : i32
      %cond3A_248 = arith.cmpi ne, %convert_element_type3A_246, %cond3A_247 : i32
      scf.if %cond3A_248 {
        %add3A_442 = arith.constant 1 : i32
        %add3A_443 = arith.addi %add3A_241, %add3A_442 : i32
        %mul3A_444 = arith.constant 8 : i32
        %mul3A_445 = arith.muli %add3A_443, %mul3A_444 : i32
        %dma_start3A_446 = arith.constant 0 : i32
        %dma_start3A_447 = arith.constant 0 : i32
        %dma_start3A_448 = arith.constant 0 : i32
        %dma_start3A_449 = tpu.memref_slice %arg7[%dma_start3A_446, %dma_start3A_447, %dma_start3A_448] : memref<2x8x128xi32, #tpu.memory_space<vmem>> -> memref<1x8x128xi32, #tpu.memory_space<vmem>>
        %dma_start3A_450 = tpu.memref_squeeze %dma_start3A_449 : memref<1x8x128xi32, #tpu.memory_space<vmem>> -> memref<8x128xi32, #tpu.memory_space<vmem>>
        %dma_start3A_451 = arith.constant 0 : i32
        %dma_start3A_452 = tpu.memref_slice %arg3[%add3A, %mul3A_445, %dma_start3A_451] : memref<32x80x128xi32, #tpu.memory_space<hbm>> -> memref<1x8x128xi32, #tpu.memory_space<hbm>>
        %dma_start3A_453 = tpu.memref_squeeze %dma_start3A_452 : memref<1x8x128xi32, #tpu.memory_space<hbm>> -> memref<8x128xi32, #tpu.memory_space<hbm>>
        %dma_start3A_454 = arith.constant 0 : i32
        %dma_start3A_455 = arith.constant 0 : i32
        %dma_start3A_456 = tpu.memref_slice %arg7[%dma_start3A_446, %dma_start3A_454, %dma_start3A_455] : memref<2x8x128xi32, #tpu.memory_space<vmem>> -> memref<1x8x128xi32, #tpu.memory_space<vmem>>
        %dma_start3A_457 = tpu.memref_squeeze %dma_start3A_456 : memref<1x8x128xi32, #tpu.memory_space<vmem>> -> memref<8x128xi32, #tpu.memory_space<vmem>>
        %dma_start3A_458 = arith.constant 0 : i32
        %dma_start3A_459 = tpu.memref_slice %arg3[%add3A, %mul3A_445, %dma_start3A_458] : memref<32x80x128xi32, #tpu.memory_space<hbm>> -> memref<1x8x128xi32, #tpu.memory_space<hbm>>
        %dma_start3A_460 = tpu.memref_squeeze %dma_start3A_459 : memref<1x8x128xi32, #tpu.memory_space<hbm>> -> memref<8x128xi32, #tpu.memory_space<hbm>>
        tpu.enqueue_dma source(%dma_start3A_460 : memref<8x128xi32, #tpu.memory_space<hbm>>) target(%dma_start3A_457 : memref<8x128xi32, #tpu.memory_space<vmem>>) target_semaphore(%arg14 : memref<!tpu.dma_semaphore, #tpu.memory_space<semaphore_mem>>)
        %add3A_461 = arith.constant 1 : i32
        %add3A_462 = arith.addi %add3A_241, %add3A_461 : i32
        %mul3A_463 = arith.constant 8 : i32
        %mul3A_464 = arith.muli %add3A_462, %mul3A_463 : i32
        %dma_start3A_465 = arith.constant 0 : i32
        %dma_start3A_466 = arith.constant 0 : i32
        %dma_start3A_467 = arith.constant 0 : i32
        %dma_start3A_468 = tpu.memref_slice %arg8[%dma_start3A_465, %dma_start3A_466, %dma_start3A_467] : memref<2x8x128xi32, #tpu.memory_space<vmem>> -> memref<1x8x128xi32, #tpu.memory_space<vmem>>
        %dma_start3A_469 = tpu.memref_squeeze %dma_start3A_468 : memref<1x8x128xi32, #tpu.memory_space<vmem>> -> memref<8x128xi32, #tpu.memory_space<vmem>>
        %dma_start3A_470 = arith.constant 0 : i32
        %dma_start3A_471 = tpu.memref_slice %arg4[%add3A, %mul3A_464, %dma_start3A_470] : memref<32x80x128xi32, #tpu.memory_space<hbm>> -> memref<1x8x128xi32, #tpu.memory_space<hbm>>
        %dma_start3A_472 = tpu.memref_squeeze %dma_start3A_471 : memref<1x8x128xi32, #tpu.memory_space<hbm>> -> memref<8x128xi32, #tpu.memory_space<hbm>>
        %dma_start3A_473 = arith.constant 0 : i32
        %dma_start3A_474 = arith.constant 0 : i32
        %dma_start3A_475 = tpu.memref_slice %arg8[%dma_start3A_465, %dma_start3A_473, %dma_start3A_474] : memref<2x8x128xi32, #tpu.memory_space<vmem>> -> memref<1x8x128xi32, #tpu.memory_space<vmem>>
        %dma_start3A_476 = tpu.memref_squeeze %dma_start3A_475 : memref<1x8x128xi32, #tpu.memory_space<vmem>> -> memref<8x128xi32, #tpu.memory_space<vmem>>
        %dma_start3A_477 = arith.constant 0 : i32
        %dma_start3A_478 = tpu.memref_slice %arg4[%add3A, %mul3A_464, %dma_start3A_477] : memref<32x80x128xi32, #tpu.memory_space<hbm>> -> memref<1x8x128xi32, #tpu.memory_space<hbm>>
        %dma_start3A_479 = tpu.memref_squeeze %dma_start3A_478 : memref<1x8x128xi32, #tpu.memory_space<hbm>> -> memref<8x128xi32, #tpu.memory_space<hbm>>
        tpu.enqueue_dma source(%dma_start3A_479 : memref<8x128xi32, #tpu.memory_space<hbm>>) target(%dma_start3A_476 : memref<8x128xi32, #tpu.memory_space<vmem>>) target_semaphore(%arg15 : memref<!tpu.dma_semaphore, #tpu.memory_space<semaphore_mem>>)
      } else {
      }
      %dma_wait3A_249 = arith.constant 1 : i32
      %dma_wait3A_250 = arith.constant 0 : i32
      %dma_wait3A_251 = arith.constant 0 : i32
      %dma_wait3A_252 = tpu.memref_slice %arg7[%dma_wait3A_249, %dma_wait3A_250, %dma_wait3A_251] : memref<2x8x128xi32, #tpu.memory_space<vmem>> -> memref<1x1x128xi32, #tpu.memory_space<vmem>>
      %dma_wait3A_253 = tpu.memref_squeeze %dma_wait3A_252 : memref<1x1x128xi32, #tpu.memory_space<vmem>> -> memref<128xi32, #tpu.memory_space<vmem>>
      %dma_wait3A_254 = arith.constant 0 : i32
      %dma_wait3A_255 = arith.constant 0 : i32
      %dma_wait3A_256 = tpu.memref_slice %arg2[%arg0, %dma_wait3A_254, %dma_wait3A_255] : memref<2x10000x128xf32, #tpu.memory_space<hbm>> -> memref<1x10000x128xf32, #tpu.memory_space<hbm>>
      %dma_wait3A_257 = tpu.memref_squeeze %dma_wait3A_256 : memref<1x10000x128xf32, #tpu.memory_space<hbm>> -> memref<10000x128xf32, #tpu.memory_space<hbm>>
      %dma_wait3A_258 = arith.constant 0 : i32
      %dma_wait3A_259 = arith.constant 0 : i32
      %dma_wait3A_260 = tpu.memref_slice %dma_wait3A_257[%dma_wait3A_258, %dma_wait3A_259] : memref<10000x128xf32, #tpu.memory_space<hbm>> -> memref<10000x128xf32, #tpu.memory_space<hbm>>
      tpu.wait_indirect_dma semaphore(%arg12 : memref<!tpu.dma_semaphore, #tpu.memory_space<semaphore_mem>>) src(%dma_wait3A_260 : memref<10000x128xf32, #tpu.memory_space<hbm>>) dst(%arg9 : memref<128x128xf32, #tpu.memory_space<vmem>>)
      %run_scoped3A_261 = arith.constant 1 : i32
      %run_scoped3A_262 = arith.constant 0 : i32
      "tpu.region"() ({
        %run_scoped3A_442 = tpu.sem_alloc : memref<!tpu.dma_semaphore, #tpu.memory_space<semaphore_mem>>
        %dma_start3A_443 = arith.constant 0 : i32
        %dma_start3A_444 = tpu.memref_slice %arg8[%run_scoped3A_261, %run_scoped3A_262, %dma_start3A_443] : memref<2x8x128xi32, #tpu.memory_space<vmem>> -> memref<1x1x128xi32, #tpu.memory_space<vmem>>
        %dma_start3A_445 = tpu.memref_squeeze %dma_start3A_444 : memref<1x1x128xi32, #tpu.memory_space<vmem>> -> memref<128xi32, #tpu.memory_space<vmem>>
        %dma_start3A_446 = arith.constant 0 : i32
        %dma_start3A_447 = arith.constant 0 : i32
        %dma_start3A_448 = tpu.memref_slice %arg11[%dma_start3A_446, %dma_start3A_447] : memref<10112x128xf32, #tpu.memory_space<vmem_shared>> -> memref<10112x128xf32, #tpu.memory_space<vmem_shared>>
        tpu.enqueue_indirect_dma source(%arg9 : memref<128x128xf32, #tpu.memory_space<vmem>>) target(%dma_start3A_448 : memref<10112x128xf32, #tpu.memory_space<vmem_shared>>) offsets(%dma_start3A_445 : memref<128xi32, #tpu.memory_space<vmem>>) semaphore(%run_scoped3A_442 : memref<!tpu.dma_semaphore, #tpu.memory_space<semaphore_mem>>) {add = true}
        %dma_wait3A_449 = arith.constant 0 : i32
        %dma_wait3A_450 = tpu.memref_slice %arg8[%run_scoped3A_261, %run_scoped3A_262, %dma_wait3A_449] : memref<2x8x128xi32, #tpu.memory_space<vmem>> -> memref<1x1x128xi32, #tpu.memory_space<vmem>>
        %dma_wait3A_451 = tpu.memref_squeeze %dma_wait3A_450 : memref<1x1x128xi32, #tpu.memory_space<vmem>> -> memref<128xi32, #tpu.memory_space<vmem>>
        %dma_wait3A_452 = arith.constant 0 : i32
        %dma_wait3A_453 = arith.constant 0 : i32
        %dma_wait3A_454 = tpu.memref_slice %arg11[%dma_wait3A_452, %dma_wait3A_453] : memref<10112x128xf32, #tpu.memory_space<vmem_shared>> -> memref<10112x128xf32, #tpu.memory_space<vmem_shared>>
        tpu.wait_indirect_dma semaphore(%run_scoped3A_442 : memref<!tpu.dma_semaphore, #tpu.memory_space<semaphore_mem>>) src(%arg9 : memref<128x128xf32, #tpu.memory_space<vmem>>) dst(%dma_wait3A_454 : memref<10112x128xf32, #tpu.memory_space<vmem_shared>>)
        tpu.yield
      }) : () -> ()
      %dma_start3A_263 = arith.constant 1 : i32
      %dma_start3A_264 = arith.constant 2 : i32
      %dma_start3A_265 = arith.constant 0 : i32
      %dma_start3A_266 = tpu.memref_slice %arg7[%dma_start3A_263, %dma_start3A_264, %dma_start3A_265] : memref<2x8x128xi32, #tpu.memory_space<vmem>> -> memref<1x1x128xi32, #tpu.memory_space<vmem>>
      %dma_start3A_267 = tpu.memref_squeeze %dma_start3A_266 : memref<1x1x128xi32, #tpu.memory_space<vmem>> -> memref<128xi32, #tpu.memory_space<vmem>>
      %dma_start3A_268 = arith.constant 0 : i32
      %dma_start3A_269 = arith.constant 0 : i32
      %dma_start3A_270 = tpu.memref_slice %arg2[%arg0, %dma_start3A_268, %dma_start3A_269] : memref<2x10000x128xf32, #tpu.memory_space<hbm>> -> memref<1x10000x128xf32, #tpu.memory_space<hbm>>
      %dma_start3A_271 = tpu.memref_squeeze %dma_start3A_270 : memref<1x10000x128xf32, #tpu.memory_space<hbm>> -> memref<10000x128xf32, #tpu.memory_space<hbm>>
      %dma_start3A_272 = arith.constant 0 : i32
      %dma_start3A_273 = arith.constant 0 : i32
      %dma_start3A_274 = tpu.memref_slice %dma_start3A_271[%dma_start3A_272, %dma_start3A_273] : memref<10000x128xf32, #tpu.memory_space<hbm>> -> memref<10000x128xf32, #tpu.memory_space<hbm>>
      tpu.enqueue_indirect_dma source(%dma_start3A_274 : memref<10000x128xf32, #tpu.memory_space<hbm>>) target(%arg9 : memref<128x128xf32, #tpu.memory_space<vmem>>) offsets(%dma_start3A_267 : memref<128xi32, #tpu.memory_space<vmem>>) semaphore(%arg12 : memref<!tpu.dma_semaphore, #tpu.memory_space<semaphore_mem>>)
      %dma_wait3A_275 = arith.constant 1 : i32
      %dma_wait3A_276 = arith.constant 1 : i32
      %dma_wait3A_277 = arith.constant 0 : i32
      %dma_wait3A_278 = tpu.memref_slice %arg7[%dma_wait3A_275, %dma_wait3A_276, %dma_wait3A_277] : memref<2x8x128xi32, #tpu.memory_space<vmem>> -> memref<1x1x128xi32, #tpu.memory_space<vmem>>
      %dma_wait3A_279 = tpu.memref_squeeze %dma_wait3A_278 : memref<1x1x128xi32, #tpu.memory_space<vmem>> -> memref<128xi32, #tpu.memory_space<vmem>>
      %dma_wait3A_280 = arith.constant 0 : i32
      %dma_wait3A_281 = arith.constant 0 : i32
      %dma_wait3A_282 = tpu.memref_slice %arg2[%arg0, %dma_wait3A_280, %dma_wait3A_281] : memref<2x10000x128xf32, #tpu.memory_space<hbm>> -> memref<1x10000x128xf32, #tpu.memory_space<hbm>>
      %dma_wait3A_283 = tpu.memref_squeeze %dma_wait3A_282 : memref<1x10000x128xf32, #tpu.memory_space<hbm>> -> memref<10000x128xf32, #tpu.memory_space<hbm>>
      %dma_wait3A_284 = arith.constant 0 : i32
      %dma_wait3A_285 = arith.constant 0 : i32
      %dma_wait3A_286 = tpu.memref_slice %dma_wait3A_283[%dma_wait3A_284, %dma_wait3A_285] : memref<10000x128xf32, #tpu.memory_space<hbm>> -> memref<10000x128xf32, #tpu.memory_space<hbm>>
      tpu.wait_indirect_dma semaphore(%arg13 : memref<!tpu.dma_semaphore, #tpu.memory_space<semaphore_mem>>) src(%dma_wait3A_286 : memref<10000x128xf32, #tpu.memory_space<hbm>>) dst(%arg10 : memref<128x128xf32, #tpu.memory_space<vmem>>)
      %run_scoped3A_287 = arith.constant 1 : i32
      %run_scoped3A_288 = arith.constant 1 : i32
      "tpu.region"() ({
        %run_scoped3A_442 = tpu.sem_alloc : memref<!tpu.dma_semaphore, #tpu.memory_space<semaphore_mem>>
        %dma_start3A_443 = arith.constant 0 : i32
        %dma_start3A_444 = tpu.memref_slice %arg8[%run_scoped3A_287, %run_scoped3A_288, %dma_start3A_443] : memref<2x8x128xi32, #tpu.memory_space<vmem>> -> memref<1x1x128xi32, #tpu.memory_space<vmem>>
        %dma_start3A_445 = tpu.memref_squeeze %dma_start3A_444 : memref<1x1x128xi32, #tpu.memory_space<vmem>> -> memref<128xi32, #tpu.memory_space<vmem>>
        %dma_start3A_446 = arith.constant 0 : i32
        %dma_start3A_447 = arith.constant 0 : i32
        %dma_start3A_448 = tpu.memref_slice %arg11[%dma_start3A_446, %dma_start3A_447] : memref<10112x128xf32, #tpu.memory_space<vmem_shared>> -> memref<10112x128xf32, #tpu.memory_space<vmem_shared>>
        tpu.enqueue_indirect_dma source(%arg10 : memref<128x128xf32, #tpu.memory_space<vmem>>) target(%dma_start3A_448 : memref<10112x128xf32, #tpu.memory_space<vmem_shared>>) offsets(%dma_start3A_445 : memref<128xi32, #tpu.memory_space<vmem>>) semaphore(%run_scoped3A_442 : memref<!tpu.dma_semaphore, #tpu.memory_space<semaphore_mem>>) {add = true}
        %dma_wait3A_449 = arith.constant 0 : i32
        %dma_wait3A_450 = tpu.memref_slice %arg8[%run_scoped3A_287, %run_scoped3A_288, %dma_wait3A_449] : memref<2x8x128xi32, #tpu.memory_space<vmem>> -> memref<1x1x128xi32, #tpu.memory_space<vmem>>
        %dma_wait3A_451 = tpu.memref_squeeze %dma_wait3A_450 : memref<1x1x128xi32, #tpu.memory_space<vmem>> -> memref<128xi32, #tpu.memory_space<vmem>>
        %dma_wait3A_452 = arith.constant 0 : i32
        %dma_wait3A_453 = arith.constant 0 : i32
        %dma_wait3A_454 = tpu.memref_slice %arg11[%dma_wait3A_452, %dma_wait3A_453] : memref<10112x128xf32, #tpu.memory_space<vmem_shared>> -> memref<10112x128xf32, #tpu.memory_space<vmem_shared>>
        tpu.wait_indirect_dma semaphore(%run_scoped3A_442 : memref<!tpu.dma_semaphore, #tpu.memory_space<semaphore_mem>>) src(%arg10 : memref<128x128xf32, #tpu.memory_space<vmem>>) dst(%dma_wait3A_454 : memref<10112x128xf32, #tpu.memory_space<vmem_shared>>)
        tpu.yield
      }) : () -> ()
      %dma_start3A_289 = arith.constant 1 : i32
      %dma_start3A_290 = arith.constant 3 : i32
      %dma_start3A_291 = arith.constant 0 : i32
      %dma_start3A_292 = tpu.memref_slice %arg7[%dma_start3A_289, %dma_start3A_290, %dma_start3A_291] : memref<2x8x128xi32, #tpu.memory_space<vmem>> -> memref<1x1x128xi32, #tpu.memory_space<vmem>>
      %dma_start3A_293 = tpu.memref_squeeze %dma_start3A_292 : memref<1x1x128xi32, #tpu.memory_space<vmem>> -> memref<128xi32, #tpu.memory_space<vmem>>
      %dma_start3A_294 = arith.constant 0 : i32
      %dma_start3A_295 = arith.constant 0 : i32
      %dma_start3A_296 = tpu.memref_slice %arg2[%arg0, %dma_start3A_294, %dma_start3A_295] : memref<2x10000x128xf32, #tpu.memory_space<hbm>> -> memref<1x10000x128xf32, #tpu.memory_space<hbm>>
      %dma_start3A_297 = tpu.memref_squeeze %dma_start3A_296 : memref<1x10000x128xf32, #tpu.memory_space<hbm>> -> memref<10000x128xf32, #tpu.memory_space<hbm>>
      %dma_start3A_298 = arith.constant 0 : i32
      %dma_start3A_299 = arith.constant 0 : i32
      %dma_start3A_300 = tpu.memref_slice %dma_start3A_297[%dma_start3A_298, %dma_start3A_299] : memref<10000x128xf32, #tpu.memory_space<hbm>> -> memref<10000x128xf32, #tpu.memory_space<hbm>>
      tpu.enqueue_indirect_dma source(%dma_start3A_300 : memref<10000x128xf32, #tpu.memory_space<hbm>>) target(%arg10 : memref<128x128xf32, #tpu.memory_space<vmem>>) offsets(%dma_start3A_293 : memref<128xi32, #tpu.memory_space<vmem>>) semaphore(%arg13 : memref<!tpu.dma_semaphore, #tpu.memory_space<semaphore_mem>>)
      %dma_wait3A_301 = arith.constant 1 : i32
      %dma_wait3A_302 = arith.constant 2 : i32
      %dma_wait3A_303 = arith.constant 0 : i32
      %dma_wait3A_304 = tpu.memref_slice %arg7[%dma_wait3A_301, %dma_wait3A_302, %dma_wait3A_303] : memref<2x8x128xi32, #tpu.memory_space<vmem>> -> memref<1x1x128xi32, #tpu.memory_space<vmem>>
      %dma_wait3A_305 = tpu.memref_squeeze %dma_wait3A_304 : memref<1x1x128xi32, #tpu.memory_space<vmem>> -> memref<128xi32, #tpu.memory_space<vmem>>
      %dma_wait3A_306 = arith.constant 0 : i32
      %dma_wait3A_307 = arith.constant 0 : i32
      %dma_wait3A_308 = tpu.memref_slice %arg2[%arg0, %dma_wait3A_306, %dma_wait3A_307] : memref<2x10000x128xf32, #tpu.memory_space<hbm>> -> memref<1x10000x128xf32, #tpu.memory_space<hbm>>
      %dma_wait3A_309 = tpu.memref_squeeze %dma_wait3A_308 : memref<1x10000x128xf32, #tpu.memory_space<hbm>> -> memref<10000x128xf32, #tpu.memory_space<hbm>>
      %dma_wait3A_310 = arith.constant 0 : i32
      %dma_wait3A_311 = arith.constant 0 : i32
      %dma_wait3A_312 = tpu.memref_slice %dma_wait3A_309[%dma_wait3A_310, %dma_wait3A_311] : memref<10000x128xf32, #tpu.memory_space<hbm>> -> memref<10000x128xf32, #tpu.memory_space<hbm>>
      tpu.wait_indirect_dma semaphore(%arg12 : memref<!tpu.dma_semaphore, #tpu.memory_space<semaphore_mem>>) src(%dma_wait3A_312 : memref<10000x128xf32, #tpu.memory_space<hbm>>) dst(%arg9 : memref<128x128xf32, #tpu.memory_space<vmem>>)
      %run_scoped3A_313 = arith.constant 1 : i32
      %run_scoped3A_314 = arith.constant 2 : i32
      "tpu.region"() ({
        %run_scoped3A_442 = tpu.sem_alloc : memref<!tpu.dma_semaphore, #tpu.memory_space<semaphore_mem>>
        %dma_start3A_443 = arith.constant 0 : i32
        %dma_start3A_444 = tpu.memref_slice %arg8[%run_scoped3A_313, %run_scoped3A_314, %dma_start3A_443] : memref<2x8x128xi32, #tpu.memory_space<vmem>> -> memref<1x1x128xi32, #tpu.memory_space<vmem>>
        %dma_start3A_445 = tpu.memref_squeeze %dma_start3A_444 : memref<1x1x128xi32, #tpu.memory_space<vmem>> -> memref<128xi32, #tpu.memory_space<vmem>>
        %dma_start3A_446 = arith.constant 0 : i32
        %dma_start3A_447 = arith.constant 0 : i32
        %dma_start3A_448 = tpu.memref_slice %arg11[%dma_start3A_446, %dma_start3A_447] : memref<10112x128xf32, #tpu.memory_space<vmem_shared>> -> memref<10112x128xf32, #tpu.memory_space<vmem_shared>>
        tpu.enqueue_indirect_dma source(%arg9 : memref<128x128xf32, #tpu.memory_space<vmem>>) target(%dma_start3A_448 : memref<10112x128xf32, #tpu.memory_space<vmem_shared>>) offsets(%dma_start3A_445 : memref<128xi32, #tpu.memory_space<vmem>>) semaphore(%run_scoped3A_442 : memref<!tpu.dma_semaphore, #tpu.memory_space<semaphore_mem>>) {add = true}
        %dma_wait3A_449 = arith.constant 0 : i32
        %dma_wait3A_450 = tpu.memref_slice %arg8[%run_scoped3A_313, %run_scoped3A_314, %dma_wait3A_449] : memref<2x8x128xi32, #tpu.memory_space<vmem>> -> memref<1x1x128xi32, #tpu.memory_space<vmem>>
        %dma_wait3A_451 = tpu.memref_squeeze %dma_wait3A_450 : memref<1x1x128xi32, #tpu.memory_space<vmem>> -> memref<128xi32, #tpu.memory_space<vmem>>
        %dma_wait3A_452 = arith.constant 0 : i32
        %dma_wait3A_453 = arith.constant 0 : i32
        %dma_wait3A_454 = tpu.memref_slice %arg11[%dma_wait3A_452, %dma_wait3A_453] : memref<10112x128xf32, #tpu.memory_space<vmem_shared>> -> memref<10112x128xf32, #tpu.memory_space<vmem_shared>>
        tpu.wait_indirect_dma semaphore(%run_scoped3A_442 : memref<!tpu.dma_semaphore, #tpu.memory_space<semaphore_mem>>) src(%arg9 : memref<128x128xf32, #tpu.memory_space<vmem>>) dst(%dma_wait3A_454 : memref<10112x128xf32, #tpu.memory_space<vmem_shared>>)
        tpu.yield
      }) : () -> ()
      %dma_start3A_315 = arith.constant 1 : i32
      %dma_start3A_316 = arith.constant 4 : i32
      %dma_start3A_317 = arith.constant 0 : i32
      %dma_start3A_318 = tpu.memref_slice %arg7[%dma_start3A_315, %dma_start3A_316, %dma_start3A_317] : memref<2x8x128xi32, #tpu.memory_space<vmem>> -> memref<1x1x128xi32, #tpu.memory_space<vmem>>
      %dma_start3A_319 = tpu.memref_squeeze %dma_start3A_318 : memref<1x1x128xi32, #tpu.memory_space<vmem>> -> memref<128xi32, #tpu.memory_space<vmem>>
      %dma_start3A_320 = arith.constant 0 : i32
      %dma_start3A_321 = arith.constant 0 : i32
      %dma_start3A_322 = tpu.memref_slice %arg2[%arg0, %dma_start3A_320, %dma_start3A_321] : memref<2x10000x128xf32, #tpu.memory_space<hbm>> -> memref<1x10000x128xf32, #tpu.memory_space<hbm>>
      %dma_start3A_323 = tpu.memref_squeeze %dma_start3A_322 : memref<1x10000x128xf32, #tpu.memory_space<hbm>> -> memref<10000x128xf32, #tpu.memory_space<hbm>>
      %dma_start3A_324 = arith.constant 0 : i32
      %dma_start3A_325 = arith.constant 0 : i32
      %dma_start3A_326 = tpu.memref_slice %dma_start3A_323[%dma_start3A_324, %dma_start3A_325] : memref<10000x128xf32, #tpu.memory_space<hbm>> -> memref<10000x128xf32, #tpu.memory_space<hbm>>
      tpu.enqueue_indirect_dma source(%dma_start3A_326 : memref<10000x128xf32, #tpu.memory_space<hbm>>) target(%arg9 : memref<128x128xf32, #tpu.memory_space<vmem>>) offsets(%dma_start3A_319 : memref<128xi32, #tpu.memory_space<vmem>>) semaphore(%arg12 : memref<!tpu.dma_semaphore, #tpu.memory_space<semaphore_mem>>)
      %dma_wait3A_327 = arith.constant 1 : i32
      %dma_wait3A_328 = arith.constant 3 : i32
      %dma_wait3A_329 = arith.constant 0 : i32
      %dma_wait3A_330 = tpu.memref_slice %arg7[%dma_wait3A_327, %dma_wait3A_328, %dma_wait3A_329] : memref<2x8x128xi32, #tpu.memory_space<vmem>> -> memref<1x1x128xi32, #tpu.memory_space<vmem>>
      %dma_wait3A_331 = tpu.memref_squeeze %dma_wait3A_330 : memref<1x1x128xi32, #tpu.memory_space<vmem>> -> memref<128xi32, #tpu.memory_space<vmem>>
      %dma_wait3A_332 = arith.constant 0 : i32
      %dma_wait3A_333 = arith.constant 0 : i32
      %dma_wait3A_334 = tpu.memref_slice %arg2[%arg0, %dma_wait3A_332, %dma_wait3A_333] : memref<2x10000x128xf32, #tpu.memory_space<hbm>> -> memref<1x10000x128xf32, #tpu.memory_space<hbm>>
      %dma_wait3A_335 = tpu.memref_squeeze %dma_wait3A_334 : memref<1x10000x128xf32, #tpu.memory_space<hbm>> -> memref<10000x128xf32, #tpu.memory_space<hbm>>
      %dma_wait3A_336 = arith.constant 0 : i32
      %dma_wait3A_337 = arith.constant 0 : i32
      %dma_wait3A_338 = tpu.memref_slice %dma_wait3A_335[%dma_wait3A_336, %dma_wait3A_337] : memref<10000x128xf32, #tpu.memory_space<hbm>> -> memref<10000x128xf32, #tpu.memory_space<hbm>>
      tpu.wait_indirect_dma semaphore(%arg13 : memref<!tpu.dma_semaphore, #tpu.memory_space<semaphore_mem>>) src(%dma_wait3A_338 : memref<10000x128xf32, #tpu.memory_space<hbm>>) dst(%arg10 : memref<128x128xf32, #tpu.memory_space<vmem>>)
      %run_scoped3A_339 = arith.constant 1 : i32
      %run_scoped3A_340 = arith.constant 3 : i32
      "tpu.region"() ({
        %run_scoped3A_442 = tpu.sem_alloc : memref<!tpu.dma_semaphore, #tpu.memory_space<semaphore_mem>>
        %dma_start3A_443 = arith.constant 0 : i32
        %dma_start3A_444 = tpu.memref_slice %arg8[%run_scoped3A_339, %run_scoped3A_340, %dma_start3A_443] : memref<2x8x128xi32, #tpu.memory_space<vmem>> -> memref<1x1x128xi32, #tpu.memory_space<vmem>>
        %dma_start3A_445 = tpu.memref_squeeze %dma_start3A_444 : memref<1x1x128xi32, #tpu.memory_space<vmem>> -> memref<128xi32, #tpu.memory_space<vmem>>
        %dma_start3A_446 = arith.constant 0 : i32
        %dma_start3A_447 = arith.constant 0 : i32
        %dma_start3A_448 = tpu.memref_slice %arg11[%dma_start3A_446, %dma_start3A_447] : memref<10112x128xf32, #tpu.memory_space<vmem_shared>> -> memref<10112x128xf32, #tpu.memory_space<vmem_shared>>
        tpu.enqueue_indirect_dma source(%arg10 : memref<128x128xf32, #tpu.memory_space<vmem>>) target(%dma_start3A_448 : memref<10112x128xf32, #tpu.memory_space<vmem_shared>>) offsets(%dma_start3A_445 : memref<128xi32, #tpu.memory_space<vmem>>) semaphore(%run_scoped3A_442 : memref<!tpu.dma_semaphore, #tpu.memory_space<semaphore_mem>>) {add = true}
        %dma_wait3A_449 = arith.constant 0 : i32
        %dma_wait3A_450 = tpu.memref_slice %arg8[%run_scoped3A_339, %run_scoped3A_340, %dma_wait3A_449] : memref<2x8x128xi32, #tpu.memory_space<vmem>> -> memref<1x1x128xi32, #tpu.memory_space<vmem>>
        %dma_wait3A_451 = tpu.memref_squeeze %dma_wait3A_450 : memref<1x1x128xi32, #tpu.memory_space<vmem>> -> memref<128xi32, #tpu.memory_space<vmem>>
        %dma_wait3A_452 = arith.constant 0 : i32
        %dma_wait3A_453 = arith.constant 0 : i32
        %dma_wait3A_454 = tpu.memref_slice %arg11[%dma_wait3A_452, %dma_wait3A_453] : memref<10112x128xf32, #tpu.memory_space<vmem_shared>> -> memref<10112x128xf32, #tpu.memory_space<vmem_shared>>
        tpu.wait_indirect_dma semaphore(%run_scoped3A_442 : memref<!tpu.dma_semaphore, #tpu.memory_space<semaphore_mem>>) src(%arg10 : memref<128x128xf32, #tpu.memory_space<vmem>>) dst(%dma_wait3A_454 : memref<10112x128xf32, #tpu.memory_space<vmem_shared>>)
        tpu.yield
      }) : () -> ()
      %dma_start3A_341 = arith.constant 1 : i32
      %dma_start3A_342 = arith.constant 5 : i32
      %dma_start3A_343 = arith.constant 0 : i32
      %dma_start3A_344 = tpu.memref_slice %arg7[%dma_start3A_341, %dma_start3A_342, %dma_start3A_343] : memref<2x8x128xi32, #tpu.memory_space<vmem>> -> memref<1x1x128xi32, #tpu.memory_space<vmem>>
      %dma_start3A_345 = tpu.memref_squeeze %dma_start3A_344 : memref<1x1x128xi32, #tpu.memory_space<vmem>> -> memref<128xi32, #tpu.memory_space<vmem>>
      %dma_start3A_346 = arith.constant 0 : i32
      %dma_start3A_347 = arith.constant 0 : i32
      %dma_start3A_348 = tpu.memref_slice %arg2[%arg0, %dma_start3A_346, %dma_start3A_347] : memref<2x10000x128xf32, #tpu.memory_space<hbm>> -> memref<1x10000x128xf32, #tpu.memory_space<hbm>>
      %dma_start3A_349 = tpu.memref_squeeze %dma_start3A_348 : memref<1x10000x128xf32, #tpu.memory_space<hbm>> -> memref<10000x128xf32, #tpu.memory_space<hbm>>
      %dma_start3A_350 = arith.constant 0 : i32
      %dma_start3A_351 = arith.constant 0 : i32
      %dma_start3A_352 = tpu.memref_slice %dma_start3A_349[%dma_start3A_350, %dma_start3A_351] : memref<10000x128xf32, #tpu.memory_space<hbm>> -> memref<10000x128xf32, #tpu.memory_space<hbm>>
      tpu.enqueue_indirect_dma source(%dma_start3A_352 : memref<10000x128xf32, #tpu.memory_space<hbm>>) target(%arg10 : memref<128x128xf32, #tpu.memory_space<vmem>>) offsets(%dma_start3A_345 : memref<128xi32, #tpu.memory_space<vmem>>) semaphore(%arg13 : memref<!tpu.dma_semaphore, #tpu.memory_space<semaphore_mem>>)
      %dma_wait3A_353 = arith.constant 1 : i32
      %dma_wait3A_354 = arith.constant 4 : i32
      %dma_wait3A_355 = arith.constant 0 : i32
      %dma_wait3A_356 = tpu.memref_slice %arg7[%dma_wait3A_353, %dma_wait3A_354, %dma_wait3A_355] : memref<2x8x128xi32, #tpu.memory_space<vmem>> -> memref<1x1x128xi32, #tpu.memory_space<vmem>>
      %dma_wait3A_357 = tpu.memref_squeeze %dma_wait3A_356 : memref<1x1x128xi32, #tpu.memory_space<vmem>> -> memref<128xi32, #tpu.memory_space<vmem>>
      %dma_wait3A_358 = arith.constant 0 : i32
      %dma_wait3A_359 = arith.constant 0 : i32
      %dma_wait3A_360 = tpu.memref_slice %arg2[%arg0, %dma_wait3A_358, %dma_wait3A_359] : memref<2x10000x128xf32, #tpu.memory_space<hbm>> -> memref<1x10000x128xf32, #tpu.memory_space<hbm>>
      %dma_wait3A_361 = tpu.memref_squeeze %dma_wait3A_360 : memref<1x10000x128xf32, #tpu.memory_space<hbm>> -> memref<10000x128xf32, #tpu.memory_space<hbm>>
      %dma_wait3A_362 = arith.constant 0 : i32
      %dma_wait3A_363 = arith.constant 0 : i32
      %dma_wait3A_364 = tpu.memref_slice %dma_wait3A_361[%dma_wait3A_362, %dma_wait3A_363] : memref<10000x128xf32, #tpu.memory_space<hbm>> -> memref<10000x128xf32, #tpu.memory_space<hbm>>
      tpu.wait_indirect_dma semaphore(%arg12 : memref<!tpu.dma_semaphore, #tpu.memory_space<semaphore_mem>>) src(%dma_wait3A_364 : memref<10000x128xf32, #tpu.memory_space<hbm>>) dst(%arg9 : memref<128x128xf32, #tpu.memory_space<vmem>>)
      %run_scoped3A_365 = arith.constant 1 : i32
      %run_scoped3A_366 = arith.constant 4 : i32
      "tpu.region"() ({
        %run_scoped3A_442 = tpu.sem_alloc : memref<!tpu.dma_semaphore, #tpu.memory_space<semaphore_mem>>
        %dma_start3A_443 = arith.constant 0 : i32
        %dma_start3A_444 = tpu.memref_slice %arg8[%run_scoped3A_365, %run_scoped3A_366, %dma_start3A_443] : memref<2x8x128xi32, #tpu.memory_space<vmem>> -> memref<1x1x128xi32, #tpu.memory_space<vmem>>
        %dma_start3A_445 = tpu.memref_squeeze %dma_start3A_444 : memref<1x1x128xi32, #tpu.memory_space<vmem>> -> memref<128xi32, #tpu.memory_space<vmem>>
        %dma_start3A_446 = arith.constant 0 : i32
        %dma_start3A_447 = arith.constant 0 : i32
        %dma_start3A_448 = tpu.memref_slice %arg11[%dma_start3A_446, %dma_start3A_447] : memref<10112x128xf32, #tpu.memory_space<vmem_shared>> -> memref<10112x128xf32, #tpu.memory_space<vmem_shared>>
        tpu.enqueue_indirect_dma source(%arg9 : memref<128x128xf32, #tpu.memory_space<vmem>>) target(%dma_start3A_448 : memref<10112x128xf32, #tpu.memory_space<vmem_shared>>) offsets(%dma_start3A_445 : memref<128xi32, #tpu.memory_space<vmem>>) semaphore(%run_scoped3A_442 : memref<!tpu.dma_semaphore, #tpu.memory_space<semaphore_mem>>) {add = true}
        %dma_wait3A_449 = arith.constant 0 : i32
        %dma_wait3A_450 = tpu.memref_slice %arg8[%run_scoped3A_365, %run_scoped3A_366, %dma_wait3A_449] : memref<2x8x128xi32, #tpu.memory_space<vmem>> -> memref<1x1x128xi32, #tpu.memory_space<vmem>>
        %dma_wait3A_451 = tpu.memref_squeeze %dma_wait3A_450 : memref<1x1x128xi32, #tpu.memory_space<vmem>> -> memref<128xi32, #tpu.memory_space<vmem>>
        %dma_wait3A_452 = arith.constant 0 : i32
        %dma_wait3A_453 = arith.constant 0 : i32
        %dma_wait3A_454 = tpu.memref_slice %arg11[%dma_wait3A_452, %dma_wait3A_453] : memref<10112x128xf32, #tpu.memory_space<vmem_shared>> -> memref<10112x128xf32, #tpu.memory_space<vmem_shared>>
        tpu.wait_indirect_dma semaphore(%run_scoped3A_442 : memref<!tpu.dma_semaphore, #tpu.memory_space<semaphore_mem>>) src(%arg9 : memref<128x128xf32, #tpu.memory_space<vmem>>) dst(%dma_wait3A_454 : memref<10112x128xf32, #tpu.memory_space<vmem_shared>>)
        tpu.yield
      }) : () -> ()
      %dma_start3A_367 = arith.constant 1 : i32
      %dma_start3A_368 = arith.constant 6 : i32
      %dma_start3A_369 = arith.constant 0 : i32
      %dma_start3A_370 = tpu.memref_slice %arg7[%dma_start3A_367, %dma_start3A_368, %dma_start3A_369] : memref<2x8x128xi32, #tpu.memory_space<vmem>> -> memref<1x1x128xi32, #tpu.memory_space<vmem>>
      %dma_start3A_371 = tpu.memref_squeeze %dma_start3A_370 : memref<1x1x128xi32, #tpu.memory_space<vmem>> -> memref<128xi32, #tpu.memory_space<vmem>>
      %dma_start3A_372 = arith.constant 0 : i32
      %dma_start3A_373 = arith.constant 0 : i32
      %dma_start3A_374 = tpu.memref_slice %arg2[%arg0, %dma_start3A_372, %dma_start3A_373] : memref<2x10000x128xf32, #tpu.memory_space<hbm>> -> memref<1x10000x128xf32, #tpu.memory_space<hbm>>
      %dma_start3A_375 = tpu.memref_squeeze %dma_start3A_374 : memref<1x10000x128xf32, #tpu.memory_space<hbm>> -> memref<10000x128xf32, #tpu.memory_space<hbm>>
      %dma_start3A_376 = arith.constant 0 : i32
      %dma_start3A_377 = arith.constant 0 : i32
      %dma_start3A_378 = tpu.memref_slice %dma_start3A_375[%dma_start3A_376, %dma_start3A_377] : memref<10000x128xf32, #tpu.memory_space<hbm>> -> memref<10000x128xf32, #tpu.memory_space<hbm>>
      tpu.enqueue_indirect_dma source(%dma_start3A_378 : memref<10000x128xf32, #tpu.memory_space<hbm>>) target(%arg9 : memref<128x128xf32, #tpu.memory_space<vmem>>) offsets(%dma_start3A_371 : memref<128xi32, #tpu.memory_space<vmem>>) semaphore(%arg12 : memref<!tpu.dma_semaphore, #tpu.memory_space<semaphore_mem>>)
      %dma_wait3A_379 = arith.constant 1 : i32
      %dma_wait3A_380 = arith.constant 5 : i32
      %dma_wait3A_381 = arith.constant 0 : i32
      %dma_wait3A_382 = tpu.memref_slice %arg7[%dma_wait3A_379, %dma_wait3A_380, %dma_wait3A_381] : memref<2x8x128xi32, #tpu.memory_space<vmem>> -> memref<1x1x128xi32, #tpu.memory_space<vmem>>
      %dma_wait3A_383 = tpu.memref_squeeze %dma_wait3A_382 : memref<1x1x128xi32, #tpu.memory_space<vmem>> -> memref<128xi32, #tpu.memory_space<vmem>>
      %dma_wait3A_384 = arith.constant 0 : i32
      %dma_wait3A_385 = arith.constant 0 : i32
      %dma_wait3A_386 = tpu.memref_slice %arg2[%arg0, %dma_wait3A_384, %dma_wait3A_385] : memref<2x10000x128xf32, #tpu.memory_space<hbm>> -> memref<1x10000x128xf32, #tpu.memory_space<hbm>>
      %dma_wait3A_387 = tpu.memref_squeeze %dma_wait3A_386 : memref<1x10000x128xf32, #tpu.memory_space<hbm>> -> memref<10000x128xf32, #tpu.memory_space<hbm>>
      %dma_wait3A_388 = arith.constant 0 : i32
      %dma_wait3A_389 = arith.constant 0 : i32
      %dma_wait3A_390 = tpu.memref_slice %dma_wait3A_387[%dma_wait3A_388, %dma_wait3A_389] : memref<10000x128xf32, #tpu.memory_space<hbm>> -> memref<10000x128xf32, #tpu.memory_space<hbm>>
      tpu.wait_indirect_dma semaphore(%arg13 : memref<!tpu.dma_semaphore, #tpu.memory_space<semaphore_mem>>) src(%dma_wait3A_390 : memref<10000x128xf32, #tpu.memory_space<hbm>>) dst(%arg10 : memref<128x128xf32, #tpu.memory_space<vmem>>)
      %run_scoped3A_391 = arith.constant 1 : i32
      %run_scoped3A_392 = arith.constant 5 : i32
      "tpu.region"() ({
        %run_scoped3A_442 = tpu.sem_alloc : memref<!tpu.dma_semaphore, #tpu.memory_space<semaphore_mem>>
        %dma_start3A_443 = arith.constant 0 : i32
        %dma_start3A_444 = tpu.memref_slice %arg8[%run_scoped3A_391, %run_scoped3A_392, %dma_start3A_443] : memref<2x8x128xi32, #tpu.memory_space<vmem>> -> memref<1x1x128xi32, #tpu.memory_space<vmem>>
        %dma_start3A_445 = tpu.memref_squeeze %dma_start3A_444 : memref<1x1x128xi32, #tpu.memory_space<vmem>> -> memref<128xi32, #tpu.memory_space<vmem>>
        %dma_start3A_446 = arith.constant 0 : i32
        %dma_start3A_447 = arith.constant 0 : i32
        %dma_start3A_448 = tpu.memref_slice %arg11[%dma_start3A_446, %dma_start3A_447] : memref<10112x128xf32, #tpu.memory_space<vmem_shared>> -> memref<10112x128xf32, #tpu.memory_space<vmem_shared>>
        tpu.enqueue_indirect_dma source(%arg10 : memref<128x128xf32, #tpu.memory_space<vmem>>) target(%dma_start3A_448 : memref<10112x128xf32, #tpu.memory_space<vmem_shared>>) offsets(%dma_start3A_445 : memref<128xi32, #tpu.memory_space<vmem>>) semaphore(%run_scoped3A_442 : memref<!tpu.dma_semaphore, #tpu.memory_space<semaphore_mem>>) {add = true}
        %dma_wait3A_449 = arith.constant 0 : i32
        %dma_wait3A_450 = tpu.memref_slice %arg8[%run_scoped3A_391, %run_scoped3A_392, %dma_wait3A_449] : memref<2x8x128xi32, #tpu.memory_space<vmem>> -> memref<1x1x128xi32, #tpu.memory_space<vmem>>
        %dma_wait3A_451 = tpu.memref_squeeze %dma_wait3A_450 : memref<1x1x128xi32, #tpu.memory_space<vmem>> -> memref<128xi32, #tpu.memory_space<vmem>>
        %dma_wait3A_452 = arith.constant 0 : i32
        %dma_wait3A_453 = arith.constant 0 : i32
        %dma_wait3A_454 = tpu.memref_slice %arg11[%dma_wait3A_452, %dma_wait3A_453] : memref<10112x128xf32, #tpu.memory_space<vmem_shared>> -> memref<10112x128xf32, #tpu.memory_space<vmem_shared>>
        tpu.wait_indirect_dma semaphore(%run_scoped3A_442 : memref<!tpu.dma_semaphore, #tpu.memory_space<semaphore_mem>>) src(%arg10 : memref<128x128xf32, #tpu.memory_space<vmem>>) dst(%dma_wait3A_454 : memref<10112x128xf32, #tpu.memory_space<vmem_shared>>)
        tpu.yield
      }) : () -> ()
      %dma_start3A_393 = arith.constant 1 : i32
      %dma_start3A_394 = arith.constant 7 : i32
      %dma_start3A_395 = arith.constant 0 : i32
      %dma_start3A_396 = tpu.memref_slice %arg7[%dma_start3A_393, %dma_start3A_394, %dma_start3A_395] : memref<2x8x128xi32, #tpu.memory_space<vmem>> -> memref<1x1x128xi32, #tpu.memory_space<vmem>>
      %dma_start3A_397 = tpu.memref_squeeze %dma_start3A_396 : memref<1x1x128xi32, #tpu.memory_space<vmem>> -> memref<128xi32, #tpu.memory_space<vmem>>
      %dma_start3A_398 = arith.constant 0 : i32
      %dma_start3A_399 = arith.constant 0 : i32
      %dma_start3A_400 = tpu.memref_slice %arg2[%arg0, %dma_start3A_398, %dma_start3A_399] : memref<2x10000x128xf32, #tpu.memory_space<hbm>> -> memref<1x10000x128xf32, #tpu.memory_space<hbm>>
      %dma_start3A_401 = tpu.memref_squeeze %dma_start3A_400 : memref<1x10000x128xf32, #tpu.memory_space<hbm>> -> memref<10000x128xf32, #tpu.memory_space<hbm>>
      %dma_start3A_402 = arith.constant 0 : i32
      %dma_start3A_403 = arith.constant 0 : i32
      %dma_start3A_404 = tpu.memref_slice %dma_start3A_401[%dma_start3A_402, %dma_start3A_403] : memref<10000x128xf32, #tpu.memory_space<hbm>> -> memref<10000x128xf32, #tpu.memory_space<hbm>>
      tpu.enqueue_indirect_dma source(%dma_start3A_404 : memref<10000x128xf32, #tpu.memory_space<hbm>>) target(%arg10 : memref<128x128xf32, #tpu.memory_space<vmem>>) offsets(%dma_start3A_397 : memref<128xi32, #tpu.memory_space<vmem>>) semaphore(%arg13 : memref<!tpu.dma_semaphore, #tpu.memory_space<semaphore_mem>>)
      %convert_element_type3A_405 = arith.extui %lt3A_245 : i1 to i32
      %cond3A_406 = arith.constant 0 : i32
      %cond3A_407 = arith.cmpi ne, %convert_element_type3A_405, %cond3A_406 : i32
      scf.if %cond3A_407 {
        %add3A_442 = arith.constant 1 : i32
        %add3A_443 = arith.addi %add3A_241, %add3A_442 : i32
        %mul3A_444 = arith.constant 8 : i32
        %mul3A_445 = arith.muli %add3A_443, %mul3A_444 : i32
        %dma_wait3A_446 = arith.constant 0 : i32
        %dma_wait3A_447 = arith.constant 0 : i32
        %dma_wait3A_448 = arith.constant 0 : i32
        %dma_wait3A_449 = tpu.memref_slice %arg7[%dma_wait3A_446, %dma_wait3A_447, %dma_wait3A_448] : memref<2x8x128xi32, #tpu.memory_space<vmem>> -> memref<1x8x128xi32, #tpu.memory_space<vmem>>
        %dma_wait3A_450 = tpu.memref_squeeze %dma_wait3A_449 : memref<1x8x128xi32, #tpu.memory_space<vmem>> -> memref<8x128xi32, #tpu.memory_space<vmem>>
        %dma_wait3A_451 = arith.constant 0 : i32
        %dma_wait3A_452 = tpu.memref_slice %arg3[%add3A, %mul3A_445, %dma_wait3A_451] : memref<32x80x128xi32, #tpu.memory_space<hbm>> -> memref<1x8x128xi32, #tpu.memory_space<hbm>>
        %dma_wait3A_453 = tpu.memref_squeeze %dma_wait3A_452 : memref<1x8x128xi32, #tpu.memory_space<hbm>> -> memref<8x128xi32, #tpu.memory_space<hbm>>
        %dma_wait3A_454 = arith.constant 0 : i32
        %dma_wait3A_455 = arith.constant 0 : i32
        %dma_wait3A_456 = tpu.memref_slice %arg7[%dma_wait3A_446, %dma_wait3A_454, %dma_wait3A_455] : memref<2x8x128xi32, #tpu.memory_space<vmem>> -> memref<1x8x128xi32, #tpu.memory_space<vmem>>
        %dma_wait3A_457 = tpu.memref_squeeze %dma_wait3A_456 : memref<1x8x128xi32, #tpu.memory_space<vmem>> -> memref<8x128xi32, #tpu.memory_space<vmem>>
        %dma_wait3A_458 = arith.constant 0 : i32
        %dma_wait3A_459 = tpu.memref_slice %arg3[%add3A, %mul3A_445, %dma_wait3A_458] : memref<32x80x128xi32, #tpu.memory_space<hbm>> -> memref<1x8x128xi32, #tpu.memory_space<hbm>>
        %dma_wait3A_460 = tpu.memref_squeeze %dma_wait3A_459 : memref<1x8x128xi32, #tpu.memory_space<hbm>> -> memref<8x128xi32, #tpu.memory_space<hbm>>
        tpu.wait_dma2 semaphore(%arg14 : memref<!tpu.dma_semaphore, #tpu.memory_space<semaphore_mem>>) src(%dma_wait3A_460 : memref<8x128xi32, #tpu.memory_space<hbm>>) dst(%dma_wait3A_457 : memref<8x128xi32, #tpu.memory_space<vmem>>)
        %add3A_461 = arith.constant 1 : i32
        %add3A_462 = arith.addi %add3A_241, %add3A_461 : i32
        %mul3A_463 = arith.constant 8 : i32
        %mul3A_464 = arith.muli %add3A_462, %mul3A_463 : i32
        %dma_wait3A_465 = arith.constant 0 : i32
        %dma_wait3A_466 = arith.constant 0 : i32
        %dma_wait3A_467 = arith.constant 0 : i32
        %dma_wait3A_468 = tpu.memref_slice %arg8[%dma_wait3A_465, %dma_wait3A_466, %dma_wait3A_467] : memref<2x8x128xi32, #tpu.memory_space<vmem>> -> memref<1x8x128xi32, #tpu.memory_space<vmem>>
        %dma_wait3A_469 = tpu.memref_squeeze %dma_wait3A_468 : memref<1x8x128xi32, #tpu.memory_space<vmem>> -> memref<8x128xi32, #tpu.memory_space<vmem>>
        %dma_wait3A_470 = arith.constant 0 : i32
        %dma_wait3A_471 = tpu.memref_slice %arg4[%add3A, %mul3A_464, %dma_wait3A_470] : memref<32x80x128xi32, #tpu.memory_space<hbm>> -> memref<1x8x128xi32, #tpu.memory_space<hbm>>
        %dma_wait3A_472 = tpu.memref_squeeze %dma_wait3A_471 : memref<1x8x128xi32, #tpu.memory_space<hbm>> -> memref<8x128xi32, #tpu.memory_space<hbm>>
        %dma_wait3A_473 = arith.constant 0 : i32
        %dma_wait3A_474 = arith.constant 0 : i32
        %dma_wait3A_475 = tpu.memref_slice %arg8[%dma_wait3A_465, %dma_wait3A_473, %dma_wait3A_474] : memref<2x8x128xi32, #tpu.memory_space<vmem>> -> memref<1x8x128xi32, #tpu.memory_space<vmem>>
        %dma_wait3A_476 = tpu.memref_squeeze %dma_wait3A_475 : memref<1x8x128xi32, #tpu.memory_space<vmem>> -> memref<8x128xi32, #tpu.memory_space<vmem>>
        %dma_wait3A_477 = arith.constant 0 : i32
        %dma_wait3A_478 = tpu.memref_slice %arg4[%add3A, %mul3A_464, %dma_wait3A_477] : memref<32x80x128xi32, #tpu.memory_space<hbm>> -> memref<1x8x128xi32, #tpu.memory_space<hbm>>
        %dma_wait3A_479 = tpu.memref_squeeze %dma_wait3A_478 : memref<1x8x128xi32, #tpu.memory_space<hbm>> -> memref<8x128xi32, #tpu.memory_space<hbm>>
        tpu.wait_dma2 semaphore(%arg15 : memref<!tpu.dma_semaphore, #tpu.memory_space<semaphore_mem>>) src(%dma_wait3A_479 : memref<8x128xi32, #tpu.memory_space<hbm>>) dst(%dma_wait3A_476 : memref<8x128xi32, #tpu.memory_space<vmem>>)
      } else {
      }
      %dma_wait3A_408 = arith.constant 1 : i32
      %dma_wait3A_409 = arith.constant 6 : i32
      %dma_wait3A_410 = arith.constant 0 : i32
      %dma_wait3A_411 = tpu.memref_slice %arg7[%dma_wait3A_408, %dma_wait3A_409, %dma_wait3A_410] : memref<2x8x128xi32, #tpu.memory_space<vmem>> -> memref<1x1x128xi32, #tpu.memory_space<vmem>>
      %dma_wait3A_412 = tpu.memref_squeeze %dma_wait3A_411 : memref<1x1x128xi32, #tpu.memory_space<vmem>> -> memref<128xi32, #tpu.memory_space<vmem>>
      %dma_wait3A_413 = arith.constant 0 : i32
      %dma_wait3A_414 = arith.constant 0 : i32
      %dma_wait3A_415 = tpu.memref_slice %arg2[%arg0, %dma_wait3A_413, %dma_wait3A_414] : memref<2x10000x128xf32, #tpu.memory_space<hbm>> -> memref<1x10000x128xf32, #tpu.memory_space<hbm>>
      %dma_wait3A_416 = tpu.memref_squeeze %dma_wait3A_415 : memref<1x10000x128xf32, #tpu.memory_space<hbm>> -> memref<10000x128xf32, #tpu.memory_space<hbm>>
      %dma_wait3A_417 = arith.constant 0 : i32
      %dma_wait3A_418 = arith.constant 0 : i32
      %dma_wait3A_419 = tpu.memref_slice %dma_wait3A_416[%dma_wait3A_417, %dma_wait3A_418] : memref<10000x128xf32, #tpu.memory_space<hbm>> -> memref<10000x128xf32, #tpu.memory_space<hbm>>
      tpu.wait_indirect_dma semaphore(%arg12 : memref<!tpu.dma_semaphore, #tpu.memory_space<semaphore_mem>>) src(%dma_wait3A_419 : memref<10000x128xf32, #tpu.memory_space<hbm>>) dst(%arg9 : memref<128x128xf32, #tpu.memory_space<vmem>>)
      %run_scoped3A_420 = arith.constant 1 : i32
      %run_scoped3A_421 = arith.constant 6 : i32
      "tpu.region"() ({
        %run_scoped3A_442 = tpu.sem_alloc : memref<!tpu.dma_semaphore, #tpu.memory_space<semaphore_mem>>
        %dma_start3A_443 = arith.constant 0 : i32
        %dma_start3A_444 = tpu.memref_slice %arg8[%run_scoped3A_420, %run_scoped3A_421, %dma_start3A_443] : memref<2x8x128xi32, #tpu.memory_space<vmem>> -> memref<1x1x128xi32, #tpu.memory_space<vmem>>
        %dma_start3A_445 = tpu.memref_squeeze %dma_start3A_444 : memref<1x1x128xi32, #tpu.memory_space<vmem>> -> memref<128xi32, #tpu.memory_space<vmem>>
        %dma_start3A_446 = arith.constant 0 : i32
        %dma_start3A_447 = arith.constant 0 : i32
        %dma_start3A_448 = tpu.memref_slice %arg11[%dma_start3A_446, %dma_start3A_447] : memref<10112x128xf32, #tpu.memory_space<vmem_shared>> -> memref<10112x128xf32, #tpu.memory_space<vmem_shared>>
        tpu.enqueue_indirect_dma source(%arg9 : memref<128x128xf32, #tpu.memory_space<vmem>>) target(%dma_start3A_448 : memref<10112x128xf32, #tpu.memory_space<vmem_shared>>) offsets(%dma_start3A_445 : memref<128xi32, #tpu.memory_space<vmem>>) semaphore(%run_scoped3A_442 : memref<!tpu.dma_semaphore, #tpu.memory_space<semaphore_mem>>) {add = true}
        %dma_wait3A_449 = arith.constant 0 : i32
        %dma_wait3A_450 = tpu.memref_slice %arg8[%run_scoped3A_420, %run_scoped3A_421, %dma_wait3A_449] : memref<2x8x128xi32, #tpu.memory_space<vmem>> -> memref<1x1x128xi32, #tpu.memory_space<vmem>>
        %dma_wait3A_451 = tpu.memref_squeeze %dma_wait3A_450 : memref<1x1x128xi32, #tpu.memory_space<vmem>> -> memref<128xi32, #tpu.memory_space<vmem>>
        %dma_wait3A_452 = arith.constant 0 : i32
        %dma_wait3A_453 = arith.constant 0 : i32
        %dma_wait3A_454 = tpu.memref_slice %arg11[%dma_wait3A_452, %dma_wait3A_453] : memref<10112x128xf32, #tpu.memory_space<vmem_shared>> -> memref<10112x128xf32, #tpu.memory_space<vmem_shared>>
        tpu.wait_indirect_dma semaphore(%run_scoped3A_442 : memref<!tpu.dma_semaphore, #tpu.memory_space<semaphore_mem>>) src(%arg9 : memref<128x128xf32, #tpu.memory_space<vmem>>) dst(%dma_wait3A_454 : memref<10112x128xf32, #tpu.memory_space<vmem_shared>>)
        tpu.yield
      }) : () -> ()
      %convert_element_type3A_422 = arith.extui %lt3A_245 : i1 to i32
      %cond3A_423 = arith.constant 0 : i32
      %cond3A_424 = arith.cmpi ne, %convert_element_type3A_422, %cond3A_423 : i32
      scf.if %cond3A_424 {
        %dma_start3A_442 = arith.constant 0 : i32
        %dma_start3A_443 = arith.constant 0 : i32
        %dma_start3A_444 = arith.constant 0 : i32
        %dma_start3A_445 = tpu.memref_slice %arg7[%dma_start3A_442, %dma_start3A_443, %dma_start3A_444] : memref<2x8x128xi32, #tpu.memory_space<vmem>> -> memref<1x1x128xi32, #tpu.memory_space<vmem>>
        %dma_start3A_446 = tpu.memref_squeeze %dma_start3A_445 : memref<1x1x128xi32, #tpu.memory_space<vmem>> -> memref<128xi32, #tpu.memory_space<vmem>>
        %dma_start3A_447 = arith.constant 0 : i32
        %dma_start3A_448 = arith.constant 0 : i32
        %dma_start3A_449 = tpu.memref_slice %arg2[%arg0, %dma_start3A_447, %dma_start3A_448] : memref<2x10000x128xf32, #tpu.memory_space<hbm>> -> memref<1x10000x128xf32, #tpu.memory_space<hbm>>
        %dma_start3A_450 = tpu.memref_squeeze %dma_start3A_449 : memref<1x10000x128xf32, #tpu.memory_space<hbm>> -> memref<10000x128xf32, #tpu.memory_space<hbm>>
        %dma_start3A_451 = arith.constant 0 : i32
        %dma_start3A_452 = arith.constant 0 : i32
        %dma_start3A_453 = tpu.memref_slice %dma_start3A_450[%dma_start3A_451, %dma_start3A_452] : memref<10000x128xf32, #tpu.memory_space<hbm>> -> memref<10000x128xf32, #tpu.memory_space<hbm>>
        tpu.enqueue_indirect_dma source(%dma_start3A_453 : memref<10000x128xf32, #tpu.memory_space<hbm>>) target(%arg9 : memref<128x128xf32, #tpu.memory_space<vmem>>) offsets(%dma_start3A_446 : memref<128xi32, #tpu.memory_space<vmem>>) semaphore(%arg12 : memref<!tpu.dma_semaphore, #tpu.memory_space<semaphore_mem>>)
      } else {
      }
      %dma_wait3A_425 = arith.constant 1 : i32
      %dma_wait3A_426 = arith.constant 7 : i32
      %dma_wait3A_427 = arith.constant 0 : i32
      %dma_wait3A_428 = tpu.memref_slice %arg7[%dma_wait3A_425, %dma_wait3A_426, %dma_wait3A_427] : memref<2x8x128xi32, #tpu.memory_space<vmem>> -> memref<1x1x128xi32, #tpu.memory_space<vmem>>
      %dma_wait3A_429 = tpu.memref_squeeze %dma_wait3A_428 : memref<1x1x128xi32, #tpu.memory_space<vmem>> -> memref<128xi32, #tpu.memory_space<vmem>>
      %dma_wait3A_430 = arith.constant 0 : i32
      %dma_wait3A_431 = arith.constant 0 : i32
      %dma_wait3A_432 = tpu.memref_slice %arg2[%arg0, %dma_wait3A_430, %dma_wait3A_431] : memref<2x10000x128xf32, #tpu.memory_space<hbm>> -> memref<1x10000x128xf32, #tpu.memory_space<hbm>>
      %dma_wait3A_433 = tpu.memref_squeeze %dma_wait3A_432 : memref<1x10000x128xf32, #tpu.memory_space<hbm>> -> memref<10000x128xf32, #tpu.memory_space<hbm>>
      %dma_wait3A_434 = arith.constant 0 : i32
      %dma_wait3A_435 = arith.constant 0 : i32
      %dma_wait3A_436 = tpu.memref_slice %dma_wait3A_433[%dma_wait3A_434, %dma_wait3A_435] : memref<10000x128xf32, #tpu.memory_space<hbm>> -> memref<10000x128xf32, #tpu.memory_space<hbm>>
      tpu.wait_indirect_dma semaphore(%arg13 : memref<!tpu.dma_semaphore, #tpu.memory_space<semaphore_mem>>) src(%dma_wait3A_436 : memref<10000x128xf32, #tpu.memory_space<hbm>>) dst(%arg10 : memref<128x128xf32, #tpu.memory_space<vmem>>)
      %run_scoped3A_437 = arith.constant 1 : i32
      %run_scoped3A_438 = arith.constant 7 : i32
      "tpu.region"() ({
        %run_scoped3A_442 = tpu.sem_alloc : memref<!tpu.dma_semaphore, #tpu.memory_space<semaphore_mem>>
        %dma_start3A_443 = arith.constant 0 : i32
        %dma_start3A_444 = tpu.memref_slice %arg8[%run_scoped3A_437, %run_scoped3A_438, %dma_start3A_443] : memref<2x8x128xi32, #tpu.memory_space<vmem>> -> memref<1x1x128xi32, #tpu.memory_space<vmem>>
        %dma_start3A_445 = tpu.memref_squeeze %dma_start3A_444 : memref<1x1x128xi32, #tpu.memory_space<vmem>> -> memref<128xi32, #tpu.memory_space<vmem>>
        %dma_start3A_446 = arith.constant 0 : i32
        %dma_start3A_447 = arith.constant 0 : i32
        %dma_start3A_448 = tpu.memref_slice %arg11[%dma_start3A_446, %dma_start3A_447] : memref<10112x128xf32, #tpu.memory_space<vmem_shared>> -> memref<10112x128xf32, #tpu.memory_space<vmem_shared>>
        tpu.enqueue_indirect_dma source(%arg10 : memref<128x128xf32, #tpu.memory_space<vmem>>) target(%dma_start3A_448 : memref<10112x128xf32, #tpu.memory_space<vmem_shared>>) offsets(%dma_start3A_445 : memref<128xi32, #tpu.memory_space<vmem>>) semaphore(%run_scoped3A_442 : memref<!tpu.dma_semaphore, #tpu.memory_space<semaphore_mem>>) {add = true}
        %dma_wait3A_449 = arith.constant 0 : i32
        %dma_wait3A_450 = tpu.memref_slice %arg8[%run_scoped3A_437, %run_scoped3A_438, %dma_wait3A_449] : memref<2x8x128xi32, #tpu.memory_space<vmem>> -> memref<1x1x128xi32, #tpu.memory_space<vmem>>
        %dma_wait3A_451 = tpu.memref_squeeze %dma_wait3A_450 : memref<1x1x128xi32, #tpu.memory_space<vmem>> -> memref<128xi32, #tpu.memory_space<vmem>>
        %dma_wait3A_452 = arith.constant 0 : i32
        %dma_wait3A_453 = arith.constant 0 : i32
        %dma_wait3A_454 = tpu.memref_slice %arg11[%dma_wait3A_452, %dma_wait3A_453] : memref<10112x128xf32, #tpu.memory_space<vmem_shared>> -> memref<10112x128xf32, #tpu.memory_space<vmem_shared>>
        tpu.wait_indirect_dma semaphore(%run_scoped3A_442 : memref<!tpu.dma_semaphore, #tpu.memory_space<semaphore_mem>>) src(%arg10 : memref<128x128xf32, #tpu.memory_space<vmem>>) dst(%dma_wait3A_454 : memref<10112x128xf32, #tpu.memory_space<vmem_shared>>)
        tpu.yield
      }) : () -> ()
      %convert_element_type3A_439 = arith.extui %lt3A_245 : i1 to i32
      %cond3A_440 = arith.constant 0 : i32
      %cond3A_441 = arith.cmpi ne, %convert_element_type3A_439, %cond3A_440 : i32
      scf.if %cond3A_441 {
        %dma_start3A_442 = arith.constant 0 : i32
        %dma_start3A_443 = arith.constant 1 : i32
        %dma_start3A_444 = arith.constant 0 : i32
        %dma_start3A_445 = tpu.memref_slice %arg7[%dma_start3A_442, %dma_start3A_443, %dma_start3A_444] : memref<2x8x128xi32, #tpu.memory_space<vmem>> -> memref<1x1x128xi32, #tpu.memory_space<vmem>>
        %dma_start3A_446 = tpu.memref_squeeze %dma_start3A_445 : memref<1x1x128xi32, #tpu.memory_space<vmem>> -> memref<128xi32, #tpu.memory_space<vmem>>
        %dma_start3A_447 = arith.constant 0 : i32
        %dma_start3A_448 = arith.constant 0 : i32
        %dma_start3A_449 = tpu.memref_slice %arg2[%arg0, %dma_start3A_447, %dma_start3A_448] : memref<2x10000x128xf32, #tpu.memory_space<hbm>> -> memref<1x10000x128xf32, #tpu.memory_space<hbm>>
        %dma_start3A_450 = tpu.memref_squeeze %dma_start3A_449 : memref<1x10000x128xf32, #tpu.memory_space<hbm>> -> memref<10000x128xf32, #tpu.memory_space<hbm>>
        %dma_start3A_451 = arith.constant 0 : i32
        %dma_start3A_452 = arith.constant 0 : i32
        %dma_start3A_453 = tpu.memref_slice %dma_start3A_450[%dma_start3A_451, %dma_start3A_452] : memref<10000x128xf32, #tpu.memory_space<hbm>> -> memref<10000x128xf32, #tpu.memory_space<hbm>>
        tpu.enqueue_indirect_dma source(%dma_start3A_453 : memref<10000x128xf32, #tpu.memory_space<hbm>>) target(%arg10 : memref<128x128xf32, #tpu.memory_space<vmem>>) offsets(%dma_start3A_446 : memref<128xi32, #tpu.memory_space<vmem>>) semaphore(%arg13 : memref<!tpu.dma_semaphore, #tpu.memory_space<semaphore_mem>>)
      } else {
      }
    }
    %scan3A_33 = arith.constant 5 : i32
    %barrier3A_34 = arith.constant 0 : index
    tpu.barrier barrier_id(%barrier3A_34)
    %mul3A_35 = arith.constant 632 : i32
    %mul3A_36 = arith.muli %arg1, %mul3A_35 : i32
    %mul3A_37 = arith.constant 632 : i32
    %mul3A_38 = arith.muli %arg1, %mul3A_37 : i32
    "tpu.region"() ({
      %run_scoped3A_39 = tpu.sem_alloc : memref<!tpu.dma_semaphore, #tpu.memory_space<semaphore_mem>>
      %dma_start3A_40 = arith.constant 0 : i32
      %dma_start3A_41 = tpu.memref_slice %arg6[%arg0, %mul3A_38, %dma_start3A_40] : memref<2x10112x128xf32, #tpu.memory_space<hbm>> -> memref<1x632x128xf32, #tpu.memory_space<hbm>>
      %dma_start3A_42 = tpu.memref_squeeze %dma_start3A_41 : memref<1x632x128xf32, #tpu.memory_space<hbm>> -> memref<632x128xf32, #tpu.memory_space<hbm>>
      %dma_start3A_43 = arith.constant 0 : i32
      %dma_start3A_44 = tpu.memref_slice %arg11[%mul3A_36, %dma_start3A_43] : memref<10112x128xf32, #tpu.memory_space<vmem_shared>> -> memref<632x128xf32, #tpu.memory_space<vmem_shared>>
      tpu.enqueue_dma source(%dma_start3A_44 : memref<632x128xf32, #tpu.memory_space<vmem_shared>>) target(%dma_start3A_42 : memref<632x128xf32, #tpu.memory_space<hbm>>) target_semaphore(%run_scoped3A_39 : memref<!tpu.dma_semaphore, #tpu.memory_space<semaphore_mem>>)
      %dma_wait3A = arith.constant 0 : i32
      %dma_wait3A_45 = tpu.memref_slice %arg6[%arg0, %mul3A_38, %dma_wait3A] : memref<2x10112x128xf32, #tpu.memory_space<hbm>> -> memref<1x632x128xf32, #tpu.memory_space<hbm>>
      %dma_wait3A_46 = tpu.memref_squeeze %dma_wait3A_45 : memref<1x632x128xf32, #tpu.memory_space<hbm>> -> memref<632x128xf32, #tpu.memory_space<hbm>>
      %dma_wait3A_47 = arith.constant 0 : i32
      %dma_wait3A_48 = tpu.memref_slice %arg11[%mul3A_36, %dma_wait3A_47] : memref<10112x128xf32, #tpu.memory_space<vmem_shared>> -> memref<632x128xf32, #tpu.memory_space<vmem_shared>>
      tpu.wait_dma2 semaphore(%run_scoped3A_39 : memref<!tpu.dma_semaphore, #tpu.memory_space<semaphore_mem>>) src(%dma_wait3A_48 : memref<632x128xf32, #tpu.memory_space<vmem_shared>>) dst(%dma_wait3A_46 : memref<632x128xf32, #tpu.memory_space<hbm>>)
      tpu.yield
    }) : () -> ()
    return
  }
}

module attributes {stable_mosaic.version = 14 : i64} {
  func.func @_tc_a_body(%arg0: i32, %arg1: memref<2x1000x128xf32, #tpu.memory_space<vmem>>, %arg2: memref<1000x128xf32, #tpu.memory_space<vmem>>, %arg3: memref<128x128xf32, #tpu.memory_space<vmem>>, %arg4: memref<2x1000x128xf32, #tpu.memory_space<vmem>>, %arg5: memref<1000x128xf32, #tpu.memory_space<vmem>>) attributes {dimension_semantics = [#tpu.dimension_semantics<arbitrary>], iteration_bounds = array<i64: 10>, scalar_prefetch = 0 : i64, scratch_operands = 0 : i64, tpu.core_type = #tpu.core_type<tc>, window_params = [{transform_indices = @transform_0, window_bounds = array<i64: 2, 1000, 128>}, {transform_indices = @transform_1, window_bounds = array<i64: 1000, 128>}, {pipeline_mode = #tpu.pipeline_mode<synchronous>, transform_indices = @transform_2, window_bounds = array<i64: 128, 128>}, {transform_indices = @transform_3, window_bounds = array<i64: 2, 1000, 128>}, {transform_indices = @transform_4, window_bounds = array<i64: 1000, 128>}]} {
    %get3A = arith.constant 0 : index
    %get3A_0 = arith.constant 0 : index
    %get3A_1 = arith.constant 0 : index
    %get3A_2 = vector.load %arg1[%get3A, %get3A_0, %get3A_1] : memref<2x1000x128xf32, #tpu.memory_space<vmem>>, vector<2x1000x128xf32>
    %slice3A = vector.extract_strided_slice %get3A_2 {offsets = [0, 0, 0], sizes = [1, 1000, 128], strides = [1, 1, 1]} : vector<2x1000x128xf32> to vector<1x1000x128xf32>
    %squeeze3A = vector.shape_cast %slice3A : vector<1x1000x128xf32> to vector<1000x128xf32>
    %slice3A_3 = vector.extract_strided_slice %get3A_2 {offsets = [1, 0, 0], sizes = [1, 1000, 128], strides = [1, 1, 1]} : vector<2x1000x128xf32> to vector<1x1000x128xf32>
    %squeeze3A_4 = vector.shape_cast %slice3A_3 : vector<1x1000x128xf32> to vector<1000x128xf32>
    %add3A = arith.addf %squeeze3A, %squeeze3A_4 : vector<1000x128xf32>
    %add3A_5 = arith.constant 1.000000e+00 : f32
    %add3A_6 = vector.broadcast %add3A_5 : f32 to vector<1000x128xf32>
    %add3A_7 = arith.addf %add3A, %add3A_6 : vector<1000x128xf32>
    %rsqrt3A = math.rsqrt %add3A_7 : vector<1000x128xf32>
    %mul3A = arith.constant 5.000000e-01 : f32
    %mul3A_8 = vector.broadcast %mul3A : f32 to vector<1000x128xf32>
    %mul3A_9 = arith.mulf %mul3A_8, %add3A_7 : vector<1000x128xf32>
    %mul3A_10 = arith.mulf %mul3A_9, %rsqrt3A : vector<1000x128xf32>
    %mul3A_11 = arith.mulf %mul3A_10, %rsqrt3A : vector<1000x128xf32>
    %sub3A = arith.constant 1.500000e+00 : f32
    %sub3A_12 = vector.broadcast %sub3A : f32 to vector<1000x128xf32>
    %sub3A_13 = arith.subf %sub3A_12, %mul3A_11 : vector<1000x128xf32>
    %mul3A_14 = arith.mulf %rsqrt3A, %sub3A_13 : vector<1000x128xf32>
    %get3A_15 = arith.constant 0 : index
    %get3A_16 = arith.constant 0 : index
    %get3A_17 = vector.load %arg2[%get3A_15, %get3A_16] : memref<1000x128xf32, #tpu.memory_space<vmem>>, vector<1000x128xf32>
    %get3A_18 = arith.constant 0 : index
    %get3A_19 = arith.constant 0 : index
    %get3A_20 = vector.load %arg3[%get3A_18, %get3A_19] : memref<128x128xf32, #tpu.memory_space<vmem>>, vector<128x128xf32>
    %dot_general3A = arith.constant dense<0.000000e+00> : vector<1000x128xf32>
    %dot_general3A_21 = tpu.matmul %get3A_17, %get3A_20, %dot_general3A {dimension_numbers = #tpu.dot_dimension_numbers<[1], [0], [0], [1], [0, 0, 1, 1], [], []>, transpose_lhs_hint = false} : vector<1000x128xf32>, vector<128x128xf32>, vector<1000x128xf32> -> vector<1000x128xf32>
    %mul3A_22 = arith.mulf %dot_general3A_21, %mul3A_14 : vector<1000x128xf32>
    %broadcast_in_dim3A = vector.shape_cast %mul3A_22 : vector<1000x128xf32> to vector<1x1000x128xf32>
    %broadcast_in_dim3A_23 = vector.shape_cast %broadcast_in_dim3A : vector<1x1000x128xf32> to vector<1x1000x128xf32>
    %broadcast_in_dim3A_24 = vector.broadcast %broadcast_in_dim3A_23 : vector<1x1000x128xf32> to vector<2x1000x128xf32>
    %swap3A = arith.constant 0 : index
    %swap3A_25 = arith.constant 0 : index
    %swap3A_26 = arith.constant 0 : index
    %swap3A_27 = vector.load %arg4[%swap3A, %swap3A_25, %swap3A_26] : memref<2x1000x128xf32, #tpu.memory_space<vmem>>, vector<2x1000x128xf32>
    tpu.vector_store %arg4[%swap3A, %swap3A_25, %swap3A_26], %broadcast_in_dim3A_24 {strides = array<i32>} : memref<2x1000x128xf32, #tpu.memory_space<vmem>>, vector<2x1000x128xf32>,
    %swap3A_28 = arith.constant 0 : index
    %swap3A_29 = arith.constant 0 : index
    %swap3A_30 = vector.load %arg5[%swap3A_28, %swap3A_29] : memref<1000x128xf32, #tpu.memory_space<vmem>>, vector<1000x128xf32>
    tpu.vector_store %arg5[%swap3A_28, %swap3A_29], %mul3A_14 {strides = array<i32>} : memref<1000x128xf32, #tpu.memory_space<vmem>>, vector<1000x128xf32>,
    return
  }
  func.func @transform_0(%arg0: i32) -> (i32, i32, i32) {
    %c0_i32 = arith.constant 0 : i32
    %c0_i32_0 = arith.constant 0 : i32
    %c0_i32_1 = arith.constant 0 : i32
    return %c0_i32, %arg0, %c0_i32_0 : i32, i32, i32
  }
  func.func @transform_1(%arg0: i32) -> (i32, i32) {
    %c0_i32 = arith.constant 0 : i32
    %c0_i32_0 = arith.constant 0 : i32
    return %arg0, %c0_i32 : i32, i32
  }
  func.func @transform_2(%arg0: i32) -> (i32, i32) {
    %c0_i32 = arith.constant 0 : i32
    %c0_i32_0 = arith.constant 0 : i32
    %c0_i32_1 = arith.constant 0 : i32
    return %c0_i32, %c0_i32_0 : i32, i32
  }
  func.func @transform_3(%arg0: i32) -> (i32, i32, i32) {
    %c0_i32 = arith.constant 0 : i32
    %c0_i32_0 = arith.constant 0 : i32
    %c0_i32_1 = arith.constant 0 : i32
    return %c0_i32, %arg0, %c0_i32_0 : i32, i32, i32
  }
  func.func @transform_4(%arg0: i32) -> (i32, i32) {
    %c0_i32 = arith.constant 0 : i32
    %c0_i32_0 = arith.constant 0 : i32
    return %arg0, %c0_i32 : i32, i32
  }
}

module attributes {stable_mosaic.version = 14 : i64} {
  func.func @_tc_b_body(%arg0: i32, %arg1: memref<2x1000x128xf32, #tpu.memory_space<vmem>>, %arg2: memref<2x1000x128xf32, #tpu.memory_space<vmem>>, %arg3: memref<1000x128xf32, #tpu.memory_space<vmem>>, %arg4: memref<1x128xf32, #tpu.memory_space<vmem>>, %arg5: memref<128x128xf32, #tpu.memory_space<vmem>>, %arg6: memref<2x1000x128xf32, #tpu.memory_space<vmem>>) attributes {dimension_semantics = [#tpu.dimension_semantics<arbitrary>], iteration_bounds = array<i64: 10>, scalar_prefetch = 0 : i64, scratch_operands = 0 : i64, tpu.core_type = #tpu.core_type<tc>, window_params = [{transform_indices = @transform_0, window_bounds = array<i64: 2, 1000, 128>}, {transform_indices = @transform_1, window_bounds = array<i64: 2, 1000, 128>}, {transform_indices = @transform_2, window_bounds = array<i64: 1000, 128>}, {pipeline_mode = #tpu.pipeline_mode<synchronous>, transform_indices = @transform_3, window_bounds = array<i64: 1, 128>}, {pipeline_mode = #tpu.pipeline_mode<synchronous>, transform_indices = @transform_4, window_bounds = array<i64: 128, 128>}, {transform_indices = @transform_5, window_bounds = array<i64: 2, 1000, 128>}]} {
    %get3A = arith.constant 0 : index
    %get3A_0 = arith.constant 0 : index
    %get3A_1 = arith.constant 0 : index
    %get3A_2 = vector.load %arg1[%get3A, %get3A_0, %get3A_1] : memref<2x1000x128xf32, #tpu.memory_space<vmem>>, vector<1x1000x128xf32>
    %get3A_3 = vector.shape_cast %get3A_2 : vector<1x1000x128xf32> to vector<1000x128xf32>
    %get3A_4 = arith.constant 1 : index
    %get3A_5 = arith.constant 0 : index
    %get3A_6 = arith.constant 0 : index
    %get3A_7 = vector.load %arg1[%get3A_4, %get3A_5, %get3A_6] : memref<2x1000x128xf32, #tpu.memory_space<vmem>>, vector<1x1000x128xf32>
    %get3A_8 = vector.shape_cast %get3A_7 : vector<1x1000x128xf32> to vector<1000x128xf32>
    %add3A = arith.addf %get3A_3, %get3A_8 : vector<1000x128xf32>
    %get3A_9 = arith.constant 0 : index
    %get3A_10 = arith.constant 0 : index
    %get3A_11 = vector.load %arg3[%get3A_9, %get3A_10] : memref<1000x128xf32, #tpu.memory_space<vmem>>, vector<1000x128xf32>
    %get3A_12 = arith.constant 0 : index
    %get3A_13 = arith.constant 0 : index
    %get3A_14 = arith.constant 0 : index
    %get3A_15 = vector.load %arg2[%get3A_12, %get3A_13, %get3A_14] : memref<2x1000x128xf32, #tpu.memory_space<vmem>>, vector<1x1000x128xf32>
    %get3A_16 = vector.shape_cast %get3A_15 : vector<1x1000x128xf32> to vector<1000x128xf32>
    %add3A_17 = arith.addf %add3A, %get3A_16 : vector<1000x128xf32>
    %mul3A = arith.mulf %get3A_11, %add3A_17 : vector<1000x128xf32>
    %get3A_18 = arith.constant 0 : index
    %get3A_19 = arith.constant 0 : index
    %get3A_20 = vector.load %arg4[%get3A_18, %get3A_19] : memref<1x128xf32, #tpu.memory_space<vmem>>, vector<1x128xf32>
    %add3A_21 = vector.broadcast %get3A_20 : vector<1x128xf32> to vector<1000x128xf32>
    %add3A_22 = arith.addf %mul3A, %add3A_21 : vector<1000x128xf32>
    %max3A = arith.constant 0.000000e+00 : f32
    %max3A_23 = vector.broadcast %max3A : f32 to vector<1000x128xf32>
    %max3A_24 = arith.maximumf %add3A_22, %max3A_23 : vector<1000x128xf32>
    %get3A_25 = arith.constant 0 : index
    %get3A_26 = arith.constant 0 : index
    %get3A_27 = vector.load %arg5[%get3A_25, %get3A_26] : memref<128x128xf32, #tpu.memory_space<vmem>>, vector<128x128xf32>
    %dot_general3A = arith.constant dense<0.000000e+00> : vector<1000x128xf32>
    %dot_general3A_28 = tpu.matmul %max3A_24, %get3A_27, %dot_general3A {dimension_numbers = #tpu.dot_dimension_numbers<[1], [0], [0], [1], [0, 0, 1, 1], [], []>, transpose_lhs_hint = false} : vector<1000x128xf32>, vector<128x128xf32>, vector<1000x128xf32> -> vector<1000x128xf32>
    %mul3A_29 = arith.mulf %dot_general3A_28, %get3A_11 : vector<1000x128xf32>
    %broadcast_in_dim3A = vector.shape_cast %mul3A_29 : vector<1000x128xf32> to vector<1x1000x128xf32>
    %broadcast_in_dim3A_30 = vector.shape_cast %broadcast_in_dim3A : vector<1x1000x128xf32> to vector<1x1000x128xf32>
    %broadcast_in_dim3A_31 = vector.broadcast %broadcast_in_dim3A_30 : vector<1x1000x128xf32> to vector<2x1000x128xf32>
    %swap3A = arith.constant 0 : index
    %swap3A_32 = arith.constant 0 : index
    %swap3A_33 = arith.constant 0 : index
    %swap3A_34 = vector.load %arg6[%swap3A, %swap3A_32, %swap3A_33] : memref<2x1000x128xf32, #tpu.memory_space<vmem>>, vector<2x1000x128xf32>
    tpu.vector_store %arg6[%swap3A, %swap3A_32, %swap3A_33], %broadcast_in_dim3A_31 {strides = array<i32>} : memref<2x1000x128xf32, #tpu.memory_space<vmem>>, vector<2x1000x128xf32>,
    return
  }
  func.func @transform_0(%arg0: i32) -> (i32, i32, i32) {
    %c0_i32 = arith.constant 0 : i32
    %c0_i32_0 = arith.constant 0 : i32
    %c0_i32_1 = arith.constant 0 : i32
    return %c0_i32, %arg0, %c0_i32_0 : i32, i32, i32
  }
  func.func @transform_1(%arg0: i32) -> (i32, i32, i32) {
    %c0_i32 = arith.constant 0 : i32
    %c0_i32_0 = arith.constant 0 : i32
    %c0_i32_1 = arith.constant 0 : i32
    return %c0_i32, %arg0, %c0_i32_0 : i32, i32, i32
  }
  func.func @transform_2(%arg0: i32) -> (i32, i32) {
    %c0_i32 = arith.constant 0 : i32
    %c0_i32_0 = arith.constant 0 : i32
    return %arg0, %c0_i32 : i32, i32
  }
  func.func @transform_3(%arg0: i32) -> (i32, i32) {
    %c0_i32 = arith.constant 0 : i32
    %c0_i32_0 = arith.constant 0 : i32
    %c0_i32_1 = arith.constant 0 : i32
    return %c0_i32, %c0_i32_0 : i32, i32
  }
  func.func @transform_4(%arg0: i32) -> (i32, i32) {
    %c0_i32 = arith.constant 0 : i32
    %c0_i32_0 = arith.constant 0 : i32
    %c0_i32_1 = arith.constant 0 : i32
    return %c0_i32, %c0_i32_0 : i32, i32
  }
  func.func @transform_5(%arg0: i32) -> (i32, i32, i32) {
    %c0_i32 = arith.constant 0 : i32
    %c0_i32_0 = arith.constant 0 : i32
    %c0_i32_1 = arith.constant 0 : i32
    return %c0_i32, %arg0, %c0_i32_0 : i32, i32, i32
  }
}

module attributes {stable_mosaic.version = 14 : i64} {
  func.func @_tc_c_body(%arg0: i32, %arg1: memref<2x1000x128xf32, #tpu.memory_space<vmem>>, %arg2: memref<2x1000x128xf32, #tpu.memory_space<vmem>>, %arg3: memref<1000x128xf32, #tpu.memory_space<vmem>>, %arg4: memref<1x128xf32, #tpu.memory_space<vmem>>, %arg5: memref<128x1xf32, #tpu.memory_space<vmem>>, %arg6: memref<1x1xf32, #tpu.memory_space<vmem>>, %arg7: memref<1000x1xf32, #tpu.memory_space<vmem>>) attributes {dimension_semantics = [#tpu.dimension_semantics<arbitrary>], iteration_bounds = array<i64: 10>, scalar_prefetch = 0 : i64, scratch_operands = 0 : i64, tpu.core_type = #tpu.core_type<tc>, window_params = [{transform_indices = @transform_0, window_bounds = array<i64: 2, 1000, 128>}, {transform_indices = @transform_1, window_bounds = array<i64: 2, 1000, 128>}, {transform_indices = @transform_2, window_bounds = array<i64: 1000, 128>}, {pipeline_mode = #tpu.pipeline_mode<synchronous>, transform_indices = @transform_3, window_bounds = array<i64: 1, 128>}, {pipeline_mode = #tpu.pipeline_mode<synchronous>, transform_indices = @transform_4, window_bounds = array<i64: 128, 1>}, {pipeline_mode = #tpu.pipeline_mode<synchronous>, transform_indices = @transform_5, window_bounds = array<i64: 1, 1>}, {transform_indices = @transform_6, window_bounds = array<i64: 1000, 1>}]} {
    %get3A = arith.constant 0 : index
    %get3A_0 = arith.constant 0 : index
    %get3A_1 = arith.constant 0 : index
    %get3A_2 = vector.load %arg1[%get3A, %get3A_0, %get3A_1] : memref<2x1000x128xf32, #tpu.memory_space<vmem>>, vector<1x1000x128xf32>
    %get3A_3 = vector.shape_cast %get3A_2 : vector<1x1000x128xf32> to vector<1000x128xf32>
    %get3A_4 = arith.constant 1 : index
    %get3A_5 = arith.constant 0 : index
    %get3A_6 = arith.constant 0 : index
    %get3A_7 = vector.load %arg1[%get3A_4, %get3A_5, %get3A_6] : memref<2x1000x128xf32, #tpu.memory_space<vmem>>, vector<1x1000x128xf32>
    %get3A_8 = vector.shape_cast %get3A_7 : vector<1x1000x128xf32> to vector<1000x128xf32>
    %add3A = arith.addf %get3A_3, %get3A_8 : vector<1000x128xf32>
    %get3A_9 = arith.constant 0 : index
    %get3A_10 = arith.constant 0 : index
    %get3A_11 = vector.load %arg3[%get3A_9, %get3A_10] : memref<1000x128xf32, #tpu.memory_space<vmem>>, vector<1000x128xf32>
    %get3A_12 = arith.constant 0 : index
    %get3A_13 = arith.constant 0 : index
    %get3A_14 = arith.constant 0 : index
    %get3A_15 = vector.load %arg2[%get3A_12, %get3A_13, %get3A_14] : memref<2x1000x128xf32, #tpu.memory_space<vmem>>, vector<1x1000x128xf32>
    %get3A_16 = vector.shape_cast %get3A_15 : vector<1x1000x128xf32> to vector<1000x128xf32>
    %add3A_17 = arith.addf %add3A, %get3A_16 : vector<1000x128xf32>
    %mul3A = arith.mulf %get3A_11, %add3A_17 : vector<1000x128xf32>
    %get3A_18 = arith.constant 0 : index
    %get3A_19 = arith.constant 0 : index
    %get3A_20 = vector.load %arg4[%get3A_18, %get3A_19] : memref<1x128xf32, #tpu.memory_space<vmem>>, vector<1x128xf32>
    %add3A_21 = vector.broadcast %get3A_20 : vector<1x128xf32> to vector<1000x128xf32>
    %add3A_22 = arith.addf %mul3A, %add3A_21 : vector<1000x128xf32>
    %max3A = arith.constant 0.000000e+00 : f32
    %max3A_23 = vector.broadcast %max3A : f32 to vector<1000x128xf32>
    %max3A_24 = arith.maximumf %add3A_22, %max3A_23 : vector<1000x128xf32>
    %get3A_25 = arith.constant 0 : index
    %get3A_26 = arith.constant 0 : index
    %get3A_27 = vector.load %arg5[%get3A_25, %get3A_26] : memref<128x1xf32, #tpu.memory_space<vmem>>, vector<128x1xf32>
    %dot_general3A = arith.constant dense<0.000000e+00> : vector<1000x1xf32>
    %dot_general3A_28 = tpu.matmul %max3A_24, %get3A_27, %dot_general3A {dimension_numbers = #tpu.dot_dimension_numbers<[1], [0], [0], [1], [0, 0, 1, 1], [], []>, transpose_lhs_hint = false} : vector<1000x128xf32>, vector<128x1xf32>, vector<1000x1xf32> -> vector<1000x1xf32>
    %get3A_29 = arith.constant 0 : index
    %get3A_30 = arith.constant 0 : index
    %get3A_31 = vector.load %arg6[%get3A_29, %get3A_30] : memref<1x1xf32, #tpu.memory_space<vmem>>, vector<1x1xf32>
    %add3A_32 = vector.broadcast %get3A_31 : vector<1x1xf32> to vector<1000x1xf32>
    %add3A_33 = arith.addf %dot_general3A_28, %add3A_32 : vector<1000x1xf32>
    %swap3A = arith.constant 0 : index
    %swap3A_34 = arith.constant 0 : index
    %swap3A_35 = vector.load %arg7[%swap3A, %swap3A_34] : memref<1000x1xf32, #tpu.memory_space<vmem>>, vector<1000x1xf32>
    tpu.vector_store %arg7[%swap3A, %swap3A_34], %add3A_33 {strides = array<i32>} : memref<1000x1xf32, #tpu.memory_space<vmem>>, vector<1000x1xf32>,
    return
  }
  func.func @transform_0(%arg0: i32) -> (i32, i32, i32) {
    %c0_i32 = arith.constant 0 : i32
    %c0_i32_0 = arith.constant 0 : i32
    %c0_i32_1 = arith.constant 0 : i32
    return %c0_i32, %arg0, %c0_i32_0 : i32, i32, i32
  }
  func.func @transform_1(%arg0: i32) -> (i32, i32, i32) {
    %c0_i32 = arith.constant 0 : i32
    %c0_i32_0 = arith.constant 0 : i32
    %c0_i32_1 = arith.constant 0 : i32
    return %c0_i32, %arg0, %c0_i32_0 : i32, i32, i32
  }
  func.func @transform_2(%arg0: i32) -> (i32, i32) {
    %c0_i32 = arith.constant 0 : i32
    %c0_i32_0 = arith.constant 0 : i32
    return %arg0, %c0_i32 : i32, i32
  }
  func.func @transform_3(%arg0: i32) -> (i32, i32) {
    %c0_i32 = arith.constant 0 : i32
    %c0_i32_0 = arith.constant 0 : i32
    %c0_i32_1 = arith.constant 0 : i32
    return %c0_i32, %c0_i32_0 : i32, i32
  }
  func.func @transform_4(%arg0: i32) -> (i32, i32) {
    %c0_i32 = arith.constant 0 : i32
    %c0_i32_0 = arith.constant 0 : i32
    %c0_i32_1 = arith.constant 0 : i32
    return %c0_i32, %c0_i32_0 : i32, i32
  }
  func.func @transform_5(%arg0: i32) -> (i32, i32) {
    %c0_i32 = arith.constant 0 : i32
    %c0_i32_0 = arith.constant 0 : i32
    %c0_i32_1 = arith.constant 0 : i32
    return %c0_i32, %c0_i32_0 : i32, i32
  }
  func.func @transform_6(%arg0: i32) -> (i32, i32) {
    %c0_i32 = arith.constant 0 : i32
    %c0_i32_0 = arith.constant 0 : i32
    return %arg0, %c0_i32 : i32, i32
  }
}

</mosaic_0001>

<sc_bundles>
// kernel: kernel.11.cloned.1.call-start
scs
__scs_entry_jumppad:
0x0: {  	(pc) =	sbr.rel $0x88, $3  }
0x1: {  	(tag) =	ssettag $0x0;
	lr =	simm.s32 $0x1  }
0x2: {  	[smem:$0x3F99] =	sst lr;
	_ =	strace $0xD0000000  }
0x3: {  	_ = 	snop  }
0x4: {  	_ = 	snop  }
0x5: {  	_ = 	snop  }
0x6: {  	_ = 	snop  }
0x7: {  	_ = 	snop  }
__scs_overlays_trampoline_lowered:
0x8: {  	[smem:$0x3FA8] =	sst s0  }
0x9: {  	[smem:$0x3FA9] =	sst s1  }
0xa: {  	[smem:$0x3FAA] =	sst s2  }
0xb: {  	[smem:$0x3FAB] =	sst s3  }
0xc: {  	[smem:$0x3FAC] =	sst s4  }
0xd: {  	[smem:$0x3FAD] =	sst s5  }
0xe: {  	[smem:$0x3FAE] =	sst s6  }
0xf: {  	[smem:$0x3FAF] =	sst s7  }
0x10: {  	[smem:$0x3FB0] =	sst s8  }
0x11: {  	[smem:$0x3FB1] =	sst s9;
	s0 =	simm.s32 @!p0 $0x0  }
0x12: {  	s1 =	sld [smem:$0x3F97];
	s0 =	simm.s32 @p0 $0x1  }
0x13: {  	[smem:$0x3FB2] =	sst s0;
	s0 =	simm.s32 @!p1 $0x0  }
0x14: {  	s2 =	sld [smem:$0x3F96];
	s0 =	simm.s32 @p1 $0x1  }
0x15: {  	[smem:$0x3FB3] =	sst s0;
	s0 =	simm.s32 @!p2 $0x0  }
0x16: {  	s3 =	sld [smem:$0x3FDB];
	s0 =	simm.s32 @p2 $0x1  }
0x17: {  	s4 =	simm.s32 $0x1BF5;
	[smem:$0x3FB5] =	sst s0  }
0x18: {  	s0 =	sld [smem:$0x3F98];
	_ =	swait.ge [sflag:s4], $0x0  }
0x19: {  	s7 =	sld [smem:$0x3F99]  }
0x1a: {  	s8 =	sadd.s32 $0xFFFFE003, lr  }
0x1b: {  	s9 =	sadd.s32 $0xFFFFFEF7, lr;
	s5 =	simm.s32 $0xFFFFFFFF;
	p2 =	slt.u32 s8, $0xFFFFF086  }
0x1c: {  	p1 =	slt.u32 s9, $0xF7A;
	s5 =	simm.s32 @!p2 $0x0  }
0x1d: {  	s5 =	simm.s32 @p1 $0x1;
	p0 =	seq.s32 s7, s2  }
0x1e: {  	s7 =	smul.u32 @!p0 $0xF7A, s2;
	p2 =	seq.s32 @!p0 s5, $0x0  }
0x1f: {  	s9 =	smul.u32 $0xF7A, s1;
	s8 =	simm.s32 @!p0 $0x1BF5;
	p2 =	por !p2, p0  }
0x20: {  	[sflag:s8] =	ssyncset.s32 @!p0 $0xFFFFF086;
	s6 =	sadd.s32 @!p0 s3, s7;
	s7 =	simm.s32 @!p0 $0x108  }
0x21: {  	s3 =	sadd.s32 s3, s9;
	s6 =	sadd.s32 @!p0 $0x88, s6;
	s7 =	simm.s32 @p2 $0x1082  }
0x22: {  	[simem:s7], [sflag:s8] =	dma.local @!p0 [hbm:s6], $0xF7A  }
0x23: {  	s9 =	sor.u32 $0xD0000000, s2;
	s6 =	simm.s32 $0x108;
	_ =	swait.ge @!p0 [sflag:s8], $0x0  }
0x24: {  	s3 =	sadd.s32 $0x88, s3;
	s6 =	simm.s32 @!p1 $0x1082;
	[sflag:s4] =	ssyncset.s32 $0xFFFFF086  }
0x25: {  	[simem:s6], [sflag:s4] =	dma.local [hbm:s3], $0xF7A  }
0x26: {  	[smem:$0x3F99] =	sst s1;
	(tag) =	ssettag s2;
	_ =	strace s9  }
0x27: {  	s1 =	sld [smem:$0x3FA9]  }
0x28: {  	s2 =	sld [smem:$0x3FAA]  }
0x29: {  	s4 =	sld [smem:$0x3FAC]  }
0x2a: {  	p0 =	seq.s32 s5, $0x0;
	s5 =	sld [smem:$0x3FAD]  }
0x2b: {  	s6 =	sld [smem:$0x3FAE]  }
0x2c: {  	s7 =	sld [smem:$0x3FAF]  }
0x2d: {  	s3 =	simm.s32 $0x108;
	s8 =	sld [smem:$0x3FB0]  }
0x2e: {  	s3 =	simm.s32 @!p0 $0x1082;
	s9 =	sld [smem:$0x3FB1]  }
0x2f: {  	lr =	sadd.s32 s0, s3;
	s0 =	sld [smem:$0x3FA8]  }
0x30: {  	s3 =	sld [smem:$0x3FAB]  }
0x31: {  	[smem:$0x3FB4] =	sst s10  }
0x32: {  	s10 =	sld [smem:$0x3FB2];
	_ =	sdelay $0x3  }
0x33: {  	p0 =	seq.s32 s10, $0x1;
	s10 =	sld [smem:$0x3FB4];
	_ =	sdelay $0x3  }
0x34: {  	[smem:$0x3FB4] =	sst s10  }
0x35: {  	s10 =	sld [smem:$0x3FB3];
	_ =	sdelay $0x3  }
0x36: {  	p1 =	seq.s32 s10, $0x1;
	s10 =	sld [smem:$0x3FB4];
	_ =	sdelay $0x3  }
0x37: {  	[smem:$0x3FB4] =	sst s10  }
0x38: {  	s10 =	sld [smem:$0x3FB5]  }
0x39: {  	_ = 	snop;
	(pc) =	sbr.ind lr, $3  }
0x3a: {  	_ = 	snop  }
0x3b: {  	_ = 	snop  }
0x3c: {  	p2 =	seq.s32 s10, $0x1;
	s10 =	sld [smem:$0x3FB4]  }
0x3d: {  	_ =	shalt  }
0x3e: {  	_ =	shalt  }
0x3f: {  	_ =	shalt  }
0x40: {  	_ =	shalt  }
0x41: {  	_ =	shalt  }
0x42: {  	_ =	shalt  }
0x43: {  	_ =	shalt  }
0x44: {  	_ =	shalt  }
0x45: {  	_ =	shalt  }
0x46: {  	_ =	shalt  }
0x47: {  	_ =	shalt  }
0x48: {  	_ =	shalt  }
0x49: {  	_ =	shalt  }
0x4a: {  	_ =	shalt  }
0x4b: {  	_ =	shalt  }
0x4c: {  	_ =	shalt  }
0x4d: {  	_ =	shalt  }
0x4e: {  	_ =	shalt  }
0x4f: {  	_ =	shalt  }
0x50: {  	_ =	shalt  }
0x51: {  	_ =	shalt  }
0x52: {  	_ =	shalt  }
0x53: {  	_ =	shalt  }
0x54: {  	_ =	shalt  }
0x55: {  	_ =	shalt  }
0x56: {  	_ =	shalt  }
0x57: {  	_ =	shalt  }
0x58: {  	_ =	shalt  }
0x59: {  	_ =	shalt  }
0x5a: {  	_ =	shalt  }
0x5b: {  	_ =	shalt  }
0x5c: {  	_ =	shalt  }
0x5d: {  	_ =	shalt  }
0x5e: {  	_ =	shalt  }
0x5f: {  	_ =	shalt  }
0x60: {  	_ =	shalt  }
0x61: {  	_ =	shalt  }
0x62: {  	_ =	shalt  }
0x63: {  	_ =	shalt  }
0x64: {  	_ =	shalt  }
0x65: {  	_ =	shalt  }
0x66: {  	_ =	shalt  }
0x67: {  	_ =	shalt  }
0x68: {  	_ =	shalt  }
0x69: {  	_ =	shalt  }
0x6a: {  	_ =	shalt  }
0x6b: {  	_ =	shalt  }
0x6c: {  	_ =	shalt  }
0x6d: {  	_ =	shalt  }
0x6e: {  	_ =	shalt  }
0x6f: {  	_ =	shalt  }
0x70: {  	_ =	shalt  }
0x71: {  	_ =	shalt  }
0x72: {  	_ =	shalt  }
0x73: {  	_ =	shalt  }
0x74: {  	_ =	shalt  }
0x75: {  	_ =	shalt  }
0x76: {  	_ =	shalt  }
0x77: {  	_ =	shalt  }
0x78: {  	_ =	shalt  }
0x79: {  	_ =	shalt  }
0x7a: {  	_ =	shalt  }
0x7b: {  	_ =	shalt  }
0x7c: {  	_ =	shalt  }
0x7d: {  	_ =	shalt  }
0x7e: {  	_ =	shalt  }
0x7f: {  	_ =	shalt  }
0x80: {  	_ =	shalt  }
0x81: {  	_ =	shalt  }
0x82: {  	_ =	shalt  }
0x83: {  	_ =	shalt  }
0x84: {  	_ =	shalt  }
0x85: {  	_ =	shalt  }
0x86: {  	_ =	shalt  }
0x87: {  	_ =	shalt  }
.Lfunc_end0:
.L_simem_size_0:
called_computation.1_lowered:
.L_overlay_start_0:
0x88: {  	s2 =	sld [smem:$0x3FD9]  }
0x89: {  	s3 =	sld [smem:$0x3FFE];
	_ =	sdelay $0x1  }
0x8a: {  	s1 =	srdreg.scid  }
0x8b: {  	s0 =	sand.u32 $0x1, s1  }
0x8c: {  	s16 =	sshll.u32 s0, $0xA;
	s2 =	sadd.s32 s3, s2  }
0x8d: {  	s2 =	sadd.s32 s2, s16  }
0x8e: {  	[smem:$0x3FC0] =	sst s2  }
0x8f: {  	_ = 	snop  }
0x90: {  	(tm) =	ssettm $0x1  }
0x91: {  	s17 =	sld [smem:$0x3FFB];
	_ =	sdelay $0x3  }
0x92: {  	_ =	strace s17  }
0x93: {  	s2 =	sld [smem:$0x3FFC];
	_ =	sdelay $0x3  }
0x94: {  	_ =	strace s2  }
0x95: {  	s2 =	sld [smem:$0x3FFD];
	_ =	sdelay $0x3  }
0x96: {  	_ =	strace s2  }
0x97: {  	_ =	strace $0x8FFFFFFF  }
0x98: {  	s18 =	sld [smem:$0x3FDB];
	_ =	sdelay $0x1  }
0x99: {  	s19 =	simm.s32 $_scs_section_size  }
0x9a: {  	s4 =	simm.s32 $_size__tile_overlayer_lowered;
	s5 =	simm.s32 $_tile_overlayer_lowered  }
0x9b: {  	s22 =	simm.s32 $0x1BFF;
	s21 =	sshll.u32 s5, $0x1;
	s2 =	sadd.s32 s19, s18  }
0x9c: {  	s6 =	simm.s32 $0x0;
	s20 =	sshll.u32 s4, $0x1;
	s4 =	sadd.s32 s21, s2  }
0x9d: {  	[timem:s6], [sflag:s22] =	dma.local [hbm:s4], s20  }
0x9e: {  	_ =	swait.ge [sflag:s22], s20  }
0x9f: {  	s3 =	ssub.s32 $0x0, s20;
	[sflag:s22] =	ssyncset.done $0x0  }
0xa0: {  	[sflag:s22] =	ssyncadd.s32 s3;
	_ =	sdelay $0x1  }
0xa1: {  	s23 =	simm.s32 $0x1B8B  }
0xa2: {  	_ =	swait.ge [sflag:s23], $0x1  }
0xa3: {  	[sflag:s23] =	ssyncset.done $0x0  }
0xa4: {  	s25 =	simm.s32 $0x1B8E;
	s24 =	sld [smem:$0x3FFE];
	[sflag:s23] =	ssyncadd.s32 $0xFFFFFFFF  }
0xa5: {  	s26 =	simm.s32 $execute0_lowered;
	[smem:$0x3FD2] =	sst s25  }
0xa6: {  	s4 =	sshll.u32 s26, $0x1;
	_ =	strace $0x80000049;
	[dreg:$0x1] =	wrdreg $0xFFFFFFFF  }
0xa7: {  	s28 =	simm.s32 $_size_execute0_lowered;
	s2 =	sadd.s32 s2, s4;
	[dreg:$0x0] =	wrdreg $0x0  }
0xa8: {  	s4 =	sshll.u32 s28, $0x1;
	[dreg:$0x2] =	wrdreg s2  }
0xa9: {  	[dreg:$0x3] =	wrdreg s4  }
0xaa: {  	[dreg:$0x4] =	wrdreg $0xC0  }
0xab: {  	_ =	task [dreg:s6], $0x5FFFF  }
0xac: {  	[dreg:$0x1] =	wrdreg $0xFFFFFFFF  }
0xad: {  	[dreg:$0x0] =	wrdreg $0x60  }
0xae: {  	[dreg:$0x2] =	wrdreg s24  }
0xaf: {  	[dreg:$0x3] =	wrdreg $0x90000  }
0xb0: {  	[dreg:$0x4] =	wrdreg $0x9  }
0xb1: {  	_ =	task.clear_ibuf [dreg:s6], $0x5FFFF;
	_ =	strace $0x90000049  }
0xb2: {  	s29 =	simm.s32 $0x9;
	_ =	strace $0x8000004B  }
0xb3: {  	_ =	swait.ge [sflag:s29], $0x1  }
0xb4: {  	[sflag:s29] =	ssyncadd.s32 $0xFFFFFFFF  }
0xb5: {  	_ =	strace $0x9000004B  }
0xb6: {  	_ =	sfence  }
0xb7: {  	s30 =	sld [smem:$0x0];
	_ =	sdelay $0x2  }
0xb8: {  	s31 =	sshll.u32 s1, $0xD;
	s1 =	sshrl.u32 s1, $0x2  }
0xb9: {  	s3 =	sand.u32 $0x4000, s31;
	s1 =	sadd.s32 s1, s30  }
0xba: {  	s0 =	sor.u32 s3, s0;
	s1 =	sshll.u32 s1, $0x11  }
0xbb: {  	s0 =	sor.u32 s1, s0  }
0xbc: {  	s0 =	sadd.s32 $0x8F2B, s0  }
0xbd: {  	[sflag:s0] =	ssyncadd.remote.s32 $0x1  }
0xbe: {  	_ =	sfence.sel $0xFFFF  }
0xbf: {  	[dreg:$0x0] =	wrdreg $0xFFFFFFFF;
	(pc) =	sbr.abs _section_cstart, $3  }
0xc0: {  	[dreg:$0x1] =	wrdreg $0xFFFFFFFF  }
0xc1: {  	_ =	task.clear_ibuf [dreg:s6], $0x2FFFF;
	_ =	strace $0x9FFFFFFF  }
0xc2: {  	(tm) =	ssettm $0x7FFFFFFF  }
0xc3: {  	_ =	shalt  }
tec
execute0_lowered:
.L_overlay_start_1:
0x0: {  	(tag) =	ssettag $0x1  }
0x1: {  	s0 =	rddreg [dreg:$0x0]  }
0x2: {  	s1 =	rddreg [dreg:$0x1]  }
0x3: {  	s2 =	srdreg.scid;
	s3 =	simm.s32 $0x0;
	s12 =	stileid.u32  }
0x4: {  	s17 =	simm.s32 $0x5;
	s19 =	simm.s32 $0x80;
	s6 =	smul.u32 $0x13C00, s12  }
0x5: {  	s13 =	simm.s32 $0x4;
	s31 =	simm.s32 $0x600;
	s10 =	smul.u32 $0x4F000, s12  }
0x6: {  	s28 =	simm.s32 $0x0;
	s2 =	sand.u32 $0x1, s2;
	s23 =	smul.u32 $0x2800, s12  }
0x7: {  	[smem:$0x7FF] =	sst s3;
	s5 =	sadd.s32 $0x1800, s0;
	s4 =	smul.u32 $0x27100, s2  }
0x8: {  	s24 =	sshll.u32 s12, $0x6;
	_ =	strace $0x8000004A;
	s8 =	smul.u32 $0x13C000, s2  }
0x9: {  	s20 =	sshll.u32 s2, $0x4;
	s21 =	ssub.s32 $0x2, s2;
	s2 =	smul.u32 $0x28000, s2  }
0xa: {  	s18 =	sor.u32 $0x1C05, s24;
	s24 =	simm.s32 $0x1;
	s9 =	sshrl.u32 s6, $0x3  }
0xb: {  	s11 =	sshrl.u32 s21, $0x1;
	s10 =	sshrl.u32 s10, $0x2;
	[dreg:$0x4] =	wrdreg s18  }
0xc: {  	s7 =	sadd.s32 s4, s0;
	s4 =	sadd.s32 $0x82800, s0;
	s9 =	sadd.s32 s9, s0  }
0xd: {  	s6 =	sadd.s32 s6, s8;
	s8 =	sor.u32 s12, s20;
	s22 =	sadd.s32 s10, s1  }
0xe: {  	s2 =	sadd.s32 s23, s2;
	s20 =	simm.s32 $0x1000;
	s23 =	simm.s32 $0xC00  }
0xf: {  	s12 =	simm.s32 $0x3;
	s6 =	sshrl.u32 s6, $0x3;
	s8 =	smul.u32 $0x2800, s8  }
0x10: {  	s9 =	sadd.s32 $0xB800, s9;
	s10 =	sadd.s32 $0x33000, s7;
	s26 =	sor.u32 $0x400, s2  }
0x11: {  	s2 =	sadd.s32 $0x800, s2;
	s7 =	simm.s32 $0xF80;
	s0 =	sadd.s32 s6, s0  }
0x12: {  	s6 =	ssub.s32 s21, s11;
	[dreg:$0x3] =	wrdreg s9;
	s30 =	sshrl.u32 s26, $0x3  }
0x13: {  	[dreg:$0x9] =	wrdreg s2;
	s21 =	simm.s32 $0x5000;
	s26 =	simm.s32 $0x2  }
0x14: {  	s2 =	simm.s32 $0x680;
	s9 =	simm.s32 $0xE80;
	s11 =	simm.s32 $0x780  }
0x15: {  	s8 =	sshrl.u32 s8, $0x3;
	s0 =	sadd.s32 $0x8C800, s0;
	s29 =	smax.u32 s6, $0x1  }
.Ltmp0:
0x16: {  	s14 =	sadd.s32 s30, s5;
	[dreg:$0x7] =	wrdreg s0;
	(pc) =	sbr.rel .LBB2_1-.Ltmp0, $4  }
0x17: {  	s15 =	sadd.s32 s30, s4;
	s25 =	sadd.s32 s4, s8;
	[dreg:$0x8] =	wrdreg s29  }
0x18: {  	s6 =	simm.s32 $0xE00;
	s8 =	sadd.s32 s5, s8;
	[dreg:$0x5] =	wrdreg s25  }
0x19: {  	s0 =	simm.s32 $0xD80;
	[dreg:$0x6] =	wrdreg s8;
	s25 =	sshrl.u32 s22, $0x3  }
0x1a: {  	s22 =	simm.s32 $0x400;
	s8 =	simm.s32 $0x700;
	[dreg:$0xa] =	wrdreg s25  }
.LBB2_4:
0x1b: {  	[bflag:$0x0] =	sbarrier.arrive $0xFFFF  }
0x1c: {  	s18 =	rddreg [dreg:$0x4]  }
0x1d: {  	s16 =	rddreg [dreg:$0x7]  }
0x1e: {  	s25 =	rddreg [dreg:$0xa]  }
0x1f: {  	[hbm:s16], [sflag:s18] =	dma.local [spmem:s25], $0x2780  }
0x20: {  	_ =	swait.ge [sflag:s17], $0x2780  }
0x21: {  	s28 =	rddreg [dreg:$0xb]  }
0x22: {  	s30 =	rddreg [dreg:$0x8];
	s28 =	sadd.s32 $0x1, s28  }
0x23: {  	p0 =	sne.s32 s28, s30  }
.Ltmp1:
0x24: {  	_ = 	snop;
	(pc) =	sbr.rel @!p0 .LBB2_5-.Ltmp1, $3  }
0x25: {  	_ =	sdelay $0x1  }
0x26: {  	[sflag:s17] =	ssyncset.done $0x0  }
0x27: {  	[sflag:s17] =	ssyncadd.s32 $0xFFFFD880  }
.LBB2_1:
0x28: {  	[dreg:$0xb] =	wrdreg s28  }
0x29: {  	s16 =	rddreg [dreg:$0x3]  }
0x2a: {  	[spmem:s25], [sflag:s18] =	dma.local [hbm:s16], $0x2780  }
0x2b: {  	_ =	swait.ge [sflag:s17], $0x2780  }
0x2c: {  	[sflag:s17] =	ssyncset.done $0x0  }
0x2d: {  	s28 =	rddreg [dreg:$0x5];
	[sflag:s17] =	ssyncadd.s32 $0xFFFFD880  }
0x2e: {  	[tilespmem:s3], [sflag:$0x5] =	stream.linear.gather [hbm4b:s28+s3], $0x400, $0x38;
	[tilespmem:$0x1CC00] =	vst v63  }
0x2f: {  	_ =	swait.ge [sflag:s17], $0x400  }
0x30: {  	[sflag:s17] =	ssyncset.done $0x0  }
0x31: {  	s30 =	simm.s32 $0x800;
	s29 =	rddreg [dreg:$0x6];
	[sflag:s17] =	ssyncadd.s32 $0xFFFFFC00  }
0x32: {  	[tilespmem:s30], [sflag:$0x5] =	stream.linear.gather [hbm4b:s29+s3], $0x400, $0x38;
	[tilespmem:$0x1CC00] =	vst v63  }
0x33: {  	_ =	swait.ge [sflag:s17], $0x400  }
0x34: {  	[sflag:s17] =	ssyncset.done $0x0  }
0x35: {  	[sflag:s17] =	ssyncadd.s32 $0xFFFFFC00  }
0x36: {  	[bflag:$0x0] =	sbarrier.arrive $0xFFFF  }
0x37: {  	[tilespmem:s20], [sflag:$0x1] =	stream.indirect.gather [hbm4b:s10+s19], $0x80, s3, s19, $0xb8;
	[tilespmem:$0x1CC00] =	vst v63  }
0x38: {  	s16 =	simm.s32 $0x0;
	s25 =	rddreg [dreg:$0x9]  }
0x39: {  	[tilespmem:s21], [sflag:$0x2] =	stream.indirect.gather [hbm4b:s10+s19], $0x80, s19, s19, $0xb8;
	[tilespmem:$0x1CC00] =	vst v63  }
.LBB2_2:
0x3a: {  	s18 =	sadd.s32 s16, s15  }
0x3b: {  	[tilespmem:s22], [sflag:$0x3] =	stream.linear.gather [hbm4b:s18+s3], $0x400, $0x38;
	[tilespmem:$0x1CC00] =	vst v63  }
0x3c: {  	s28 =	sadd.s32 s16, s14  }
0x3d: {  	[tilespmem:s23], [sflag:$0x4] =	stream.linear.gather [hbm4b:s28+s3], $0x400, $0x38;
	[tilespmem:$0x1CC00] =	vst v63  }
0x3e: {  	_ =	swait.ge [sflag:s24], $0x4000  }
0x3f: {  	[sflag:s24] =	ssyncset.done $0x0  }
0x40: {  	s29 =	simm.s32 $0x800;
	[sflag:s24] =	ssyncadd.s32 $0xFFFFC000  }
0x41: {  	[spmem:s1] =	stream.indirect.scatter.add.f32 [tilespmem:s20], [sflag:$0x5], $0x80, s29, s19, $0xb8;
	[tilespmem:$0x1CC00] =	vst v63  }
0x42: {  	_ =	swait.ge [sflag:s17], $0x4000  }
0x43: {  	[sflag:s17] =	ssyncset.done $0x0  }
0x44: {  	s30 =	simm.s32 $0x100;
	[sflag:s17] =	ssyncadd.s32 $0xFFFFC000  }
0x45: {  	[tilespmem:s20], [sflag:$0x1] =	stream.indirect.gather [hbm4b:s10+s19], $0x80, s30, s19, $0xb8;
	[tilespmem:$0x1CC00] =	vst v63  }
0x46: {  	_ =	swait.ge [sflag:s26], $0x4000  }
0x47: {  	[sflag:s26] =	ssyncset.done $0x0  }
0x48: {  	s28 =	simm.s32 $0x880;
	[sflag:s26] =	ssyncadd.s32 $0xFFFFC000  }
0x49: {  	[spmem:s1] =	stream.indirect.scatter.add.f32 [tilespmem:s21], [sflag:$0x5], $0x80, s28, s19, $0xb8;
	[tilespmem:$0x1CC00] =	vst v63  }
0x4a: {  	_ =	swait.ge [sflag:s17], $0x4000  }
0x4b: {  	[sflag:s17] =	ssyncset.done $0x0  }
0x4c: {  	s29 =	simm.s32 $0x180;
	[sflag:s17] =	ssyncadd.s32 $0xFFFFC000  }
0x4d: {  	[tilespmem:s21], [sflag:$0x2] =	stream.indirect.gather [hbm4b:s10+s19], $0x80, s29, s19, $0xb8;
	[tilespmem:$0x1CC00] =	vst v63  }
0x4e: {  	_ =	swait.ge [sflag:s24], $0x4000  }
0x4f: {  	[sflag:s24] =	ssyncset.done $0x0  }
0x50: {  	s30 =	simm.s32 $0x900;
	[sflag:s24] =	ssyncadd.s32 $0xFFFFC000  }
0x51: {  	[spmem:s1] =	stream.indirect.scatter.add.f32 [tilespmem:s20], [sflag:$0x5], $0x80, s30, s19, $0xb8;
	[tilespmem:$0x1CC00] =	vst v63  }
0x52: {  	_ =	swait.ge [sflag:s17], $0x4000  }
0x53: {  	[sflag:s17] =	ssyncset.done $0x0  }
0x54: {  	s28 =	simm.s32 $0x200;
	[sflag:s17] =	ssyncadd.s32 $0xFFFFC000  }
0x55: {  	[tilespmem:s20], [sflag:$0x1] =	stream.indirect.gather [hbm4b:s10+s19], $0x80, s28, s19, $0xb8;
	[tilespmem:$0x1CC00] =	vst v63  }
0x56: {  	_ =	swait.ge [sflag:s26], $0x4000  }
0x57: {  	[sflag:s26] =	ssyncset.done $0x0  }
0x58: {  	s29 =	simm.s32 $0x980;
	[sflag:s26] =	ssyncadd.s32 $0xFFFFC000  }
0x59: {  	[spmem:s1] =	stream.indirect.scatter.add.f32 [tilespmem:s21], [sflag:$0x5], $0x80, s29, s19, $0xb8;
	[tilespmem:$0x1CC00] =	vst v63  }
0x5a: {  	_ =	swait.ge [sflag:s17], $0x4000  }
0x5b: {  	[sflag:s17] =	ssyncset.done $0x0  }
0x5c: {  	s30 =	simm.s32 $0x280;
	[sflag:s17] =	ssyncadd.s32 $0xFFFFC000  }
0x5d: {  	[tilespmem:s21], [sflag:$0x2] =	stream.indirect.gather [hbm4b:s10+s19], $0x80, s30, s19, $0xb8;
	[tilespmem:$0x1CC00] =	vst v63  }
0x5e: {  	_ =	swait.ge [sflag:s24], $0x4000  }
0x5f: {  	[sflag:s24] =	ssyncset.done $0x0  }
0x60: {  	s28 =	simm.s32 $0xA00;
	[sflag:s24] =	ssyncadd.s32 $0xFFFFC000  }
0x61: {  	[spmem:s1] =	stream.indirect.scatter.add.f32 [tilespmem:s20], [sflag:$0x5], $0x80, s28, s19, $0xb8;
	[tilespmem:$0x1CC00] =	vst v63  }
0x62: {  	_ =	swait.ge [sflag:s17], $0x4000  }
0x63: {  	[sflag:s17] =	ssyncset.done $0x0  }
0x64: {  	s29 =	simm.s32 $0x300;
	[sflag:s17] =	ssyncadd.s32 $0xFFFFC000  }
0x65: {  	[tilespmem:s20], [sflag:$0x1] =	stream.indirect.gather [hbm4b:s10+s19], $0x80, s29, s19, $0xb8;
	[tilespmem:$0x1CC00] =	vst v63  }
0x66: {  	_ =	swait.ge [sflag:s26], $0x4000  }
0x67: {  	[sflag:s26] =	ssyncset.done $0x0  }
0x68: {  	s30 =	simm.s32 $0xA80;
	[sflag:s26] =	ssyncadd.s32 $0xFFFFC000  }
0x69: {  	[spmem:s1] =	stream.indirect.scatter.add.f32 [tilespmem:s21], [sflag:$0x5], $0x80, s30, s19, $0xb8;
	[tilespmem:$0x1CC00] =	vst v63  }
0x6a: {  	_ =	swait.ge [sflag:s17], $0x4000  }
0x6b: {  	[sflag:s17] =	ssyncset.done $0x0  }
0x6c: {  	s28 =	simm.s32 $0x380;
	[sflag:s17] =	ssyncadd.s32 $0xFFFFC000  }
0x6d: {  	[tilespmem:s21], [sflag:$0x2] =	stream.indirect.gather [hbm4b:s10+s19], $0x80, s28, s19, $0xb8;
	[tilespmem:$0x1CC00] =	vst v63  }
0x6e: {  	_ =	swait.ge [sflag:s12], $0x400  }
0x6f: {  	[sflag:s12] =	ssyncset.done $0x0  }
0x70: {  	[sflag:s12] =	ssyncadd.s32 $0xFFFFFC00  }
0x71: {  	_ =	swait.ge [sflag:s13], $0x400  }
0x72: {  	[sflag:s13] =	ssyncset.done $0x0  }
0x73: {  	[sflag:s13] =	ssyncadd.s32 $0xFFFFFC00  }
0x74: {  	_ =	swait.ge [sflag:s24], $0x4000  }
0x75: {  	[sflag:s24] =	ssyncset.done $0x0  }
0x76: {  	s29 =	simm.s32 $0xB00;
	[sflag:s24] =	ssyncadd.s32 $0xFFFFC000  }
0x77: {  	[spmem:s1] =	stream.indirect.scatter.add.f32 [tilespmem:s20], [sflag:$0x5], $0x80, s29, s19, $0xb8;
	[tilespmem:$0x1CC00] =	vst v63  }
0x78: {  	_ =	swait.ge [sflag:s17], $0x4000  }
0x79: {  	[sflag:s17] =	ssyncset.done $0x0  }
0x7a: {  	[sflag:s17] =	ssyncadd.s32 $0xFFFFC000  }
0x7b: {  	[tilespmem:s20], [sflag:$0x1] =	stream.indirect.gather [hbm4b:s10+s19], $0x80, s22, s19, $0xb8;
	[tilespmem:$0x1CC00] =	vst v63  }
0x7c: {  	_ =	swait.ge [sflag:s26], $0x4000  }
0x7d: {  	[sflag:s26] =	ssyncset.done $0x0  }
0x7e: {  	s30 =	simm.s32 $0xB80;
	[sflag:s26] =	ssyncadd.s32 $0xFFFFC000  }
0x7f: {  	[spmem:s1] =	stream.indirect.scatter.add.f32 [tilespmem:s21], [sflag:$0x5], $0x80, s30, s19, $0xb8;
	[tilespmem:$0x1CC00] =	vst v63  }
0x80: {  	_ =	swait.ge [sflag:s17], $0x4000  }
0x81: {  	[sflag:s17] =	ssyncset.done $0x0  }
0x82: {  	p0 =	seq.s32 s16, $0x400;
	s28 =	simm.s32 $0x480;
	[sflag:s17] =	ssyncadd.s32 $0xFFFFC000  }
0x83: {  	[tilespmem:s21], [sflag:$0x2] =	stream.indirect.gather [hbm4b:s10+s19], $0x80, s28, s19, $0xb8;
	[tilespmem:$0x1CC00] =	vst v63  }
0x84: {  	s28 =	sshrl.u32 @!p0 s25, $0x3  }
0x85: {  	s18 =	simm.s32 @!p0 $0x0;
	s29 =	sadd.s32 @!p0 s4, s28  }
0x86: {  	[tilespmem:s18], [sflag:$0x3] =	stream.linear.gather @!p0 [hbm4b:s29+s18], $0x400, $0x38;
	[tilespmem:$0x1CC00] =	vst v63  }
0x87: {  	s28 =	sadd.s32 @!p0 s5, s28;
	s29 =	simm.s32 @!p0 $0x800  }
0x88: {  	[tilespmem:s29], [sflag:$0x4] =	stream.linear.gather @!p0 [hbm4b:s28+s18], $0x400, $0x38;
	[tilespmem:$0x1CC00] =	vst v63  }
0x89: {  	_ =	swait.ge [sflag:s24], $0x4000  }
0x8a: {  	[sflag:s24] =	ssyncset.done $0x0  }
0x8b: {  	[sflag:s24] =	ssyncadd.s32 $0xFFFFC000  }
0x8c: {  	[spmem:s1] =	stream.indirect.scatter.add.f32 [tilespmem:s20], [sflag:$0x5], $0x80, s23, s19, $0xb8;
	[tilespmem:$0x1CC00] =	vst v63  }
0x8d: {  	_ =	swait.ge [sflag:s17], $0x4000  }
0x8e: {  	[sflag:s17] =	ssyncset.done $0x0  }
0x8f: {  	s29 =	simm.s32 $0x500;
	[sflag:s17] =	ssyncadd.s32 $0xFFFFC000  }
0x90: {  	[tilespmem:s20], [sflag:$0x1] =	stream.indirect.gather [hbm4b:s10+s19], $0x80, s29, s19, $0xb8;
	[tilespmem:$0x1CC00] =	vst v63  }
0x91: {  	_ =	swait.ge [sflag:s26], $0x4000  }
0x92: {  	[sflag:s26] =	ssyncset.done $0x0  }
0x93: {  	s30 =	simm.s32 $0xC80;
	[sflag:s26] =	ssyncadd.s32 $0xFFFFC000  }
0x94: {  	[spmem:s1] =	stream.indirect.scatter.add.f32 [tilespmem:s21], [sflag:$0x5], $0x80, s30, s19, $0xb8;
	[tilespmem:$0x1CC00] =	vst v63  }
0x95: {  	_ =	swait.ge [sflag:s17], $0x4000  }
0x96: {  	[sflag:s17] =	ssyncset.done $0x0  }
0x97: {  	s29 =	simm.s32 $0x580;
	[sflag:s17] =	ssyncadd.s32 $0xFFFFC000  }
0x98: {  	[tilespmem:s21], [sflag:$0x2] =	stream.indirect.gather [hbm4b:s10+s19], $0x80, s29, s19, $0xb8;
	[tilespmem:$0x1CC00] =	vst v63  }
0x99: {  	_ =	swait.ge [sflag:s24], $0x4000  }
0x9a: {  	[sflag:s24] =	ssyncset.done $0x0  }
0x9b: {  	s30 =	simm.s32 $0xD00;
	[sflag:s24] =	ssyncadd.s32 $0xFFFFC000  }
0x9c: {  	[spmem:s1] =	stream.indirect.scatter.add.f32 [tilespmem:s20], [sflag:$0x5], $0x80, s30, s19, $0xb8;
	[tilespmem:$0x1CC00] =	vst v63  }
0x9d: {  	_ =	swait.ge [sflag:s17], $0x4000  }
0x9e: {  	[sflag:s17] =	ssyncset.done $0x0  }
0x9f: {  	[sflag:s17] =	ssyncadd.s32 $0xFFFFC000  }
0xa0: {  	[tilespmem:s20], [sflag:$0x1] =	stream.indirect.gather [hbm4b:s10+s19], $0x80, s31, s19, $0xb8;
	[tilespmem:$0x1CC00] =	vst v63  }
0xa1: {  	_ =	swait.ge [sflag:s26], $0x4000  }
0xa2: {  	[sflag:s26] =	ssyncset.done $0x0  }
0xa3: {  	[sflag:s26] =	ssyncadd.s32 $0xFFFFC000  }
0xa4: {  	[spmem:s1] =	stream.indirect.scatter.add.f32 [tilespmem:s21], [sflag:$0x5], $0x80, s0, s19, $0xb8;
	[tilespmem:$0x1CC00] =	vst v63  }
0xa5: {  	_ =	swait.ge [sflag:s17], $0x4000  }
0xa6: {  	[sflag:s17] =	ssyncset.done $0x0  }
0xa7: {  	[sflag:s17] =	ssyncadd.s32 $0xFFFFC000  }
0xa8: {  	[tilespmem:s21], [sflag:$0x2] =	stream.indirect.gather [hbm4b:s10+s19], $0x80, s2, s19, $0xb8;
	[tilespmem:$0x1CC00] =	vst v63  }
0xa9: {  	_ =	swait.ge [sflag:s24], $0x4000  }
0xaa: {  	[sflag:s24] =	ssyncset.done $0x0  }
0xab: {  	[sflag:s24] =	ssyncadd.s32 $0xFFFFC000  }
0xac: {  	[spmem:s1] =	stream.indirect.scatter.add.f32 [tilespmem:s20], [sflag:$0x5], $0x80, s6, s19, $0xb8;
	[tilespmem:$0x1CC00] =	vst v63  }
0xad: {  	_ =	swait.ge [sflag:s17], $0x4000  }
0xae: {  	[sflag:s17] =	ssyncset.done $0x0  }
0xaf: {  	[sflag:s17] =	ssyncadd.s32 $0xFFFFC000  }
0xb0: {  	[tilespmem:s20], [sflag:$0x1] =	stream.indirect.gather [hbm4b:s10+s19], $0x80, s8, s19, $0xb8;
	[tilespmem:$0x1CC00] =	vst v63  }
0xb1: {  	_ =	swait.ge [sflag:s26], $0x4000  }
0xb2: {  	[sflag:s26] =	ssyncset.done $0x0  }
0xb3: {  	[sflag:s26] =	ssyncadd.s32 $0xFFFFC000  }
0xb4: {  	[spmem:s1] =	stream.indirect.scatter.add.f32 [tilespmem:s21], [sflag:$0x5], $0x80, s9, s19, $0xb8;
	[tilespmem:$0x1CC00] =	vst v63  }
0xb5: {  	_ =	swait.ge [sflag:s17], $0x4000  }
0xb6: {  	[sflag:s17] =	ssyncset.done $0x0  }
0xb7: {  	s28 =	simm.s32 @p0 $0x1;
	[sflag:s17] =	ssyncadd.s32 $0xFFFFC000  }
0xb8: {  	[tilespmem:s21], [sflag:$0x2] =	stream.indirect.gather [hbm4b:s10+s19], $0x80, s11, s19, $0xb8;
	[tilespmem:$0x1CC00] =	vst v63  }
0xb9: {  	_ =	swait.ge @p0 [sflag:s28], $0x4000  }
0xba: {  	s29 =	simm.s32 @p0 $0xF00;
	[sflag:s28] =	ssyncset.done @p0 $0x0  }
0xbb: {  	s30 =	simm.s32 @p0 $0x1000;
	[sflag:s28] =	ssyncadd.s32 @p0 $0xFFFFC000;
	s28 =	simm.s32 @p0 $0x80  }
0xbc: {  	[spmem:s1] =	stream.indirect.scatter.add.f32 @p0 [tilespmem:s30], [sflag:$0x5], $0x80, s29, s28, $0xb8;
	[tilespmem:$0x1CC00] =	vst v63  }
0xbd: {  	s28 =	simm.s32 @p0 $0x5  }
0xbe: {  	_ =	swait.ge @p0 [sflag:s28], $0x4000  }
0xbf: {  	[sflag:s28] =	ssyncset.done @p0 $0x0  }
0xc0: {  	[sflag:s28] =	ssyncadd.s32 @p0 $0xFFFFC000;
	s28 =	simm.s32 @!p0 $0x3  }
0xc1: {  	_ =	swait.ge @!p0 [sflag:s28], $0x400  }
0xc2: {  	[sflag:s28] =	ssyncset.done @!p0 $0x0  }
0xc3: {  	[sflag:s28] =	ssyncadd.s32 @!p0 $0xFFFFFC00;
	s28 =	simm.s32 @!p0 $0x4  }
0xc4: {  	_ =	swait.ge @!p0 [sflag:s28], $0x400  }
0xc5: {  	[sflag:s28] =	ssyncset.done @!p0 $0x0  }
0xc6: {  	[sflag:s28] =	ssyncadd.s32 @!p0 $0xFFFFFC00;
	s28 =	simm.s32 @!p0 $0x1  }
0xc7: {  	_ =	swait.ge @!p0 [sflag:s28], $0x4000  }
0xc8: {  	s29 =	simm.s32 @!p0 $0xF00;
	[sflag:s28] =	ssyncset.done @!p0 $0x0  }
0xc9: {  	s30 =	simm.s32 @!p0 $0x1000;
	[sflag:s28] =	ssyncadd.s32 @!p0 $0xFFFFC000;
	s28 =	simm.s32 @!p0 $0x80  }
0xca: {  	[spmem:s1] =	stream.indirect.scatter.add.f32 @!p0 [tilespmem:s30], [sflag:$0x5], $0x80, s29, s28, $0xb8;
	[tilespmem:$0x1CC00] =	vst v63  }
0xcb: {  	s29 =	simm.s32 @!p0 $0x5  }
0xcc: {  	_ =	swait.ge @!p0 [sflag:s29], $0x4000  }
0xcd: {  	[sflag:s29] =	ssyncset.done @!p0 $0x0  }
0xce: {  	[sflag:s29] =	ssyncadd.s32 @!p0 $0xFFFFC000  }
0xcf: {  	[tilespmem:s30], [sflag:$0x1] =	stream.indirect.gather @!p0 [hbm4b:s10+s28], $0x80, s18, s28, $0xb8;
	[tilespmem:$0x1CC00] =	vst v63  }
0xd0: {  	_ =	swait.ge [sflag:s26], $0x4000  }
0xd1: {  	[sflag:s26] =	ssyncset.done $0x0  }
.Ltmp2:
0xd2: {  	[sflag:s26] =	ssyncadd.s32 $0xFFFFC000;
	(pc) =	sbr.rel @p0 .LBB2_4-.Ltmp2, $4  }
0xd3: {  	[spmem:s1] =	stream.indirect.scatter.add.f32 [tilespmem:s21], [sflag:$0x5], $0x80, s7, s19, $0xb8;
	[tilespmem:$0x1CC00] =	vst v63  }
0xd4: {  	_ =	swait.ge [sflag:s17], $0x4000  }
0xd5: {  	[sflag:s17] =	ssyncset.done $0x0  }
0xd6: {  	[sflag:s17] =	ssyncadd.s32 $0xFFFFC000  }
.Ltmp3:
0xd7: {  	(pc) =	sbr.rel .LBB2_2-.Ltmp3, $3  }
0xd8: {  	_ =	sdelay $0x1  }
0xd9: {  	[tilespmem:s21], [sflag:$0x2] =	stream.indirect.gather [hbm4b:s10+s19], $0x80, s19, s19, $0xb8;
	[tilespmem:$0x1CC00] =	vst v63  }
0xda: {  	s25 =	sadd.s32 $0x800, s25;
	s16 =	sadd.s32 $0x100, s16  }
.LBB2_5:
0xdb: {  	_ =	sfence.sel $0x180000  }
0xdc: {  	[bflag:$0x0] =	sbarrier.arrive $0xFFFF  }
0xdd: {  	_ =	strace $0x9000004A  }
0xde: {  	s0 =	stileid.u32;
	[bflag:$0x2] =	sbarrier.arrive $0xFFFF  }
0xdf: {  	p0 =	sne.s32 s0, $0x0;
	s0 =	rddreg [dreg:$0x2]  }
0xe0: {  	s0 =	sadd.s32 @!p0 $0x100000, s0  }
0xe1: {  	[sflag:s0] =	ssyncadd.tile.s32 @!p0 $0x1;
	_ =	shalt  }
.Lfunc_end2:
_tile_overlayer_lowered:
.L_overlay_start_2:
0xe2: {  	(tag) =	ssettag $0x2  }
0xe3: {  	s0 =	rddreg [dreg:$0x0];
	s2 =	stileid.u32  }
0xe4: {  	s1 =	rddreg [dreg:$0x1];
	p0 =	sne.s32 s2, $0x0  }
0xe5: {  	s3 =	rddreg [dreg:$0x2];
	[bflag:$0x3] =	sbarrier.arrive $0xFFFF;
	s2 =	simm.s32 @!p0 $0x1C05  }
0xe6: {  	[timem:s3], [sflag:s2] =	dma.local @!p0 [hbm:s0], s1  }
0xe7: {  	s0 =	simm.s32 @!p0 $0x5  }
0xe8: {  	_ =	swait.ge @!p0 [sflag:s0], s1  }
0xe9: {  	s1 =	ssub.s32 @!p0 $0x0, s1;
	[sflag:s0] =	ssyncset.done @!p0 $0x0  }
0xea: {  	[sflag:s0] =	ssyncadd.s32 @!p0 s1  }
0xeb: {  	[bflag:$0x3] =	sbarrier.arrive $0xFFFF  }
0xec: {  	_ =	shalt  }

// kernel: kernel.14.cloned.1.call-start
scs
__scs_entry_jumppad:
0x0: {  	(pc) =	sbr.rel $0x88, $3  }
0x1: {  	(tag) =	ssettag $0x0;
	lr =	simm.s32 $0x1  }
0x2: {  	[smem:$0x3F99] =	sst lr;
	_ =	strace $0xD0000000  }
0x3: {  	_ = 	snop  }
0x4: {  	_ = 	snop  }
0x5: {  	_ = 	snop  }
0x6: {  	_ = 	snop  }
0x7: {  	_ = 	snop  }
__scs_overlays_trampoline_lowered:
0x8: {  	[smem:$0x3FA8] =	sst s0  }
0x9: {  	[smem:$0x3FA9] =	sst s1  }
0xa: {  	[smem:$0x3FAA] =	sst s2  }
0xb: {  	[smem:$0x3FAB] =	sst s3  }
0xc: {  	[smem:$0x3FAC] =	sst s4  }
0xd: {  	[smem:$0x3FAD] =	sst s5  }
0xe: {  	[smem:$0x3FAE] =	sst s6  }
0xf: {  	[smem:$0x3FAF] =	sst s7  }
0x10: {  	[smem:$0x3FB0] =	sst s8  }
0x11: {  	[smem:$0x3FB1] =	sst s9;
	s0 =	simm.s32 @!p0 $0x0  }
0x12: {  	s1 =	sld [smem:$0x3F97];
	s0 =	simm.s32 @p0 $0x1  }
0x13: {  	[smem:$0x3FB2] =	sst s0;
	s0 =	simm.s32 @!p1 $0x0  }
0x14: {  	s2 =	sld [smem:$0x3F96];
	s0 =	simm.s32 @p1 $0x1  }
0x15: {  	[smem:$0x3FB3] =	sst s0;
	s0 =	simm.s32 @!p2 $0x0  }
0x16: {  	s3 =	sld [smem:$0x3FDB];
	s0 =	simm.s32 @p2 $0x1  }
0x17: {  	s4 =	simm.s32 $0x1BF5;
	[smem:$0x3FB5] =	sst s0  }
0x18: {  	s0 =	sld [smem:$0x3F98];
	_ =	swait.ge [sflag:s4], $0x0  }
0x19: {  	s7 =	sld [smem:$0x3F99]  }
0x1a: {  	s8 =	sadd.s32 $0xFFFFE003, lr  }
0x1b: {  	s9 =	sadd.s32 $0xFFFFFEF7, lr;
	s5 =	simm.s32 $0xFFFFFFFF;
	p2 =	slt.u32 s8, $0xFFFFF086  }
0x1c: {  	p1 =	slt.u32 s9, $0xF7A;
	s5 =	simm.s32 @!p2 $0x0  }
0x1d: {  	s5 =	simm.s32 @p1 $0x1;
	p0 =	seq.s32 s7, s2  }
0x1e: {  	s7 =	smul.u32 @!p0 $0xF7A, s2;
	p2 =	seq.s32 @!p0 s5, $0x0  }
0x1f: {  	s9 =	smul.u32 $0xF7A, s1;
	s8 =	simm.s32 @!p0 $0x1BF5;
	p2 =	por !p2, p0  }
0x20: {  	[sflag:s8] =	ssyncset.s32 @!p0 $0xFFFFF086;
	s6 =	sadd.s32 @!p0 s3, s7;
	s7 =	simm.s32 @!p0 $0x108  }
0x21: {  	s3 =	sadd.s32 s3, s9;
	s6 =	sadd.s32 @!p0 $0x88, s6;
	s7 =	simm.s32 @p2 $0x1082  }
0x22: {  	[simem:s7], [sflag:s8] =	dma.local @!p0 [hbm:s6], $0xF7A  }
0x23: {  	s9 =	sor.u32 $0xD0000000, s2;
	s6 =	simm.s32 $0x108;
	_ =	swait.ge @!p0 [sflag:s8], $0x0  }
0x24: {  	s3 =	sadd.s32 $0x88, s3;
	s6 =	simm.s32 @!p1 $0x1082;
	[sflag:s4] =	ssyncset.s32 $0xFFFFF086  }
0x25: {  	[simem:s6], [sflag:s4] =	dma.local [hbm:s3], $0xF7A  }
0x26: {  	[smem:$0x3F99] =	sst s1;
	(tag) =	ssettag s2;
	_ =	strace s9  }
0x27: {  	s1 =	sld [smem:$0x3FA9]  }
0x28: {  	s2 =	sld [smem:$0x3FAA]  }
0x29: {  	s4 =	sld [smem:$0x3FAC]  }
0x2a: {  	p0 =	seq.s32 s5, $0x0;
	s5 =	sld [smem:$0x3FAD]  }
0x2b: {  	s6 =	sld [smem:$0x3FAE]  }
0x2c: {  	s7 =	sld [smem:$0x3FAF]  }
0x2d: {  	s3 =	simm.s32 $0x108;
	s8 =	sld [smem:$0x3FB0]  }
0x2e: {  	s3 =	simm.s32 @!p0 $0x1082;
	s9 =	sld [smem:$0x3FB1]  }
0x2f: {  	lr =	sadd.s32 s0, s3;
	s0 =	sld [smem:$0x3FA8]  }
0x30: {  	s3 =	sld [smem:$0x3FAB]  }
0x31: {  	[smem:$0x3FB4] =	sst s10  }
0x32: {  	s10 =	sld [smem:$0x3FB2];
	_ =	sdelay $0x3  }
0x33: {  	p0 =	seq.s32 s10, $0x1;
	s10 =	sld [smem:$0x3FB4];
	_ =	sdelay $0x3  }
0x34: {  	[smem:$0x3FB4] =	sst s10  }
0x35: {  	s10 =	sld [smem:$0x3FB3];
	_ =	sdelay $0x3  }
0x36: {  	p1 =	seq.s32 s10, $0x1;
	s10 =	sld [smem:$0x3FB4];
	_ =	sdelay $0x3  }
0x37: {  	[smem:$0x3FB4] =	sst s10  }
0x38: {  	s10 =	sld [smem:$0x3FB5]  }
0x39: {  	_ = 	snop;
	(pc) =	sbr.ind lr, $3  }
0x3a: {  	_ = 	snop  }
0x3b: {  	_ = 	snop  }
0x3c: {  	p2 =	seq.s32 s10, $0x1;
	s10 =	sld [smem:$0x3FB4]  }
0x3d: {  	_ =	shalt  }
0x3e: {  	_ =	shalt  }
0x3f: {  	_ =	shalt  }
0x40: {  	_ =	shalt  }
0x41: {  	_ =	shalt  }
0x42: {  	_ =	shalt  }
0x43: {  	_ =	shalt  }
0x44: {  	_ =	shalt  }
0x45: {  	_ =	shalt  }
0x46: {  	_ =	shalt  }
0x47: {  	_ =	shalt  }
0x48: {  	_ =	shalt  }
0x49: {  	_ =	shalt  }
0x4a: {  	_ =	shalt  }
0x4b: {  	_ =	shalt  }
0x4c: {  	_ =	shalt  }
0x4d: {  	_ =	shalt  }
0x4e: {  	_ =	shalt  }
0x4f: {  	_ =	shalt  }
0x50: {  	_ =	shalt  }
0x51: {  	_ =	shalt  }
0x52: {  	_ =	shalt  }
0x53: {  	_ =	shalt  }
0x54: {  	_ =	shalt  }
0x55: {  	_ =	shalt  }
0x56: {  	_ =	shalt  }
0x57: {  	_ =	shalt  }
0x58: {  	_ =	shalt  }
0x59: {  	_ =	shalt  }
0x5a: {  	_ =	shalt  }
0x5b: {  	_ =	shalt  }
0x5c: {  	_ =	shalt  }
0x5d: {  	_ =	shalt  }
0x5e: {  	_ =	shalt  }
0x5f: {  	_ =	shalt  }
0x60: {  	_ =	shalt  }
0x61: {  	_ =	shalt  }
0x62: {  	_ =	shalt  }
0x63: {  	_ =	shalt  }
0x64: {  	_ =	shalt  }
0x65: {  	_ =	shalt  }
0x66: {  	_ =	shalt  }
0x67: {  	_ =	shalt  }
0x68: {  	_ =	shalt  }
0x69: {  	_ =	shalt  }
0x6a: {  	_ =	shalt  }
0x6b: {  	_ =	shalt  }
0x6c: {  	_ =	shalt  }
0x6d: {  	_ =	shalt  }
0x6e: {  	_ =	shalt  }
0x6f: {  	_ =	shalt  }
0x70: {  	_ =	shalt  }
0x71: {  	_ =	shalt  }
0x72: {  	_ =	shalt  }
0x73: {  	_ =	shalt  }
0x74: {  	_ =	shalt  }
0x75: {  	_ =	shalt  }
0x76: {  	_ =	shalt  }
0x77: {  	_ =	shalt  }
0x78: {  	_ =	shalt  }
0x79: {  	_ =	shalt  }
0x7a: {  	_ =	shalt  }
0x7b: {  	_ =	shalt  }
0x7c: {  	_ =	shalt  }
0x7d: {  	_ =	shalt  }
0x7e: {  	_ =	shalt  }
0x7f: {  	_ =	shalt  }
0x80: {  	_ =	shalt  }
0x81: {  	_ =	shalt  }
0x82: {  	_ =	shalt  }
0x83: {  	_ =	shalt  }
0x84: {  	_ =	shalt  }
0x85: {  	_ =	shalt  }
0x86: {  	_ =	shalt  }
0x87: {  	_ =	shalt  }
.Lfunc_end0:
.L_simem_size_0:
called_computation.2_lowered:
.L_overlay_start_0:
0x88: {  	s2 =	sld [smem:$0x3FD9]  }
0x89: {  	s3 =	sld [smem:$0x3FFE];
	_ =	sdelay $0x1  }
0x8a: {  	s1 =	srdreg.scid  }
0x8b: {  	s0 =	sand.u32 $0x1, s1  }
0x8c: {  	s16 =	sshll.u32 s0, $0xA;
	s2 =	sadd.s32 s3, s2  }
0x8d: {  	s2 =	sadd.s32 s2, s16  }
0x8e: {  	[smem:$0x3FC0] =	sst s2  }
0x8f: {  	_ = 	snop  }
0x90: {  	(tm) =	ssettm $0x1  }
0x91: {  	s17 =	sld [smem:$0x3FFB];
	_ =	sdelay $0x3  }
0x92: {  	_ =	strace s17  }
0x93: {  	s2 =	sld [smem:$0x3FFC];
	_ =	sdelay $0x3  }
0x94: {  	_ =	strace s2  }
0x95: {  	s2 =	sld [smem:$0x3FFD];
	_ =	sdelay $0x3  }
0x96: {  	_ =	strace s2  }
0x97: {  	_ =	strace $0x8FFFFFFF  }
0x98: {  	s18 =	sld [smem:$0x3FDB];
	_ =	sdelay $0x1  }
0x99: {  	s19 =	simm.s32 $_scs_section_size  }
0x9a: {  	s4 =	simm.s32 $_size__tile_overlayer_lowered;
	s5 =	simm.s32 $_tile_overlayer_lowered  }
0x9b: {  	s22 =	simm.s32 $0x1BFF;
	s21 =	sshll.u32 s5, $0x1;
	s2 =	sadd.s32 s19, s18  }
0x9c: {  	s6 =	simm.s32 $0x0;
	s20 =	sshll.u32 s4, $0x1;
	s4 =	sadd.s32 s21, s2  }
0x9d: {  	[timem:s6], [sflag:s22] =	dma.local [hbm:s4], s20  }
0x9e: {  	_ =	swait.ge [sflag:s22], s20  }
0x9f: {  	s3 =	ssub.s32 $0x0, s20;
	[sflag:s22] =	ssyncset.done $0x0  }
0xa0: {  	[sflag:s22] =	ssyncadd.s32 s3;
	_ =	sdelay $0x1  }
0xa1: {  	s23 =	simm.s32 $0x1B8B  }
0xa2: {  	_ =	swait.ge [sflag:s23], $0x1  }
0xa3: {  	[sflag:s23] =	ssyncset.done $0x0  }
0xa4: {  	s25 =	simm.s32 $0x1B8E;
	s24 =	sld [smem:$0x3FFE];
	[sflag:s23] =	ssyncadd.s32 $0xFFFFFFFF  }
0xa5: {  	s26 =	simm.s32 $execute0_lowered;
	[smem:$0x3FD2] =	sst s25  }
0xa6: {  	s4 =	sshll.u32 s26, $0x1;
	_ =	strace $0x8000004C;
	[dreg:$0x1] =	wrdreg $0xFFFFFFFF  }
0xa7: {  	s28 =	simm.s32 $_size_execute0_lowered;
	s2 =	sadd.s32 s2, s4;
	[dreg:$0x0] =	wrdreg $0x0  }
0xa8: {  	s4 =	sshll.u32 s28, $0x1;
	[dreg:$0x2] =	wrdreg s2  }
0xa9: {  	[dreg:$0x3] =	wrdreg s4  }
0xaa: {  	[dreg:$0x4] =	wrdreg $0xC0  }
0xab: {  	_ =	task [dreg:s6], $0x5FFFF  }
0xac: {  	[dreg:$0x1] =	wrdreg $0xFFFFFFFF  }
0xad: {  	[dreg:$0x0] =	wrdreg $0x60  }
0xae: {  	[dreg:$0x2] =	wrdreg s24  }
0xaf: {  	[dreg:$0x3] =	wrdreg $0x90000  }
0xb0: {  	[dreg:$0x4] =	wrdreg $0x9  }
0xb1: {  	_ =	task.clear_ibuf [dreg:s6], $0x5FFFF;
	_ =	strace $0x9000004C  }
0xb2: {  	s29 =	simm.s32 $0x9;
	_ =	strace $0x8000004E  }
0xb3: {  	_ =	swait.ge [sflag:s29], $0x1  }
0xb4: {  	[sflag:s29] =	ssyncadd.s32 $0xFFFFFFFF  }
0xb5: {  	_ =	strace $0x9000004E  }
0xb6: {  	_ =	sfence  }
0xb7: {  	s30 =	sld [smem:$0x0];
	_ =	sdelay $0x2  }
0xb8: {  	s31 =	sshll.u32 s1, $0xD;
	s1 =	sshrl.u32 s1, $0x2  }
0xb9: {  	s3 =	sand.u32 $0x4000, s31;
	s1 =	sadd.s32 s1, s30  }
0xba: {  	s0 =	sor.u32 s3, s0;
	s1 =	sshll.u32 s1, $0x11  }
0xbb: {  	s0 =	sor.u32 s1, s0  }
0xbc: {  	s0 =	sadd.s32 $0x8F2B, s0  }
0xbd: {  	[sflag:s0] =	ssyncadd.remote.s32 $0x1  }
0xbe: {  	_ =	sfence.sel $0xFFFF  }
0xbf: {  	[dreg:$0x0] =	wrdreg $0xFFFFFFFF;
	(pc) =	sbr.abs _section_cstart, $3  }
0xc0: {  	[dreg:$0x1] =	wrdreg $0xFFFFFFFF  }
0xc1: {  	_ =	task.clear_ibuf [dreg:s6], $0x2FFFF;
	_ =	strace $0x9FFFFFFF  }
0xc2: {  	(tm) =	ssettm $0x7FFFFFFF  }
0xc3: {  	_ =	shalt  }
tec
execute0_lowered:
.L_overlay_start_1:
0x0: {  	(tag) =	ssettag $0x1  }
0x1: {  	s0 =	rddreg [dreg:$0x0]  }
0x2: {  	s1 =	rddreg [dreg:$0x1]  }
0x3: {  	s2 =	srdreg.scid;
	s3 =	simm.s32 $0x0;
	s12 =	stileid.u32  }
0x4: {  	s17 =	simm.s32 $0x5;
	s19 =	simm.s32 $0x80;
	s6 =	smul.u32 $0x13C00, s12  }
0x5: {  	s13 =	simm.s32 $0x4;
	s31 =	simm.s32 $0x600;
	s10 =	smul.u32 $0x4F000, s12  }
0x6: {  	s28 =	simm.s32 $0x0;
	s2 =	sand.u32 $0x1, s2;
	s23 =	smul.u32 $0x2800, s12  }
0x7: {  	[smem:$0x7FF] =	sst s3;
	s5 =	sadd.s32 $0x1800, s0;
	s4 =	smul.u32 $0x27100, s2  }
0x8: {  	s24 =	sshll.u32 s12, $0x6;
	_ =	strace $0x8000004D;
	s8 =	smul.u32 $0x13C000, s2  }
0x9: {  	s20 =	sshll.u32 s2, $0x4;
	s21 =	ssub.s32 $0x2, s2;
	s2 =	smul.u32 $0x28000, s2  }
0xa: {  	s18 =	sor.u32 $0x1C05, s24;
	s24 =	simm.s32 $0x1;
	s9 =	sshrl.u32 s6, $0x3  }
0xb: {  	s11 =	sshrl.u32 s21, $0x1;
	s10 =	sshrl.u32 s10, $0x2;
	[dreg:$0x4] =	wrdreg s18  }
0xc: {  	s7 =	sadd.s32 s4, s0;
	s4 =	sadd.s32 $0x82800, s0;
	s9 =	sadd.s32 s9, s0  }
0xd: {  	s6 =	sadd.s32 s6, s8;
	s8 =	sor.u32 s12, s20;
	s22 =	sadd.s32 s10, s1  }
0xe: {  	s2 =	sadd.s32 s23, s2;
	s20 =	simm.s32 $0x1000;
	s23 =	simm.s32 $0xC00  }
0xf: {  	s12 =	simm.s32 $0x3;
	s6 =	sshrl.u32 s6, $0x3;
	s8 =	smul.u32 $0x2800, s8  }
0x10: {  	s9 =	sadd.s32 $0xB800, s9;
	s10 =	sadd.s32 $0x33000, s7;
	s26 =	sor.u32 $0x400, s2  }
0x11: {  	s2 =	sadd.s32 $0x800, s2;
	s7 =	simm.s32 $0xF80;
	s0 =	sadd.s32 s6, s0  }
0x12: {  	s6 =	ssub.s32 s21, s11;
	[dreg:$0x3] =	wrdreg s9;
	s30 =	sshrl.u32 s26, $0x3  }
0x13: {  	[dreg:$0x9] =	wrdreg s2;
	s21 =	simm.s32 $0x5000;
	s26 =	simm.s32 $0x2  }
0x14: {  	s2 =	simm.s32 $0x680;
	s9 =	simm.s32 $0xE80;
	s11 =	simm.s32 $0x780  }
0x15: {  	s8 =	sshrl.u32 s8, $0x3;
	s0 =	sadd.s32 $0x8C800, s0;
	s29 =	smax.u32 s6, $0x1  }
.Ltmp0:
0x16: {  	s14 =	sadd.s32 s30, s5;
	[dreg:$0x7] =	wrdreg s0;
	(pc) =	sbr.rel .LBB2_1-.Ltmp0, $4  }
0x17: {  	s15 =	sadd.s32 s30, s4;
	s25 =	sadd.s32 s4, s8;
	[dreg:$0x8] =	wrdreg s29  }
0x18: {  	s6 =	simm.s32 $0xE00;
	s8 =	sadd.s32 s5, s8;
	[dreg:$0x5] =	wrdreg s25  }
0x19: {  	s0 =	simm.s32 $0xD80;
	[dreg:$0x6] =	wrdreg s8;
	s25 =	sshrl.u32 s22, $0x3  }
0x1a: {  	s22 =	simm.s32 $0x400;
	s8 =	simm.s32 $0x700;
	[dreg:$0xa] =	wrdreg s25  }
.LBB2_4:
0x1b: {  	[bflag:$0x0] =	sbarrier.arrive $0xFFFF  }
0x1c: {  	s18 =	rddreg [dreg:$0x4]  }
0x1d: {  	s16 =	rddreg [dreg:$0x7]  }
0x1e: {  	s25 =	rddreg [dreg:$0xa]  }
0x1f: {  	[hbm:s16], [sflag:s18] =	dma.local [spmem:s25], $0x2780  }
0x20: {  	_ =	swait.ge [sflag:s17], $0x2780  }
0x21: {  	s28 =	rddreg [dreg:$0xb]  }
0x22: {  	s30 =	rddreg [dreg:$0x8];
	s28 =	sadd.s32 $0x1, s28  }
0x23: {  	p0 =	sne.s32 s28, s30  }
.Ltmp1:
0x24: {  	_ = 	snop;
	(pc) =	sbr.rel @!p0 .LBB2_5-.Ltmp1, $3  }
0x25: {  	_ =	sdelay $0x1  }
0x26: {  	[sflag:s17] =	ssyncset.done $0x0  }
0x27: {  	[sflag:s17] =	ssyncadd.s32 $0xFFFFD880  }
.LBB2_1:
0x28: {  	[dreg:$0xb] =	wrdreg s28  }
0x29: {  	s16 =	rddreg [dreg:$0x3]  }
0x2a: {  	[spmem:s25], [sflag:s18] =	dma.local [hbm:s16], $0x2780  }
0x2b: {  	_ =	swait.ge [sflag:s17], $0x2780  }
0x2c: {  	[sflag:s17] =	ssyncset.done $0x0  }
0x2d: {  	s28 =	rddreg [dreg:$0x5];
	[sflag:s17] =	ssyncadd.s32 $0xFFFFD880  }
0x2e: {  	[tilespmem:s3], [sflag:$0x5] =	stream.linear.gather [hbm4b:s28+s3], $0x400, $0x38;
	[tilespmem:$0x1CC00] =	vst v63  }
0x2f: {  	_ =	swait.ge [sflag:s17], $0x400  }
0x30: {  	[sflag:s17] =	ssyncset.done $0x0  }
0x31: {  	s30 =	simm.s32 $0x800;
	s29 =	rddreg [dreg:$0x6];
	[sflag:s17] =	ssyncadd.s32 $0xFFFFFC00  }
0x32: {  	[tilespmem:s30], [sflag:$0x5] =	stream.linear.gather [hbm4b:s29+s3], $0x400, $0x38;
	[tilespmem:$0x1CC00] =	vst v63  }
0x33: {  	_ =	swait.ge [sflag:s17], $0x400  }
0x34: {  	[sflag:s17] =	ssyncset.done $0x0  }
0x35: {  	[sflag:s17] =	ssyncadd.s32 $0xFFFFFC00  }
0x36: {  	[bflag:$0x0] =	sbarrier.arrive $0xFFFF  }
0x37: {  	[tilespmem:s20], [sflag:$0x1] =	stream.indirect.gather [hbm4b:s10+s19], $0x80, s3, s19, $0xb8;
	[tilespmem:$0x1CC00] =	vst v63  }
0x38: {  	s16 =	simm.s32 $0x0;
	s25 =	rddreg [dreg:$0x9]  }
0x39: {  	[tilespmem:s21], [sflag:$0x2] =	stream.indirect.gather [hbm4b:s10+s19], $0x80, s19, s19, $0xb8;
	[tilespmem:$0x1CC00] =	vst v63  }
.LBB2_2:
0x3a: {  	s18 =	sadd.s32 s16, s15  }
0x3b: {  	[tilespmem:s22], [sflag:$0x3] =	stream.linear.gather [hbm4b:s18+s3], $0x400, $0x38;
	[tilespmem:$0x1CC00] =	vst v63  }
0x3c: {  	s28 =	sadd.s32 s16, s14  }
0x3d: {  	[tilespmem:s23], [sflag:$0x4] =	stream.linear.gather [hbm4b:s28+s3], $0x400, $0x38;
	[tilespmem:$0x1CC00] =	vst v63  }
0x3e: {  	_ =	swait.ge [sflag:s24], $0x4000  }
0x3f: {  	[sflag:s24] =	ssyncset.done $0x0  }
0x40: {  	s29 =	simm.s32 $0x800;
	[sflag:s24] =	ssyncadd.s32 $0xFFFFC000  }
0x41: {  	[spmem:s1] =	stream.indirect.scatter.add.f32 [tilespmem:s20], [sflag:$0x5], $0x80, s29, s19, $0xb8;
	[tilespmem:$0x1CC00] =	vst v63  }
0x42: {  	_ =	swait.ge [sflag:s17], $0x4000  }
0x43: {  	[sflag:s17] =	ssyncset.done $0x0  }
0x44: {  	s30 =	simm.s32 $0x100;
	[sflag:s17] =	ssyncadd.s32 $0xFFFFC000  }
0x45: {  	[tilespmem:s20], [sflag:$0x1] =	stream.indirect.gather [hbm4b:s10+s19], $0x80, s30, s19, $0xb8;
	[tilespmem:$0x1CC00] =	vst v63  }
0x46: {  	_ =	swait.ge [sflag:s26], $0x4000  }
0x47: {  	[sflag:s26] =	ssyncset.done $0x0  }
0x48: {  	s28 =	simm.s32 $0x880;
	[sflag:s26] =	ssyncadd.s32 $0xFFFFC000  }
0x49: {  	[spmem:s1] =	stream.indirect.scatter.add.f32 [tilespmem:s21], [sflag:$0x5], $0x80, s28, s19, $0xb8;
	[tilespmem:$0x1CC00] =	vst v63  }
0x4a: {  	_ =	swait.ge [sflag:s17], $0x4000  }
0x4b: {  	[sflag:s17] =	ssyncset.done $0x0  }
0x4c: {  	s29 =	simm.s32 $0x180;
	[sflag:s17] =	ssyncadd.s32 $0xFFFFC000  }
0x4d: {  	[tilespmem:s21], [sflag:$0x2] =	stream.indirect.gather [hbm4b:s10+s19], $0x80, s29, s19, $0xb8;
	[tilespmem:$0x1CC00] =	vst v63  }
0x4e: {  	_ =	swait.ge [sflag:s24], $0x4000  }
0x4f: {  	[sflag:s24] =	ssyncset.done $0x0  }
0x50: {  	s30 =	simm.s32 $0x900;
	[sflag:s24] =	ssyncadd.s32 $0xFFFFC000  }
0x51: {  	[spmem:s1] =	stream.indirect.scatter.add.f32 [tilespmem:s20], [sflag:$0x5], $0x80, s30, s19, $0xb8;
	[tilespmem:$0x1CC00] =	vst v63  }
0x52: {  	_ =	swait.ge [sflag:s17], $0x4000  }
0x53: {  	[sflag:s17] =	ssyncset.done $0x0  }
0x54: {  	s28 =	simm.s32 $0x200;
	[sflag:s17] =	ssyncadd.s32 $0xFFFFC000  }
0x55: {  	[tilespmem:s20], [sflag:$0x1] =	stream.indirect.gather [hbm4b:s10+s19], $0x80, s28, s19, $0xb8;
	[tilespmem:$0x1CC00] =	vst v63  }
0x56: {  	_ =	swait.ge [sflag:s26], $0x4000  }
0x57: {  	[sflag:s26] =	ssyncset.done $0x0  }
0x58: {  	s29 =	simm.s32 $0x980;
	[sflag:s26] =	ssyncadd.s32 $0xFFFFC000  }
0x59: {  	[spmem:s1] =	stream.indirect.scatter.add.f32 [tilespmem:s21], [sflag:$0x5], $0x80, s29, s19, $0xb8;
	[tilespmem:$0x1CC00] =	vst v63  }
0x5a: {  	_ =	swait.ge [sflag:s17], $0x4000  }
0x5b: {  	[sflag:s17] =	ssyncset.done $0x0  }
0x5c: {  	s30 =	simm.s32 $0x280;
	[sflag:s17] =	ssyncadd.s32 $0xFFFFC000  }
0x5d: {  	[tilespmem:s21], [sflag:$0x2] =	stream.indirect.gather [hbm4b:s10+s19], $0x80, s30, s19, $0xb8;
	[tilespmem:$0x1CC00] =	vst v63  }
0x5e: {  	_ =	swait.ge [sflag:s24], $0x4000  }
0x5f: {  	[sflag:s24] =	ssyncset.done $0x0  }
0x60: {  	s28 =	simm.s32 $0xA00;
	[sflag:s24] =	ssyncadd.s32 $0xFFFFC000  }
0x61: {  	[spmem:s1] =	stream.indirect.scatter.add.f32 [tilespmem:s20], [sflag:$0x5], $0x80, s28, s19, $0xb8;
	[tilespmem:$0x1CC00] =	vst v63  }
0x62: {  	_ =	swait.ge [sflag:s17], $0x4000  }
0x63: {  	[sflag:s17] =	ssyncset.done $0x0  }
0x64: {  	s29 =	simm.s32 $0x300;
	[sflag:s17] =	ssyncadd.s32 $0xFFFFC000  }
0x65: {  	[tilespmem:s20], [sflag:$0x1] =	stream.indirect.gather [hbm4b:s10+s19], $0x80, s29, s19, $0xb8;
	[tilespmem:$0x1CC00] =	vst v63  }
0x66: {  	_ =	swait.ge [sflag:s26], $0x4000  }
0x67: {  	[sflag:s26] =	ssyncset.done $0x0  }
0x68: {  	s30 =	simm.s32 $0xA80;
	[sflag:s26] =	ssyncadd.s32 $0xFFFFC000  }
0x69: {  	[spmem:s1] =	stream.indirect.scatter.add.f32 [tilespmem:s21], [sflag:$0x5], $0x80, s30, s19, $0xb8;
	[tilespmem:$0x1CC00] =	vst v63  }
0x6a: {  	_ =	swait.ge [sflag:s17], $0x4000  }
0x6b: {  	[sflag:s17] =	ssyncset.done $0x0  }
0x6c: {  	s28 =	simm.s32 $0x380;
	[sflag:s17] =	ssyncadd.s32 $0xFFFFC000  }
0x6d: {  	[tilespmem:s21], [sflag:$0x2] =	stream.indirect.gather [hbm4b:s10+s19], $0x80, s28, s19, $0xb8;
	[tilespmem:$0x1CC00] =	vst v63  }
0x6e: {  	_ =	swait.ge [sflag:s12], $0x400  }
0x6f: {  	[sflag:s12] =	ssyncset.done $0x0  }
0x70: {  	[sflag:s12] =	ssyncadd.s32 $0xFFFFFC00  }
0x71: {  	_ =	swait.ge [sflag:s13], $0x400  }
0x72: {  	[sflag:s13] =	ssyncset.done $0x0  }
0x73: {  	[sflag:s13] =	ssyncadd.s32 $0xFFFFFC00  }
0x74: {  	_ =	swait.ge [sflag:s24], $0x4000  }
0x75: {  	[sflag:s24] =	ssyncset.done $0x0  }
0x76: {  	s29 =	simm.s32 $0xB00;
	[sflag:s24] =	ssyncadd.s32 $0xFFFFC000  }
0x77: {  	[spmem:s1] =	stream.indirect.scatter.add.f32 [tilespmem:s20], [sflag:$0x5], $0x80, s29, s19, $0xb8;
	[tilespmem:$0x1CC00] =	vst v63  }
0x78: {  	_ =	swait.ge [sflag:s17], $0x4000  }
0x79: {  	[sflag:s17] =	ssyncset.done $0x0  }
0x7a: {  	[sflag:s17] =	ssyncadd.s32 $0xFFFFC000  }
0x7b: {  	[tilespmem:s20], [sflag:$0x1] =	stream.indirect.gather [hbm4b:s10+s19], $0x80, s22, s19, $0xb8;
	[tilespmem:$0x1CC00] =	vst v63  }
0x7c: {  	_ =	swait.ge [sflag:s26], $0x4000  }
0x7d: {  	[sflag:s26] =	ssyncset.done $0x0  }
0x7e: {  	s30 =	simm.s32 $0xB80;
	[sflag:s26] =	ssyncadd.s32 $0xFFFFC000  }
0x7f: {  	[spmem:s1] =	stream.indirect.scatter.add.f32 [tilespmem:s21], [sflag:$0x5], $0x80, s30, s19, $0xb8;
	[tilespmem:$0x1CC00] =	vst v63  }
0x80: {  	_ =	swait.ge [sflag:s17], $0x4000  }
0x81: {  	[sflag:s17] =	ssyncset.done $0x0  }
0x82: {  	p0 =	seq.s32 s16, $0x400;
	s28 =	simm.s32 $0x480;
	[sflag:s17] =	ssyncadd.s32 $0xFFFFC000  }
0x83: {  	[tilespmem:s21], [sflag:$0x2] =	stream.indirect.gather [hbm4b:s10+s19], $0x80, s28, s19, $0xb8;
	[tilespmem:$0x1CC00] =	vst v63  }
0x84: {  	s28 =	sshrl.u32 @!p0 s25, $0x3  }
0x85: {  	s18 =	simm.s32 @!p0 $0x0;
	s29 =	sadd.s32 @!p0 s4, s28  }
0x86: {  	[tilespmem:s18], [sflag:$0x3] =	stream.linear.gather @!p0 [hbm4b:s29+s18], $0x400, $0x38;
	[tilespmem:$0x1CC00] =	vst v63  }
0x87: {  	s28 =	sadd.s32 @!p0 s5, s28;
	s29 =	simm.s32 @!p0 $0x800  }
0x88: {  	[tilespmem:s29], [sflag:$0x4] =	stream.linear.gather @!p0 [hbm4b:s28+s18], $0x400, $0x38;
	[tilespmem:$0x1CC00] =	vst v63  }
0x89: {  	_ =	swait.ge [sflag:s24], $0x4000  }
0x8a: {  	[sflag:s24] =	ssyncset.done $0x0  }
0x8b: {  	[sflag:s24] =	ssyncadd.s32 $0xFFFFC000  }
0x8c: {  	[spmem:s1] =	stream.indirect.scatter.add.f32 [tilespmem:s20], [sflag:$0x5], $0x80, s23, s19, $0xb8;
	[tilespmem:$0x1CC00] =	vst v63  }
0x8d: {  	_ =	swait.ge [sflag:s17], $0x4000  }
0x8e: {  	[sflag:s17] =	ssyncset.done $0x0  }
0x8f: {  	s29 =	simm.s32 $0x500;
	[sflag:s17] =	ssyncadd.s32 $0xFFFFC000  }
0x90: {  	[tilespmem:s20], [sflag:$0x1] =	stream.indirect.gather [hbm4b:s10+s19], $0x80, s29, s19, $0xb8;
	[tilespmem:$0x1CC00] =	vst v63  }
0x91: {  	_ =	swait.ge [sflag:s26], $0x4000  }
0x92: {  	[sflag:s26] =	ssyncset.done $0x0  }
0x93: {  	s30 =	simm.s32 $0xC80;
	[sflag:s26] =	ssyncadd.s32 $0xFFFFC000  }
0x94: {  	[spmem:s1] =	stream.indirect.scatter.add.f32 [tilespmem:s21], [sflag:$0x5], $0x80, s30, s19, $0xb8;
	[tilespmem:$0x1CC00] =	vst v63  }
0x95: {  	_ =	swait.ge [sflag:s17], $0x4000  }
0x96: {  	[sflag:s17] =	ssyncset.done $0x0  }
0x97: {  	s29 =	simm.s32 $0x580;
	[sflag:s17] =	ssyncadd.s32 $0xFFFFC000  }
0x98: {  	[tilespmem:s21], [sflag:$0x2] =	stream.indirect.gather [hbm4b:s10+s19], $0x80, s29, s19, $0xb8;
	[tilespmem:$0x1CC00] =	vst v63  }
0x99: {  	_ =	swait.ge [sflag:s24], $0x4000  }
0x9a: {  	[sflag:s24] =	ssyncset.done $0x0  }
0x9b: {  	s30 =	simm.s32 $0xD00;
	[sflag:s24] =	ssyncadd.s32 $0xFFFFC000  }
0x9c: {  	[spmem:s1] =	stream.indirect.scatter.add.f32 [tilespmem:s20], [sflag:$0x5], $0x80, s30, s19, $0xb8;
	[tilespmem:$0x1CC00] =	vst v63  }
0x9d: {  	_ =	swait.ge [sflag:s17], $0x4000  }
0x9e: {  	[sflag:s17] =	ssyncset.done $0x0  }
0x9f: {  	[sflag:s17] =	ssyncadd.s32 $0xFFFFC000  }
0xa0: {  	[tilespmem:s20], [sflag:$0x1] =	stream.indirect.gather [hbm4b:s10+s19], $0x80, s31, s19, $0xb8;
	[tilespmem:$0x1CC00] =	vst v63  }
0xa1: {  	_ =	swait.ge [sflag:s26], $0x4000  }
0xa2: {  	[sflag:s26] =	ssyncset.done $0x0  }
0xa3: {  	[sflag:s26] =	ssyncadd.s32 $0xFFFFC000  }
0xa4: {  	[spmem:s1] =	stream.indirect.scatter.add.f32 [tilespmem:s21], [sflag:$0x5], $0x80, s0, s19, $0xb8;
	[tilespmem:$0x1CC00] =	vst v63  }
0xa5: {  	_ =	swait.ge [sflag:s17], $0x4000  }
0xa6: {  	[sflag:s17] =	ssyncset.done $0x0  }
0xa7: {  	[sflag:s17] =	ssyncadd.s32 $0xFFFFC000  }
0xa8: {  	[tilespmem:s21], [sflag:$0x2] =	stream.indirect.gather [hbm4b:s10+s19], $0x80, s2, s19, $0xb8;
	[tilespmem:$0x1CC00] =	vst v63  }
0xa9: {  	_ =	swait.ge [sflag:s24], $0x4000  }
0xaa: {  	[sflag:s24] =	ssyncset.done $0x0  }
0xab: {  	[sflag:s24] =	ssyncadd.s32 $0xFFFFC000  }
0xac: {  	[spmem:s1] =	stream.indirect.scatter.add.f32 [tilespmem:s20], [sflag:$0x5], $0x80, s6, s19, $0xb8;
	[tilespmem:$0x1CC00] =	vst v63  }
0xad: {  	_ =	swait.ge [sflag:s17], $0x4000  }
0xae: {  	[sflag:s17] =	ssyncset.done $0x0  }
0xaf: {  	[sflag:s17] =	ssyncadd.s32 $0xFFFFC000  }
0xb0: {  	[tilespmem:s20], [sflag:$0x1] =	stream.indirect.gather [hbm4b:s10+s19], $0x80, s8, s19, $0xb8;
	[tilespmem:$0x1CC00] =	vst v63  }
0xb1: {  	_ =	swait.ge [sflag:s26], $0x4000  }
0xb2: {  	[sflag:s26] =	ssyncset.done $0x0  }
0xb3: {  	[sflag:s26] =	ssyncadd.s32 $0xFFFFC000  }
0xb4: {  	[spmem:s1] =	stream.indirect.scatter.add.f32 [tilespmem:s21], [sflag:$0x5], $0x80, s9, s19, $0xb8;
	[tilespmem:$0x1CC00] =	vst v63  }
0xb5: {  	_ =	swait.ge [sflag:s17], $0x4000  }
0xb6: {  	[sflag:s17] =	ssyncset.done $0x0  }
0xb7: {  	s28 =	simm.s32 @p0 $0x1;
	[sflag:s17] =	ssyncadd.s32 $0xFFFFC000  }
0xb8: {  	[tilespmem:s21], [sflag:$0x2] =	stream.indirect.gather [hbm4b:s10+s19], $0x80, s11, s19, $0xb8;
	[tilespmem:$0x1CC00] =	vst v63  }
0xb9: {  	_ =	swait.ge @p0 [sflag:s28], $0x4000  }
0xba: {  	s29 =	simm.s32 @p0 $0xF00;
	[sflag:s28] =	ssyncset.done @p0 $0x0  }
0xbb: {  	s30 =	simm.s32 @p0 $0x1000;
	[sflag:s28] =	ssyncadd.s32 @p0 $0xFFFFC000;
	s28 =	simm.s32 @p0 $0x80  }
0xbc: {  	[spmem:s1] =	stream.indirect.scatter.add.f32 @p0 [tilespmem:s30], [sflag:$0x5], $0x80, s29, s28, $0xb8;
	[tilespmem:$0x1CC00] =	vst v63  }
0xbd: {  	s28 =	simm.s32 @p0 $0x5  }
0xbe: {  	_ =	swait.ge @p0 [sflag:s28], $0x4000  }
0xbf: {  	[sflag:s28] =	ssyncset.done @p0 $0x0  }
0xc0: {  	[sflag:s28] =	ssyncadd.s32 @p0 $0xFFFFC000;
	s28 =	simm.s32 @!p0 $0x3  }
0xc1: {  	_ =	swait.ge @!p0 [sflag:s28], $0x400  }
0xc2: {  	[sflag:s28] =	ssyncset.done @!p0 $0x0  }
0xc3: {  	[sflag:s28] =	ssyncadd.s32 @!p0 $0xFFFFFC00;
	s28 =	simm.s32 @!p0 $0x4  }
0xc4: {  	_ =	swait.ge @!p0 [sflag:s28], $0x400  }
0xc5: {  	[sflag:s28] =	ssyncset.done @!p0 $0x0  }
0xc6: {  	[sflag:s28] =	ssyncadd.s32 @!p0 $0xFFFFFC00;
	s28 =	simm.s32 @!p0 $0x1  }
0xc7: {  	_ =	swait.ge @!p0 [sflag:s28], $0x4000  }
0xc8: {  	s29 =	simm.s32 @!p0 $0xF00;
	[sflag:s28] =	ssyncset.done @!p0 $0x0  }
0xc9: {  	s30 =	simm.s32 @!p0 $0x1000;
	[sflag:s28] =	ssyncadd.s32 @!p0 $0xFFFFC000;
	s28 =	simm.s32 @!p0 $0x80  }
0xca: {  	[spmem:s1] =	stream.indirect.scatter.add.f32 @!p0 [tilespmem:s30], [sflag:$0x5], $0x80, s29, s28, $0xb8;
	[tilespmem:$0x1CC00] =	vst v63  }
0xcb: {  	s29 =	simm.s32 @!p0 $0x5  }
0xcc: {  	_ =	swait.ge @!p0 [sflag:s29], $0x4000  }
0xcd: {  	[sflag:s29] =	ssyncset.done @!p0 $0x0  }
0xce: {  	[sflag:s29] =	ssyncadd.s32 @!p0 $0xFFFFC000  }
0xcf: {  	[tilespmem:s30], [sflag:$0x1] =	stream.indirect.gather @!p0 [hbm4b:s10+s28], $0x80, s18, s28, $0xb8;
	[tilespmem:$0x1CC00] =	vst v63  }
0xd0: {  	_ =	swait.ge [sflag:s26], $0x4000  }
0xd1: {  	[sflag:s26] =	ssyncset.done $0x0  }
.Ltmp2:
0xd2: {  	[sflag:s26] =	ssyncadd.s32 $0xFFFFC000;
	(pc) =	sbr.rel @p0 .LBB2_4-.Ltmp2, $4  }
0xd3: {  	[spmem:s1] =	stream.indirect.scatter.add.f32 [tilespmem:s21], [sflag:$0x5], $0x80, s7, s19, $0xb8;
	[tilespmem:$0x1CC00] =	vst v63  }
0xd4: {  	_ =	swait.ge [sflag:s17], $0x4000  }
0xd5: {  	[sflag:s17] =	ssyncset.done $0x0  }
0xd6: {  	[sflag:s17] =	ssyncadd.s32 $0xFFFFC000  }
.Ltmp3:
0xd7: {  	(pc) =	sbr.rel .LBB2_2-.Ltmp3, $3  }
0xd8: {  	_ =	sdelay $0x1  }
0xd9: {  	[tilespmem:s21], [sflag:$0x2] =	stream.indirect.gather [hbm4b:s10+s19], $0x80, s19, s19, $0xb8;
	[tilespmem:$0x1CC00] =	vst v63  }
0xda: {  	s25 =	sadd.s32 $0x800, s25;
	s16 =	sadd.s32 $0x100, s16  }
.LBB2_5:
0xdb: {  	_ =	sfence.sel $0x180000  }
0xdc: {  	[bflag:$0x0] =	sbarrier.arrive $0xFFFF  }
0xdd: {  	_ =	strace $0x9000004D  }
0xde: {  	s0 =	stileid.u32;
	[bflag:$0x2] =	sbarrier.arrive $0xFFFF  }
0xdf: {  	p0 =	sne.s32 s0, $0x0;
	s0 =	rddreg [dreg:$0x2]  }
0xe0: {  	s0 =	sadd.s32 @!p0 $0x100000, s0  }
0xe1: {  	[sflag:s0] =	ssyncadd.tile.s32 @!p0 $0x1;
	_ =	shalt  }
.Lfunc_end2:
_tile_overlayer_lowered:
.L_overlay_start_2:
0xe2: {  	(tag) =	ssettag $0x2  }
0xe3: {  	s0 =	rddreg [dreg:$0x0];
	s2 =	stileid.u32  }
0xe4: {  	s1 =	rddreg [dreg:$0x1];
	p0 =	sne.s32 s2, $0x0  }
0xe5: {  	s3 =	rddreg [dreg:$0x2];
	[bflag:$0x3] =	sbarrier.arrive $0xFFFF;
	s2 =	simm.s32 @!p0 $0x1C05  }
0xe6: {  	[timem:s3], [sflag:s2] =	dma.local @!p0 [hbm:s0], s1  }
0xe7: {  	s0 =	simm.s32 @!p0 $0x5  }
0xe8: {  	_ =	swait.ge @!p0 [sflag:s0], s1  }
0xe9: {  	s1 =	ssub.s32 @!p0 $0x0, s1;
	[sflag:s0] =	ssyncset.done @!p0 $0x0  }
0xea: {  	[sflag:s0] =	ssyncadd.s32 @!p0 s1  }
0xeb: {  	[bflag:$0x3] =	sbarrier.arrive $0xFFFF  }
0xec: {  	_ =	shalt  }

// kernel: kernel.8.cloned.1.call-start
scs
__scs_entry_jumppad:
0x0: {  	(pc) =	sbr.rel $0x88, $3  }
0x1: {  	(tag) =	ssettag $0x0;
	lr =	simm.s32 $0x1  }
0x2: {  	[smem:$0x3F99] =	sst lr;
	_ =	strace $0xD0000000  }
0x3: {  	_ = 	snop  }
0x4: {  	_ = 	snop  }
0x5: {  	_ = 	snop  }
0x6: {  	_ = 	snop  }
0x7: {  	_ = 	snop  }
__scs_overlays_trampoline_lowered:
0x8: {  	[smem:$0x3FA8] =	sst s0  }
0x9: {  	[smem:$0x3FA9] =	sst s1  }
0xa: {  	[smem:$0x3FAA] =	sst s2  }
0xb: {  	[smem:$0x3FAB] =	sst s3  }
0xc: {  	[smem:$0x3FAC] =	sst s4  }
0xd: {  	[smem:$0x3FAD] =	sst s5  }
0xe: {  	[smem:$0x3FAE] =	sst s6  }
0xf: {  	[smem:$0x3FAF] =	sst s7  }
0x10: {  	[smem:$0x3FB0] =	sst s8  }
0x11: {  	[smem:$0x3FB1] =	sst s9;
	s0 =	simm.s32 @!p0 $0x0  }
0x12: {  	s1 =	sld [smem:$0x3F97];
	s0 =	simm.s32 @p0 $0x1  }
0x13: {  	[smem:$0x3FB2] =	sst s0;
	s0 =	simm.s32 @!p1 $0x0  }
0x14: {  	s2 =	sld [smem:$0x3F96];
	s0 =	simm.s32 @p1 $0x1  }
0x15: {  	[smem:$0x3FB3] =	sst s0;
	s0 =	simm.s32 @!p2 $0x0  }
0x16: {  	s3 =	sld [smem:$0x3FDB];
	s0 =	simm.s32 @p2 $0x1  }
0x17: {  	s4 =	simm.s32 $0x1BF5;
	[smem:$0x3FB5] =	sst s0  }
0x18: {  	s0 =	sld [smem:$0x3F98];
	_ =	swait.ge [sflag:s4], $0x0  }
0x19: {  	s7 =	sld [smem:$0x3F99]  }
0x1a: {  	s8 =	sadd.s32 $0xFFFFE003, lr  }
0x1b: {  	s9 =	sadd.s32 $0xFFFFFEF7, lr;
	s5 =	simm.s32 $0xFFFFFFFF;
	p2 =	slt.u32 s8, $0xFFFFF086  }
0x1c: {  	p1 =	slt.u32 s9, $0xF7A;
	s5 =	simm.s32 @!p2 $0x0  }
0x1d: {  	s5 =	simm.s32 @p1 $0x1;
	p0 =	seq.s32 s7, s2  }
0x1e: {  	s7 =	smul.u32 @!p0 $0xF7A, s2;
	p2 =	seq.s32 @!p0 s5, $0x0  }
0x1f: {  	s9 =	smul.u32 $0xF7A, s1;
	s8 =	simm.s32 @!p0 $0x1BF5;
	p2 =	por !p2, p0  }
0x20: {  	[sflag:s8] =	ssyncset.s32 @!p0 $0xFFFFF086;
	s6 =	sadd.s32 @!p0 s3, s7;
	s7 =	simm.s32 @!p0 $0x108  }
0x21: {  	s3 =	sadd.s32 s3, s9;
	s6 =	sadd.s32 @!p0 $0x88, s6;
	s7 =	simm.s32 @p2 $0x1082  }
0x22: {  	[simem:s7], [sflag:s8] =	dma.local @!p0 [hbm:s6], $0xF7A  }
0x23: {  	s9 =	sor.u32 $0xD0000000, s2;
	s6 =	simm.s32 $0x108;
	_ =	swait.ge @!p0 [sflag:s8], $0x0  }
0x24: {  	s3 =	sadd.s32 $0x88, s3;
	s6 =	simm.s32 @!p1 $0x1082;
	[sflag:s4] =	ssyncset.s32 $0xFFFFF086  }
0x25: {  	[simem:s6], [sflag:s4] =	dma.local [hbm:s3], $0xF7A  }
0x26: {  	[smem:$0x3F99] =	sst s1;
	(tag) =	ssettag s2;
	_ =	strace s9  }
0x27: {  	s1 =	sld [smem:$0x3FA9]  }
0x28: {  	s2 =	sld [smem:$0x3FAA]  }
0x29: {  	s4 =	sld [smem:$0x3FAC]  }
0x2a: {  	p0 =	seq.s32 s5, $0x0;
	s5 =	sld [smem:$0x3FAD]  }
0x2b: {  	s6 =	sld [smem:$0x3FAE]  }
0x2c: {  	s7 =	sld [smem:$0x3FAF]  }
0x2d: {  	s3 =	simm.s32 $0x108;
	s8 =	sld [smem:$0x3FB0]  }
0x2e: {  	s3 =	simm.s32 @!p0 $0x1082;
	s9 =	sld [smem:$0x3FB1]  }
0x2f: {  	lr =	sadd.s32 s0, s3;
	s0 =	sld [smem:$0x3FA8]  }
0x30: {  	s3 =	sld [smem:$0x3FAB]  }
0x31: {  	[smem:$0x3FB4] =	sst s10  }
0x32: {  	s10 =	sld [smem:$0x3FB2];
	_ =	sdelay $0x3  }
0x33: {  	p0 =	seq.s32 s10, $0x1;
	s10 =	sld [smem:$0x3FB4];
	_ =	sdelay $0x3  }
0x34: {  	[smem:$0x3FB4] =	sst s10  }
0x35: {  	s10 =	sld [smem:$0x3FB3];
	_ =	sdelay $0x3  }
0x36: {  	p1 =	seq.s32 s10, $0x1;
	s10 =	sld [smem:$0x3FB4];
	_ =	sdelay $0x3  }
0x37: {  	[smem:$0x3FB4] =	sst s10  }
0x38: {  	s10 =	sld [smem:$0x3FB5]  }
0x39: {  	_ = 	snop;
	(pc) =	sbr.ind lr, $3  }
0x3a: {  	_ = 	snop  }
0x3b: {  	_ = 	snop  }
0x3c: {  	p2 =	seq.s32 s10, $0x1;
	s10 =	sld [smem:$0x3FB4]  }
0x3d: {  	_ =	shalt  }
0x3e: {  	_ =	shalt  }
0x3f: {  	_ =	shalt  }
0x40: {  	_ =	shalt  }
0x41: {  	_ =	shalt  }
0x42: {  	_ =	shalt  }
0x43: {  	_ =	shalt  }
0x44: {  	_ =	shalt  }
0x45: {  	_ =	shalt  }
0x46: {  	_ =	shalt  }
0x47: {  	_ =	shalt  }
0x48: {  	_ =	shalt  }
0x49: {  	_ =	shalt  }
0x4a: {  	_ =	shalt  }
0x4b: {  	_ =	shalt  }
0x4c: {  	_ =	shalt  }
0x4d: {  	_ =	shalt  }
0x4e: {  	_ =	shalt  }
0x4f: {  	_ =	shalt  }
0x50: {  	_ =	shalt  }
0x51: {  	_ =	shalt  }
0x52: {  	_ =	shalt  }
0x53: {  	_ =	shalt  }
0x54: {  	_ =	shalt  }
0x55: {  	_ =	shalt  }
0x56: {  	_ =	shalt  }
0x57: {  	_ =	shalt  }
0x58: {  	_ =	shalt  }
0x59: {  	_ =	shalt  }
0x5a: {  	_ =	shalt  }
0x5b: {  	_ =	shalt  }
0x5c: {  	_ =	shalt  }
0x5d: {  	_ =	shalt  }
0x5e: {  	_ =	shalt  }
0x5f: {  	_ =	shalt  }
0x60: {  	_ =	shalt  }
0x61: {  	_ =	shalt  }
0x62: {  	_ =	shalt  }
0x63: {  	_ =	shalt  }
0x64: {  	_ =	shalt  }
0x65: {  	_ =	shalt  }
0x66: {  	_ =	shalt  }
0x67: {  	_ =	shalt  }
0x68: {  	_ =	shalt  }
0x69: {  	_ =	shalt  }
0x6a: {  	_ =	shalt  }
0x6b: {  	_ =	shalt  }
0x6c: {  	_ =	shalt  }
0x6d: {  	_ =	shalt  }
0x6e: {  	_ =	shalt  }
0x6f: {  	_ =	shalt  }
0x70: {  	_ =	shalt  }
0x71: {  	_ =	shalt  }
0x72: {  	_ =	shalt  }
0x73: {  	_ =	shalt  }
0x74: {  	_ =	shalt  }
0x75: {  	_ =	shalt  }
0x76: {  	_ =	shalt  }
0x77: {  	_ =	shalt  }
0x78: {  	_ =	shalt  }
0x79: {  	_ =	shalt  }
0x7a: {  	_ =	shalt  }
0x7b: {  	_ =	shalt  }
0x7c: {  	_ =	shalt  }
0x7d: {  	_ =	shalt  }
0x7e: {  	_ =	shalt  }
0x7f: {  	_ =	shalt  }
0x80: {  	_ =	shalt  }
0x81: {  	_ =	shalt  }
0x82: {  	_ =	shalt  }
0x83: {  	_ =	shalt  }
0x84: {  	_ =	shalt  }
0x85: {  	_ =	shalt  }
0x86: {  	_ =	shalt  }
0x87: {  	_ =	shalt  }
.Lfunc_end0:
.L_simem_size_0:
called_computation_lowered:
.L_overlay_start_0:
0x88: {  	s2 =	sld [smem:$0x3FD9]  }
0x89: {  	s3 =	sld [smem:$0x3FFE];
	_ =	sdelay $0x1  }
0x8a: {  	s1 =	srdreg.scid  }
0x8b: {  	s0 =	sand.u32 $0x1, s1  }
0x8c: {  	s16 =	sshll.u32 s0, $0xA;
	s2 =	sadd.s32 s3, s2  }
0x8d: {  	s2 =	sadd.s32 s2, s16  }
0x8e: {  	[smem:$0x3FC0] =	sst s2  }
0x8f: {  	_ = 	snop  }
0x90: {  	(tm) =	ssettm $0x1  }
0x91: {  	s17 =	sld [smem:$0x3FFB];
	_ =	sdelay $0x3  }
0x92: {  	_ =	strace s17  }
0x93: {  	s2 =	sld [smem:$0x3FFC];
	_ =	sdelay $0x3  }
0x94: {  	_ =	strace s2  }
0x95: {  	s2 =	sld [smem:$0x3FFD];
	_ =	sdelay $0x3  }
0x96: {  	_ =	strace s2  }
0x97: {  	_ =	strace $0x8FFFFFFF  }
0x98: {  	s18 =	sld [smem:$0x3FDB];
	_ =	sdelay $0x1  }
0x99: {  	s19 =	simm.s32 $_scs_section_size  }
0x9a: {  	s4 =	simm.s32 $_size__tile_overlayer_lowered;
	s5 =	simm.s32 $_tile_overlayer_lowered  }
0x9b: {  	s22 =	simm.s32 $0x1BFF;
	s21 =	sshll.u32 s5, $0x1;
	s2 =	sadd.s32 s19, s18  }
0x9c: {  	s6 =	simm.s32 $0x0;
	s20 =	sshll.u32 s4, $0x1;
	s4 =	sadd.s32 s21, s2  }
0x9d: {  	[timem:s6], [sflag:s22] =	dma.local [hbm:s4], s20  }
0x9e: {  	_ =	swait.ge [sflag:s22], s20  }
0x9f: {  	s3 =	ssub.s32 $0x0, s20;
	[sflag:s22] =	ssyncset.done $0x0  }
0xa0: {  	[sflag:s22] =	ssyncadd.s32 s3;
	_ =	sdelay $0x1  }
0xa1: {  	s23 =	simm.s32 $0x1B8B  }
0xa2: {  	_ =	swait.ge [sflag:s23], $0x1  }
0xa3: {  	[sflag:s23] =	ssyncset.done $0x0  }
0xa4: {  	s25 =	simm.s32 $0x1B8E;
	s24 =	sld [smem:$0x3FFE];
	[sflag:s23] =	ssyncadd.s32 $0xFFFFFFFF  }
0xa5: {  	s26 =	simm.s32 $execute0_lowered;
	[smem:$0x3FD2] =	sst s25  }
0xa6: {  	s4 =	sshll.u32 s26, $0x1;
	_ =	strace $0x80000046;
	[dreg:$0x1] =	wrdreg $0xFFFFFFFF  }
0xa7: {  	s28 =	simm.s32 $_size_execute0_lowered;
	s2 =	sadd.s32 s2, s4;
	[dreg:$0x0] =	wrdreg $0x0  }
0xa8: {  	s4 =	sshll.u32 s28, $0x1;
	[dreg:$0x2] =	wrdreg s2  }
0xa9: {  	[dreg:$0x3] =	wrdreg s4  }
0xaa: {  	[dreg:$0x4] =	wrdreg $0xC0  }
0xab: {  	_ =	task [dreg:s6], $0x5FFFF  }
0xac: {  	[dreg:$0x1] =	wrdreg $0xFFFFFFFF  }
0xad: {  	[dreg:$0x0] =	wrdreg $0x60  }
0xae: {  	[dreg:$0x2] =	wrdreg s24  }
0xaf: {  	[dreg:$0x3] =	wrdreg $0x68000  }
0xb0: {  	[dreg:$0x4] =	wrdreg $0x9  }
0xb1: {  	_ =	task.clear_ibuf [dreg:s6], $0x5FFFF;
	_ =	strace $0x90000046  }
0xb2: {  	s29 =	simm.s32 $0x9;
	_ =	strace $0x80000048  }
0xb3: {  	_ =	swait.ge [sflag:s29], $0x1  }
0xb4: {  	[sflag:s29] =	ssyncadd.s32 $0xFFFFFFFF  }
0xb5: {  	_ =	strace $0x90000048  }
0xb6: {  	_ =	sfence  }
0xb7: {  	s30 =	sld [smem:$0x0];
	_ =	sdelay $0x2  }
0xb8: {  	s31 =	sshll.u32 s1, $0xD;
	s1 =	sshrl.u32 s1, $0x2  }
0xb9: {  	s3 =	sand.u32 $0x4000, s31;
	s1 =	sadd.s32 s1, s30  }
0xba: {  	s0 =	sor.u32 s3, s0;
	s1 =	sshll.u32 s1, $0x11  }
0xbb: {  	s0 =	sor.u32 s1, s0  }
0xbc: {  	s0 =	sadd.s32 $0x8F2B, s0  }
0xbd: {  	[sflag:s0] =	ssyncadd.remote.s32 $0x1  }
0xbe: {  	_ =	sfence.sel $0xFFFF  }
0xbf: {  	[dreg:$0x0] =	wrdreg $0xFFFFFFFF;
	(pc) =	sbr.abs _section_cstart, $3  }
0xc0: {  	[dreg:$0x1] =	wrdreg $0xFFFFFFFF  }
0xc1: {  	_ =	task.clear_ibuf [dreg:s6], $0x2FFFF;
	_ =	strace $0x9FFFFFFF  }
0xc2: {  	(tm) =	ssettm $0x7FFFFFFF  }
0xc3: {  	_ =	shalt  }
tec
execute0_lowered:
.L_overlay_start_1:
0x0: {  	(tag) =	ssettag $0x1  }
0x1: {  	s0 =	srdreg.scid;
	s6 =	rddreg [dreg:$0x0]  }
0x2: {  	s2 =	rddreg [dreg:$0x1];
	s5 =	sand.u32 $0x1, s0;
	s0 =	stileid.u32  }
0x3: {  	s3 =	simm.s32 $0x0;
	s14 =	simm.s32 $0x0;
	s7 =	smul.u32 $0x13C00, s0  }
0x4: {  	[smem:$0x7FF] =	sst s3;
	s1 =	sshll.u32 s5, $0x4;
	s8 =	smul.u32 $0x13C000, s5  }
0x5: {  	s5 =	ssub.s32 $0x2, s5;
	s29 =	smul.u32 $0x4F000, s0;
	s31 =	sshll.u32 s0, $0x6  }
0x6: {  	s4 =	sor.u32 s0, s1;
	s1 =	rddreg [dreg:$0x2];
	_ =	strace $0x80000047  }
0x7: {  	s11 =	sshrl.u32 s5, $0x1;
	s4 =	smul.u32 $0x500, s4;
	s10 =	sshrl.u32 s7, $0x3  }
0x8: {  	s7 =	sadd.s32 s7, s8;
	s11 =	ssub.s32 s5, s11;
	s30 =	sshrl.u32 s29, $0x2  }
0x9: {  	s10 =	sadd.s32 s10, s6;
	s7 =	sshrl.u32 s7, $0x3;
	s13 =	sadd.s32 s30, s2  }
0xa: {  	s9 =	sadd.s32 s4, s6;
	s4 =	sadd.s32 $0x33000, s6;
	s12 =	sadd.s32 s7, s6  }
0xb: {  	s5 =	sadd.s32 $0xB800, s10;
	s6 =	sor.u32 $0x1C01, s31;
	s10 =	sshrl.u32 s13, $0x3  }
0xc: {  	s13 =	simm.s32 $0x80;
	s7 =	sadd.s32 $0x1800, s9;
	s8 =	sadd.s32 $0x33800, s12  }
0xd: {  	s9 =	smax.u32 s11, $0x1;
	s11 =	simm.s32 $0x1;
	s12 =	simm.s32 $0x2800  }
.LBB2_1:
0xe: {  	[spmem:s10], [sflag:s6] =	dma.local [hbm:s5], $0x2780  }
0xf: {  	_ =	swait.ge [sflag:s11], $0x2780  }
0x10: {  	[sflag:s11] =	ssyncset.done $0x0  }
0x11: {  	[sflag:s11] =	ssyncadd.s32 $0xFFFFD880  }
0x12: {  	[tilespmem:s3], [sflag:$0x1] =	stream.linear.gather [hbm4b:s7+s3], $0x2800, $0x38;
	[tilespmem:$0x1A400] =	vst v63  }
0x13: {  	_ =	swait.ge [sflag:s11], $0x2800  }
0x14: {  	[sflag:s11] =	ssyncset.done $0x0  }
0x15: {  	[sflag:s11] =	ssyncadd.s32 $0xFFFFD800  }
0x16: {  	[tilespmem:s12], [sflag:$0x1] =	stream.linear.gather [hbm4b:s4+s3], $0x4000, $0x38;
	[tilespmem:$0x1A400] =	vst v63  }
0x17: {  	_ =	swait.ge [sflag:s11], $0x4000  }
0x18: {  	[sflag:s11] =	ssyncset.done $0x0  }
0x19: {  	[sflag:s11] =	ssyncadd.s32 $0xFFFFC000  }
0x1a: {  	s15 =	simm.s32 $0x0;
	[bflag:$0x0] =	sbarrier.arrive $0xFFFF  }
0x1b: {  	[spmem:s2] =	stream.indirect.scatter.add.f32 [tilespmem:s12], [sflag:$0x1], $0x80, s15, s13, $0xb8;
	[tilespmem:$0x1A400] =	vst v63  }
0x1c: {  	_ =	swait.ge [sflag:s11], $0x4000  }
0x1d: {  	s15 =	simm.s32 $0x200;
	[sflag:s11] =	ssyncset.done $0x0  }
.LBB2_2:
0x1e: {  	s16 =	sshra.s32 s15, $0x2;
	[sflag:s11] =	ssyncadd.s32 $0xFFFFC000;
	p0 =	sne.s32 s15, $0x9E00  }
0x1f: {  	[spmem:s2] =	stream.indirect.scatter.add.f32 [tilespmem:s12], [sflag:$0x1], $0x80, s16, s13, $0xb8;
	[tilespmem:$0x1A400] =	vst v63  }
.Ltmp0:
0x20: {  	_ = 	snop;
	(pc) =	sbr.rel @p0 .LBB2_2-.Ltmp0, $4  }
0x21: {  	_ = 	snop  }
0x22: {  	s15 =	sadd.s32 $0x200, s15  }
0x23: {  	_ =	swait.ge [sflag:s11], $0x4000  }
0x24: {  	[sflag:s11] =	ssyncset.done $0x0  }
0x25: {  	s14 =	sadd.s32 $0x1, s14  }
0x26: {  	[sflag:s11] =	ssyncadd.s32 $0xFFFFC000;
	p0 =	sne.s32 s14, s9  }
.Ltmp1:
0x27: {  	[bflag:$0x0] =	sbarrier.arrive $0xFFFF;
	(pc) =	sbr.rel @p0 .LBB2_1-.Ltmp1, $4  }
0x28: {  	[hbm:s8], [sflag:s6] =	dma.local [spmem:s10], $0x2780  }
0x29: {  	_ =	swait.ge [sflag:s11], $0x2780  }
0x2a: {  	[sflag:s11] =	ssyncset.done $0x0  }
0x2b: {  	[sflag:s11] =	ssyncadd.s32 $0xFFFFD880  }
0x2c: {  	_ =	sfence.sel $0x180000  }
0x2d: {  	[bflag:$0x0] =	sbarrier.arrive $0xFFFF  }
0x2e: {  	p0 =	sne.s32 s0, $0x0;
	_ =	strace $0x90000047  }
0x2f: {  	s0 =	sadd.s32 @!p0 $0x100000, s1;
	[bflag:$0x2] =	sbarrier.arrive $0xFFFF  }
0x30: {  	[sflag:s0] =	ssyncadd.tile.s32 @!p0 $0x1;
	_ =	shalt  }
.Lfunc_end2:
_tile_overlayer_lowered:
.L_overlay_start_2:
0x31: {  	(tag) =	ssettag $0x2  }
0x32: {  	s0 =	rddreg [dreg:$0x0];
	s2 =	stileid.u32  }
0x33: {  	s1 =	rddreg [dreg:$0x1];
	p0 =	sne.s32 s2, $0x0  }
0x34: {  	s3 =	rddreg [dreg:$0x2];
	[bflag:$0x3] =	sbarrier.arrive $0xFFFF;
	s2 =	simm.s32 @!p0 $0x1C01  }
0x35: {  	[timem:s3], [sflag:s2] =	dma.local @!p0 [hbm:s0], s1  }
0x36: {  	s0 =	simm.s32 @!p0 $0x1  }
0x37: {  	_ =	swait.ge @!p0 [sflag:s0], s1  }
0x38: {  	s1 =	ssub.s32 @!p0 $0x0, s1;
	[sflag:s0] =	ssyncset.done @!p0 $0x0  }
0x39: {  	[sflag:s0] =	ssyncadd.s32 @!p0 s1  }
0x3a: {  	[bflag:$0x3] =	sbarrier.arrive $0xFFFF  }
0x3b: {  	_ =	shalt  }

</sc_bundles>
